<compile_context>
chip_gen: v7x
topology: tpu7x:2x2x1
jax: 0.10.2.dev20260603
libtpu: 0.0.44.dev20260713+nightly
codegen_flags: <defaults>
</compile_context>

<pallas_src>
import jax
import jax.numpy as jnp
from jax import lax
from jax.experimental import pallas as pl
from jax.experimental.pallas import tpu as pltpu
from jax.experimental.pallas import tpu_sc as plsc

NUM_Z = 4
Z_VOCAB = 100000
NUM_B = 4
B_VOCAB = 1000
ED = 64
BATCH = 16384
EMB_D = (NUM_Z + NUM_B) * ED

NC = 2
NS = 16
NW = NC * NS
BPW = BATCH // NW
CH = 128
NCH = BPW // CH
NARM = NUM_Z + NUM_B

NBUF = 4
DEPTH = 3
NTASK = NARM * NCH


def _body(idx_hbm, zf_hbm, bf_hbm, out_hbm, idx_v, rows_v, gsem, wsem):
    wid = lax.axis_index("s") * NC + lax.axis_index("c")
    base = wid * BPW

    pltpu.sync_copy(idx_hbm.at[wid], idx_v)

    def gather(t, s):
        a, c = divmod(t, NCH)
        table = zf_hbm if a < NUM_Z else bf_hbm
        return pltpu.async_copy(table.at[idx_v.at[c, a]], rows_v.at[s], gsem.at[s])

    def write(t, s):
        a, c = divmod(t, NCH)
        return pltpu.async_copy(
            rows_v.at[s],
            out_hbm.at[pl.ds(base + c * CH, CH), pl.ds(a * ED, ED)],
            wsem.at[s],
        )

    gd = [None] * NBUF
    wd = [None] * NBUF
    for t in range(DEPTH):
        gd[t % NBUF] = gather(t, t % NBUF)
    for t in range(NTASK):
        s = t % NBUF
        gd[s].wait()
        wd[s] = write(t, s)
        tn = t + DEPTH
        if tn < NTASK:
            sn = tn % NBUF
            if wd[sn] is not None:
                wd[sn].wait()
            gd[sn] = gather(tn, sn)
    for s in range(NBUF):
        if wd[s] is not None:
            wd[s].wait()


@jax.jit
def _run(idx, z_flat, b_flat):
    mesh = plsc.VectorSubcoreMesh(
        core_axis_name="c", subcore_axis_name="s", num_cores=NC, num_subcores=NS
    )
    return pl.kernel(
        _body,
        out_type=jax.ShapeDtypeStruct((BATCH, EMB_D), jnp.float32),
        mesh=mesh,
        scratch_types=[
            pltpu.VMEM((NCH, NARM, CH), jnp.int32),
            pltpu.VMEM((NBUF, CH, ED), jnp.float32),
            pltpu.SemaphoreType.DMA((NBUF,)),
            pltpu.SemaphoreType.DMA((NBUF,)),
        ],
        compiler_params=pltpu.CompilerParams(use_tc_tiling_on_sc=False),
    )(idx, z_flat, b_flat)


def kernel(z, beta, phi_x, Z_tables, B_tables):
    zoff = jnp.arange(NUM_Z, dtype=jnp.int32) * Z_VOCAB
    boff = jnp.arange(NUM_B, dtype=jnp.int32) * B_VOCAB
    zi = (z.astype(jnp.int32) + zoff[None, :]).T
    bi = (beta.astype(jnp.int32) + boff[None, :]).T
    idx8 = jnp.concatenate([zi, bi], axis=0)
    idx = (
        idx8.reshape(NARM, BATCH // CH, CH)
        .transpose(1, 0, 2)
        .reshape(NW, NCH, NARM, CH)
    )
    emb = _run(
        idx,
        Z_tables.reshape(NUM_Z * Z_VOCAB, ED),
        B_tables.reshape(NUM_B * B_VOCAB, ED),
    )
    return jnp.concatenate([emb, phi_x], axis=1)

# --- scband reference (transcript-rebuilt; emitter-appended) ---
"""Pipeline reference for scband-rec-model-77876347011317 (READ-ONLY COPY).

The authoritative reference and input builder live on the scoring server;
editing this copy changes nothing except your own understanding.
"""

import jax, jax.numpy as jnp
import numpy as np

NUM_Z = 4
Z_VOCAB = 100000
NUM_BETA = 4
BETA_VOCAB = 1000
EMBDIM = 64
IMGEMBDIM = 512
BATCH = 16384


def setup_inputs(seed: int = 0) -> dict:
    key = jax.random.key(seed)
    k_z, k_b, k_phi, k_zt, k_bt = jax.random.split(key, 5)
    z = jax.random.randint(k_z, (BATCH, NUM_Z), 0, Z_VOCAB, dtype=jnp.int64 if jax.config.jax_enable_x64 else jnp.int32)
    beta = jax.random.randint(k_b, (BATCH, NUM_BETA), 0, BETA_VOCAB, dtype=jnp.int64 if jax.config.jax_enable_x64 else jnp.int32)
    phi_x = jax.random.normal(k_phi, (BATCH, IMGEMBDIM), dtype=jnp.float32)
    # learned parameters: one embedding table per z arm / beta arm (stacked since equal vocab)
    Z_tables = jax.random.normal(k_zt, (NUM_Z, Z_VOCAB, EMBDIM), dtype=jnp.float32) * 0.02
    B_tables = jax.random.normal(k_bt, (NUM_BETA, BETA_VOCAB, EMBDIM), dtype=jnp.float32) * 0.02
    return {"z": z, "beta": beta, "phi_x": phi_x, "Z_tables": Z_tables, "B_tables": B_tables}


def reference(z, beta, phi_x, Z_tables, B_tables):
    # zbeta_phix_forward: per-arm embedding lookup, squeeze, concat along feature dim
    if z.ndim == 1:
        z = z[:, None]
    if beta.ndim == 1:
        beta = beta[:, None]
    zemb = jnp.concatenate(
        [jnp.take(Z_tables[idx], z[:, idx], axis=0) for idx in range(NUM_Z)], axis=1
    )  # [B, NUM_Z*EMBDIM]
    betaemb = jnp.concatenate(
        [jnp.take(B_tables[idx], beta[:, idx], axis=0) for idx in range(NUM_BETA)], axis=1
    )  # [B, NUM_BETA*EMBDIM]
    zbeta_phix_emb = jnp.concatenate([zemb, betaemb, phi_x], axis=1)
    return zbeta_phix_emb

if __name__ == "__main__":
    import jax
    _d = setup_inputs()
    print(jax.jit(kernel)(*tuple(_d.values())))

</pallas_src>

<mosaic_0001>
#map = affine_map<(d0, d1) -> (0, 0, 0, 0)>
#map1 = affine_map<(d0, d1) -> (0, 0)>
module attributes {stable_mosaic.version = 14 : i64} {
  func.func @_body(%arg0: i32, %arg1: i32, %arg2: memref<32x4x8x128xi32, #tpu.memory_space<hbm>>, %arg3: memref<400000x64xf32, #tpu.memory_space<hbm>>, %arg4: memref<4000x64xf32, #tpu.memory_space<hbm>>, %arg5: memref<16384x512xf32, #tpu.memory_space<hbm>>, %arg6: memref<4x8x128xi32, #tpu.memory_space<vmem>>, %arg7: memref<4x128x64xf32, #tpu.memory_space<vmem>>, %arg8: memref<4x!tpu.dma_semaphore, #tpu.memory_space<semaphore_mem>>, %arg9: memref<4x!tpu.dma_semaphore, #tpu.memory_space<semaphore_mem>>) attributes {dimension_semantics = [#tpu.dimension_semantics<core_parallel>, #tpu.dimension_semantics<subcore_parallel>], iteration_bounds = array<i64: 2, 16>, scalar_prefetch = 0 : i64, scratch_operands = 4 : i64, tpu.core_type = #tpu.core_type<sc_vector_subcore>, window_params = [{transform_indices = #map}, {transform_indices = #map1}, {transform_indices = #map1}, {transform_indices = #map1}]} {
    %mul3A = arith.constant 2 : i32
    %mul3A_0 = arith.muli %arg1, %mul3A : i32
    %add3A = arith.addi %mul3A_0, %arg0 : i32
    %mul3A_1 = arith.constant 512 : i32
    %mul3A_2 = arith.muli %add3A, %mul3A_1 : i32
    "tpu.region"() ({
      %run_scoped3A = tpu.sem_alloc : memref<!tpu.dma_semaphore, #tpu.memory_space<semaphore_mem>>
      %dma_start3A_2113 = arith.constant 0 : i32
      %dma_start3A_2114 = arith.constant 0 : i32
      %dma_start3A_2115 = arith.constant 0 : i32
      %dma_start3A_2116 = tpu.memref_slice %arg2[%add3A, %dma_start3A_2113, %dma_start3A_2114, %dma_start3A_2115] : memref<32x4x8x128xi32, #tpu.memory_space<hbm>> -> memref<1x4x8x128xi32, #tpu.memory_space<hbm>>
      %dma_start3A_2117 = tpu.memref_squeeze %dma_start3A_2116 : memref<1x4x8x128xi32, #tpu.memory_space<hbm>> -> memref<4x8x128xi32, #tpu.memory_space<hbm>>
      %dma_start3A_2118 = arith.constant 0 : i32
      %dma_start3A_2119 = arith.constant 0 : i32
      %dma_start3A_2120 = arith.constant 0 : i32
      %dma_start3A_2121 = tpu.memref_slice %arg2[%add3A, %dma_start3A_2118, %dma_start3A_2119, %dma_start3A_2120] : memref<32x4x8x128xi32, #tpu.memory_space<hbm>> -> memref<1x4x8x128xi32, #tpu.memory_space<hbm>>
      %dma_start3A_2122 = tpu.memref_squeeze %dma_start3A_2121 : memref<1x4x8x128xi32, #tpu.memory_space<hbm>> -> memref<4x8x128xi32, #tpu.memory_space<hbm>>
      tpu.enqueue_dma source(%dma_start3A_2122 : memref<4x8x128xi32, #tpu.memory_space<hbm>>) target(%arg6 : memref<4x8x128xi32, #tpu.memory_space<vmem>>) target_semaphore(%run_scoped3A : memref<!tpu.dma_semaphore, #tpu.memory_space<semaphore_mem>>)
      %dma_wait3A_2123 = arith.constant 0 : i32
      %dma_wait3A_2124 = arith.constant 0 : i32
      %dma_wait3A_2125 = arith.constant 0 : i32
      %dma_wait3A_2126 = tpu.memref_slice %arg2[%add3A, %dma_wait3A_2123, %dma_wait3A_2124, %dma_wait3A_2125] : memref<32x4x8x128xi32, #tpu.memory_space<hbm>> -> memref<1x4x8x128xi32, #tpu.memory_space<hbm>>
      %dma_wait3A_2127 = tpu.memref_squeeze %dma_wait3A_2126 : memref<1x4x8x128xi32, #tpu.memory_space<hbm>> -> memref<4x8x128xi32, #tpu.memory_space<hbm>>
      %dma_wait3A_2128 = arith.constant 0 : i32
      %dma_wait3A_2129 = arith.constant 0 : i32
      %dma_wait3A_2130 = arith.constant 0 : i32
      %dma_wait3A_2131 = tpu.memref_slice %arg2[%add3A, %dma_wait3A_2128, %dma_wait3A_2129, %dma_wait3A_2130] : memref<32x4x8x128xi32, #tpu.memory_space<hbm>> -> memref<1x4x8x128xi32, #tpu.memory_space<hbm>>
      %dma_wait3A_2132 = tpu.memref_squeeze %dma_wait3A_2131 : memref<1x4x8x128xi32, #tpu.memory_space<hbm>> -> memref<4x8x128xi32, #tpu.memory_space<hbm>>
      tpu.wait_dma2 semaphore(%run_scoped3A : memref<!tpu.dma_semaphore, #tpu.memory_space<semaphore_mem>>) src(%dma_wait3A_2132 : memref<4x8x128xi32, #tpu.memory_space<hbm>>) dst(%arg6 : memref<4x8x128xi32, #tpu.memory_space<vmem>>)
      tpu.yield
    }) : () -> ()
    %dma_start3A = arith.constant 0 : i32
    %dma_start3A_3 = arith.constant 0 : i32
    %dma_start3A_4 = arith.constant 0 : i32
    %dma_start3A_5 = arith.constant 0 : i32
    %dma_start3A_6 = arith.constant 0 : i32
    %dma_start3A_7 = arith.constant 0 : i32
    %dma_start3A_8 = tpu.memref_slice %arg7[%dma_start3A_4, %dma_start3A_6, %dma_start3A_7] : memref<4x128x64xf32, #tpu.memory_space<vmem>> -> memref<1x128x64xf32, #tpu.memory_space<vmem>>
    %dma_start3A_9 = tpu.memref_squeeze %dma_start3A_8 : memref<1x128x64xf32, #tpu.memory_space<vmem>> -> memref<128x64xf32, #tpu.memory_space<vmem>>
    %dma_start3A_10 = arith.constant 0 : i32
    %dma_start3A_11 = tpu.memref_slice %arg6[%dma_start3A, %dma_start3A_3, %dma_start3A_10] : memref<4x8x128xi32, #tpu.memory_space<vmem>> -> memref<1x1x128xi32, #tpu.memory_space<vmem>>
    %dma_start3A_12 = tpu.memref_squeeze %dma_start3A_11 : memref<1x1x128xi32, #tpu.memory_space<vmem>> -> memref<128xi32, #tpu.memory_space<vmem>>
    %dma_start3A_13 = arith.constant 0 : i32
    %dma_start3A_14 = arith.constant 0 : i32
    %dma_start3A_15 = tpu.memref_slice %arg3[%dma_start3A_13, %dma_start3A_14] : memref<400000x64xf32, #tpu.memory_space<hbm>> -> memref<400000x64xf32, #tpu.memory_space<hbm>>
    %dma_start3A_16 = tpu.memref_slice %arg8[%dma_start3A_5] : memref<4x!tpu.dma_semaphore, #tpu.memory_space<semaphore_mem>> -> memref<1x!tpu.dma_semaphore, #tpu.memory_space<semaphore_mem>>
    %dma_start3A_17 = tpu.memref_squeeze %dma_start3A_16 : memref<1x!tpu.dma_semaphore, #tpu.memory_space<semaphore_mem>> -> memref<!tpu.dma_semaphore, #tpu.memory_space<semaphore_mem>>
    tpu.enqueue_indirect_dma source(%dma_start3A_15 : memref<400000x64xf32, #tpu.memory_space<hbm>>) target(%dma_start3A_9 : memref<128x64xf32, #tpu.memory_space<vmem>>) offsets(%dma_start3A_12 : memref<128xi32, #tpu.memory_space<vmem>>) semaphore(%dma_start3A_17 : memref<!tpu.dma_semaphore, #tpu.memory_space<semaphore_mem>>)
    %dma_start3A_18 = arith.constant 1 : i32
    %dma_start3A_19 = arith.constant 0 : i32
    %dma_start3A_20 = arith.constant 1 : i32
    %dma_start3A_21 = arith.constant 1 : i32
    %dma_start3A_22 = arith.constant 0 : i32
    %dma_start3A_23 = arith.constant 0 : i32
    %dma_start3A_24 = tpu.memref_slice %arg7[%dma_start3A_20, %dma_start3A_22, %dma_start3A_23] : memref<4x128x64xf32, #tpu.memory_space<vmem>> -> memref<1x128x64xf32, #tpu.memory_space<vmem>>
    %dma_start3A_25 = tpu.memref_squeeze %dma_start3A_24 : memref<1x128x64xf32, #tpu.memory_space<vmem>> -> memref<128x64xf32, #tpu.memory_space<vmem>>
    %dma_start3A_26 = arith.constant 0 : i32
    %dma_start3A_27 = tpu.memref_slice %arg6[%dma_start3A_18, %dma_start3A_19, %dma_start3A_26] : memref<4x8x128xi32, #tpu.memory_space<vmem>> -> memref<1x1x128xi32, #tpu.memory_space<vmem>>
    %dma_start3A_28 = tpu.memref_squeeze %dma_start3A_27 : memref<1x1x128xi32, #tpu.memory_space<vmem>> -> memref<128xi32, #tpu.memory_space<vmem>>
    %dma_start3A_29 = arith.constant 0 : i32
    %dma_start3A_30 = arith.constant 0 : i32
    %dma_start3A_31 = tpu.memref_slice %arg3[%dma_start3A_29, %dma_start3A_30] : memref<400000x64xf32, #tpu.memory_space<hbm>> -> memref<400000x64xf32, #tpu.memory_space<hbm>>
    %dma_start3A_32 = tpu.memref_slice %arg8[%dma_start3A_21] : memref<4x!tpu.dma_semaphore, #tpu.memory_space<semaphore_mem>> -> memref<1x!tpu.dma_semaphore, #tpu.memory_space<semaphore_mem>>
    %dma_start3A_33 = tpu.memref_squeeze %dma_start3A_32 : memref<1x!tpu.dma_semaphore, #tpu.memory_space<semaphore_mem>> -> memref<!tpu.dma_semaphore, #tpu.memory_space<semaphore_mem>>
    tpu.enqueue_indirect_dma source(%dma_start3A_31 : memref<400000x64xf32, #tpu.memory_space<hbm>>) target(%dma_start3A_25 : memref<128x64xf32, #tpu.memory_space<vmem>>) offsets(%dma_start3A_28 : memref<128xi32, #tpu.memory_space<vmem>>) semaphore(%dma_start3A_33 : memref<!tpu.dma_semaphore, #tpu.memory_space<semaphore_mem>>)
    %dma_start3A_34 = arith.constant 2 : i32
    %dma_start3A_35 = arith.constant 0 : i32
    %dma_start3A_36 = arith.constant 2 : i32
    %dma_start3A_37 = arith.constant 2 : i32
    %dma_start3A_38 = arith.constant 0 : i32
    %dma_start3A_39 = arith.constant 0 : i32
    %dma_start3A_40 = tpu.memref_slice %arg7[%dma_start3A_36, %dma_start3A_38, %dma_start3A_39] : memref<4x128x64xf32, #tpu.memory_space<vmem>> -> memref<1x128x64xf32, #tpu.memory_space<vmem>>
    %dma_start3A_41 = tpu.memref_squeeze %dma_start3A_40 : memref<1x128x64xf32, #tpu.memory_space<vmem>> -> memref<128x64xf32, #tpu.memory_space<vmem>>
    %dma_start3A_42 = arith.constant 0 : i32
    %dma_start3A_43 = tpu.memref_slice %arg6[%dma_start3A_34, %dma_start3A_35, %dma_start3A_42] : memref<4x8x128xi32, #tpu.memory_space<vmem>> -> memref<1x1x128xi32, #tpu.memory_space<vmem>>
    %dma_start3A_44 = tpu.memref_squeeze %dma_start3A_43 : memref<1x1x128xi32, #tpu.memory_space<vmem>> -> memref<128xi32, #tpu.memory_space<vmem>>
    %dma_start3A_45 = arith.constant 0 : i32
    %dma_start3A_46 = arith.constant 0 : i32
    %dma_start3A_47 = tpu.memref_slice %arg3[%dma_start3A_45, %dma_start3A_46] : memref<400000x64xf32, #tpu.memory_space<hbm>> -> memref<400000x64xf32, #tpu.memory_space<hbm>>
    %dma_start3A_48 = tpu.memref_slice %arg8[%dma_start3A_37] : memref<4x!tpu.dma_semaphore, #tpu.memory_space<semaphore_mem>> -> memref<1x!tpu.dma_semaphore, #tpu.memory_space<semaphore_mem>>
    %dma_start3A_49 = tpu.memref_squeeze %dma_start3A_48 : memref<1x!tpu.dma_semaphore, #tpu.memory_space<semaphore_mem>> -> memref<!tpu.dma_semaphore, #tpu.memory_space<semaphore_mem>>
    tpu.enqueue_indirect_dma source(%dma_start3A_47 : memref<400000x64xf32, #tpu.memory_space<hbm>>) target(%dma_start3A_41 : memref<128x64xf32, #tpu.memory_space<vmem>>) offsets(%dma_start3A_44 : memref<128xi32, #tpu.memory_space<vmem>>) semaphore(%dma_start3A_49 : memref<!tpu.dma_semaphore, #tpu.memory_space<semaphore_mem>>)
    %dma_wait3A = arith.constant 0 : i32
    %dma_wait3A_50 = arith.constant 0 : i32
    %dma_wait3A_51 = arith.constant 0 : i32
    %dma_wait3A_52 = arith.constant 0 : i32
    %dma_wait3A_53 = arith.constant 0 : i32
    %dma_wait3A_54 = arith.constant 0 : i32
    %dma_wait3A_55 = tpu.memref_slice %arg7[%dma_wait3A_51, %dma_wait3A_53, %dma_wait3A_54] : memref<4x128x64xf32, #tpu.memory_space<vmem>> -> memref<1x128x64xf32, #tpu.memory_space<vmem>>
    %dma_wait3A_56 = tpu.memref_squeeze %dma_wait3A_55 : memref<1x128x64xf32, #tpu.memory_space<vmem>> -> memref<128x64xf32, #tpu.memory_space<vmem>>
    %dma_wait3A_57 = arith.constant 0 : i32
    %dma_wait3A_58 = tpu.memref_slice %arg6[%dma_wait3A, %dma_wait3A_50, %dma_wait3A_57] : memref<4x8x128xi32, #tpu.memory_space<vmem>> -> memref<1x1x128xi32, #tpu.memory_space<vmem>>
    %dma_wait3A_59 = tpu.memref_squeeze %dma_wait3A_58 : memref<1x1x128xi32, #tpu.memory_space<vmem>> -> memref<128xi32, #tpu.memory_space<vmem>>
    %dma_wait3A_60 = arith.constant 0 : i32
    %dma_wait3A_61 = arith.constant 0 : i32
    %dma_wait3A_62 = tpu.memref_slice %arg3[%dma_wait3A_60, %dma_wait3A_61] : memref<400000x64xf32, #tpu.memory_space<hbm>> -> memref<400000x64xf32, #tpu.memory_space<hbm>>
    %dma_wait3A_63 = tpu.memref_slice %arg8[%dma_wait3A_52] : memref<4x!tpu.dma_semaphore, #tpu.memory_space<semaphore_mem>> -> memref<1x!tpu.dma_semaphore, #tpu.memory_space<semaphore_mem>>
    %dma_wait3A_64 = tpu.memref_squeeze %dma_wait3A_63 : memref<1x!tpu.dma_semaphore, #tpu.memory_space<semaphore_mem>> -> memref<!tpu.dma_semaphore, #tpu.memory_space<semaphore_mem>>
    tpu.wait_indirect_dma semaphore(%dma_wait3A_64 : memref<!tpu.dma_semaphore, #tpu.memory_space<semaphore_mem>>) src(%dma_wait3A_62 : memref<400000x64xf32, #tpu.memory_space<hbm>>) dst(%dma_wait3A_56 : memref<128x64xf32, #tpu.memory_space<vmem>>)
    %add3A_65 = arith.constant 0 : i32
    %add3A_66 = arith.addi %mul3A_2, %add3A_65 : i32
    %dma_start3A_67 = arith.constant 0 : i32
    %dma_start3A_68 = arith.constant 0 : i32
    %dma_start3A_69 = arith.constant 0 : i32
    %dma_start3A_70 = arith.constant 0 : i32
    %dma_start3A_71 = tpu.memref_slice %arg7[%dma_start3A_67, %dma_start3A_69, %dma_start3A_70] : memref<4x128x64xf32, #tpu.memory_space<vmem>> -> memref<1x128x64xf32, #tpu.memory_space<vmem>>
    %dma_start3A_72 = tpu.memref_squeeze %dma_start3A_71 : memref<1x128x64xf32, #tpu.memory_space<vmem>> -> memref<128x64xf32, #tpu.memory_space<vmem>>
    %dma_start3A_73 = arith.constant 0 : i32
    %dma_start3A_74 = tpu.memref_slice %arg5[%add3A_66, %dma_start3A_73] : memref<16384x512xf32, #tpu.memory_space<hbm>> -> memref<128x64xf32, #tpu.memory_space<hbm>>
    %dma_start3A_75 = tpu.memref_slice %arg9[%dma_start3A_68] : memref<4x!tpu.dma_semaphore, #tpu.memory_space<semaphore_mem>> -> memref<1x!tpu.dma_semaphore, #tpu.memory_space<semaphore_mem>>
    %dma_start3A_76 = tpu.memref_squeeze %dma_start3A_75 : memref<1x!tpu.dma_semaphore, #tpu.memory_space<semaphore_mem>> -> memref<!tpu.dma_semaphore, #tpu.memory_space<semaphore_mem>>
    %dma_start3A_77 = arith.constant 0 : i32
    %dma_start3A_78 = tpu.memref_slice %arg5[%add3A_66, %dma_start3A_77] : memref<16384x512xf32, #tpu.memory_space<hbm>> -> memref<128x64xf32, #tpu.memory_space<hbm>>
    %dma_start3A_79 = arith.constant 0 : i32
    %dma_start3A_80 = arith.constant 0 : i32
    %dma_start3A_81 = tpu.memref_slice %arg7[%dma_start3A_67, %dma_start3A_79, %dma_start3A_80] : memref<4x128x64xf32, #tpu.memory_space<vmem>> -> memref<1x128x64xf32, #tpu.memory_space<vmem>>
    %dma_start3A_82 = tpu.memref_squeeze %dma_start3A_81 : memref<1x128x64xf32, #tpu.memory_space<vmem>> -> memref<128x64xf32, #tpu.memory_space<vmem>>
    tpu.enqueue_dma source(%dma_start3A_82 : memref<128x64xf32, #tpu.memory_space<vmem>>) target(%dma_start3A_78 : memref<128x64xf32, #tpu.memory_space<hbm>>) target_semaphore(%dma_start3A_76 : memref<!tpu.dma_semaphore, #tpu.memory_space<semaphore_mem>>)
    %dma_start3A_83 = arith.constant 3 : i32
    %dma_start3A_84 = arith.constant 0 : i32
    %dma_start3A_85 = arith.constant 3 : i32
    %dma_start3A_86 = arith.constant 3 : i32
    %dma_start3A_87 = arith.constant 0 : i32
    %dma_start3A_88 = arith.constant 0 : i32
    %dma_start3A_89 = tpu.memref_slice %arg7[%dma_start3A_85, %dma_start3A_87, %dma_start3A_88] : memref<4x128x64xf32, #tpu.memory_space<vmem>> -> memref<1x128x64xf32, #tpu.memory_space<vmem>>
    %dma_start3A_90 = tpu.memref_squeeze %dma_start3A_89 : memref<1x128x64xf32, #tpu.memory_space<vmem>> -> memref<128x64xf32, #tpu.memory_space<vmem>>
    %dma_start3A_91 = arith.constant 0 : i32
    %dma_start3A_92 = tpu.memref_slice %arg6[%dma_start3A_83, %dma_start3A_84, %dma_start3A_91] : memref<4x8x128xi32, #tpu.memory_space<vmem>> -> memref<1x1x128xi32, #tpu.memory_space<vmem>>
    %dma_start3A_93 = tpu.memref_squeeze %dma_start3A_92 : memref<1x1x128xi32, #tpu.memory_space<vmem>> -> memref<128xi32, #tpu.memory_space<vmem>>
    %dma_start3A_94 = arith.constant 0 : i32
    %dma_start3A_95 = arith.constant 0 : i32
    %dma_start3A_96 = tpu.memref_slice %arg3[%dma_start3A_94, %dma_start3A_95] : memref<400000x64xf32, #tpu.memory_space<hbm>> -> memref<400000x64xf32, #tpu.memory_space<hbm>>
    %dma_start3A_97 = tpu.memref_slice %arg8[%dma_start3A_86] : memref<4x!tpu.dma_semaphore, #tpu.memory_space<semaphore_mem>> -> memref<1x!tpu.dma_semaphore, #tpu.memory_space<semaphore_mem>>
    %dma_start3A_98 = tpu.memref_squeeze %dma_start3A_97 : memref<1x!tpu.dma_semaphore, #tpu.memory_space<semaphore_mem>> -> memref<!tpu.dma_semaphore, #tpu.memory_space<semaphore_mem>>
    tpu.enqueue_indirect_dma source(%dma_start3A_96 : memref<400000x64xf32, #tpu.memory_space<hbm>>) target(%dma_start3A_90 : memref<128x64xf32, #tpu.memory_space<vmem>>) offsets(%dma_start3A_93 : memref<128xi32, #tpu.memory_space<vmem>>) semaphore(%dma_start3A_98 : memref<!tpu.dma_semaphore, #tpu.memory_space<semaphore_mem>>)
    %dma_wait3A_99 = arith.constant 1 : i32
    %dma_wait3A_100 = arith.constant 0 : i32
    %dma_wait3A_101 = arith.constant 1 : i32
    %dma_wait3A_102 = arith.constant 1 : i32
    %dma_wait3A_103 = arith.constant 0 : i32
    %dma_wait3A_104 = arith.constant 0 : i32
    %dma_wait3A_105 = tpu.memref_slice %arg7[%dma_wait3A_101, %dma_wait3A_103, %dma_wait3A_104] : memref<4x128x64xf32, #tpu.memory_space<vmem>> -> memref<1x128x64xf32, #tpu.memory_space<vmem>>
    %dma_wait3A_106 = tpu.memref_squeeze %dma_wait3A_105 : memref<1x128x64xf32, #tpu.memory_space<vmem>> -> memref<128x64xf32, #tpu.memory_space<vmem>>
    %dma_wait3A_107 = arith.constant 0 : i32
    %dma_wait3A_108 = tpu.memref_slice %arg6[%dma_wait3A_99, %dma_wait3A_100, %dma_wait3A_107] : memref<4x8x128xi32, #tpu.memory_space<vmem>> -> memref<1x1x128xi32, #tpu.memory_space<vmem>>
    %dma_wait3A_109 = tpu.memref_squeeze %dma_wait3A_108 : memref<1x1x128xi32, #tpu.memory_space<vmem>> -> memref<128xi32, #tpu.memory_space<vmem>>
    %dma_wait3A_110 = arith.constant 0 : i32
    %dma_wait3A_111 = arith.constant 0 : i32
    %dma_wait3A_112 = tpu.memref_slice %arg3[%dma_wait3A_110, %dma_wait3A_111] : memref<400000x64xf32, #tpu.memory_space<hbm>> -> memref<400000x64xf32, #tpu.memory_space<hbm>>
    %dma_wait3A_113 = tpu.memref_slice %arg8[%dma_wait3A_102] : memref<4x!tpu.dma_semaphore, #tpu.memory_space<semaphore_mem>> -> memref<1x!tpu.dma_semaphore, #tpu.memory_space<semaphore_mem>>
    %dma_wait3A_114 = tpu.memref_squeeze %dma_wait3A_113 : memref<1x!tpu.dma_semaphore, #tpu.memory_space<semaphore_mem>> -> memref<!tpu.dma_semaphore, #tpu.memory_space<semaphore_mem>>
    tpu.wait_indirect_dma semaphore(%dma_wait3A_114 : memref<!tpu.dma_semaphore, #tpu.memory_space<semaphore_mem>>) src(%dma_wait3A_112 : memref<400000x64xf32, #tpu.memory_space<hbm>>) dst(%dma_wait3A_106 : memref<128x64xf32, #tpu.memory_space<vmem>>)
    %add3A_115 = arith.constant 128 : i32
    %add3A_116 = arith.addi %mul3A_2, %add3A_115 : i32
    %dma_start3A_117 = arith.constant 1 : i32
    %dma_start3A_118 = arith.constant 1 : i32
    %dma_start3A_119 = arith.constant 0 : i32
    %dma_start3A_120 = arith.constant 0 : i32
    %dma_start3A_121 = tpu.memref_slice %arg7[%dma_start3A_117, %dma_start3A_119, %dma_start3A_120] : memref<4x128x64xf32, #tpu.memory_space<vmem>> -> memref<1x128x64xf32, #tpu.memory_space<vmem>>
    %dma_start3A_122 = tpu.memref_squeeze %dma_start3A_121 : memref<1x128x64xf32, #tpu.memory_space<vmem>> -> memref<128x64xf32, #tpu.memory_space<vmem>>
    %dma_start3A_123 = arith.constant 0 : i32
    %dma_start3A_124 = tpu.memref_slice %arg5[%add3A_116, %dma_start3A_123] : memref<16384x512xf32, #tpu.memory_space<hbm>> -> memref<128x64xf32, #tpu.memory_space<hbm>>
    %dma_start3A_125 = tpu.memref_slice %arg9[%dma_start3A_118] : memref<4x!tpu.dma_semaphore, #tpu.memory_space<semaphore_mem>> -> memref<1x!tpu.dma_semaphore, #tpu.memory_space<semaphore_mem>>
    %dma_start3A_126 = tpu.memref_squeeze %dma_start3A_125 : memref<1x!tpu.dma_semaphore, #tpu.memory_space<semaphore_mem>> -> memref<!tpu.dma_semaphore, #tpu.memory_space<semaphore_mem>>
    %dma_start3A_127 = arith.constant 0 : i32
    %dma_start3A_128 = tpu.memref_slice %arg5[%add3A_116, %dma_start3A_127] : memref<16384x512xf32, #tpu.memory_space<hbm>> -> memref<128x64xf32, #tpu.memory_space<hbm>>
    %dma_start3A_129 = arith.constant 0 : i32
    %dma_start3A_130 = arith.constant 0 : i32
    %dma_start3A_131 = tpu.memref_slice %arg7[%dma_start3A_117, %dma_start3A_129, %dma_start3A_130] : memref<4x128x64xf32, #tpu.memory_space<vmem>> -> memref<1x128x64xf32, #tpu.memory_space<vmem>>
    %dma_start3A_132 = tpu.memref_squeeze %dma_start3A_131 : memref<1x128x64xf32, #tpu.memory_space<vmem>> -> memref<128x64xf32, #tpu.memory_space<vmem>>
    tpu.enqueue_dma source(%dma_start3A_132 : memref<128x64xf32, #tpu.memory_space<vmem>>) target(%dma_start3A_128 : memref<128x64xf32, #tpu.memory_space<hbm>>) target_semaphore(%dma_start3A_126 : memref<!tpu.dma_semaphore, #tpu.memory_space<semaphore_mem>>)
    %dma_wait3A_133 = arith.constant 0 : i32
    %dma_wait3A_134 = arith.constant 0 : i32
    %dma_wait3A_135 = arith.constant 0 : i32
    %dma_wait3A_136 = arith.constant 0 : i32
    %dma_wait3A_137 = tpu.memref_slice %arg7[%dma_wait3A_133, %dma_wait3A_135, %dma_wait3A_136] : memref<4x128x64xf32, #tpu.memory_space<vmem>> -> memref<1x128x64xf32, #tpu.memory_space<vmem>>
    %dma_wait3A_138 = tpu.memref_squeeze %dma_wait3A_137 : memref<1x128x64xf32, #tpu.memory_space<vmem>> -> memref<128x64xf32, #tpu.memory_space<vmem>>
    %dma_wait3A_139 = arith.constant 0 : i32
    %dma_wait3A_140 = tpu.memref_slice %arg5[%add3A_66, %dma_wait3A_139] : memref<16384x512xf32, #tpu.memory_space<hbm>> -> memref<128x64xf32, #tpu.memory_space<hbm>>
    %dma_wait3A_141 = tpu.memref_slice %arg9[%dma_wait3A_134] : memref<4x!tpu.dma_semaphore, #tpu.memory_space<semaphore_mem>> -> memref<1x!tpu.dma_semaphore, #tpu.memory_space<semaphore_mem>>
    %dma_wait3A_142 = tpu.memref_squeeze %dma_wait3A_141 : memref<1x!tpu.dma_semaphore, #tpu.memory_space<semaphore_mem>> -> memref<!tpu.dma_semaphore, #tpu.memory_space<semaphore_mem>>
    %dma_wait3A_143 = arith.constant 0 : i32
    %dma_wait3A_144 = tpu.memref_slice %arg5[%add3A_66, %dma_wait3A_143] : memref<16384x512xf32, #tpu.memory_space<hbm>> -> memref<128x64xf32, #tpu.memory_space<hbm>>
    %dma_wait3A_145 = arith.constant 0 : i32
    %dma_wait3A_146 = arith.constant 0 : i32
    %dma_wait3A_147 = tpu.memref_slice %arg7[%dma_wait3A_133, %dma_wait3A_145, %dma_wait3A_146] : memref<4x128x64xf32, #tpu.memory_space<vmem>> -> memref<1x128x64xf32, #tpu.memory_space<vmem>>
    %dma_wait3A_148 = tpu.memref_squeeze %dma_wait3A_147 : memref<1x128x64xf32, #tpu.memory_space<vmem>> -> memref<128x64xf32, #tpu.memory_space<vmem>>
    tpu.wait_dma2 semaphore(%dma_wait3A_142 : memref<!tpu.dma_semaphore, #tpu.memory_space<semaphore_mem>>) src(%dma_wait3A_148 : memref<128x64xf32, #tpu.memory_space<vmem>>) dst(%dma_wait3A_144 : memref<128x64xf32, #tpu.memory_space<hbm>>)
    %dma_start3A_149 = arith.constant 0 : i32
    %dma_start3A_150 = arith.constant 1 : i32
    %dma_start3A_151 = arith.constant 0 : i32
    %dma_start3A_152 = arith.constant 0 : i32
    %dma_start3A_153 = arith.constant 0 : i32
    %dma_start3A_154 = arith.constant 0 : i32
    %dma_start3A_155 = tpu.memref_slice %arg7[%dma_start3A_151, %dma_start3A_153, %dma_start3A_154] : memref<4x128x64xf32, #tpu.memory_space<vmem>> -> memref<1x128x64xf32, #tpu.memory_space<vmem>>
    %dma_start3A_156 = tpu.memref_squeeze %dma_start3A_155 : memref<1x128x64xf32, #tpu.memory_space<vmem>> -> memref<128x64xf32, #tpu.memory_space<vmem>>
    %dma_start3A_157 = arith.constant 0 : i32
    %dma_start3A_158 = tpu.memref_slice %arg6[%dma_start3A_149, %dma_start3A_150, %dma_start3A_157] : memref<4x8x128xi32, #tpu.memory_space<vmem>> -> memref<1x1x128xi32, #tpu.memory_space<vmem>>
    %dma_start3A_159 = tpu.memref_squeeze %dma_start3A_158 : memref<1x1x128xi32, #tpu.memory_space<vmem>> -> memref<128xi32, #tpu.memory_space<vmem>>
    %dma_start3A_160 = arith.constant 0 : i32
    %dma_start3A_161 = arith.constant 0 : i32
    %dma_start3A_162 = tpu.memref_slice %arg3[%dma_start3A_160, %dma_start3A_161] : memref<400000x64xf32, #tpu.memory_space<hbm>> -> memref<400000x64xf32, #tpu.memory_space<hbm>>
    %dma_start3A_163 = tpu.memref_slice %arg8[%dma_start3A_152] : memref<4x!tpu.dma_semaphore, #tpu.memory_space<semaphore_mem>> -> memref<1x!tpu.dma_semaphore, #tpu.memory_space<semaphore_mem>>
    %dma_start3A_164 = tpu.memref_squeeze %dma_start3A_163 : memref<1x!tpu.dma_semaphore, #tpu.memory_space<semaphore_mem>> -> memref<!tpu.dma_semaphore, #tpu.memory_space<semaphore_mem>>
    tpu.enqueue_indirect_dma source(%dma_start3A_162 : memref<400000x64xf32, #tpu.memory_space<hbm>>) target(%dma_start3A_156 : memref<128x64xf32, #tpu.memory_space<vmem>>) offsets(%dma_start3A_159 : memref<128xi32, #tpu.memory_space<vmem>>) semaphore(%dma_start3A_164 : memref<!tpu.dma_semaphore, #tpu.memory_space<semaphore_mem>>)
    %dma_wait3A_165 = arith.constant 2 : i32
    %dma_wait3A_166 = arith.constant 0 : i32
    %dma_wait3A_167 = arith.constant 2 : i32
    %dma_wait3A_168 = arith.constant 2 : i32
    %dma_wait3A_169 = arith.constant 0 : i32
    %dma_wait3A_170 = arith.constant 0 : i32
    %dma_wait3A_171 = tpu.memref_slice %arg7[%dma_wait3A_167, %dma_wait3A_169, %dma_wait3A_170] : memref<4x128x64xf32, #tpu.memory_space<vmem>> -> memref<1x128x64xf32, #tpu.memory_space<vmem>>
    %dma_wait3A_172 = tpu.memref_squeeze %dma_wait3A_171 : memref<1x128x64xf32, #tpu.memory_space<vmem>> -> memref<128x64xf32, #tpu.memory_space<vmem>>
    %dma_wait3A_173 = arith.constant 0 : i32
    %dma_wait3A_174 = tpu.memref_slice %arg6[%dma_wait3A_165, %dma_wait3A_166, %dma_wait3A_173] : memref<4x8x128xi32, #tpu.memory_space<vmem>> -> memref<1x1x128xi32, #tpu.memory_space<vmem>>
    %dma_wait3A_175 = tpu.memref_squeeze %dma_wait3A_174 : memref<1x1x128xi32, #tpu.memory_space<vmem>> -> memref<128xi32, #tpu.memory_space<vmem>>
    %dma_wait3A_176 = arith.constant 0 : i32
    %dma_wait3A_177 = arith.constant 0 : i32
    %dma_wait3A_178 = tpu.memref_slice %arg3[%dma_wait3A_176, %dma_wait3A_177] : memref<400000x64xf32, #tpu.memory_space<hbm>> -> memref<400000x64xf32, #tpu.memory_space<hbm>>
    %dma_wait3A_179 = tpu.memref_slice %arg8[%dma_wait3A_168] : memref<4x!tpu.dma_semaphore, #tpu.memory_space<semaphore_mem>> -> memref<1x!tpu.dma_semaphore, #tpu.memory_space<semaphore_mem>>
    %dma_wait3A_180 = tpu.memref_squeeze %dma_wait3A_179 : memref<1x!tpu.dma_semaphore, #tpu.memory_space<semaphore_mem>> -> memref<!tpu.dma_semaphore, #tpu.memory_space<semaphore_mem>>
    tpu.wait_indirect_dma semaphore(%dma_wait3A_180 : memref<!tpu.dma_semaphore, #tpu.memory_space<semaphore_mem>>) src(%dma_wait3A_178 : memref<400000x64xf32, #tpu.memory_space<hbm>>) dst(%dma_wait3A_172 : memref<128x64xf32, #tpu.memory_space<vmem>>)
    %add3A_181 = arith.constant 256 : i32
    %add3A_182 = arith.addi %mul3A_2, %add3A_181 : i32
    %dma_start3A_183 = arith.constant 2 : i32
    %dma_start3A_184 = arith.constant 2 : i32
    %dma_start3A_185 = arith.constant 0 : i32
    %dma_start3A_186 = arith.constant 0 : i32
    %dma_start3A_187 = tpu.memref_slice %arg7[%dma_start3A_183, %dma_start3A_185, %dma_start3A_186] : memref<4x128x64xf32, #tpu.memory_space<vmem>> -> memref<1x128x64xf32, #tpu.memory_space<vmem>>
    %dma_start3A_188 = tpu.memref_squeeze %dma_start3A_187 : memref<1x128x64xf32, #tpu.memory_space<vmem>> -> memref<128x64xf32, #tpu.memory_space<vmem>>
    %dma_start3A_189 = arith.constant 0 : i32
    %dma_start3A_190 = tpu.memref_slice %arg5[%add3A_182, %dma_start3A_189] : memref<16384x512xf32, #tpu.memory_space<hbm>> -> memref<128x64xf32, #tpu.memory_space<hbm>>
    %dma_start3A_191 = tpu.memref_slice %arg9[%dma_start3A_184] : memref<4x!tpu.dma_semaphore, #tpu.memory_space<semaphore_mem>> -> memref<1x!tpu.dma_semaphore, #tpu.memory_space<semaphore_mem>>
    %dma_start3A_192 = tpu.memref_squeeze %dma_start3A_191 : memref<1x!tpu.dma_semaphore, #tpu.memory_space<semaphore_mem>> -> memref<!tpu.dma_semaphore, #tpu.memory_space<semaphore_mem>>
    %dma_start3A_193 = arith.constant 0 : i32
    %dma_start3A_194 = tpu.memref_slice %arg5[%add3A_182, %dma_start3A_193] : memref<16384x512xf32, #tpu.memory_space<hbm>> -> memref<128x64xf32, #tpu.memory_space<hbm>>
    %dma_start3A_195 = arith.constant 0 : i32
    %dma_start3A_196 = arith.constant 0 : i32
    %dma_start3A_197 = tpu.memref_slice %arg7[%dma_start3A_183, %dma_start3A_195, %dma_start3A_196] : memref<4x128x64xf32, #tpu.memory_space<vmem>> -> memref<1x128x64xf32, #tpu.memory_space<vmem>>
    %dma_start3A_198 = tpu.memref_squeeze %dma_start3A_197 : memref<1x128x64xf32, #tpu.memory_space<vmem>> -> memref<128x64xf32, #tpu.memory_space<vmem>>
    tpu.enqueue_dma source(%dma_start3A_198 : memref<128x64xf32, #tpu.memory_space<vmem>>) target(%dma_start3A_194 : memref<128x64xf32, #tpu.memory_space<hbm>>) target_semaphore(%dma_start3A_192 : memref<!tpu.dma_semaphore, #tpu.memory_space<semaphore_mem>>)
    %dma_wait3A_199 = arith.constant 1 : i32
    %dma_wait3A_200 = arith.constant 1 : i32
    %dma_wait3A_201 = arith.constant 0 : i32
    %dma_wait3A_202 = arith.constant 0 : i32
    %dma_wait3A_203 = tpu.memref_slice %arg7[%dma_wait3A_199, %dma_wait3A_201, %dma_wait3A_202] : memref<4x128x64xf32, #tpu.memory_space<vmem>> -> memref<1x128x64xf32, #tpu.memory_space<vmem>>
    %dma_wait3A_204 = tpu.memref_squeeze %dma_wait3A_203 : memref<1x128x64xf32, #tpu.memory_space<vmem>> -> memref<128x64xf32, #tpu.memory_space<vmem>>
    %dma_wait3A_205 = arith.constant 0 : i32
    %dma_wait3A_206 = tpu.memref_slice %arg5[%add3A_116, %dma_wait3A_205] : memref<16384x512xf32, #tpu.memory_space<hbm>> -> memref<128x64xf32, #tpu.memory_space<hbm>>
    %dma_wait3A_207 = tpu.memref_slice %arg9[%dma_wait3A_200] : memref<4x!tpu.dma_semaphore, #tpu.memory_space<semaphore_mem>> -> memref<1x!tpu.dma_semaphore, #tpu.memory_space<semaphore_mem>>
    %dma_wait3A_208 = tpu.memref_squeeze %dma_wait3A_207 : memref<1x!tpu.dma_semaphore, #tpu.memory_space<semaphore_mem>> -> memref<!tpu.dma_semaphore, #tpu.memory_space<semaphore_mem>>
    %dma_wait3A_209 = arith.constant 0 : i32
    %dma_wait3A_210 = tpu.memref_slice %arg5[%add3A_116, %dma_wait3A_209] : memref<16384x512xf32, #tpu.memory_space<hbm>> -> memref<128x64xf32, #tpu.memory_space<hbm>>
    %dma_wait3A_211 = arith.constant 0 : i32
    %dma_wait3A_212 = arith.constant 0 : i32
    %dma_wait3A_213 = tpu.memref_slice %arg7[%dma_wait3A_199, %dma_wait3A_211, %dma_wait3A_212] : memref<4x128x64xf32, #tpu.memory_space<vmem>> -> memref<1x128x64xf32, #tpu.memory_space<vmem>>
    %dma_wait3A_214 = tpu.memref_squeeze %dma_wait3A_213 : memref<1x128x64xf32, #tpu.memory_space<vmem>> -> memref<128x64xf32, #tpu.memory_space<vmem>>
    tpu.wait_dma2 semaphore(%dma_wait3A_208 : memref<!tpu.dma_semaphore, #tpu.memory_space<semaphore_mem>>) src(%dma_wait3A_214 : memref<128x64xf32, #tpu.memory_space<vmem>>) dst(%dma_wait3A_210 : memref<128x64xf32, #tpu.memory_space<hbm>>)
    %dma_start3A_215 = arith.constant 1 : i32
    %dma_start3A_216 = arith.constant 1 : i32
    %dma_start3A_217 = arith.constant 1 : i32
    %dma_start3A_218 = arith.constant 1 : i32
    %dma_start3A_219 = arith.constant 0 : i32
    %dma_start3A_220 = arith.constant 0 : i32
    %dma_start3A_221 = tpu.memref_slice %arg7[%dma_start3A_217, %dma_start3A_219, %dma_start3A_220] : memref<4x128x64xf32, #tpu.memory_space<vmem>> -> memref<1x128x64xf32, #tpu.memory_space<vmem>>
    %dma_start3A_222 = tpu.memref_squeeze %dma_start3A_221 : memref<1x128x64xf32, #tpu.memory_space<vmem>> -> memref<128x64xf32, #tpu.memory_space<vmem>>
    %dma_start3A_223 = arith.constant 0 : i32
    %dma_start3A_224 = tpu.memref_slice %arg6[%dma_start3A_215, %dma_start3A_216, %dma_start3A_223] : memref<4x8x128xi32, #tpu.memory_space<vmem>> -> memref<1x1x128xi32, #tpu.memory_space<vmem>>
    %dma_start3A_225 = tpu.memref_squeeze %dma_start3A_224 : memref<1x1x128xi32, #tpu.memory_space<vmem>> -> memref<128xi32, #tpu.memory_space<vmem>>
    %dma_start3A_226 = arith.constant 0 : i32
    %dma_start3A_227 = arith.constant 0 : i32
    %dma_start3A_228 = tpu.memref_slice %arg3[%dma_start3A_226, %dma_start3A_227] : memref<400000x64xf32, #tpu.memory_space<hbm>> -> memref<400000x64xf32, #tpu.memory_space<hbm>>
    %dma_start3A_229 = tpu.memref_slice %arg8[%dma_start3A_218] : memref<4x!tpu.dma_semaphore, #tpu.memory_space<semaphore_mem>> -> memref<1x!tpu.dma_semaphore, #tpu.memory_space<semaphore_mem>>
    %dma_start3A_230 = tpu.memref_squeeze %dma_start3A_229 : memref<1x!tpu.dma_semaphore, #tpu.memory_space<semaphore_mem>> -> memref<!tpu.dma_semaphore, #tpu.memory_space<semaphore_mem>>
    tpu.enqueue_indirect_dma source(%dma_start3A_228 : memref<400000x64xf32, #tpu.memory_space<hbm>>) target(%dma_start3A_222 : memref<128x64xf32, #tpu.memory_space<vmem>>) offsets(%dma_start3A_225 : memref<128xi32, #tpu.memory_space<vmem>>) semaphore(%dma_start3A_230 : memref<!tpu.dma_semaphore, #tpu.memory_space<semaphore_mem>>)
    %dma_wait3A_231 = arith.constant 3 : i32
    %dma_wait3A_232 = arith.constant 0 : i32
    %dma_wait3A_233 = arith.constant 3 : i32
    %dma_wait3A_234 = arith.constant 3 : i32
    %dma_wait3A_235 = arith.constant 0 : i32
    %dma_wait3A_236 = arith.constant 0 : i32
    %dma_wait3A_237 = tpu.memref_slice %arg7[%dma_wait3A_233, %dma_wait3A_235, %dma_wait3A_236] : memref<4x128x64xf32, #tpu.memory_space<vmem>> -> memref<1x128x64xf32, #tpu.memory_space<vmem>>
    %dma_wait3A_238 = tpu.memref_squeeze %dma_wait3A_237 : memref<1x128x64xf32, #tpu.memory_space<vmem>> -> memref<128x64xf32, #tpu.memory_space<vmem>>
    %dma_wait3A_239 = arith.constant 0 : i32
    %dma_wait3A_240 = tpu.memref_slice %arg6[%dma_wait3A_231, %dma_wait3A_232, %dma_wait3A_239] : memref<4x8x128xi32, #tpu.memory_space<vmem>> -> memref<1x1x128xi32, #tpu.memory_space<vmem>>
    %dma_wait3A_241 = tpu.memref_squeeze %dma_wait3A_240 : memref<1x1x128xi32, #tpu.memory_space<vmem>> -> memref<128xi32, #tpu.memory_space<vmem>>
    %dma_wait3A_242 = arith.constant 0 : i32
    %dma_wait3A_243 = arith.constant 0 : i32
    %dma_wait3A_244 = tpu.memref_slice %arg3[%dma_wait3A_242, %dma_wait3A_243] : memref<400000x64xf32, #tpu.memory_space<hbm>> -> memref<400000x64xf32, #tpu.memory_space<hbm>>
    %dma_wait3A_245 = tpu.memref_slice %arg8[%dma_wait3A_234] : memref<4x!tpu.dma_semaphore, #tpu.memory_space<semaphore_mem>> -> memref<1x!tpu.dma_semaphore, #tpu.memory_space<semaphore_mem>>
    %dma_wait3A_246 = tpu.memref_squeeze %dma_wait3A_245 : memref<1x!tpu.dma_semaphore, #tpu.memory_space<semaphore_mem>> -> memref<!tpu.dma_semaphore, #tpu.memory_space<semaphore_mem>>
    tpu.wait_indirect_dma semaphore(%dma_wait3A_246 : memref<!tpu.dma_semaphore, #tpu.memory_space<semaphore_mem>>) src(%dma_wait3A_244 : memref<400000x64xf32, #tpu.memory_space<hbm>>) dst(%dma_wait3A_238 : memref<128x64xf32, #tpu.memory_space<vmem>>)
    %add3A_247 = arith.constant 384 : i32
    %add3A_248 = arith.addi %mul3A_2, %add3A_247 : i32
    %dma_start3A_249 = arith.constant 3 : i32
    %dma_start3A_250 = arith.constant 3 : i32
    %dma_start3A_251 = arith.constant 0 : i32
    %dma_start3A_252 = arith.constant 0 : i32
    %dma_start3A_253 = tpu.memref_slice %arg7[%dma_start3A_249, %dma_start3A_251, %dma_start3A_252] : memref<4x128x64xf32, #tpu.memory_space<vmem>> -> memref<1x128x64xf32, #tpu.memory_space<vmem>>
    %dma_start3A_254 = tpu.memref_squeeze %dma_start3A_253 : memref<1x128x64xf32, #tpu.memory_space<vmem>> -> memref<128x64xf32, #tpu.memory_space<vmem>>
    %dma_start3A_255 = arith.constant 0 : i32
    %dma_start3A_256 = tpu.memref_slice %arg5[%add3A_248, %dma_start3A_255] : memref<16384x512xf32, #tpu.memory_space<hbm>> -> memref<128x64xf32, #tpu.memory_space<hbm>>
    %dma_start3A_257 = tpu.memref_slice %arg9[%dma_start3A_250] : memref<4x!tpu.dma_semaphore, #tpu.memory_space<semaphore_mem>> -> memref<1x!tpu.dma_semaphore, #tpu.memory_space<semaphore_mem>>
    %dma_start3A_258 = tpu.memref_squeeze %dma_start3A_257 : memref<1x!tpu.dma_semaphore, #tpu.memory_space<semaphore_mem>> -> memref<!tpu.dma_semaphore, #tpu.memory_space<semaphore_mem>>
    %dma_start3A_259 = arith.constant 0 : i32
    %dma_start3A_260 = tpu.memref_slice %arg5[%add3A_248, %dma_start3A_259] : memref<16384x512xf32, #tpu.memory_space<hbm>> -> memref<128x64xf32, #tpu.memory_space<hbm>>
    %dma_start3A_261 = arith.constant 0 : i32
    %dma_start3A_262 = arith.constant 0 : i32
    %dma_start3A_263 = tpu.memref_slice %arg7[%dma_start3A_249, %dma_start3A_261, %dma_start3A_262] : memref<4x128x64xf32, #tpu.memory_space<vmem>> -> memref<1x128x64xf32, #tpu.memory_space<vmem>>
    %dma_start3A_264 = tpu.memref_squeeze %dma_start3A_263 : memref<1x128x64xf32, #tpu.memory_space<vmem>> -> memref<128x64xf32, #tpu.memory_space<vmem>>
    tpu.enqueue_dma source(%dma_start3A_264 : memref<128x64xf32, #tpu.memory_space<vmem>>) target(%dma_start3A_260 : memref<128x64xf32, #tpu.memory_space<hbm>>) target_semaphore(%dma_start3A_258 : memref<!tpu.dma_semaphore, #tpu.memory_space<semaphore_mem>>)
    %dma_wait3A_265 = arith.constant 2 : i32
    %dma_wait3A_266 = arith.constant 2 : i32
    %dma_wait3A_267 = arith.constant 0 : i32
    %dma_wait3A_268 = arith.constant 0 : i32
    %dma_wait3A_269 = tpu.memref_slice %arg7[%dma_wait3A_265, %dma_wait3A_267, %dma_wait3A_268] : memref<4x128x64xf32, #tpu.memory_space<vmem>> -> memref<1x128x64xf32, #tpu.memory_space<vmem>>
    %dma_wait3A_270 = tpu.memref_squeeze %dma_wait3A_269 : memref<1x128x64xf32, #tpu.memory_space<vmem>> -> memref<128x64xf32, #tpu.memory_space<vmem>>
    %dma_wait3A_271 = arith.constant 0 : i32
    %dma_wait3A_272 = tpu.memref_slice %arg5[%add3A_182, %dma_wait3A_271] : memref<16384x512xf32, #tpu.memory_space<hbm>> -> memref<128x64xf32, #tpu.memory_space<hbm>>
    %dma_wait3A_273 = tpu.memref_slice %arg9[%dma_wait3A_266] : memref<4x!tpu.dma_semaphore, #tpu.memory_space<semaphore_mem>> -> memref<1x!tpu.dma_semaphore, #tpu.memory_space<semaphore_mem>>
    %dma_wait3A_274 = tpu.memref_squeeze %dma_wait3A_273 : memref<1x!tpu.dma_semaphore, #tpu.memory_space<semaphore_mem>> -> memref<!tpu.dma_semaphore, #tpu.memory_space<semaphore_mem>>
    %dma_wait3A_275 = arith.constant 0 : i32
    %dma_wait3A_276 = tpu.memref_slice %arg5[%add3A_182, %dma_wait3A_275] : memref<16384x512xf32, #tpu.memory_space<hbm>> -> memref<128x64xf32, #tpu.memory_space<hbm>>
    %dma_wait3A_277 = arith.constant 0 : i32
    %dma_wait3A_278 = arith.constant 0 : i32
    %dma_wait3A_279 = tpu.memref_slice %arg7[%dma_wait3A_265, %dma_wait3A_277, %dma_wait3A_278] : memref<4x128x64xf32, #tpu.memory_space<vmem>> -> memref<1x128x64xf32, #tpu.memory_space<vmem>>
    %dma_wait3A_280 = tpu.memref_squeeze %dma_wait3A_279 : memref<1x128x64xf32, #tpu.memory_space<vmem>> -> memref<128x64xf32, #tpu.memory_space<vmem>>
    tpu.wait_dma2 semaphore(%dma_wait3A_274 : memref<!tpu.dma_semaphore, #tpu.memory_space<semaphore_mem>>) src(%dma_wait3A_280 : memref<128x64xf32, #tpu.memory_space<vmem>>) dst(%dma_wait3A_276 : memref<128x64xf32, #tpu.memory_space<hbm>>)
    %dma_start3A_281 = arith.constant 2 : i32
    %dma_start3A_282 = arith.constant 1 : i32
    %dma_start3A_283 = arith.constant 2 : i32
    %dma_start3A_284 = arith.constant 2 : i32
    %dma_start3A_285 = arith.constant 0 : i32
    %dma_start3A_286 = arith.constant 0 : i32
    %dma_start3A_287 = tpu.memref_slice %arg7[%dma_start3A_283, %dma_start3A_285, %dma_start3A_286] : memref<4x128x64xf32, #tpu.memory_space<vmem>> -> memref<1x128x64xf32, #tpu.memory_space<vmem>>
    %dma_start3A_288 = tpu.memref_squeeze %dma_start3A_287 : memref<1x128x64xf32, #tpu.memory_space<vmem>> -> memref<128x64xf32, #tpu.memory_space<vmem>>
    %dma_start3A_289 = arith.constant 0 : i32
    %dma_start3A_290 = tpu.memref_slice %arg6[%dma_start3A_281, %dma_start3A_282, %dma_start3A_289] : memref<4x8x128xi32, #tpu.memory_space<vmem>> -> memref<1x1x128xi32, #tpu.memory_space<vmem>>
    %dma_start3A_291 = tpu.memref_squeeze %dma_start3A_290 : memref<1x1x128xi32, #tpu.memory_space<vmem>> -> memref<128xi32, #tpu.memory_space<vmem>>
    %dma_start3A_292 = arith.constant 0 : i32
    %dma_start3A_293 = arith.constant 0 : i32
    %dma_start3A_294 = tpu.memref_slice %arg3[%dma_start3A_292, %dma_start3A_293] : memref<400000x64xf32, #tpu.memory_space<hbm>> -> memref<400000x64xf32, #tpu.memory_space<hbm>>
    %dma_start3A_295 = tpu.memref_slice %arg8[%dma_start3A_284] : memref<4x!tpu.dma_semaphore, #tpu.memory_space<semaphore_mem>> -> memref<1x!tpu.dma_semaphore, #tpu.memory_space<semaphore_mem>>
    %dma_start3A_296 = tpu.memref_squeeze %dma_start3A_295 : memref<1x!tpu.dma_semaphore, #tpu.memory_space<semaphore_mem>> -> memref<!tpu.dma_semaphore, #tpu.memory_space<semaphore_mem>>
    tpu.enqueue_indirect_dma source(%dma_start3A_294 : memref<400000x64xf32, #tpu.memory_space<hbm>>) target(%dma_start3A_288 : memref<128x64xf32, #tpu.memory_space<vmem>>) offsets(%dma_start3A_291 : memref<128xi32, #tpu.memory_space<vmem>>) semaphore(%dma_start3A_296 : memref<!tpu.dma_semaphore, #tpu.memory_space<semaphore_mem>>)
    %dma_wait3A_297 = arith.constant 0 : i32
    %dma_wait3A_298 = arith.constant 1 : i32
    %dma_wait3A_299 = arith.constant 0 : i32
    %dma_wait3A_300 = arith.constant 0 : i32
    %dma_wait3A_301 = arith.constant 0 : i32
    %dma_wait3A_302 = arith.constant 0 : i32
    %dma_wait3A_303 = tpu.memref_slice %arg7[%dma_wait3A_299, %dma_wait3A_301, %dma_wait3A_302] : memref<4x128x64xf32, #tpu.memory_space<vmem>> -> memref<1x128x64xf32, #tpu.memory_space<vmem>>
    %dma_wait3A_304 = tpu.memref_squeeze %dma_wait3A_303 : memref<1x128x64xf32, #tpu.memory_space<vmem>> -> memref<128x64xf32, #tpu.memory_space<vmem>>
    %dma_wait3A_305 = arith.constant 0 : i32
    %dma_wait3A_306 = tpu.memref_slice %arg6[%dma_wait3A_297, %dma_wait3A_298, %dma_wait3A_305] : memref<4x8x128xi32, #tpu.memory_space<vmem>> -> memref<1x1x128xi32, #tpu.memory_space<vmem>>
    %dma_wait3A_307 = tpu.memref_squeeze %dma_wait3A_306 : memref<1x1x128xi32, #tpu.memory_space<vmem>> -> memref<128xi32, #tpu.memory_space<vmem>>
    %dma_wait3A_308 = arith.constant 0 : i32
    %dma_wait3A_309 = arith.constant 0 : i32
    %dma_wait3A_310 = tpu.memref_slice %arg3[%dma_wait3A_308, %dma_wait3A_309] : memref<400000x64xf32, #tpu.memory_space<hbm>> -> memref<400000x64xf32, #tpu.memory_space<hbm>>
    %dma_wait3A_311 = tpu.memref_slice %arg8[%dma_wait3A_300] : memref<4x!tpu.dma_semaphore, #tpu.memory_space<semaphore_mem>> -> memref<1x!tpu.dma_semaphore, #tpu.memory_space<semaphore_mem>>
    %dma_wait3A_312 = tpu.memref_squeeze %dma_wait3A_311 : memref<1x!tpu.dma_semaphore, #tpu.memory_space<semaphore_mem>> -> memref<!tpu.dma_semaphore, #tpu.memory_space<semaphore_mem>>
    tpu.wait_indirect_dma semaphore(%dma_wait3A_312 : memref<!tpu.dma_semaphore, #tpu.memory_space<semaphore_mem>>) src(%dma_wait3A_310 : memref<400000x64xf32, #tpu.memory_space<hbm>>) dst(%dma_wait3A_304 : memref<128x64xf32, #tpu.memory_space<vmem>>)
    %add3A_313 = arith.constant 0 : i32
    %add3A_314 = arith.addi %mul3A_2, %add3A_313 : i32
    %dma_start3A_315 = arith.constant 0 : i32
    %dma_start3A_316 = arith.constant 0 : i32
    %dma_start3A_317 = arith.constant 0 : i32
    %dma_start3A_318 = arith.constant 0 : i32
    %dma_start3A_319 = tpu.memref_slice %arg7[%dma_start3A_315, %dma_start3A_317, %dma_start3A_318] : memref<4x128x64xf32, #tpu.memory_space<vmem>> -> memref<1x128x64xf32, #tpu.memory_space<vmem>>
    %dma_start3A_320 = tpu.memref_squeeze %dma_start3A_319 : memref<1x128x64xf32, #tpu.memory_space<vmem>> -> memref<128x64xf32, #tpu.memory_space<vmem>>
    %dma_start3A_321 = arith.constant 64 : i32
    %dma_start3A_322 = tpu.memref_slice %arg5[%add3A_314, %dma_start3A_321] : memref<16384x512xf32, #tpu.memory_space<hbm>> -> memref<128x64xf32, #tpu.memory_space<hbm>>
    %dma_start3A_323 = tpu.memref_slice %arg9[%dma_start3A_316] : memref<4x!tpu.dma_semaphore, #tpu.memory_space<semaphore_mem>> -> memref<1x!tpu.dma_semaphore, #tpu.memory_space<semaphore_mem>>
    %dma_start3A_324 = tpu.memref_squeeze %dma_start3A_323 : memref<1x!tpu.dma_semaphore, #tpu.memory_space<semaphore_mem>> -> memref<!tpu.dma_semaphore, #tpu.memory_space<semaphore_mem>>
    %dma_start3A_325 = arith.constant 64 : i32
    %dma_start3A_326 = tpu.memref_slice %arg5[%add3A_314, %dma_start3A_325] : memref<16384x512xf32, #tpu.memory_space<hbm>> -> memref<128x64xf32, #tpu.memory_space<hbm>>
    %dma_start3A_327 = arith.constant 0 : i32
    %dma_start3A_328 = arith.constant 0 : i32
    %dma_start3A_329 = tpu.memref_slice %arg7[%dma_start3A_315, %dma_start3A_327, %dma_start3A_328] : memref<4x128x64xf32, #tpu.memory_space<vmem>> -> memref<1x128x64xf32, #tpu.memory_space<vmem>>
    %dma_start3A_330 = tpu.memref_squeeze %dma_start3A_329 : memref<1x128x64xf32, #tpu.memory_space<vmem>> -> memref<128x64xf32, #tpu.memory_space<vmem>>
    tpu.enqueue_dma source(%dma_start3A_330 : memref<128x64xf32, #tpu.memory_space<vmem>>) target(%dma_start3A_326 : memref<128x64xf32, #tpu.memory_space<hbm>>) target_semaphore(%dma_start3A_324 : memref<!tpu.dma_semaphore, #tpu.memory_space<semaphore_mem>>)
    %dma_wait3A_331 = arith.constant 3 : i32
    %dma_wait3A_332 = arith.constant 3 : i32
    %dma_wait3A_333 = arith.constant 0 : i32
    %dma_wait3A_334 = arith.constant 0 : i32
    %dma_wait3A_335 = tpu.memref_slice %arg7[%dma_wait3A_331, %dma_wait3A_333, %dma_wait3A_334] : memref<4x128x64xf32, #tpu.memory_space<vmem>> -> memref<1x128x64xf32, #tpu.memory_space<vmem>>
    %dma_wait3A_336 = tpu.memref_squeeze %dma_wait3A_335 : memref<1x128x64xf32, #tpu.memory_space<vmem>> -> memref<128x64xf32, #tpu.memory_space<vmem>>
    %dma_wait3A_337 = arith.constant 0 : i32
    %dma_wait3A_338 = tpu.memref_slice %arg5[%add3A_248, %dma_wait3A_337] : memref<16384x512xf32, #tpu.memory_space<hbm>> -> memref<128x64xf32, #tpu.memory_space<hbm>>
    %dma_wait3A_339 = tpu.memref_slice %arg9[%dma_wait3A_332] : memref<4x!tpu.dma_semaphore, #tpu.memory_space<semaphore_mem>> -> memref<1x!tpu.dma_semaphore, #tpu.memory_space<semaphore_mem>>
    %dma_wait3A_340 = tpu.memref_squeeze %dma_wait3A_339 : memref<1x!tpu.dma_semaphore, #tpu.memory_space<semaphore_mem>> -> memref<!tpu.dma_semaphore, #tpu.memory_space<semaphore_mem>>
    %dma_wait3A_341 = arith.constant 0 : i32
    %dma_wait3A_342 = tpu.memref_slice %arg5[%add3A_248, %dma_wait3A_341] : memref<16384x512xf32, #tpu.memory_space<hbm>> -> memref<128x64xf32, #tpu.memory_space<hbm>>
    %dma_wait3A_343 = arith.constant 0 : i32
    %dma_wait3A_344 = arith.constant 0 : i32
    %dma_wait3A_345 = tpu.memref_slice %arg7[%dma_wait3A_331, %dma_wait3A_343, %dma_wait3A_344] : memref<4x128x64xf32, #tpu.memory_space<vmem>> -> memref<1x128x64xf32, #tpu.memory_space<vmem>>
    %dma_wait3A_346 = tpu.memref_squeeze %dma_wait3A_345 : memref<1x128x64xf32, #tpu.memory_space<vmem>> -> memref<128x64xf32, #tpu.memory_space<vmem>>
    tpu.wait_dma2 semaphore(%dma_wait3A_340 : memref<!tpu.dma_semaphore, #tpu.memory_space<semaphore_mem>>) src(%dma_wait3A_346 : memref<128x64xf32, #tpu.memory_space<vmem>>) dst(%dma_wait3A_342 : memref<128x64xf32, #tpu.memory_space<hbm>>)
    %dma_start3A_347 = arith.constant 3 : i32
    %dma_start3A_348 = arith.constant 1 : i32
    %dma_start3A_349 = arith.constant 3 : i32
    %dma_start3A_350 = arith.constant 3 : i32
    %dma_start3A_351 = arith.constant 0 : i32
    %dma_start3A_352 = arith.constant 0 : i32
    %dma_start3A_353 = tpu.memref_slice %arg7[%dma_start3A_349, %dma_start3A_351, %dma_start3A_352] : memref<4x128x64xf32, #tpu.memory_space<vmem>> -> memref<1x128x64xf32, #tpu.memory_space<vmem>>
    %dma_start3A_354 = tpu.memref_squeeze %dma_start3A_353 : memref<1x128x64xf32, #tpu.memory_space<vmem>> -> memref<128x64xf32, #tpu.memory_space<vmem>>
    %dma_start3A_355 = arith.constant 0 : i32
    %dma_start3A_356 = tpu.memref_slice %arg6[%dma_start3A_347, %dma_start3A_348, %dma_start3A_355] : memref<4x8x128xi32, #tpu.memory_space<vmem>> -> memref<1x1x128xi32, #tpu.memory_space<vmem>>
    %dma_start3A_357 = tpu.memref_squeeze %dma_start3A_356 : memref<1x1x128xi32, #tpu.memory_space<vmem>> -> memref<128xi32, #tpu.memory_space<vmem>>
    %dma_start3A_358 = arith.constant 0 : i32
    %dma_start3A_359 = arith.constant 0 : i32
    %dma_start3A_360 = tpu.memref_slice %arg3[%dma_start3A_358, %dma_start3A_359] : memref<400000x64xf32, #tpu.memory_space<hbm>> -> memref<400000x64xf32, #tpu.memory_space<hbm>>
    %dma_start3A_361 = tpu.memref_slice %arg8[%dma_start3A_350] : memref<4x!tpu.dma_semaphore, #tpu.memory_space<semaphore_mem>> -> memref<1x!tpu.dma_semaphore, #tpu.memory_space<semaphore_mem>>
    %dma_start3A_362 = tpu.memref_squeeze %dma_start3A_361 : memref<1x!tpu.dma_semaphore, #tpu.memory_space<semaphore_mem>> -> memref<!tpu.dma_semaphore, #tpu.memory_space<semaphore_mem>>
    tpu.enqueue_indirect_dma source(%dma_start3A_360 : memref<400000x64xf32, #tpu.memory_space<hbm>>) target(%dma_start3A_354 : memref<128x64xf32, #tpu.memory_space<vmem>>) offsets(%dma_start3A_357 : memref<128xi32, #tpu.memory_space<vmem>>) semaphore(%dma_start3A_362 : memref<!tpu.dma_semaphore, #tpu.memory_space<semaphore_mem>>)
    %dma_wait3A_363 = arith.constant 1 : i32
    %dma_wait3A_364 = arith.constant 1 : i32
    %dma_wait3A_365 = arith.constant 1 : i32
    %dma_wait3A_366 = arith.constant 1 : i32
    %dma_wait3A_367 = arith.constant 0 : i32
    %dma_wait3A_368 = arith.constant 0 : i32
    %dma_wait3A_369 = tpu.memref_slice %arg7[%dma_wait3A_365, %dma_wait3A_367, %dma_wait3A_368] : memref<4x128x64xf32, #tpu.memory_space<vmem>> -> memref<1x128x64xf32, #tpu.memory_space<vmem>>
    %dma_wait3A_370 = tpu.memref_squeeze %dma_wait3A_369 : memref<1x128x64xf32, #tpu.memory_space<vmem>> -> memref<128x64xf32, #tpu.memory_space<vmem>>
    %dma_wait3A_371 = arith.constant 0 : i32
    %dma_wait3A_372 = tpu.memref_slice %arg6[%dma_wait3A_363, %dma_wait3A_364, %dma_wait3A_371] : memref<4x8x128xi32, #tpu.memory_space<vmem>> -> memref<1x1x128xi32, #tpu.memory_space<vmem>>
    %dma_wait3A_373 = tpu.memref_squeeze %dma_wait3A_372 : memref<1x1x128xi32, #tpu.memory_space<vmem>> -> memref<128xi32, #tpu.memory_space<vmem>>
    %dma_wait3A_374 = arith.constant 0 : i32
    %dma_wait3A_375 = arith.constant 0 : i32
    %dma_wait3A_376 = tpu.memref_slice %arg3[%dma_wait3A_374, %dma_wait3A_375] : memref<400000x64xf32, #tpu.memory_space<hbm>> -> memref<400000x64xf32, #tpu.memory_space<hbm>>
    %dma_wait3A_377 = tpu.memref_slice %arg8[%dma_wait3A_366] : memref<4x!tpu.dma_semaphore, #tpu.memory_space<semaphore_mem>> -> memref<1x!tpu.dma_semaphore, #tpu.memory_space<semaphore_mem>>
    %dma_wait3A_378 = tpu.memref_squeeze %dma_wait3A_377 : memref<1x!tpu.dma_semaphore, #tpu.memory_space<semaphore_mem>> -> memref<!tpu.dma_semaphore, #tpu.memory_space<semaphore_mem>>
    tpu.wait_indirect_dma semaphore(%dma_wait3A_378 : memref<!tpu.dma_semaphore, #tpu.memory_space<semaphore_mem>>) src(%dma_wait3A_376 : memref<400000x64xf32, #tpu.memory_space<hbm>>) dst(%dma_wait3A_370 : memref<128x64xf32, #tpu.memory_space<vmem>>)
    %add3A_379 = arith.constant 128 : i32
    %add3A_380 = arith.addi %mul3A_2, %add3A_379 : i32
    %dma_start3A_381 = arith.constant 1 : i32
    %dma_start3A_382 = arith.constant 1 : i32
    %dma_start3A_383 = arith.constant 0 : i32
    %dma_start3A_384 = arith.constant 0 : i32
    %dma_start3A_385 = tpu.memref_slice %arg7[%dma_start3A_381, %dma_start3A_383, %dma_start3A_384] : memref<4x128x64xf32, #tpu.memory_space<vmem>> -> memref<1x128x64xf32, #tpu.memory_space<vmem>>
    %dma_start3A_386 = tpu.memref_squeeze %dma_start3A_385 : memref<1x128x64xf32, #tpu.memory_space<vmem>> -> memref<128x64xf32, #tpu.memory_space<vmem>>
    %dma_start3A_387 = arith.constant 64 : i32
    %dma_start3A_388 = tpu.memref_slice %arg5[%add3A_380, %dma_start3A_387] : memref<16384x512xf32, #tpu.memory_space<hbm>> -> memref<128x64xf32, #tpu.memory_space<hbm>>
    %dma_start3A_389 = tpu.memref_slice %arg9[%dma_start3A_382] : memref<4x!tpu.dma_semaphore, #tpu.memory_space<semaphore_mem>> -> memref<1x!tpu.dma_semaphore, #tpu.memory_space<semaphore_mem>>
    %dma_start3A_390 = tpu.memref_squeeze %dma_start3A_389 : memref<1x!tpu.dma_semaphore, #tpu.memory_space<semaphore_mem>> -> memref<!tpu.dma_semaphore, #tpu.memory_space<semaphore_mem>>
    %dma_start3A_391 = arith.constant 64 : i32
    %dma_start3A_392 = tpu.memref_slice %arg5[%add3A_380, %dma_start3A_391] : memref<16384x512xf32, #tpu.memory_space<hbm>> -> memref<128x64xf32, #tpu.memory_space<hbm>>
    %dma_start3A_393 = arith.constant 0 : i32
    %dma_start3A_394 = arith.constant 0 : i32
    %dma_start3A_395 = tpu.memref_slice %arg7[%dma_start3A_381, %dma_start3A_393, %dma_start3A_394] : memref<4x128x64xf32, #tpu.memory_space<vmem>> -> memref<1x128x64xf32, #tpu.memory_space<vmem>>
    %dma_start3A_396 = tpu.memref_squeeze %dma_start3A_395 : memref<1x128x64xf32, #tpu.memory_space<vmem>> -> memref<128x64xf32, #tpu.memory_space<vmem>>
    tpu.enqueue_dma source(%dma_start3A_396 : memref<128x64xf32, #tpu.memory_space<vmem>>) target(%dma_start3A_392 : memref<128x64xf32, #tpu.memory_space<hbm>>) target_semaphore(%dma_start3A_390 : memref<!tpu.dma_semaphore, #tpu.memory_space<semaphore_mem>>)
    %dma_wait3A_397 = arith.constant 0 : i32
    %dma_wait3A_398 = arith.constant 0 : i32
    %dma_wait3A_399 = arith.constant 0 : i32
    %dma_wait3A_400 = arith.constant 0 : i32
    %dma_wait3A_401 = tpu.memref_slice %arg7[%dma_wait3A_397, %dma_wait3A_399, %dma_wait3A_400] : memref<4x128x64xf32, #tpu.memory_space<vmem>> -> memref<1x128x64xf32, #tpu.memory_space<vmem>>
    %dma_wait3A_402 = tpu.memref_squeeze %dma_wait3A_401 : memref<1x128x64xf32, #tpu.memory_space<vmem>> -> memref<128x64xf32, #tpu.memory_space<vmem>>
    %dma_wait3A_403 = arith.constant 64 : i32
    %dma_wait3A_404 = tpu.memref_slice %arg5[%add3A_314, %dma_wait3A_403] : memref<16384x512xf32, #tpu.memory_space<hbm>> -> memref<128x64xf32, #tpu.memory_space<hbm>>
    %dma_wait3A_405 = tpu.memref_slice %arg9[%dma_wait3A_398] : memref<4x!tpu.dma_semaphore, #tpu.memory_space<semaphore_mem>> -> memref<1x!tpu.dma_semaphore, #tpu.memory_space<semaphore_mem>>
    %dma_wait3A_406 = tpu.memref_squeeze %dma_wait3A_405 : memref<1x!tpu.dma_semaphore, #tpu.memory_space<semaphore_mem>> -> memref<!tpu.dma_semaphore, #tpu.memory_space<semaphore_mem>>
    %dma_wait3A_407 = arith.constant 64 : i32
    %dma_wait3A_408 = tpu.memref_slice %arg5[%add3A_314, %dma_wait3A_407] : memref<16384x512xf32, #tpu.memory_space<hbm>> -> memref<128x64xf32, #tpu.memory_space<hbm>>
    %dma_wait3A_409 = arith.constant 0 : i32
    %dma_wait3A_410 = arith.constant 0 : i32
    %dma_wait3A_411 = tpu.memref_slice %arg7[%dma_wait3A_397, %dma_wait3A_409, %dma_wait3A_410] : memref<4x128x64xf32, #tpu.memory_space<vmem>> -> memref<1x128x64xf32, #tpu.memory_space<vmem>>
    %dma_wait3A_412 = tpu.memref_squeeze %dma_wait3A_411 : memref<1x128x64xf32, #tpu.memory_space<vmem>> -> memref<128x64xf32, #tpu.memory_space<vmem>>
    tpu.wait_dma2 semaphore(%dma_wait3A_406 : memref<!tpu.dma_semaphore, #tpu.memory_space<semaphore_mem>>) src(%dma_wait3A_412 : memref<128x64xf32, #tpu.memory_space<vmem>>) dst(%dma_wait3A_408 : memref<128x64xf32, #tpu.memory_space<hbm>>)
    %dma_start3A_413 = arith.constant 0 : i32
    %dma_start3A_414 = arith.constant 2 : i32
    %dma_start3A_415 = arith.constant 0 : i32
    %dma_start3A_416 = arith.constant 0 : i32
    %dma_start3A_417 = arith.constant 0 : i32
    %dma_start3A_418 = arith.constant 0 : i32
    %dma_start3A_419 = tpu.memref_slice %arg7[%dma_start3A_415, %dma_start3A_417, %dma_start3A_418] : memref<4x128x64xf32, #tpu.memory_space<vmem>> -> memref<1x128x64xf32, #tpu.memory_space<vmem>>
    %dma_start3A_420 = tpu.memref_squeeze %dma_start3A_419 : memref<1x128x64xf32, #tpu.memory_space<vmem>> -> memref<128x64xf32, #tpu.memory_space<vmem>>
    %dma_start3A_421 = arith.constant 0 : i32
    %dma_start3A_422 = tpu.memref_slice %arg6[%dma_start3A_413, %dma_start3A_414, %dma_start3A_421] : memref<4x8x128xi32, #tpu.memory_space<vmem>> -> memref<1x1x128xi32, #tpu.memory_space<vmem>>
    %dma_start3A_423 = tpu.memref_squeeze %dma_start3A_422 : memref<1x1x128xi32, #tpu.memory_space<vmem>> -> memref<128xi32, #tpu.memory_space<vmem>>
    %dma_start3A_424 = arith.constant 0 : i32
    %dma_start3A_425 = arith.constant 0 : i32
    %dma_start3A_426 = tpu.memref_slice %arg3[%dma_start3A_424, %dma_start3A_425] : memref<400000x64xf32, #tpu.memory_space<hbm>> -> memref<400000x64xf32, #tpu.memory_space<hbm>>
    %dma_start3A_427 = tpu.memref_slice %arg8[%dma_start3A_416] : memref<4x!tpu.dma_semaphore, #tpu.memory_space<semaphore_mem>> -> memref<1x!tpu.dma_semaphore, #tpu.memory_space<semaphore_mem>>
    %dma_start3A_428 = tpu.memref_squeeze %dma_start3A_427 : memref<1x!tpu.dma_semaphore, #tpu.memory_space<semaphore_mem>> -> memref<!tpu.dma_semaphore, #tpu.memory_space<semaphore_mem>>
    tpu.enqueue_indirect_dma source(%dma_start3A_426 : memref<400000x64xf32, #tpu.memory_space<hbm>>) target(%dma_start3A_420 : memref<128x64xf32, #tpu.memory_space<vmem>>) offsets(%dma_start3A_423 : memref<128xi32, #tpu.memory_space<vmem>>) semaphore(%dma_start3A_428 : memref<!tpu.dma_semaphore, #tpu.memory_space<semaphore_mem>>)
    %dma_wait3A_429 = arith.constant 2 : i32
    %dma_wait3A_430 = arith.constant 1 : i32
    %dma_wait3A_431 = arith.constant 2 : i32
    %dma_wait3A_432 = arith.constant 2 : i32
    %dma_wait3A_433 = arith.constant 0 : i32
    %dma_wait3A_434 = arith.constant 0 : i32
    %dma_wait3A_435 = tpu.memref_slice %arg7[%dma_wait3A_431, %dma_wait3A_433, %dma_wait3A_434] : memref<4x128x64xf32, #tpu.memory_space<vmem>> -> memref<1x128x64xf32, #tpu.memory_space<vmem>>
    %dma_wait3A_436 = tpu.memref_squeeze %dma_wait3A_435 : memref<1x128x64xf32, #tpu.memory_space<vmem>> -> memref<128x64xf32, #tpu.memory_space<vmem>>
    %dma_wait3A_437 = arith.constant 0 : i32
    %dma_wait3A_438 = tpu.memref_slice %arg6[%dma_wait3A_429, %dma_wait3A_430, %dma_wait3A_437] : memref<4x8x128xi32, #tpu.memory_space<vmem>> -> memref<1x1x128xi32, #tpu.memory_space<vmem>>
    %dma_wait3A_439 = tpu.memref_squeeze %dma_wait3A_438 : memref<1x1x128xi32, #tpu.memory_space<vmem>> -> memref<128xi32, #tpu.memory_space<vmem>>
    %dma_wait3A_440 = arith.constant 0 : i32
    %dma_wait3A_441 = arith.constant 0 : i32
    %dma_wait3A_442 = tpu.memref_slice %arg3[%dma_wait3A_440, %dma_wait3A_441] : memref<400000x64xf32, #tpu.memory_space<hbm>> -> memref<400000x64xf32, #tpu.memory_space<hbm>>
    %dma_wait3A_443 = tpu.memref_slice %arg8[%dma_wait3A_432] : memref<4x!tpu.dma_semaphore, #tpu.memory_space<semaphore_mem>> -> memref<1x!tpu.dma_semaphore, #tpu.memory_space<semaphore_mem>>
    %dma_wait3A_444 = tpu.memref_squeeze %dma_wait3A_443 : memref<1x!tpu.dma_semaphore, #tpu.memory_space<semaphore_mem>> -> memref<!tpu.dma_semaphore, #tpu.memory_space<semaphore_mem>>
    tpu.wait_indirect_dma semaphore(%dma_wait3A_444 : memref<!tpu.dma_semaphore, #tpu.memory_space<semaphore_mem>>) src(%dma_wait3A_442 : memref<400000x64xf32, #tpu.memory_space<hbm>>) dst(%dma_wait3A_436 : memref<128x64xf32, #tpu.memory_space<vmem>>)
    %add3A_445 = arith.constant 256 : i32
    %add3A_446 = arith.addi %mul3A_2, %add3A_445 : i32
    %dma_start3A_447 = arith.constant 2 : i32
    %dma_start3A_448 = arith.constant 2 : i32
    %dma_start3A_449 = arith.constant 0 : i32
    %dma_start3A_450 = arith.constant 0 : i32
    %dma_start3A_451 = tpu.memref_slice %arg7[%dma_start3A_447, %dma_start3A_449, %dma_start3A_450] : memref<4x128x64xf32, #tpu.memory_space<vmem>> -> memref<1x128x64xf32, #tpu.memory_space<vmem>>
    %dma_start3A_452 = tpu.memref_squeeze %dma_start3A_451 : memref<1x128x64xf32, #tpu.memory_space<vmem>> -> memref<128x64xf32, #tpu.memory_space<vmem>>
    %dma_start3A_453 = arith.constant 64 : i32
    %dma_start3A_454 = tpu.memref_slice %arg5[%add3A_446, %dma_start3A_453] : memref<16384x512xf32, #tpu.memory_space<hbm>> -> memref<128x64xf32, #tpu.memory_space<hbm>>
    %dma_start3A_455 = tpu.memref_slice %arg9[%dma_start3A_448] : memref<4x!tpu.dma_semaphore, #tpu.memory_space<semaphore_mem>> -> memref<1x!tpu.dma_semaphore, #tpu.memory_space<semaphore_mem>>
    %dma_start3A_456 = tpu.memref_squeeze %dma_start3A_455 : memref<1x!tpu.dma_semaphore, #tpu.memory_space<semaphore_mem>> -> memref<!tpu.dma_semaphore, #tpu.memory_space<semaphore_mem>>
    %dma_start3A_457 = arith.constant 64 : i32
    %dma_start3A_458 = tpu.memref_slice %arg5[%add3A_446, %dma_start3A_457] : memref<16384x512xf32, #tpu.memory_space<hbm>> -> memref<128x64xf32, #tpu.memory_space<hbm>>
    %dma_start3A_459 = arith.constant 0 : i32
    %dma_start3A_460 = arith.constant 0 : i32
    %dma_start3A_461 = tpu.memref_slice %arg7[%dma_start3A_447, %dma_start3A_459, %dma_start3A_460] : memref<4x128x64xf32, #tpu.memory_space<vmem>> -> memref<1x128x64xf32, #tpu.memory_space<vmem>>
    %dma_start3A_462 = tpu.memref_squeeze %dma_start3A_461 : memref<1x128x64xf32, #tpu.memory_space<vmem>> -> memref<128x64xf32, #tpu.memory_space<vmem>>
    tpu.enqueue_dma source(%dma_start3A_462 : memref<128x64xf32, #tpu.memory_space<vmem>>) target(%dma_start3A_458 : memref<128x64xf32, #tpu.memory_space<hbm>>) target_semaphore(%dma_start3A_456 : memref<!tpu.dma_semaphore, #tpu.memory_space<semaphore_mem>>)
    %dma_wait3A_463 = arith.constant 1 : i32
    %dma_wait3A_464 = arith.constant 1 : i32
    %dma_wait3A_465 = arith.constant 0 : i32
    %dma_wait3A_466 = arith.constant 0 : i32
    %dma_wait3A_467 = tpu.memref_slice %arg7[%dma_wait3A_463, %dma_wait3A_465, %dma_wait3A_466] : memref<4x128x64xf32, #tpu.memory_space<vmem>> -> memref<1x128x64xf32, #tpu.memory_space<vmem>>
    %dma_wait3A_468 = tpu.memref_squeeze %dma_wait3A_467 : memref<1x128x64xf32, #tpu.memory_space<vmem>> -> memref<128x64xf32, #tpu.memory_space<vmem>>
    %dma_wait3A_469 = arith.constant 64 : i32
    %dma_wait3A_470 = tpu.memref_slice %arg5[%add3A_380, %dma_wait3A_469] : memref<16384x512xf32, #tpu.memory_space<hbm>> -> memref<128x64xf32, #tpu.memory_space<hbm>>
    %dma_wait3A_471 = tpu.memref_slice %arg9[%dma_wait3A_464] : memref<4x!tpu.dma_semaphore, #tpu.memory_space<semaphore_mem>> -> memref<1x!tpu.dma_semaphore, #tpu.memory_space<semaphore_mem>>
    %dma_wait3A_472 = tpu.memref_squeeze %dma_wait3A_471 : memref<1x!tpu.dma_semaphore, #tpu.memory_space<semaphore_mem>> -> memref<!tpu.dma_semaphore, #tpu.memory_space<semaphore_mem>>
    %dma_wait3A_473 = arith.constant 64 : i32
    %dma_wait3A_474 = tpu.memref_slice %arg5[%add3A_380, %dma_wait3A_473] : memref<16384x512xf32, #tpu.memory_space<hbm>> -> memref<128x64xf32, #tpu.memory_space<hbm>>
    %dma_wait3A_475 = arith.constant 0 : i32
    %dma_wait3A_476 = arith.constant 0 : i32
    %dma_wait3A_477 = tpu.memref_slice %arg7[%dma_wait3A_463, %dma_wait3A_475, %dma_wait3A_476] : memref<4x128x64xf32, #tpu.memory_space<vmem>> -> memref<1x128x64xf32, #tpu.memory_space<vmem>>
    %dma_wait3A_478 = tpu.memref_squeeze %dma_wait3A_477 : memref<1x128x64xf32, #tpu.memory_space<vmem>> -> memref<128x64xf32, #tpu.memory_space<vmem>>
    tpu.wait_dma2 semaphore(%dma_wait3A_472 : memref<!tpu.dma_semaphore, #tpu.memory_space<semaphore_mem>>) src(%dma_wait3A_478 : memref<128x64xf32, #tpu.memory_space<vmem>>) dst(%dma_wait3A_474 : memref<128x64xf32, #tpu.memory_space<hbm>>)
    %dma_start3A_479 = arith.constant 1 : i32
    %dma_start3A_480 = arith.constant 2 : i32
    %dma_start3A_481 = arith.constant 1 : i32
    %dma_start3A_482 = arith.constant 1 : i32
    %dma_start3A_483 = arith.constant 0 : i32
    %dma_start3A_484 = arith.constant 0 : i32
    %dma_start3A_485 = tpu.memref_slice %arg7[%dma_start3A_481, %dma_start3A_483, %dma_start3A_484] : memref<4x128x64xf32, #tpu.memory_space<vmem>> -> memref<1x128x64xf32, #tpu.memory_space<vmem>>
    %dma_start3A_486 = tpu.memref_squeeze %dma_start3A_485 : memref<1x128x64xf32, #tpu.memory_space<vmem>> -> memref<128x64xf32, #tpu.memory_space<vmem>>
    %dma_start3A_487 = arith.constant 0 : i32
    %dma_start3A_488 = tpu.memref_slice %arg6[%dma_start3A_479, %dma_start3A_480, %dma_start3A_487] : memref<4x8x128xi32, #tpu.memory_space<vmem>> -> memref<1x1x128xi32, #tpu.memory_space<vmem>>
    %dma_start3A_489 = tpu.memref_squeeze %dma_start3A_488 : memref<1x1x128xi32, #tpu.memory_space<vmem>> -> memref<128xi32, #tpu.memory_space<vmem>>
    %dma_start3A_490 = arith.constant 0 : i32
    %dma_start3A_491 = arith.constant 0 : i32
    %dma_start3A_492 = tpu.memref_slice %arg3[%dma_start3A_490, %dma_start3A_491] : memref<400000x64xf32, #tpu.memory_space<hbm>> -> memref<400000x64xf32, #tpu.memory_space<hbm>>
    %dma_start3A_493 = tpu.memref_slice %arg8[%dma_start3A_482] : memref<4x!tpu.dma_semaphore, #tpu.memory_space<semaphore_mem>> -> memref<1x!tpu.dma_semaphore, #tpu.memory_space<semaphore_mem>>
    %dma_start3A_494 = tpu.memref_squeeze %dma_start3A_493 : memref<1x!tpu.dma_semaphore, #tpu.memory_space<semaphore_mem>> -> memref<!tpu.dma_semaphore, #tpu.memory_space<semaphore_mem>>
    tpu.enqueue_indirect_dma source(%dma_start3A_492 : memref<400000x64xf32, #tpu.memory_space<hbm>>) target(%dma_start3A_486 : memref<128x64xf32, #tpu.memory_space<vmem>>) offsets(%dma_start3A_489 : memref<128xi32, #tpu.memory_space<vmem>>) semaphore(%dma_start3A_494 : memref<!tpu.dma_semaphore, #tpu.memory_space<semaphore_mem>>)
    %dma_wait3A_495 = arith.constant 3 : i32
    %dma_wait3A_496 = arith.constant 1 : i32
    %dma_wait3A_497 = arith.constant 3 : i32
    %dma_wait3A_498 = arith.constant 3 : i32
    %dma_wait3A_499 = arith.constant 0 : i32
    %dma_wait3A_500 = arith.constant 0 : i32
    %dma_wait3A_501 = tpu.memref_slice %arg7[%dma_wait3A_497, %dma_wait3A_499, %dma_wait3A_500] : memref<4x128x64xf32, #tpu.memory_space<vmem>> -> memref<1x128x64xf32, #tpu.memory_space<vmem>>
    %dma_wait3A_502 = tpu.memref_squeeze %dma_wait3A_501 : memref<1x128x64xf32, #tpu.memory_space<vmem>> -> memref<128x64xf32, #tpu.memory_space<vmem>>
    %dma_wait3A_503 = arith.constant 0 : i32
    %dma_wait3A_504 = tpu.memref_slice %arg6[%dma_wait3A_495, %dma_wait3A_496, %dma_wait3A_503] : memref<4x8x128xi32, #tpu.memory_space<vmem>> -> memref<1x1x128xi32, #tpu.memory_space<vmem>>
    %dma_wait3A_505 = tpu.memref_squeeze %dma_wait3A_504 : memref<1x1x128xi32, #tpu.memory_space<vmem>> -> memref<128xi32, #tpu.memory_space<vmem>>
    %dma_wait3A_506 = arith.constant 0 : i32
    %dma_wait3A_507 = arith.constant 0 : i32
    %dma_wait3A_508 = tpu.memref_slice %arg3[%dma_wait3A_506, %dma_wait3A_507] : memref<400000x64xf32, #tpu.memory_space<hbm>> -> memref<400000x64xf32, #tpu.memory_space<hbm>>
    %dma_wait3A_509 = tpu.memref_slice %arg8[%dma_wait3A_498] : memref<4x!tpu.dma_semaphore, #tpu.memory_space<semaphore_mem>> -> memref<1x!tpu.dma_semaphore, #tpu.memory_space<semaphore_mem>>
    %dma_wait3A_510 = tpu.memref_squeeze %dma_wait3A_509 : memref<1x!tpu.dma_semaphore, #tpu.memory_space<semaphore_mem>> -> memref<!tpu.dma_semaphore, #tpu.memory_space<semaphore_mem>>
    tpu.wait_indirect_dma semaphore(%dma_wait3A_510 : memref<!tpu.dma_semaphore, #tpu.memory_space<semaphore_mem>>) src(%dma_wait3A_508 : memref<400000x64xf32, #tpu.memory_space<hbm>>) dst(%dma_wait3A_502 : memref<128x64xf32, #tpu.memory_space<vmem>>)
    %add3A_511 = arith.constant 384 : i32
    %add3A_512 = arith.addi %mul3A_2, %add3A_511 : i32
    %dma_start3A_513 = arith.constant 3 : i32
    %dma_start3A_514 = arith.constant 3 : i32
    %dma_start3A_515 = arith.constant 0 : i32
    %dma_start3A_516 = arith.constant 0 : i32
    %dma_start3A_517 = tpu.memref_slice %arg7[%dma_start3A_513, %dma_start3A_515, %dma_start3A_516] : memref<4x128x64xf32, #tpu.memory_space<vmem>> -> memref<1x128x64xf32, #tpu.memory_space<vmem>>
    %dma_start3A_518 = tpu.memref_squeeze %dma_start3A_517 : memref<1x128x64xf32, #tpu.memory_space<vmem>> -> memref<128x64xf32, #tpu.memory_space<vmem>>
    %dma_start3A_519 = arith.constant 64 : i32
    %dma_start3A_520 = tpu.memref_slice %arg5[%add3A_512, %dma_start3A_519] : memref<16384x512xf32, #tpu.memory_space<hbm>> -> memref<128x64xf32, #tpu.memory_space<hbm>>
    %dma_start3A_521 = tpu.memref_slice %arg9[%dma_start3A_514] : memref<4x!tpu.dma_semaphore, #tpu.memory_space<semaphore_mem>> -> memref<1x!tpu.dma_semaphore, #tpu.memory_space<semaphore_mem>>
    %dma_start3A_522 = tpu.memref_squeeze %dma_start3A_521 : memref<1x!tpu.dma_semaphore, #tpu.memory_space<semaphore_mem>> -> memref<!tpu.dma_semaphore, #tpu.memory_space<semaphore_mem>>
    %dma_start3A_523 = arith.constant 64 : i32
    %dma_start3A_524 = tpu.memref_slice %arg5[%add3A_512, %dma_start3A_523] : memref<16384x512xf32, #tpu.memory_space<hbm>> -> memref<128x64xf32, #tpu.memory_space<hbm>>
    %dma_start3A_525 = arith.constant 0 : i32
    %dma_start3A_526 = arith.constant 0 : i32
    %dma_start3A_527 = tpu.memref_slice %arg7[%dma_start3A_513, %dma_start3A_525, %dma_start3A_526] : memref<4x128x64xf32, #tpu.memory_space<vmem>> -> memref<1x128x64xf32, #tpu.memory_space<vmem>>
    %dma_start3A_528 = tpu.memref_squeeze %dma_start3A_527 : memref<1x128x64xf32, #tpu.memory_space<vmem>> -> memref<128x64xf32, #tpu.memory_space<vmem>>
    tpu.enqueue_dma source(%dma_start3A_528 : memref<128x64xf32, #tpu.memory_space<vmem>>) target(%dma_start3A_524 : memref<128x64xf32, #tpu.memory_space<hbm>>) target_semaphore(%dma_start3A_522 : memref<!tpu.dma_semaphore, #tpu.memory_space<semaphore_mem>>)
    %dma_wait3A_529 = arith.constant 2 : i32
    %dma_wait3A_530 = arith.constant 2 : i32
    %dma_wait3A_531 = arith.constant 0 : i32
    %dma_wait3A_532 = arith.constant 0 : i32
    %dma_wait3A_533 = tpu.memref_slice %arg7[%dma_wait3A_529, %dma_wait3A_531, %dma_wait3A_532] : memref<4x128x64xf32, #tpu.memory_space<vmem>> -> memref<1x128x64xf32, #tpu.memory_space<vmem>>
    %dma_wait3A_534 = tpu.memref_squeeze %dma_wait3A_533 : memref<1x128x64xf32, #tpu.memory_space<vmem>> -> memref<128x64xf32, #tpu.memory_space<vmem>>
    %dma_wait3A_535 = arith.constant 64 : i32
    %dma_wait3A_536 = tpu.memref_slice %arg5[%add3A_446, %dma_wait3A_535] : memref<16384x512xf32, #tpu.memory_space<hbm>> -> memref<128x64xf32, #tpu.memory_space<hbm>>
    %dma_wait3A_537 = tpu.memref_slice %arg9[%dma_wait3A_530] : memref<4x!tpu.dma_semaphore, #tpu.memory_space<semaphore_mem>> -> memref<1x!tpu.dma_semaphore, #tpu.memory_space<semaphore_mem>>
    %dma_wait3A_538 = tpu.memref_squeeze %dma_wait3A_537 : memref<1x!tpu.dma_semaphore, #tpu.memory_space<semaphore_mem>> -> memref<!tpu.dma_semaphore, #tpu.memory_space<semaphore_mem>>
    %dma_wait3A_539 = arith.constant 64 : i32
    %dma_wait3A_540 = tpu.memref_slice %arg5[%add3A_446, %dma_wait3A_539] : memref<16384x512xf32, #tpu.memory_space<hbm>> -> memref<128x64xf32, #tpu.memory_space<hbm>>
    %dma_wait3A_541 = arith.constant 0 : i32
    %dma_wait3A_542 = arith.constant 0 : i32
    %dma_wait3A_543 = tpu.memref_slice %arg7[%dma_wait3A_529, %dma_wait3A_541, %dma_wait3A_542] : memref<4x128x64xf32, #tpu.memory_space<vmem>> -> memref<1x128x64xf32, #tpu.memory_space<vmem>>
    %dma_wait3A_544 = tpu.memref_squeeze %dma_wait3A_543 : memref<1x128x64xf32, #tpu.memory_space<vmem>> -> memref<128x64xf32, #tpu.memory_space<vmem>>
    tpu.wait_dma2 semaphore(%dma_wait3A_538 : memref<!tpu.dma_semaphore, #tpu.memory_space<semaphore_mem>>) src(%dma_wait3A_544 : memref<128x64xf32, #tpu.memory_space<vmem>>) dst(%dma_wait3A_540 : memref<128x64xf32, #tpu.memory_space<hbm>>)
    %dma_start3A_545 = arith.constant 2 : i32
    %dma_start3A_546 = arith.constant 2 : i32
    %dma_start3A_547 = arith.constant 2 : i32
    %dma_start3A_548 = arith.constant 2 : i32
    %dma_start3A_549 = arith.constant 0 : i32
    %dma_start3A_550 = arith.constant 0 : i32
    %dma_start3A_551 = tpu.memref_slice %arg7[%dma_start3A_547, %dma_start3A_549, %dma_start3A_550] : memref<4x128x64xf32, #tpu.memory_space<vmem>> -> memref<1x128x64xf32, #tpu.memory_space<vmem>>
    %dma_start3A_552 = tpu.memref_squeeze %dma_start3A_551 : memref<1x128x64xf32, #tpu.memory_space<vmem>> -> memref<128x64xf32, #tpu.memory_space<vmem>>
    %dma_start3A_553 = arith.constant 0 : i32
    %dma_start3A_554 = tpu.memref_slice %arg6[%dma_start3A_545, %dma_start3A_546, %dma_start3A_553] : memref<4x8x128xi32, #tpu.memory_space<vmem>> -> memref<1x1x128xi32, #tpu.memory_space<vmem>>
    %dma_start3A_555 = tpu.memref_squeeze %dma_start3A_554 : memref<1x1x128xi32, #tpu.memory_space<vmem>> -> memref<128xi32, #tpu.memory_space<vmem>>
    %dma_start3A_556 = arith.constant 0 : i32
    %dma_start3A_557 = arith.constant 0 : i32
    %dma_start3A_558 = tpu.memref_slice %arg3[%dma_start3A_556, %dma_start3A_557] : memref<400000x64xf32, #tpu.memory_space<hbm>> -> memref<400000x64xf32, #tpu.memory_space<hbm>>
    %dma_start3A_559 = tpu.memref_slice %arg8[%dma_start3A_548] : memref<4x!tpu.dma_semaphore, #tpu.memory_space<semaphore_mem>> -> memref<1x!tpu.dma_semaphore, #tpu.memory_space<semaphore_mem>>
    %dma_start3A_560 = tpu.memref_squeeze %dma_start3A_559 : memref<1x!tpu.dma_semaphore, #tpu.memory_space<semaphore_mem>> -> memref<!tpu.dma_semaphore, #tpu.memory_space<semaphore_mem>>
    tpu.enqueue_indirect_dma source(%dma_start3A_558 : memref<400000x64xf32, #tpu.memory_space<hbm>>) target(%dma_start3A_552 : memref<128x64xf32, #tpu.memory_space<vmem>>) offsets(%dma_start3A_555 : memref<128xi32, #tpu.memory_space<vmem>>) semaphore(%dma_start3A_560 : memref<!tpu.dma_semaphore, #tpu.memory_space<semaphore_mem>>)
    %dma_wait3A_561 = arith.constant 0 : i32
    %dma_wait3A_562 = arith.constant 2 : i32
    %dma_wait3A_563 = arith.constant 0 : i32
    %dma_wait3A_564 = arith.constant 0 : i32
    %dma_wait3A_565 = arith.constant 0 : i32
    %dma_wait3A_566 = arith.constant 0 : i32
    %dma_wait3A_567 = tpu.memref_slice %arg7[%dma_wait3A_563, %dma_wait3A_565, %dma_wait3A_566] : memref<4x128x64xf32, #tpu.memory_space<vmem>> -> memref<1x128x64xf32, #tpu.memory_space<vmem>>
    %dma_wait3A_568 = tpu.memref_squeeze %dma_wait3A_567 : memref<1x128x64xf32, #tpu.memory_space<vmem>> -> memref<128x64xf32, #tpu.memory_space<vmem>>
    %dma_wait3A_569 = arith.constant 0 : i32
    %dma_wait3A_570 = tpu.memref_slice %arg6[%dma_wait3A_561, %dma_wait3A_562, %dma_wait3A_569] : memref<4x8x128xi32, #tpu.memory_space<vmem>> -> memref<1x1x128xi32, #tpu.memory_space<vmem>>
    %dma_wait3A_571 = tpu.memref_squeeze %dma_wait3A_570 : memref<1x1x128xi32, #tpu.memory_space<vmem>> -> memref<128xi32, #tpu.memory_space<vmem>>
    %dma_wait3A_572 = arith.constant 0 : i32
    %dma_wait3A_573 = arith.constant 0 : i32
    %dma_wait3A_574 = tpu.memref_slice %arg3[%dma_wait3A_572, %dma_wait3A_573] : memref<400000x64xf32, #tpu.memory_space<hbm>> -> memref<400000x64xf32, #tpu.memory_space<hbm>>
    %dma_wait3A_575 = tpu.memref_slice %arg8[%dma_wait3A_564] : memref<4x!tpu.dma_semaphore, #tpu.memory_space<semaphore_mem>> -> memref<1x!tpu.dma_semaphore, #tpu.memory_space<semaphore_mem>>
    %dma_wait3A_576 = tpu.memref_squeeze %dma_wait3A_575 : memref<1x!tpu.dma_semaphore, #tpu.memory_space<semaphore_mem>> -> memref<!tpu.dma_semaphore, #tpu.memory_space<semaphore_mem>>
    tpu.wait_indirect_dma semaphore(%dma_wait3A_576 : memref<!tpu.dma_semaphore, #tpu.memory_space<semaphore_mem>>) src(%dma_wait3A_574 : memref<400000x64xf32, #tpu.memory_space<hbm>>) dst(%dma_wait3A_568 : memref<128x64xf32, #tpu.memory_space<vmem>>)
    %add3A_577 = arith.constant 0 : i32
    %add3A_578 = arith.addi %mul3A_2, %add3A_577 : i32
    %dma_start3A_579 = arith.constant 0 : i32
    %dma_start3A_580 = arith.constant 0 : i32
    %dma_start3A_581 = arith.constant 0 : i32
    %dma_start3A_582 = arith.constant 0 : i32
    %dma_start3A_583 = tpu.memref_slice %arg7[%dma_start3A_579, %dma_start3A_581, %dma_start3A_582] : memref<4x128x64xf32, #tpu.memory_space<vmem>> -> memref<1x128x64xf32, #tpu.memory_space<vmem>>
    %dma_start3A_584 = tpu.memref_squeeze %dma_start3A_583 : memref<1x128x64xf32, #tpu.memory_space<vmem>> -> memref<128x64xf32, #tpu.memory_space<vmem>>
    %dma_start3A_585 = arith.constant 128 : i32
    %dma_start3A_586 = tpu.memref_slice %arg5[%add3A_578, %dma_start3A_585] : memref<16384x512xf32, #tpu.memory_space<hbm>> -> memref<128x64xf32, #tpu.memory_space<hbm>>
    %dma_start3A_587 = tpu.memref_slice %arg9[%dma_start3A_580] : memref<4x!tpu.dma_semaphore, #tpu.memory_space<semaphore_mem>> -> memref<1x!tpu.dma_semaphore, #tpu.memory_space<semaphore_mem>>
    %dma_start3A_588 = tpu.memref_squeeze %dma_start3A_587 : memref<1x!tpu.dma_semaphore, #tpu.memory_space<semaphore_mem>> -> memref<!tpu.dma_semaphore, #tpu.memory_space<semaphore_mem>>
    %dma_start3A_589 = arith.constant 128 : i32
    %dma_start3A_590 = tpu.memref_slice %arg5[%add3A_578, %dma_start3A_589] : memref<16384x512xf32, #tpu.memory_space<hbm>> -> memref<128x64xf32, #tpu.memory_space<hbm>>
    %dma_start3A_591 = arith.constant 0 : i32
    %dma_start3A_592 = arith.constant 0 : i32
    %dma_start3A_593 = tpu.memref_slice %arg7[%dma_start3A_579, %dma_start3A_591, %dma_start3A_592] : memref<4x128x64xf32, #tpu.memory_space<vmem>> -> memref<1x128x64xf32, #tpu.memory_space<vmem>>
    %dma_start3A_594 = tpu.memref_squeeze %dma_start3A_593 : memref<1x128x64xf32, #tpu.memory_space<vmem>> -> memref<128x64xf32, #tpu.memory_space<vmem>>
    tpu.enqueue_dma source(%dma_start3A_594 : memref<128x64xf32, #tpu.memory_space<vmem>>) target(%dma_start3A_590 : memref<128x64xf32, #tpu.memory_space<hbm>>) target_semaphore(%dma_start3A_588 : memref<!tpu.dma_semaphore, #tpu.memory_space<semaphore_mem>>)
    %dma_wait3A_595 = arith.constant 3 : i32
    %dma_wait3A_596 = arith.constant 3 : i32
    %dma_wait3A_597 = arith.constant 0 : i32
    %dma_wait3A_598 = arith.constant 0 : i32
    %dma_wait3A_599 = tpu.memref_slice %arg7[%dma_wait3A_595, %dma_wait3A_597, %dma_wait3A_598] : memref<4x128x64xf32, #tpu.memory_space<vmem>> -> memref<1x128x64xf32, #tpu.memory_space<vmem>>
    %dma_wait3A_600 = tpu.memref_squeeze %dma_wait3A_599 : memref<1x128x64xf32, #tpu.memory_space<vmem>> -> memref<128x64xf32, #tpu.memory_space<vmem>>
    %dma_wait3A_601 = arith.constant 64 : i32
    %dma_wait3A_602 = tpu.memref_slice %arg5[%add3A_512, %dma_wait3A_601] : memref<16384x512xf32, #tpu.memory_space<hbm>> -> memref<128x64xf32, #tpu.memory_space<hbm>>
    %dma_wait3A_603 = tpu.memref_slice %arg9[%dma_wait3A_596] : memref<4x!tpu.dma_semaphore, #tpu.memory_space<semaphore_mem>> -> memref<1x!tpu.dma_semaphore, #tpu.memory_space<semaphore_mem>>
    %dma_wait3A_604 = tpu.memref_squeeze %dma_wait3A_603 : memref<1x!tpu.dma_semaphore, #tpu.memory_space<semaphore_mem>> -> memref<!tpu.dma_semaphore, #tpu.memory_space<semaphore_mem>>
    %dma_wait3A_605 = arith.constant 64 : i32
    %dma_wait3A_606 = tpu.memref_slice %arg5[%add3A_512, %dma_wait3A_605] : memref<16384x512xf32, #tpu.memory_space<hbm>> -> memref<128x64xf32, #tpu.memory_space<hbm>>
    %dma_wait3A_607 = arith.constant 0 : i32
    %dma_wait3A_608 = arith.constant 0 : i32
    %dma_wait3A_609 = tpu.memref_slice %arg7[%dma_wait3A_595, %dma_wait3A_607, %dma_wait3A_608] : memref<4x128x64xf32, #tpu.memory_space<vmem>> -> memref<1x128x64xf32, #tpu.memory_space<vmem>>
    %dma_wait3A_610 = tpu.memref_squeeze %dma_wait3A_609 : memref<1x128x64xf32, #tpu.memory_space<vmem>> -> memref<128x64xf32, #tpu.memory_space<vmem>>
    tpu.wait_dma2 semaphore(%dma_wait3A_604 : memref<!tpu.dma_semaphore, #tpu.memory_space<semaphore_mem>>) src(%dma_wait3A_610 : memref<128x64xf32, #tpu.memory_space<vmem>>) dst(%dma_wait3A_606 : memref<128x64xf32, #tpu.memory_space<hbm>>)
    %dma_start3A_611 = arith.constant 3 : i32
    %dma_start3A_612 = arith.constant 2 : i32
    %dma_start3A_613 = arith.constant 3 : i32
    %dma_start3A_614 = arith.constant 3 : i32
    %dma_start3A_615 = arith.constant 0 : i32
    %dma_start3A_616 = arith.constant 0 : i32
    %dma_start3A_617 = tpu.memref_slice %arg7[%dma_start3A_613, %dma_start3A_615, %dma_start3A_616] : memref<4x128x64xf32, #tpu.memory_space<vmem>> -> memref<1x128x64xf32, #tpu.memory_space<vmem>>
    %dma_start3A_618 = tpu.memref_squeeze %dma_start3A_617 : memref<1x128x64xf32, #tpu.memory_space<vmem>> -> memref<128x64xf32, #tpu.memory_space<vmem>>
    %dma_start3A_619 = arith.constant 0 : i32
    %dma_start3A_620 = tpu.memref_slice %arg6[%dma_start3A_611, %dma_start3A_612, %dma_start3A_619] : memref<4x8x128xi32, #tpu.memory_space<vmem>> -> memref<1x1x128xi32, #tpu.memory_space<vmem>>
    %dma_start3A_621 = tpu.memref_squeeze %dma_start3A_620 : memref<1x1x128xi32, #tpu.memory_space<vmem>> -> memref<128xi32, #tpu.memory_space<vmem>>
    %dma_start3A_622 = arith.constant 0 : i32
    %dma_start3A_623 = arith.constant 0 : i32
    %dma_start3A_624 = tpu.memref_slice %arg3[%dma_start3A_622, %dma_start3A_623] : memref<400000x64xf32, #tpu.memory_space<hbm>> -> memref<400000x64xf32, #tpu.memory_space<hbm>>
    %dma_start3A_625 = tpu.memref_slice %arg8[%dma_start3A_614] : memref<4x!tpu.dma_semaphore, #tpu.memory_space<semaphore_mem>> -> memref<1x!tpu.dma_semaphore, #tpu.memory_space<semaphore_mem>>
    %dma_start3A_626 = tpu.memref_squeeze %dma_start3A_625 : memref<1x!tpu.dma_semaphore, #tpu.memory_space<semaphore_mem>> -> memref<!tpu.dma_semaphore, #tpu.memory_space<semaphore_mem>>
    tpu.enqueue_indirect_dma source(%dma_start3A_624 : memref<400000x64xf32, #tpu.memory_space<hbm>>) target(%dma_start3A_618 : memref<128x64xf32, #tpu.memory_space<vmem>>) offsets(%dma_start3A_621 : memref<128xi32, #tpu.memory_space<vmem>>) semaphore(%dma_start3A_626 : memref<!tpu.dma_semaphore, #tpu.memory_space<semaphore_mem>>)
    %dma_wait3A_627 = arith.constant 1 : i32
    %dma_wait3A_628 = arith.constant 2 : i32
    %dma_wait3A_629 = arith.constant 1 : i32
    %dma_wait3A_630 = arith.constant 1 : i32
    %dma_wait3A_631 = arith.constant 0 : i32
    %dma_wait3A_632 = arith.constant 0 : i32
    %dma_wait3A_633 = tpu.memref_slice %arg7[%dma_wait3A_629, %dma_wait3A_631, %dma_wait3A_632] : memref<4x128x64xf32, #tpu.memory_space<vmem>> -> memref<1x128x64xf32, #tpu.memory_space<vmem>>
    %dma_wait3A_634 = tpu.memref_squeeze %dma_wait3A_633 : memref<1x128x64xf32, #tpu.memory_space<vmem>> -> memref<128x64xf32, #tpu.memory_space<vmem>>
    %dma_wait3A_635 = arith.constant 0 : i32
    %dma_wait3A_636 = tpu.memref_slice %arg6[%dma_wait3A_627, %dma_wait3A_628, %dma_wait3A_635] : memref<4x8x128xi32, #tpu.memory_space<vmem>> -> memref<1x1x128xi32, #tpu.memory_space<vmem>>
    %dma_wait3A_637 = tpu.memref_squeeze %dma_wait3A_636 : memref<1x1x128xi32, #tpu.memory_space<vmem>> -> memref<128xi32, #tpu.memory_space<vmem>>
    %dma_wait3A_638 = arith.constant 0 : i32
    %dma_wait3A_639 = arith.constant 0 : i32
    %dma_wait3A_640 = tpu.memref_slice %arg3[%dma_wait3A_638, %dma_wait3A_639] : memref<400000x64xf32, #tpu.memory_space<hbm>> -> memref<400000x64xf32, #tpu.memory_space<hbm>>
    %dma_wait3A_641 = tpu.memref_slice %arg8[%dma_wait3A_630] : memref<4x!tpu.dma_semaphore, #tpu.memory_space<semaphore_mem>> -> memref<1x!tpu.dma_semaphore, #tpu.memory_space<semaphore_mem>>
    %dma_wait3A_642 = tpu.memref_squeeze %dma_wait3A_641 : memref<1x!tpu.dma_semaphore, #tpu.memory_space<semaphore_mem>> -> memref<!tpu.dma_semaphore, #tpu.memory_space<semaphore_mem>>
    tpu.wait_indirect_dma semaphore(%dma_wait3A_642 : memref<!tpu.dma_semaphore, #tpu.memory_space<semaphore_mem>>) src(%dma_wait3A_640 : memref<400000x64xf32, #tpu.memory_space<hbm>>) dst(%dma_wait3A_634 : memref<128x64xf32, #tpu.memory_space<vmem>>)
    %add3A_643 = arith.constant 128 : i32
    %add3A_644 = arith.addi %mul3A_2, %add3A_643 : i32
    %dma_start3A_645 = arith.constant 1 : i32
    %dma_start3A_646 = arith.constant 1 : i32
    %dma_start3A_647 = arith.constant 0 : i32
    %dma_start3A_648 = arith.constant 0 : i32
    %dma_start3A_649 = tpu.memref_slice %arg7[%dma_start3A_645, %dma_start3A_647, %dma_start3A_648] : memref<4x128x64xf32, #tpu.memory_space<vmem>> -> memref<1x128x64xf32, #tpu.memory_space<vmem>>
    %dma_start3A_650 = tpu.memref_squeeze %dma_start3A_649 : memref<1x128x64xf32, #tpu.memory_space<vmem>> -> memref<128x64xf32, #tpu.memory_space<vmem>>
    %dma_start3A_651 = arith.constant 128 : i32
    %dma_start3A_652 = tpu.memref_slice %arg5[%add3A_644, %dma_start3A_651] : memref<16384x512xf32, #tpu.memory_space<hbm>> -> memref<128x64xf32, #tpu.memory_space<hbm>>
    %dma_start3A_653 = tpu.memref_slice %arg9[%dma_start3A_646] : memref<4x!tpu.dma_semaphore, #tpu.memory_space<semaphore_mem>> -> memref<1x!tpu.dma_semaphore, #tpu.memory_space<semaphore_mem>>
    %dma_start3A_654 = tpu.memref_squeeze %dma_start3A_653 : memref<1x!tpu.dma_semaphore, #tpu.memory_space<semaphore_mem>> -> memref<!tpu.dma_semaphore, #tpu.memory_space<semaphore_mem>>
    %dma_start3A_655 = arith.constant 128 : i32
    %dma_start3A_656 = tpu.memref_slice %arg5[%add3A_644, %dma_start3A_655] : memref<16384x512xf32, #tpu.memory_space<hbm>> -> memref<128x64xf32, #tpu.memory_space<hbm>>
    %dma_start3A_657 = arith.constant 0 : i32
    %dma_start3A_658 = arith.constant 0 : i32
    %dma_start3A_659 = tpu.memref_slice %arg7[%dma_start3A_645, %dma_start3A_657, %dma_start3A_658] : memref<4x128x64xf32, #tpu.memory_space<vmem>> -> memref<1x128x64xf32, #tpu.memory_space<vmem>>
    %dma_start3A_660 = tpu.memref_squeeze %dma_start3A_659 : memref<1x128x64xf32, #tpu.memory_space<vmem>> -> memref<128x64xf32, #tpu.memory_space<vmem>>
    tpu.enqueue_dma source(%dma_start3A_660 : memref<128x64xf32, #tpu.memory_space<vmem>>) target(%dma_start3A_656 : memref<128x64xf32, #tpu.memory_space<hbm>>) target_semaphore(%dma_start3A_654 : memref<!tpu.dma_semaphore, #tpu.memory_space<semaphore_mem>>)
    %dma_wait3A_661 = arith.constant 0 : i32
    %dma_wait3A_662 = arith.constant 0 : i32
    %dma_wait3A_663 = arith.constant 0 : i32
    %dma_wait3A_664 = arith.constant 0 : i32
    %dma_wait3A_665 = tpu.memref_slice %arg7[%dma_wait3A_661, %dma_wait3A_663, %dma_wait3A_664] : memref<4x128x64xf32, #tpu.memory_space<vmem>> -> memref<1x128x64xf32, #tpu.memory_space<vmem>>
    %dma_wait3A_666 = tpu.memref_squeeze %dma_wait3A_665 : memref<1x128x64xf32, #tpu.memory_space<vmem>> -> memref<128x64xf32, #tpu.memory_space<vmem>>
    %dma_wait3A_667 = arith.constant 128 : i32
    %dma_wait3A_668 = tpu.memref_slice %arg5[%add3A_578, %dma_wait3A_667] : memref<16384x512xf32, #tpu.memory_space<hbm>> -> memref<128x64xf32, #tpu.memory_space<hbm>>
    %dma_wait3A_669 = tpu.memref_slice %arg9[%dma_wait3A_662] : memref<4x!tpu.dma_semaphore, #tpu.memory_space<semaphore_mem>> -> memref<1x!tpu.dma_semaphore, #tpu.memory_space<semaphore_mem>>
    %dma_wait3A_670 = tpu.memref_squeeze %dma_wait3A_669 : memref<1x!tpu.dma_semaphore, #tpu.memory_space<semaphore_mem>> -> memref<!tpu.dma_semaphore, #tpu.memory_space<semaphore_mem>>
    %dma_wait3A_671 = arith.constant 128 : i32
    %dma_wait3A_672 = tpu.memref_slice %arg5[%add3A_578, %dma_wait3A_671] : memref<16384x512xf32, #tpu.memory_space<hbm>> -> memref<128x64xf32, #tpu.memory_space<hbm>>
    %dma_wait3A_673 = arith.constant 0 : i32
    %dma_wait3A_674 = arith.constant 0 : i32
    %dma_wait3A_675 = tpu.memref_slice %arg7[%dma_wait3A_661, %dma_wait3A_673, %dma_wait3A_674] : memref<4x128x64xf32, #tpu.memory_space<vmem>> -> memref<1x128x64xf32, #tpu.memory_space<vmem>>
    %dma_wait3A_676 = tpu.memref_squeeze %dma_wait3A_675 : memref<1x128x64xf32, #tpu.memory_space<vmem>> -> memref<128x64xf32, #tpu.memory_space<vmem>>
    tpu.wait_dma2 semaphore(%dma_wait3A_670 : memref<!tpu.dma_semaphore, #tpu.memory_space<semaphore_mem>>) src(%dma_wait3A_676 : memref<128x64xf32, #tpu.memory_space<vmem>>) dst(%dma_wait3A_672 : memref<128x64xf32, #tpu.memory_space<hbm>>)
    %dma_start3A_677 = arith.constant 0 : i32
    %dma_start3A_678 = arith.constant 3 : i32
    %dma_start3A_679 = arith.constant 0 : i32
    %dma_start3A_680 = arith.constant 0 : i32
    %dma_start3A_681 = arith.constant 0 : i32
    %dma_start3A_682 = arith.constant 0 : i32
    %dma_start3A_683 = tpu.memref_slice %arg7[%dma_start3A_679, %dma_start3A_681, %dma_start3A_682] : memref<4x128x64xf32, #tpu.memory_space<vmem>> -> memref<1x128x64xf32, #tpu.memory_space<vmem>>
    %dma_start3A_684 = tpu.memref_squeeze %dma_start3A_683 : memref<1x128x64xf32, #tpu.memory_space<vmem>> -> memref<128x64xf32, #tpu.memory_space<vmem>>
    %dma_start3A_685 = arith.constant 0 : i32
    %dma_start3A_686 = tpu.memref_slice %arg6[%dma_start3A_677, %dma_start3A_678, %dma_start3A_685] : memref<4x8x128xi32, #tpu.memory_space<vmem>> -> memref<1x1x128xi32, #tpu.memory_space<vmem>>
    %dma_start3A_687 = tpu.memref_squeeze %dma_start3A_686 : memref<1x1x128xi32, #tpu.memory_space<vmem>> -> memref<128xi32, #tpu.memory_space<vmem>>
    %dma_start3A_688 = arith.constant 0 : i32
    %dma_start3A_689 = arith.constant 0 : i32
    %dma_start3A_690 = tpu.memref_slice %arg3[%dma_start3A_688, %dma_start3A_689] : memref<400000x64xf32, #tpu.memory_space<hbm>> -> memref<400000x64xf32, #tpu.memory_space<hbm>>
    %dma_start3A_691 = tpu.memref_slice %arg8[%dma_start3A_680] : memref<4x!tpu.dma_semaphore, #tpu.memory_space<semaphore_mem>> -> memref<1x!tpu.dma_semaphore, #tpu.memory_space<semaphore_mem>>
    %dma_start3A_692 = tpu.memref_squeeze %dma_start3A_691 : memref<1x!tpu.dma_semaphore, #tpu.memory_space<semaphore_mem>> -> memref<!tpu.dma_semaphore, #tpu.memory_space<semaphore_mem>>
    tpu.enqueue_indirect_dma source(%dma_start3A_690 : memref<400000x64xf32, #tpu.memory_space<hbm>>) target(%dma_start3A_684 : memref<128x64xf32, #tpu.memory_space<vmem>>) offsets(%dma_start3A_687 : memref<128xi32, #tpu.memory_space<vmem>>) semaphore(%dma_start3A_692 : memref<!tpu.dma_semaphore, #tpu.memory_space<semaphore_mem>>)
    %dma_wait3A_693 = arith.constant 2 : i32
    %dma_wait3A_694 = arith.constant 2 : i32
    %dma_wait3A_695 = arith.constant 2 : i32
    %dma_wait3A_696 = arith.constant 2 : i32
    %dma_wait3A_697 = arith.constant 0 : i32
    %dma_wait3A_698 = arith.constant 0 : i32
    %dma_wait3A_699 = tpu.memref_slice %arg7[%dma_wait3A_695, %dma_wait3A_697, %dma_wait3A_698] : memref<4x128x64xf32, #tpu.memory_space<vmem>> -> memref<1x128x64xf32, #tpu.memory_space<vmem>>
    %dma_wait3A_700 = tpu.memref_squeeze %dma_wait3A_699 : memref<1x128x64xf32, #tpu.memory_space<vmem>> -> memref<128x64xf32, #tpu.memory_space<vmem>>
    %dma_wait3A_701 = arith.constant 0 : i32
    %dma_wait3A_702 = tpu.memref_slice %arg6[%dma_wait3A_693, %dma_wait3A_694, %dma_wait3A_701] : memref<4x8x128xi32, #tpu.memory_space<vmem>> -> memref<1x1x128xi32, #tpu.memory_space<vmem>>
    %dma_wait3A_703 = tpu.memref_squeeze %dma_wait3A_702 : memref<1x1x128xi32, #tpu.memory_space<vmem>> -> memref<128xi32, #tpu.memory_space<vmem>>
    %dma_wait3A_704 = arith.constant 0 : i32
    %dma_wait3A_705 = arith.constant 0 : i32
    %dma_wait3A_706 = tpu.memref_slice %arg3[%dma_wait3A_704, %dma_wait3A_705] : memref<400000x64xf32, #tpu.memory_space<hbm>> -> memref<400000x64xf32, #tpu.memory_space<hbm>>
    %dma_wait3A_707 = tpu.memref_slice %arg8[%dma_wait3A_696] : memref<4x!tpu.dma_semaphore, #tpu.memory_space<semaphore_mem>> -> memref<1x!tpu.dma_semaphore, #tpu.memory_space<semaphore_mem>>
    %dma_wait3A_708 = tpu.memref_squeeze %dma_wait3A_707 : memref<1x!tpu.dma_semaphore, #tpu.memory_space<semaphore_mem>> -> memref<!tpu.dma_semaphore, #tpu.memory_space<semaphore_mem>>
    tpu.wait_indirect_dma semaphore(%dma_wait3A_708 : memref<!tpu.dma_semaphore, #tpu.memory_space<semaphore_mem>>) src(%dma_wait3A_706 : memref<400000x64xf32, #tpu.memory_space<hbm>>) dst(%dma_wait3A_700 : memref<128x64xf32, #tpu.memory_space<vmem>>)
    %add3A_709 = arith.constant 256 : i32
    %add3A_710 = arith.addi %mul3A_2, %add3A_709 : i32
    %dma_start3A_711 = arith.constant 2 : i32
    %dma_start3A_712 = arith.constant 2 : i32
    %dma_start3A_713 = arith.constant 0 : i32
    %dma_start3A_714 = arith.constant 0 : i32
    %dma_start3A_715 = tpu.memref_slice %arg7[%dma_start3A_711, %dma_start3A_713, %dma_start3A_714] : memref<4x128x64xf32, #tpu.memory_space<vmem>> -> memref<1x128x64xf32, #tpu.memory_space<vmem>>
    %dma_start3A_716 = tpu.memref_squeeze %dma_start3A_715 : memref<1x128x64xf32, #tpu.memory_space<vmem>> -> memref<128x64xf32, #tpu.memory_space<vmem>>
    %dma_start3A_717 = arith.constant 128 : i32
    %dma_start3A_718 = tpu.memref_slice %arg5[%add3A_710, %dma_start3A_717] : memref<16384x512xf32, #tpu.memory_space<hbm>> -> memref<128x64xf32, #tpu.memory_space<hbm>>
    %dma_start3A_719 = tpu.memref_slice %arg9[%dma_start3A_712] : memref<4x!tpu.dma_semaphore, #tpu.memory_space<semaphore_mem>> -> memref<1x!tpu.dma_semaphore, #tpu.memory_space<semaphore_mem>>
    %dma_start3A_720 = tpu.memref_squeeze %dma_start3A_719 : memref<1x!tpu.dma_semaphore, #tpu.memory_space<semaphore_mem>> -> memref<!tpu.dma_semaphore, #tpu.memory_space<semaphore_mem>>
    %dma_start3A_721 = arith.constant 128 : i32
    %dma_start3A_722 = tpu.memref_slice %arg5[%add3A_710, %dma_start3A_721] : memref<16384x512xf32, #tpu.memory_space<hbm>> -> memref<128x64xf32, #tpu.memory_space<hbm>>
    %dma_start3A_723 = arith.constant 0 : i32
    %dma_start3A_724 = arith.constant 0 : i32
    %dma_start3A_725 = tpu.memref_slice %arg7[%dma_start3A_711, %dma_start3A_723, %dma_start3A_724] : memref<4x128x64xf32, #tpu.memory_space<vmem>> -> memref<1x128x64xf32, #tpu.memory_space<vmem>>
    %dma_start3A_726 = tpu.memref_squeeze %dma_start3A_725 : memref<1x128x64xf32, #tpu.memory_space<vmem>> -> memref<128x64xf32, #tpu.memory_space<vmem>>
    tpu.enqueue_dma source(%dma_start3A_726 : memref<128x64xf32, #tpu.memory_space<vmem>>) target(%dma_start3A_722 : memref<128x64xf32, #tpu.memory_space<hbm>>) target_semaphore(%dma_start3A_720 : memref<!tpu.dma_semaphore, #tpu.memory_space<semaphore_mem>>)
    %dma_wait3A_727 = arith.constant 1 : i32
    %dma_wait3A_728 = arith.constant 1 : i32
    %dma_wait3A_729 = arith.constant 0 : i32
    %dma_wait3A_730 = arith.constant 0 : i32
    %dma_wait3A_731 = tpu.memref_slice %arg7[%dma_wait3A_727, %dma_wait3A_729, %dma_wait3A_730] : memref<4x128x64xf32, #tpu.memory_space<vmem>> -> memref<1x128x64xf32, #tpu.memory_space<vmem>>
    %dma_wait3A_732 = tpu.memref_squeeze %dma_wait3A_731 : memref<1x128x64xf32, #tpu.memory_space<vmem>> -> memref<128x64xf32, #tpu.memory_space<vmem>>
    %dma_wait3A_733 = arith.constant 128 : i32
    %dma_wait3A_734 = tpu.memref_slice %arg5[%add3A_644, %dma_wait3A_733] : memref<16384x512xf32, #tpu.memory_space<hbm>> -> memref<128x64xf32, #tpu.memory_space<hbm>>
    %dma_wait3A_735 = tpu.memref_slice %arg9[%dma_wait3A_728] : memref<4x!tpu.dma_semaphore, #tpu.memory_space<semaphore_mem>> -> memref<1x!tpu.dma_semaphore, #tpu.memory_space<semaphore_mem>>
    %dma_wait3A_736 = tpu.memref_squeeze %dma_wait3A_735 : memref<1x!tpu.dma_semaphore, #tpu.memory_space<semaphore_mem>> -> memref<!tpu.dma_semaphore, #tpu.memory_space<semaphore_mem>>
    %dma_wait3A_737 = arith.constant 128 : i32
    %dma_wait3A_738 = tpu.memref_slice %arg5[%add3A_644, %dma_wait3A_737] : memref<16384x512xf32, #tpu.memory_space<hbm>> -> memref<128x64xf32, #tpu.memory_space<hbm>>
    %dma_wait3A_739 = arith.constant 0 : i32
    %dma_wait3A_740 = arith.constant 0 : i32
    %dma_wait3A_741 = tpu.memref_slice %arg7[%dma_wait3A_727, %dma_wait3A_739, %dma_wait3A_740] : memref<4x128x64xf32, #tpu.memory_space<vmem>> -> memref<1x128x64xf32, #tpu.memory_space<vmem>>
    %dma_wait3A_742 = tpu.memref_squeeze %dma_wait3A_741 : memref<1x128x64xf32, #tpu.memory_space<vmem>> -> memref<128x64xf32, #tpu.memory_space<vmem>>
    tpu.wait_dma2 semaphore(%dma_wait3A_736 : memref<!tpu.dma_semaphore, #tpu.memory_space<semaphore_mem>>) src(%dma_wait3A_742 : memref<128x64xf32, #tpu.memory_space<vmem>>) dst(%dma_wait3A_738 : memref<128x64xf32, #tpu.memory_space<hbm>>)
    %dma_start3A_743 = arith.constant 1 : i32
    %dma_start3A_744 = arith.constant 3 : i32
    %dma_start3A_745 = arith.constant 1 : i32
    %dma_start3A_746 = arith.constant 1 : i32
    %dma_start3A_747 = arith.constant 0 : i32
    %dma_start3A_748 = arith.constant 0 : i32
    %dma_start3A_749 = tpu.memref_slice %arg7[%dma_start3A_745, %dma_start3A_747, %dma_start3A_748] : memref<4x128x64xf32, #tpu.memory_space<vmem>> -> memref<1x128x64xf32, #tpu.memory_space<vmem>>
    %dma_start3A_750 = tpu.memref_squeeze %dma_start3A_749 : memref<1x128x64xf32, #tpu.memory_space<vmem>> -> memref<128x64xf32, #tpu.memory_space<vmem>>
    %dma_start3A_751 = arith.constant 0 : i32
    %dma_start3A_752 = tpu.memref_slice %arg6[%dma_start3A_743, %dma_start3A_744, %dma_start3A_751] : memref<4x8x128xi32, #tpu.memory_space<vmem>> -> memref<1x1x128xi32, #tpu.memory_space<vmem>>
    %dma_start3A_753 = tpu.memref_squeeze %dma_start3A_752 : memref<1x1x128xi32, #tpu.memory_space<vmem>> -> memref<128xi32, #tpu.memory_space<vmem>>
    %dma_start3A_754 = arith.constant 0 : i32
    %dma_start3A_755 = arith.constant 0 : i32
    %dma_start3A_756 = tpu.memref_slice %arg3[%dma_start3A_754, %dma_start3A_755] : memref<400000x64xf32, #tpu.memory_space<hbm>> -> memref<400000x64xf32, #tpu.memory_space<hbm>>
    %dma_start3A_757 = tpu.memref_slice %arg8[%dma_start3A_746] : memref<4x!tpu.dma_semaphore, #tpu.memory_space<semaphore_mem>> -> memref<1x!tpu.dma_semaphore, #tpu.memory_space<semaphore_mem>>
    %dma_start3A_758 = tpu.memref_squeeze %dma_start3A_757 : memref<1x!tpu.dma_semaphore, #tpu.memory_space<semaphore_mem>> -> memref<!tpu.dma_semaphore, #tpu.memory_space<semaphore_mem>>
    tpu.enqueue_indirect_dma source(%dma_start3A_756 : memref<400000x64xf32, #tpu.memory_space<hbm>>) target(%dma_start3A_750 : memref<128x64xf32, #tpu.memory_space<vmem>>) offsets(%dma_start3A_753 : memref<128xi32, #tpu.memory_space<vmem>>) semaphore(%dma_start3A_758 : memref<!tpu.dma_semaphore, #tpu.memory_space<semaphore_mem>>)
    %dma_wait3A_759 = arith.constant 3 : i32
    %dma_wait3A_760 = arith.constant 2 : i32
    %dma_wait3A_761 = arith.constant 3 : i32
    %dma_wait3A_762 = arith.constant 3 : i32
    %dma_wait3A_763 = arith.constant 0 : i32
    %dma_wait3A_764 = arith.constant 0 : i32
    %dma_wait3A_765 = tpu.memref_slice %arg7[%dma_wait3A_761, %dma_wait3A_763, %dma_wait3A_764] : memref<4x128x64xf32, #tpu.memory_space<vmem>> -> memref<1x128x64xf32, #tpu.memory_space<vmem>>
    %dma_wait3A_766 = tpu.memref_squeeze %dma_wait3A_765 : memref<1x128x64xf32, #tpu.memory_space<vmem>> -> memref<128x64xf32, #tpu.memory_space<vmem>>
    %dma_wait3A_767 = arith.constant 0 : i32
    %dma_wait3A_768 = tpu.memref_slice %arg6[%dma_wait3A_759, %dma_wait3A_760, %dma_wait3A_767] : memref<4x8x128xi32, #tpu.memory_space<vmem>> -> memref<1x1x128xi32, #tpu.memory_space<vmem>>
    %dma_wait3A_769 = tpu.memref_squeeze %dma_wait3A_768 : memref<1x1x128xi32, #tpu.memory_space<vmem>> -> memref<128xi32, #tpu.memory_space<vmem>>
    %dma_wait3A_770 = arith.constant 0 : i32
    %dma_wait3A_771 = arith.constant 0 : i32
    %dma_wait3A_772 = tpu.memref_slice %arg3[%dma_wait3A_770, %dma_wait3A_771] : memref<400000x64xf32, #tpu.memory_space<hbm>> -> memref<400000x64xf32, #tpu.memory_space<hbm>>
    %dma_wait3A_773 = tpu.memref_slice %arg8[%dma_wait3A_762] : memref<4x!tpu.dma_semaphore, #tpu.memory_space<semaphore_mem>> -> memref<1x!tpu.dma_semaphore, #tpu.memory_space<semaphore_mem>>
    %dma_wait3A_774 = tpu.memref_squeeze %dma_wait3A_773 : memref<1x!tpu.dma_semaphore, #tpu.memory_space<semaphore_mem>> -> memref<!tpu.dma_semaphore, #tpu.memory_space<semaphore_mem>>
    tpu.wait_indirect_dma semaphore(%dma_wait3A_774 : memref<!tpu.dma_semaphore, #tpu.memory_space<semaphore_mem>>) src(%dma_wait3A_772 : memref<400000x64xf32, #tpu.memory_space<hbm>>) dst(%dma_wait3A_766 : memref<128x64xf32, #tpu.memory_space<vmem>>)
    %add3A_775 = arith.constant 384 : i32
    %add3A_776 = arith.addi %mul3A_2, %add3A_775 : i32
    %dma_start3A_777 = arith.constant 3 : i32
    %dma_start3A_778 = arith.constant 3 : i32
    %dma_start3A_779 = arith.constant 0 : i32
    %dma_start3A_780 = arith.constant 0 : i32
    %dma_start3A_781 = tpu.memref_slice %arg7[%dma_start3A_777, %dma_start3A_779, %dma_start3A_780] : memref<4x128x64xf32, #tpu.memory_space<vmem>> -> memref<1x128x64xf32, #tpu.memory_space<vmem>>
    %dma_start3A_782 = tpu.memref_squeeze %dma_start3A_781 : memref<1x128x64xf32, #tpu.memory_space<vmem>> -> memref<128x64xf32, #tpu.memory_space<vmem>>
    %dma_start3A_783 = arith.constant 128 : i32
    %dma_start3A_784 = tpu.memref_slice %arg5[%add3A_776, %dma_start3A_783] : memref<16384x512xf32, #tpu.memory_space<hbm>> -> memref<128x64xf32, #tpu.memory_space<hbm>>
    %dma_start3A_785 = tpu.memref_slice %arg9[%dma_start3A_778] : memref<4x!tpu.dma_semaphore, #tpu.memory_space<semaphore_mem>> -> memref<1x!tpu.dma_semaphore, #tpu.memory_space<semaphore_mem>>
    %dma_start3A_786 = tpu.memref_squeeze %dma_start3A_785 : memref<1x!tpu.dma_semaphore, #tpu.memory_space<semaphore_mem>> -> memref<!tpu.dma_semaphore, #tpu.memory_space<semaphore_mem>>
    %dma_start3A_787 = arith.constant 128 : i32
    %dma_start3A_788 = tpu.memref_slice %arg5[%add3A_776, %dma_start3A_787] : memref<16384x512xf32, #tpu.memory_space<hbm>> -> memref<128x64xf32, #tpu.memory_space<hbm>>
    %dma_start3A_789 = arith.constant 0 : i32
    %dma_start3A_790 = arith.constant 0 : i32
    %dma_start3A_791 = tpu.memref_slice %arg7[%dma_start3A_777, %dma_start3A_789, %dma_start3A_790] : memref<4x128x64xf32, #tpu.memory_space<vmem>> -> memref<1x128x64xf32, #tpu.memory_space<vmem>>
    %dma_start3A_792 = tpu.memref_squeeze %dma_start3A_791 : memref<1x128x64xf32, #tpu.memory_space<vmem>> -> memref<128x64xf32, #tpu.memory_space<vmem>>
    tpu.enqueue_dma source(%dma_start3A_792 : memref<128x64xf32, #tpu.memory_space<vmem>>) target(%dma_start3A_788 : memref<128x64xf32, #tpu.memory_space<hbm>>) target_semaphore(%dma_start3A_786 : memref<!tpu.dma_semaphore, #tpu.memory_space<semaphore_mem>>)
    %dma_wait3A_793 = arith.constant 2 : i32
    %dma_wait3A_794 = arith.constant 2 : i32
    %dma_wait3A_795 = arith.constant 0 : i32
    %dma_wait3A_796 = arith.constant 0 : i32
    %dma_wait3A_797 = tpu.memref_slice %arg7[%dma_wait3A_793, %dma_wait3A_795, %dma_wait3A_796] : memref<4x128x64xf32, #tpu.memory_space<vmem>> -> memref<1x128x64xf32, #tpu.memory_space<vmem>>
    %dma_wait3A_798 = tpu.memref_squeeze %dma_wait3A_797 : memref<1x128x64xf32, #tpu.memory_space<vmem>> -> memref<128x64xf32, #tpu.memory_space<vmem>>
    %dma_wait3A_799 = arith.constant 128 : i32
    %dma_wait3A_800 = tpu.memref_slice %arg5[%add3A_710, %dma_wait3A_799] : memref<16384x512xf32, #tpu.memory_space<hbm>> -> memref<128x64xf32, #tpu.memory_space<hbm>>
    %dma_wait3A_801 = tpu.memref_slice %arg9[%dma_wait3A_794] : memref<4x!tpu.dma_semaphore, #tpu.memory_space<semaphore_mem>> -> memref<1x!tpu.dma_semaphore, #tpu.memory_space<semaphore_mem>>
    %dma_wait3A_802 = tpu.memref_squeeze %dma_wait3A_801 : memref<1x!tpu.dma_semaphore, #tpu.memory_space<semaphore_mem>> -> memref<!tpu.dma_semaphore, #tpu.memory_space<semaphore_mem>>
    %dma_wait3A_803 = arith.constant 128 : i32
    %dma_wait3A_804 = tpu.memref_slice %arg5[%add3A_710, %dma_wait3A_803] : memref<16384x512xf32, #tpu.memory_space<hbm>> -> memref<128x64xf32, #tpu.memory_space<hbm>>
    %dma_wait3A_805 = arith.constant 0 : i32
    %dma_wait3A_806 = arith.constant 0 : i32
    %dma_wait3A_807 = tpu.memref_slice %arg7[%dma_wait3A_793, %dma_wait3A_805, %dma_wait3A_806] : memref<4x128x64xf32, #tpu.memory_space<vmem>> -> memref<1x128x64xf32, #tpu.memory_space<vmem>>
    %dma_wait3A_808 = tpu.memref_squeeze %dma_wait3A_807 : memref<1x128x64xf32, #tpu.memory_space<vmem>> -> memref<128x64xf32, #tpu.memory_space<vmem>>
    tpu.wait_dma2 semaphore(%dma_wait3A_802 : memref<!tpu.dma_semaphore, #tpu.memory_space<semaphore_mem>>) src(%dma_wait3A_808 : memref<128x64xf32, #tpu.memory_space<vmem>>) dst(%dma_wait3A_804 : memref<128x64xf32, #tpu.memory_space<hbm>>)
    %dma_start3A_809 = arith.constant 2 : i32
    %dma_start3A_810 = arith.constant 3 : i32
    %dma_start3A_811 = arith.constant 2 : i32
    %dma_start3A_812 = arith.constant 2 : i32
    %dma_start3A_813 = arith.constant 0 : i32
    %dma_start3A_814 = arith.constant 0 : i32
    %dma_start3A_815 = tpu.memref_slice %arg7[%dma_start3A_811, %dma_start3A_813, %dma_start3A_814] : memref<4x128x64xf32, #tpu.memory_space<vmem>> -> memref<1x128x64xf32, #tpu.memory_space<vmem>>
    %dma_start3A_816 = tpu.memref_squeeze %dma_start3A_815 : memref<1x128x64xf32, #tpu.memory_space<vmem>> -> memref<128x64xf32, #tpu.memory_space<vmem>>
    %dma_start3A_817 = arith.constant 0 : i32
    %dma_start3A_818 = tpu.memref_slice %arg6[%dma_start3A_809, %dma_start3A_810, %dma_start3A_817] : memref<4x8x128xi32, #tpu.memory_space<vmem>> -> memref<1x1x128xi32, #tpu.memory_space<vmem>>
    %dma_start3A_819 = tpu.memref_squeeze %dma_start3A_818 : memref<1x1x128xi32, #tpu.memory_space<vmem>> -> memref<128xi32, #tpu.memory_space<vmem>>
    %dma_start3A_820 = arith.constant 0 : i32
    %dma_start3A_821 = arith.constant 0 : i32
    %dma_start3A_822 = tpu.memref_slice %arg3[%dma_start3A_820, %dma_start3A_821] : memref<400000x64xf32, #tpu.memory_space<hbm>> -> memref<400000x64xf32, #tpu.memory_space<hbm>>
    %dma_start3A_823 = tpu.memref_slice %arg8[%dma_start3A_812] : memref<4x!tpu.dma_semaphore, #tpu.memory_space<semaphore_mem>> -> memref<1x!tpu.dma_semaphore, #tpu.memory_space<semaphore_mem>>
    %dma_start3A_824 = tpu.memref_squeeze %dma_start3A_823 : memref<1x!tpu.dma_semaphore, #tpu.memory_space<semaphore_mem>> -> memref<!tpu.dma_semaphore, #tpu.memory_space<semaphore_mem>>
    tpu.enqueue_indirect_dma source(%dma_start3A_822 : memref<400000x64xf32, #tpu.memory_space<hbm>>) target(%dma_start3A_816 : memref<128x64xf32, #tpu.memory_space<vmem>>) offsets(%dma_start3A_819 : memref<128xi32, #tpu.memory_space<vmem>>) semaphore(%dma_start3A_824 : memref<!tpu.dma_semaphore, #tpu.memory_space<semaphore_mem>>)
    %dma_wait3A_825 = arith.constant 0 : i32
    %dma_wait3A_826 = arith.constant 3 : i32
    %dma_wait3A_827 = arith.constant 0 : i32
    %dma_wait3A_828 = arith.constant 0 : i32
    %dma_wait3A_829 = arith.constant 0 : i32
    %dma_wait3A_830 = arith.constant 0 : i32
    %dma_wait3A_831 = tpu.memref_slice %arg7[%dma_wait3A_827, %dma_wait3A_829, %dma_wait3A_830] : memref<4x128x64xf32, #tpu.memory_space<vmem>> -> memref<1x128x64xf32, #tpu.memory_space<vmem>>
    %dma_wait3A_832 = tpu.memref_squeeze %dma_wait3A_831 : memref<1x128x64xf32, #tpu.memory_space<vmem>> -> memref<128x64xf32, #tpu.memory_space<vmem>>
    %dma_wait3A_833 = arith.constant 0 : i32
    %dma_wait3A_834 = tpu.memref_slice %arg6[%dma_wait3A_825, %dma_wait3A_826, %dma_wait3A_833] : memref<4x8x128xi32, #tpu.memory_space<vmem>> -> memref<1x1x128xi32, #tpu.memory_space<vmem>>
    %dma_wait3A_835 = tpu.memref_squeeze %dma_wait3A_834 : memref<1x1x128xi32, #tpu.memory_space<vmem>> -> memref<128xi32, #tpu.memory_space<vmem>>
    %dma_wait3A_836 = arith.constant 0 : i32
    %dma_wait3A_837 = arith.constant 0 : i32
    %dma_wait3A_838 = tpu.memref_slice %arg3[%dma_wait3A_836, %dma_wait3A_837] : memref<400000x64xf32, #tpu.memory_space<hbm>> -> memref<400000x64xf32, #tpu.memory_space<hbm>>
    %dma_wait3A_839 = tpu.memref_slice %arg8[%dma_wait3A_828] : memref<4x!tpu.dma_semaphore, #tpu.memory_space<semaphore_mem>> -> memref<1x!tpu.dma_semaphore, #tpu.memory_space<semaphore_mem>>
    %dma_wait3A_840 = tpu.memref_squeeze %dma_wait3A_839 : memref<1x!tpu.dma_semaphore, #tpu.memory_space<semaphore_mem>> -> memref<!tpu.dma_semaphore, #tpu.memory_space<semaphore_mem>>
    tpu.wait_indirect_dma semaphore(%dma_wait3A_840 : memref<!tpu.dma_semaphore, #tpu.memory_space<semaphore_mem>>) src(%dma_wait3A_838 : memref<400000x64xf32, #tpu.memory_space<hbm>>) dst(%dma_wait3A_832 : memref<128x64xf32, #tpu.memory_space<vmem>>)
    %add3A_841 = arith.constant 0 : i32
    %add3A_842 = arith.addi %mul3A_2, %add3A_841 : i32
    %dma_start3A_843 = arith.constant 0 : i32
    %dma_start3A_844 = arith.constant 0 : i32
    %dma_start3A_845 = arith.constant 0 : i32
    %dma_start3A_846 = arith.constant 0 : i32
    %dma_start3A_847 = tpu.memref_slice %arg7[%dma_start3A_843, %dma_start3A_845, %dma_start3A_846] : memref<4x128x64xf32, #tpu.memory_space<vmem>> -> memref<1x128x64xf32, #tpu.memory_space<vmem>>
    %dma_start3A_848 = tpu.memref_squeeze %dma_start3A_847 : memref<1x128x64xf32, #tpu.memory_space<vmem>> -> memref<128x64xf32, #tpu.memory_space<vmem>>
    %dma_start3A_849 = arith.constant 192 : i32
    %dma_start3A_850 = tpu.memref_slice %arg5[%add3A_842, %dma_start3A_849] : memref<16384x512xf32, #tpu.memory_space<hbm>> -> memref<128x64xf32, #tpu.memory_space<hbm>>
    %dma_start3A_851 = tpu.memref_slice %arg9[%dma_start3A_844] : memref<4x!tpu.dma_semaphore, #tpu.memory_space<semaphore_mem>> -> memref<1x!tpu.dma_semaphore, #tpu.memory_space<semaphore_mem>>
    %dma_start3A_852 = tpu.memref_squeeze %dma_start3A_851 : memref<1x!tpu.dma_semaphore, #tpu.memory_space<semaphore_mem>> -> memref<!tpu.dma_semaphore, #tpu.memory_space<semaphore_mem>>
    %dma_start3A_853 = arith.constant 192 : i32
    %dma_start3A_854 = tpu.memref_slice %arg5[%add3A_842, %dma_start3A_853] : memref<16384x512xf32, #tpu.memory_space<hbm>> -> memref<128x64xf32, #tpu.memory_space<hbm>>
    %dma_start3A_855 = arith.constant 0 : i32
    %dma_start3A_856 = arith.constant 0 : i32
    %dma_start3A_857 = tpu.memref_slice %arg7[%dma_start3A_843, %dma_start3A_855, %dma_start3A_856] : memref<4x128x64xf32, #tpu.memory_space<vmem>> -> memref<1x128x64xf32, #tpu.memory_space<vmem>>
    %dma_start3A_858 = tpu.memref_squeeze %dma_start3A_857 : memref<1x128x64xf32, #tpu.memory_space<vmem>> -> memref<128x64xf32, #tpu.memory_space<vmem>>
    tpu.enqueue_dma source(%dma_start3A_858 : memref<128x64xf32, #tpu.memory_space<vmem>>) target(%dma_start3A_854 : memref<128x64xf32, #tpu.memory_space<hbm>>) target_semaphore(%dma_start3A_852 : memref<!tpu.dma_semaphore, #tpu.memory_space<semaphore_mem>>)
    %dma_wait3A_859 = arith.constant 3 : i32
    %dma_wait3A_860 = arith.constant 3 : i32
    %dma_wait3A_861 = arith.constant 0 : i32
    %dma_wait3A_862 = arith.constant 0 : i32
    %dma_wait3A_863 = tpu.memref_slice %arg7[%dma_wait3A_859, %dma_wait3A_861, %dma_wait3A_862] : memref<4x128x64xf32, #tpu.memory_space<vmem>> -> memref<1x128x64xf32, #tpu.memory_space<vmem>>
    %dma_wait3A_864 = tpu.memref_squeeze %dma_wait3A_863 : memref<1x128x64xf32, #tpu.memory_space<vmem>> -> memref<128x64xf32, #tpu.memory_space<vmem>>
    %dma_wait3A_865 = arith.constant 128 : i32
    %dma_wait3A_866 = tpu.memref_slice %arg5[%add3A_776, %dma_wait3A_865] : memref<16384x512xf32, #tpu.memory_space<hbm>> -> memref<128x64xf32, #tpu.memory_space<hbm>>
    %dma_wait3A_867 = tpu.memref_slice %arg9[%dma_wait3A_860] : memref<4x!tpu.dma_semaphore, #tpu.memory_space<semaphore_mem>> -> memref<1x!tpu.dma_semaphore, #tpu.memory_space<semaphore_mem>>
    %dma_wait3A_868 = tpu.memref_squeeze %dma_wait3A_867 : memref<1x!tpu.dma_semaphore, #tpu.memory_space<semaphore_mem>> -> memref<!tpu.dma_semaphore, #tpu.memory_space<semaphore_mem>>
    %dma_wait3A_869 = arith.constant 128 : i32
    %dma_wait3A_870 = tpu.memref_slice %arg5[%add3A_776, %dma_wait3A_869] : memref<16384x512xf32, #tpu.memory_space<hbm>> -> memref<128x64xf32, #tpu.memory_space<hbm>>
    %dma_wait3A_871 = arith.constant 0 : i32
    %dma_wait3A_872 = arith.constant 0 : i32
    %dma_wait3A_873 = tpu.memref_slice %arg7[%dma_wait3A_859, %dma_wait3A_871, %dma_wait3A_872] : memref<4x128x64xf32, #tpu.memory_space<vmem>> -> memref<1x128x64xf32, #tpu.memory_space<vmem>>
    %dma_wait3A_874 = tpu.memref_squeeze %dma_wait3A_873 : memref<1x128x64xf32, #tpu.memory_space<vmem>> -> memref<128x64xf32, #tpu.memory_space<vmem>>
    tpu.wait_dma2 semaphore(%dma_wait3A_868 : memref<!tpu.dma_semaphore, #tpu.memory_space<semaphore_mem>>) src(%dma_wait3A_874 : memref<128x64xf32, #tpu.memory_space<vmem>>) dst(%dma_wait3A_870 : memref<128x64xf32, #tpu.memory_space<hbm>>)
    %dma_start3A_875 = arith.constant 3 : i32
    %dma_start3A_876 = arith.constant 3 : i32
    %dma_start3A_877 = arith.constant 3 : i32
    %dma_start3A_878 = arith.constant 3 : i32
    %dma_start3A_879 = arith.constant 0 : i32
    %dma_start3A_880 = arith.constant 0 : i32
    %dma_start3A_881 = tpu.memref_slice %arg7[%dma_start3A_877, %dma_start3A_879, %dma_start3A_880] : memref<4x128x64xf32, #tpu.memory_space<vmem>> -> memref<1x128x64xf32, #tpu.memory_space<vmem>>
    %dma_start3A_882 = tpu.memref_squeeze %dma_start3A_881 : memref<1x128x64xf32, #tpu.memory_space<vmem>> -> memref<128x64xf32, #tpu.memory_space<vmem>>
    %dma_start3A_883 = arith.constant 0 : i32
    %dma_start3A_884 = tpu.memref_slice %arg6[%dma_start3A_875, %dma_start3A_876, %dma_start3A_883] : memref<4x8x128xi32, #tpu.memory_space<vmem>> -> memref<1x1x128xi32, #tpu.memory_space<vmem>>
    %dma_start3A_885 = tpu.memref_squeeze %dma_start3A_884 : memref<1x1x128xi32, #tpu.memory_space<vmem>> -> memref<128xi32, #tpu.memory_space<vmem>>
    %dma_start3A_886 = arith.constant 0 : i32
    %dma_start3A_887 = arith.constant 0 : i32
    %dma_start3A_888 = tpu.memref_slice %arg3[%dma_start3A_886, %dma_start3A_887] : memref<400000x64xf32, #tpu.memory_space<hbm>> -> memref<400000x64xf32, #tpu.memory_space<hbm>>
    %dma_start3A_889 = tpu.memref_slice %arg8[%dma_start3A_878] : memref<4x!tpu.dma_semaphore, #tpu.memory_space<semaphore_mem>> -> memref<1x!tpu.dma_semaphore, #tpu.memory_space<semaphore_mem>>
    %dma_start3A_890 = tpu.memref_squeeze %dma_start3A_889 : memref<1x!tpu.dma_semaphore, #tpu.memory_space<semaphore_mem>> -> memref<!tpu.dma_semaphore, #tpu.memory_space<semaphore_mem>>
    tpu.enqueue_indirect_dma source(%dma_start3A_888 : memref<400000x64xf32, #tpu.memory_space<hbm>>) target(%dma_start3A_882 : memref<128x64xf32, #tpu.memory_space<vmem>>) offsets(%dma_start3A_885 : memref<128xi32, #tpu.memory_space<vmem>>) semaphore(%dma_start3A_890 : memref<!tpu.dma_semaphore, #tpu.memory_space<semaphore_mem>>)
    %dma_wait3A_891 = arith.constant 1 : i32
    %dma_wait3A_892 = arith.constant 3 : i32
    %dma_wait3A_893 = arith.constant 1 : i32
    %dma_wait3A_894 = arith.constant 1 : i32
    %dma_wait3A_895 = arith.constant 0 : i32
    %dma_wait3A_896 = arith.constant 0 : i32
    %dma_wait3A_897 = tpu.memref_slice %arg7[%dma_wait3A_893, %dma_wait3A_895, %dma_wait3A_896] : memref<4x128x64xf32, #tpu.memory_space<vmem>> -> memref<1x128x64xf32, #tpu.memory_space<vmem>>
    %dma_wait3A_898 = tpu.memref_squeeze %dma_wait3A_897 : memref<1x128x64xf32, #tpu.memory_space<vmem>> -> memref<128x64xf32, #tpu.memory_space<vmem>>
    %dma_wait3A_899 = arith.constant 0 : i32
    %dma_wait3A_900 = tpu.memref_slice %arg6[%dma_wait3A_891, %dma_wait3A_892, %dma_wait3A_899] : memref<4x8x128xi32, #tpu.memory_space<vmem>> -> memref<1x1x128xi32, #tpu.memory_space<vmem>>
    %dma_wait3A_901 = tpu.memref_squeeze %dma_wait3A_900 : memref<1x1x128xi32, #tpu.memory_space<vmem>> -> memref<128xi32, #tpu.memory_space<vmem>>
    %dma_wait3A_902 = arith.constant 0 : i32
    %dma_wait3A_903 = arith.constant 0 : i32
    %dma_wait3A_904 = tpu.memref_slice %arg3[%dma_wait3A_902, %dma_wait3A_903] : memref<400000x64xf32, #tpu.memory_space<hbm>> -> memref<400000x64xf32, #tpu.memory_space<hbm>>
    %dma_wait3A_905 = tpu.memref_slice %arg8[%dma_wait3A_894] : memref<4x!tpu.dma_semaphore, #tpu.memory_space<semaphore_mem>> -> memref<1x!tpu.dma_semaphore, #tpu.memory_space<semaphore_mem>>
    %dma_wait3A_906 = tpu.memref_squeeze %dma_wait3A_905 : memref<1x!tpu.dma_semaphore, #tpu.memory_space<semaphore_mem>> -> memref<!tpu.dma_semaphore, #tpu.memory_space<semaphore_mem>>
    tpu.wait_indirect_dma semaphore(%dma_wait3A_906 : memref<!tpu.dma_semaphore, #tpu.memory_space<semaphore_mem>>) src(%dma_wait3A_904 : memref<400000x64xf32, #tpu.memory_space<hbm>>) dst(%dma_wait3A_898 : memref<128x64xf32, #tpu.memory_space<vmem>>)
    %add3A_907 = arith.constant 128 : i32
    %add3A_908 = arith.addi %mul3A_2, %add3A_907 : i32
    %dma_start3A_909 = arith.constant 1 : i32
    %dma_start3A_910 = arith.constant 1 : i32
    %dma_start3A_911 = arith.constant 0 : i32
    %dma_start3A_912 = arith.constant 0 : i32
    %dma_start3A_913 = tpu.memref_slice %arg7[%dma_start3A_909, %dma_start3A_911, %dma_start3A_912] : memref<4x128x64xf32, #tpu.memory_space<vmem>> -> memref<1x128x64xf32, #tpu.memory_space<vmem>>
    %dma_start3A_914 = tpu.memref_squeeze %dma_start3A_913 : memref<1x128x64xf32, #tpu.memory_space<vmem>> -> memref<128x64xf32, #tpu.memory_space<vmem>>
    %dma_start3A_915 = arith.constant 192 : i32
    %dma_start3A_916 = tpu.memref_slice %arg5[%add3A_908, %dma_start3A_915] : memref<16384x512xf32, #tpu.memory_space<hbm>> -> memref<128x64xf32, #tpu.memory_space<hbm>>
    %dma_start3A_917 = tpu.memref_slice %arg9[%dma_start3A_910] : memref<4x!tpu.dma_semaphore, #tpu.memory_space<semaphore_mem>> -> memref<1x!tpu.dma_semaphore, #tpu.memory_space<semaphore_mem>>
    %dma_start3A_918 = tpu.memref_squeeze %dma_start3A_917 : memref<1x!tpu.dma_semaphore, #tpu.memory_space<semaphore_mem>> -> memref<!tpu.dma_semaphore, #tpu.memory_space<semaphore_mem>>
    %dma_start3A_919 = arith.constant 192 : i32
    %dma_start3A_920 = tpu.memref_slice %arg5[%add3A_908, %dma_start3A_919] : memref<16384x512xf32, #tpu.memory_space<hbm>> -> memref<128x64xf32, #tpu.memory_space<hbm>>
    %dma_start3A_921 = arith.constant 0 : i32
    %dma_start3A_922 = arith.constant 0 : i32
    %dma_start3A_923 = tpu.memref_slice %arg7[%dma_start3A_909, %dma_start3A_921, %dma_start3A_922] : memref<4x128x64xf32, #tpu.memory_space<vmem>> -> memref<1x128x64xf32, #tpu.memory_space<vmem>>
    %dma_start3A_924 = tpu.memref_squeeze %dma_start3A_923 : memref<1x128x64xf32, #tpu.memory_space<vmem>> -> memref<128x64xf32, #tpu.memory_space<vmem>>
    tpu.enqueue_dma source(%dma_start3A_924 : memref<128x64xf32, #tpu.memory_space<vmem>>) target(%dma_start3A_920 : memref<128x64xf32, #tpu.memory_space<hbm>>) target_semaphore(%dma_start3A_918 : memref<!tpu.dma_semaphore, #tpu.memory_space<semaphore_mem>>)
    %dma_wait3A_925 = arith.constant 0 : i32
    %dma_wait3A_926 = arith.constant 0 : i32
    %dma_wait3A_927 = arith.constant 0 : i32
    %dma_wait3A_928 = arith.constant 0 : i32
    %dma_wait3A_929 = tpu.memref_slice %arg7[%dma_wait3A_925, %dma_wait3A_927, %dma_wait3A_928] : memref<4x128x64xf32, #tpu.memory_space<vmem>> -> memref<1x128x64xf32, #tpu.memory_space<vmem>>
    %dma_wait3A_930 = tpu.memref_squeeze %dma_wait3A_929 : memref<1x128x64xf32, #tpu.memory_space<vmem>> -> memref<128x64xf32, #tpu.memory_space<vmem>>
    %dma_wait3A_931 = arith.constant 192 : i32
    %dma_wait3A_932 = tpu.memref_slice %arg5[%add3A_842, %dma_wait3A_931] : memref<16384x512xf32, #tpu.memory_space<hbm>> -> memref<128x64xf32, #tpu.memory_space<hbm>>
    %dma_wait3A_933 = tpu.memref_slice %arg9[%dma_wait3A_926] : memref<4x!tpu.dma_semaphore, #tpu.memory_space<semaphore_mem>> -> memref<1x!tpu.dma_semaphore, #tpu.memory_space<semaphore_mem>>
    %dma_wait3A_934 = tpu.memref_squeeze %dma_wait3A_933 : memref<1x!tpu.dma_semaphore, #tpu.memory_space<semaphore_mem>> -> memref<!tpu.dma_semaphore, #tpu.memory_space<semaphore_mem>>
    %dma_wait3A_935 = arith.constant 192 : i32
    %dma_wait3A_936 = tpu.memref_slice %arg5[%add3A_842, %dma_wait3A_935] : memref<16384x512xf32, #tpu.memory_space<hbm>> -> memref<128x64xf32, #tpu.memory_space<hbm>>
    %dma_wait3A_937 = arith.constant 0 : i32
    %dma_wait3A_938 = arith.constant 0 : i32
    %dma_wait3A_939 = tpu.memref_slice %arg7[%dma_wait3A_925, %dma_wait3A_937, %dma_wait3A_938] : memref<4x128x64xf32, #tpu.memory_space<vmem>> -> memref<1x128x64xf32, #tpu.memory_space<vmem>>
    %dma_wait3A_940 = tpu.memref_squeeze %dma_wait3A_939 : memref<1x128x64xf32, #tpu.memory_space<vmem>> -> memref<128x64xf32, #tpu.memory_space<vmem>>
    tpu.wait_dma2 semaphore(%dma_wait3A_934 : memref<!tpu.dma_semaphore, #tpu.memory_space<semaphore_mem>>) src(%dma_wait3A_940 : memref<128x64xf32, #tpu.memory_space<vmem>>) dst(%dma_wait3A_936 : memref<128x64xf32, #tpu.memory_space<hbm>>)
    %dma_start3A_941 = arith.constant 0 : i32
    %dma_start3A_942 = arith.constant 4 : i32
    %dma_start3A_943 = arith.constant 0 : i32
    %dma_start3A_944 = arith.constant 0 : i32
    %dma_start3A_945 = arith.constant 0 : i32
    %dma_start3A_946 = arith.constant 0 : i32
    %dma_start3A_947 = tpu.memref_slice %arg7[%dma_start3A_943, %dma_start3A_945, %dma_start3A_946] : memref<4x128x64xf32, #tpu.memory_space<vmem>> -> memref<1x128x64xf32, #tpu.memory_space<vmem>>
    %dma_start3A_948 = tpu.memref_squeeze %dma_start3A_947 : memref<1x128x64xf32, #tpu.memory_space<vmem>> -> memref<128x64xf32, #tpu.memory_space<vmem>>
    %dma_start3A_949 = arith.constant 0 : i32
    %dma_start3A_950 = tpu.memref_slice %arg6[%dma_start3A_941, %dma_start3A_942, %dma_start3A_949] : memref<4x8x128xi32, #tpu.memory_space<vmem>> -> memref<1x1x128xi32, #tpu.memory_space<vmem>>
    %dma_start3A_951 = tpu.memref_squeeze %dma_start3A_950 : memref<1x1x128xi32, #tpu.memory_space<vmem>> -> memref<128xi32, #tpu.memory_space<vmem>>
    %dma_start3A_952 = arith.constant 0 : i32
    %dma_start3A_953 = arith.constant 0 : i32
    %dma_start3A_954 = tpu.memref_slice %arg4[%dma_start3A_952, %dma_start3A_953] : memref<4000x64xf32, #tpu.memory_space<hbm>> -> memref<4000x64xf32, #tpu.memory_space<hbm>>
    %dma_start3A_955 = tpu.memref_slice %arg8[%dma_start3A_944] : memref<4x!tpu.dma_semaphore, #tpu.memory_space<semaphore_mem>> -> memref<1x!tpu.dma_semaphore, #tpu.memory_space<semaphore_mem>>
    %dma_start3A_956 = tpu.memref_squeeze %dma_start3A_955 : memref<1x!tpu.dma_semaphore, #tpu.memory_space<semaphore_mem>> -> memref<!tpu.dma_semaphore, #tpu.memory_space<semaphore_mem>>
    tpu.enqueue_indirect_dma source(%dma_start3A_954 : memref<4000x64xf32, #tpu.memory_space<hbm>>) target(%dma_start3A_948 : memref<128x64xf32, #tpu.memory_space<vmem>>) offsets(%dma_start3A_951 : memref<128xi32, #tpu.memory_space<vmem>>) semaphore(%dma_start3A_956 : memref<!tpu.dma_semaphore, #tpu.memory_space<semaphore_mem>>)
    %dma_wait3A_957 = arith.constant 2 : i32
    %dma_wait3A_958 = arith.constant 3 : i32
    %dma_wait3A_959 = arith.constant 2 : i32
    %dma_wait3A_960 = arith.constant 2 : i32
    %dma_wait3A_961 = arith.constant 0 : i32
    %dma_wait3A_962 = arith.constant 0 : i32
    %dma_wait3A_963 = tpu.memref_slice %arg7[%dma_wait3A_959, %dma_wait3A_961, %dma_wait3A_962] : memref<4x128x64xf32, #tpu.memory_space<vmem>> -> memref<1x128x64xf32, #tpu.memory_space<vmem>>
    %dma_wait3A_964 = tpu.memref_squeeze %dma_wait3A_963 : memref<1x128x64xf32, #tpu.memory_space<vmem>> -> memref<128x64xf32, #tpu.memory_space<vmem>>
    %dma_wait3A_965 = arith.constant 0 : i32
    %dma_wait3A_966 = tpu.memref_slice %arg6[%dma_wait3A_957, %dma_wait3A_958, %dma_wait3A_965] : memref<4x8x128xi32, #tpu.memory_space<vmem>> -> memref<1x1x128xi32, #tpu.memory_space<vmem>>
    %dma_wait3A_967 = tpu.memref_squeeze %dma_wait3A_966 : memref<1x1x128xi32, #tpu.memory_space<vmem>> -> memref<128xi32, #tpu.memory_space<vmem>>
    %dma_wait3A_968 = arith.constant 0 : i32
    %dma_wait3A_969 = arith.constant 0 : i32
    %dma_wait3A_970 = tpu.memref_slice %arg3[%dma_wait3A_968, %dma_wait3A_969] : memref<400000x64xf32, #tpu.memory_space<hbm>> -> memref<400000x64xf32, #tpu.memory_space<hbm>>
    %dma_wait3A_971 = tpu.memref_slice %arg8[%dma_wait3A_960] : memref<4x!tpu.dma_semaphore, #tpu.memory_space<semaphore_mem>> -> memref<1x!tpu.dma_semaphore, #tpu.memory_space<semaphore_mem>>
    %dma_wait3A_972 = tpu.memref_squeeze %dma_wait3A_971 : memref<1x!tpu.dma_semaphore, #tpu.memory_space<semaphore_mem>> -> memref<!tpu.dma_semaphore, #tpu.memory_space<semaphore_mem>>
    tpu.wait_indirect_dma semaphore(%dma_wait3A_972 : memref<!tpu.dma_semaphore, #tpu.memory_space<semaphore_mem>>) src(%dma_wait3A_970 : memref<400000x64xf32, #tpu.memory_space<hbm>>) dst(%dma_wait3A_964 : memref<128x64xf32, #tpu.memory_space<vmem>>)
    %add3A_973 = arith.constant 256 : i32
    %add3A_974 = arith.addi %mul3A_2, %add3A_973 : i32
    %dma_start3A_975 = arith.constant 2 : i32
    %dma_start3A_976 = arith.constant 2 : i32
    %dma_start3A_977 = arith.constant 0 : i32
    %dma_start3A_978 = arith.constant 0 : i32
    %dma_start3A_979 = tpu.memref_slice %arg7[%dma_start3A_975, %dma_start3A_977, %dma_start3A_978] : memref<4x128x64xf32, #tpu.memory_space<vmem>> -> memref<1x128x64xf32, #tpu.memory_space<vmem>>
    %dma_start3A_980 = tpu.memref_squeeze %dma_start3A_979 : memref<1x128x64xf32, #tpu.memory_space<vmem>> -> memref<128x64xf32, #tpu.memory_space<vmem>>
    %dma_start3A_981 = arith.constant 192 : i32
    %dma_start3A_982 = tpu.memref_slice %arg5[%add3A_974, %dma_start3A_981] : memref<16384x512xf32, #tpu.memory_space<hbm>> -> memref<128x64xf32, #tpu.memory_space<hbm>>
    %dma_start3A_983 = tpu.memref_slice %arg9[%dma_start3A_976] : memref<4x!tpu.dma_semaphore, #tpu.memory_space<semaphore_mem>> -> memref<1x!tpu.dma_semaphore, #tpu.memory_space<semaphore_mem>>
    %dma_start3A_984 = tpu.memref_squeeze %dma_start3A_983 : memref<1x!tpu.dma_semaphore, #tpu.memory_space<semaphore_mem>> -> memref<!tpu.dma_semaphore, #tpu.memory_space<semaphore_mem>>
    %dma_start3A_985 = arith.constant 192 : i32
    %dma_start3A_986 = tpu.memref_slice %arg5[%add3A_974, %dma_start3A_985] : memref<16384x512xf32, #tpu.memory_space<hbm>> -> memref<128x64xf32, #tpu.memory_space<hbm>>
    %dma_start3A_987 = arith.constant 0 : i32
    %dma_start3A_988 = arith.constant 0 : i32
    %dma_start3A_989 = tpu.memref_slice %arg7[%dma_start3A_975, %dma_start3A_987, %dma_start3A_988] : memref<4x128x64xf32, #tpu.memory_space<vmem>> -> memref<1x128x64xf32, #tpu.memory_space<vmem>>
    %dma_start3A_990 = tpu.memref_squeeze %dma_start3A_989 : memref<1x128x64xf32, #tpu.memory_space<vmem>> -> memref<128x64xf32, #tpu.memory_space<vmem>>
    tpu.enqueue_dma source(%dma_start3A_990 : memref<128x64xf32, #tpu.memory_space<vmem>>) target(%dma_start3A_986 : memref<128x64xf32, #tpu.memory_space<hbm>>) target_semaphore(%dma_start3A_984 : memref<!tpu.dma_semaphore, #tpu.memory_space<semaphore_mem>>)
    %dma_wait3A_991 = arith.constant 1 : i32
    %dma_wait3A_992 = arith.constant 1 : i32
    %dma_wait3A_993 = arith.constant 0 : i32
    %dma_wait3A_994 = arith.constant 0 : i32
    %dma_wait3A_995 = tpu.memref_slice %arg7[%dma_wait3A_991, %dma_wait3A_993, %dma_wait3A_994] : memref<4x128x64xf32, #tpu.memory_space<vmem>> -> memref<1x128x64xf32, #tpu.memory_space<vmem>>
    %dma_wait3A_996 = tpu.memref_squeeze %dma_wait3A_995 : memref<1x128x64xf32, #tpu.memory_space<vmem>> -> memref<128x64xf32, #tpu.memory_space<vmem>>
    %dma_wait3A_997 = arith.constant 192 : i32
    %dma_wait3A_998 = tpu.memref_slice %arg5[%add3A_908, %dma_wait3A_997] : memref<16384x512xf32, #tpu.memory_space<hbm>> -> memref<128x64xf32, #tpu.memory_space<hbm>>
    %dma_wait3A_999 = tpu.memref_slice %arg9[%dma_wait3A_992] : memref<4x!tpu.dma_semaphore, #tpu.memory_space<semaphore_mem>> -> memref<1x!tpu.dma_semaphore, #tpu.memory_space<semaphore_mem>>
    %dma_wait3A_1000 = tpu.memref_squeeze %dma_wait3A_999 : memref<1x!tpu.dma_semaphore, #tpu.memory_space<semaphore_mem>> -> memref<!tpu.dma_semaphore, #tpu.memory_space<semaphore_mem>>
    %dma_wait3A_1001 = arith.constant 192 : i32
    %dma_wait3A_1002 = tpu.memref_slice %arg5[%add3A_908, %dma_wait3A_1001] : memref<16384x512xf32, #tpu.memory_space<hbm>> -> memref<128x64xf32, #tpu.memory_space<hbm>>
    %dma_wait3A_1003 = arith.constant 0 : i32
    %dma_wait3A_1004 = arith.constant 0 : i32
    %dma_wait3A_1005 = tpu.memref_slice %arg7[%dma_wait3A_991, %dma_wait3A_1003, %dma_wait3A_1004] : memref<4x128x64xf32, #tpu.memory_space<vmem>> -> memref<1x128x64xf32, #tpu.memory_space<vmem>>
    %dma_wait3A_1006 = tpu.memref_squeeze %dma_wait3A_1005 : memref<1x128x64xf32, #tpu.memory_space<vmem>> -> memref<128x64xf32, #tpu.memory_space<vmem>>
    tpu.wait_dma2 semaphore(%dma_wait3A_1000 : memref<!tpu.dma_semaphore, #tpu.memory_space<semaphore_mem>>) src(%dma_wait3A_1006 : memref<128x64xf32, #tpu.memory_space<vmem>>) dst(%dma_wait3A_1002 : memref<128x64xf32, #tpu.memory_space<hbm>>)
    %dma_start3A_1007 = arith.constant 1 : i32
    %dma_start3A_1008 = arith.constant 4 : i32
    %dma_start3A_1009 = arith.constant 1 : i32
    %dma_start3A_1010 = arith.constant 1 : i32
    %dma_start3A_1011 = arith.constant 0 : i32
    %dma_start3A_1012 = arith.constant 0 : i32
    %dma_start3A_1013 = tpu.memref_slice %arg7[%dma_start3A_1009, %dma_start3A_1011, %dma_start3A_1012] : memref<4x128x64xf32, #tpu.memory_space<vmem>> -> memref<1x128x64xf32, #tpu.memory_space<vmem>>
    %dma_start3A_1014 = tpu.memref_squeeze %dma_start3A_1013 : memref<1x128x64xf32, #tpu.memory_space<vmem>> -> memref<128x64xf32, #tpu.memory_space<vmem>>
    %dma_start3A_1015 = arith.constant 0 : i32
    %dma_start3A_1016 = tpu.memref_slice %arg6[%dma_start3A_1007, %dma_start3A_1008, %dma_start3A_1015] : memref<4x8x128xi32, #tpu.memory_space<vmem>> -> memref<1x1x128xi32, #tpu.memory_space<vmem>>
    %dma_start3A_1017 = tpu.memref_squeeze %dma_start3A_1016 : memref<1x1x128xi32, #tpu.memory_space<vmem>> -> memref<128xi32, #tpu.memory_space<vmem>>
    %dma_start3A_1018 = arith.constant 0 : i32
    %dma_start3A_1019 = arith.constant 0 : i32
    %dma_start3A_1020 = tpu.memref_slice %arg4[%dma_start3A_1018, %dma_start3A_1019] : memref<4000x64xf32, #tpu.memory_space<hbm>> -> memref<4000x64xf32, #tpu.memory_space<hbm>>
    %dma_start3A_1021 = tpu.memref_slice %arg8[%dma_start3A_1010] : memref<4x!tpu.dma_semaphore, #tpu.memory_space<semaphore_mem>> -> memref<1x!tpu.dma_semaphore, #tpu.memory_space<semaphore_mem>>
    %dma_start3A_1022 = tpu.memref_squeeze %dma_start3A_1021 : memref<1x!tpu.dma_semaphore, #tpu.memory_space<semaphore_mem>> -> memref<!tpu.dma_semaphore, #tpu.memory_space<semaphore_mem>>
    tpu.enqueue_indirect_dma source(%dma_start3A_1020 : memref<4000x64xf32, #tpu.memory_space<hbm>>) target(%dma_start3A_1014 : memref<128x64xf32, #tpu.memory_space<vmem>>) offsets(%dma_start3A_1017 : memref<128xi32, #tpu.memory_space<vmem>>) semaphore(%dma_start3A_1022 : memref<!tpu.dma_semaphore, #tpu.memory_space<semaphore_mem>>)
    %dma_wait3A_1023 = arith.constant 3 : i32
    %dma_wait3A_1024 = arith.constant 3 : i32
    %dma_wait3A_1025 = arith.constant 3 : i32
    %dma_wait3A_1026 = arith.constant 3 : i32
    %dma_wait3A_1027 = arith.constant 0 : i32
    %dma_wait3A_1028 = arith.constant 0 : i32
    %dma_wait3A_1029 = tpu.memref_slice %arg7[%dma_wait3A_1025, %dma_wait3A_1027, %dma_wait3A_1028] : memref<4x128x64xf32, #tpu.memory_space<vmem>> -> memref<1x128x64xf32, #tpu.memory_space<vmem>>
    %dma_wait3A_1030 = tpu.memref_squeeze %dma_wait3A_1029 : memref<1x128x64xf32, #tpu.memory_space<vmem>> -> memref<128x64xf32, #tpu.memory_space<vmem>>
    %dma_wait3A_1031 = arith.constant 0 : i32
    %dma_wait3A_1032 = tpu.memref_slice %arg6[%dma_wait3A_1023, %dma_wait3A_1024, %dma_wait3A_1031] : memref<4x8x128xi32, #tpu.memory_space<vmem>> -> memref<1x1x128xi32, #tpu.memory_space<vmem>>
    %dma_wait3A_1033 = tpu.memref_squeeze %dma_wait3A_1032 : memref<1x1x128xi32, #tpu.memory_space<vmem>> -> memref<128xi32, #tpu.memory_space<vmem>>
    %dma_wait3A_1034 = arith.constant 0 : i32
    %dma_wait3A_1035 = arith.constant 0 : i32
    %dma_wait3A_1036 = tpu.memref_slice %arg3[%dma_wait3A_1034, %dma_wait3A_1035] : memref<400000x64xf32, #tpu.memory_space<hbm>> -> memref<400000x64xf32, #tpu.memory_space<hbm>>
    %dma_wait3A_1037 = tpu.memref_slice %arg8[%dma_wait3A_1026] : memref<4x!tpu.dma_semaphore, #tpu.memory_space<semaphore_mem>> -> memref<1x!tpu.dma_semaphore, #tpu.memory_space<semaphore_mem>>
    %dma_wait3A_1038 = tpu.memref_squeeze %dma_wait3A_1037 : memref<1x!tpu.dma_semaphore, #tpu.memory_space<semaphore_mem>> -> memref<!tpu.dma_semaphore, #tpu.memory_space<semaphore_mem>>
    tpu.wait_indirect_dma semaphore(%dma_wait3A_1038 : memref<!tpu.dma_semaphore, #tpu.memory_space<semaphore_mem>>) src(%dma_wait3A_1036 : memref<400000x64xf32, #tpu.memory_space<hbm>>) dst(%dma_wait3A_1030 : memref<128x64xf32, #tpu.memory_space<vmem>>)
    %add3A_1039 = arith.constant 384 : i32
    %add3A_1040 = arith.addi %mul3A_2, %add3A_1039 : i32
    %dma_start3A_1041 = arith.constant 3 : i32
    %dma_start3A_1042 = arith.constant 3 : i32
    %dma_start3A_1043 = arith.constant 0 : i32
    %dma_start3A_1044 = arith.constant 0 : i32
    %dma_start3A_1045 = tpu.memref_slice %arg7[%dma_start3A_1041, %dma_start3A_1043, %dma_start3A_1044] : memref<4x128x64xf32, #tpu.memory_space<vmem>> -> memref<1x128x64xf32, #tpu.memory_space<vmem>>
    %dma_start3A_1046 = tpu.memref_squeeze %dma_start3A_1045 : memref<1x128x64xf32, #tpu.memory_space<vmem>> -> memref<128x64xf32, #tpu.memory_space<vmem>>
    %dma_start3A_1047 = arith.constant 192 : i32
    %dma_start3A_1048 = tpu.memref_slice %arg5[%add3A_1040, %dma_start3A_1047] : memref<16384x512xf32, #tpu.memory_space<hbm>> -> memref<128x64xf32, #tpu.memory_space<hbm>>
    %dma_start3A_1049 = tpu.memref_slice %arg9[%dma_start3A_1042] : memref<4x!tpu.dma_semaphore, #tpu.memory_space<semaphore_mem>> -> memref<1x!tpu.dma_semaphore, #tpu.memory_space<semaphore_mem>>
    %dma_start3A_1050 = tpu.memref_squeeze %dma_start3A_1049 : memref<1x!tpu.dma_semaphore, #tpu.memory_space<semaphore_mem>> -> memref<!tpu.dma_semaphore, #tpu.memory_space<semaphore_mem>>
    %dma_start3A_1051 = arith.constant 192 : i32
    %dma_start3A_1052 = tpu.memref_slice %arg5[%add3A_1040, %dma_start3A_1051] : memref<16384x512xf32, #tpu.memory_space<hbm>> -> memref<128x64xf32, #tpu.memory_space<hbm>>
    %dma_start3A_1053 = arith.constant 0 : i32
    %dma_start3A_1054 = arith.constant 0 : i32
    %dma_start3A_1055 = tpu.memref_slice %arg7[%dma_start3A_1041, %dma_start3A_1053, %dma_start3A_1054] : memref<4x128x64xf32, #tpu.memory_space<vmem>> -> memref<1x128x64xf32, #tpu.memory_space<vmem>>
    %dma_start3A_1056 = tpu.memref_squeeze %dma_start3A_1055 : memref<1x128x64xf32, #tpu.memory_space<vmem>> -> memref<128x64xf32, #tpu.memory_space<vmem>>
    tpu.enqueue_dma source(%dma_start3A_1056 : memref<128x64xf32, #tpu.memory_space<vmem>>) target(%dma_start3A_1052 : memref<128x64xf32, #tpu.memory_space<hbm>>) target_semaphore(%dma_start3A_1050 : memref<!tpu.dma_semaphore, #tpu.memory_space<semaphore_mem>>)
    %dma_wait3A_1057 = arith.constant 2 : i32
    %dma_wait3A_1058 = arith.constant 2 : i32
    %dma_wait3A_1059 = arith.constant 0 : i32
    %dma_wait3A_1060 = arith.constant 0 : i32
    %dma_wait3A_1061 = tpu.memref_slice %arg7[%dma_wait3A_1057, %dma_wait3A_1059, %dma_wait3A_1060] : memref<4x128x64xf32, #tpu.memory_space<vmem>> -> memref<1x128x64xf32, #tpu.memory_space<vmem>>
    %dma_wait3A_1062 = tpu.memref_squeeze %dma_wait3A_1061 : memref<1x128x64xf32, #tpu.memory_space<vmem>> -> memref<128x64xf32, #tpu.memory_space<vmem>>
    %dma_wait3A_1063 = arith.constant 192 : i32
    %dma_wait3A_1064 = tpu.memref_slice %arg5[%add3A_974, %dma_wait3A_1063] : memref<16384x512xf32, #tpu.memory_space<hbm>> -> memref<128x64xf32, #tpu.memory_space<hbm>>
    %dma_wait3A_1065 = tpu.memref_slice %arg9[%dma_wait3A_1058] : memref<4x!tpu.dma_semaphore, #tpu.memory_space<semaphore_mem>> -> memref<1x!tpu.dma_semaphore, #tpu.memory_space<semaphore_mem>>
    %dma_wait3A_1066 = tpu.memref_squeeze %dma_wait3A_1065 : memref<1x!tpu.dma_semaphore, #tpu.memory_space<semaphore_mem>> -> memref<!tpu.dma_semaphore, #tpu.memory_space<semaphore_mem>>
    %dma_wait3A_1067 = arith.constant 192 : i32
    %dma_wait3A_1068 = tpu.memref_slice %arg5[%add3A_974, %dma_wait3A_1067] : memref<16384x512xf32, #tpu.memory_space<hbm>> -> memref<128x64xf32, #tpu.memory_space<hbm>>
    %dma_wait3A_1069 = arith.constant 0 : i32
    %dma_wait3A_1070 = arith.constant 0 : i32
    %dma_wait3A_1071 = tpu.memref_slice %arg7[%dma_wait3A_1057, %dma_wait3A_1069, %dma_wait3A_1070] : memref<4x128x64xf32, #tpu.memory_space<vmem>> -> memref<1x128x64xf32, #tpu.memory_space<vmem>>
    %dma_wait3A_1072 = tpu.memref_squeeze %dma_wait3A_1071 : memref<1x128x64xf32, #tpu.memory_space<vmem>> -> memref<128x64xf32, #tpu.memory_space<vmem>>
    tpu.wait_dma2 semaphore(%dma_wait3A_1066 : memref<!tpu.dma_semaphore, #tpu.memory_space<semaphore_mem>>) src(%dma_wait3A_1072 : memref<128x64xf32, #tpu.memory_space<vmem>>) dst(%dma_wait3A_1068 : memref<128x64xf32, #tpu.memory_space<hbm>>)
    %dma_start3A_1073 = arith.constant 2 : i32
    %dma_start3A_1074 = arith.constant 4 : i32
    %dma_start3A_1075 = arith.constant 2 : i32
    %dma_start3A_1076 = arith.constant 2 : i32
    %dma_start3A_1077 = arith.constant 0 : i32
    %dma_start3A_1078 = arith.constant 0 : i32
    %dma_start3A_1079 = tpu.memref_slice %arg7[%dma_start3A_1075, %dma_start3A_1077, %dma_start3A_1078] : memref<4x128x64xf32, #tpu.memory_space<vmem>> -> memref<1x128x64xf32, #tpu.memory_space<vmem>>
    %dma_start3A_1080 = tpu.memref_squeeze %dma_start3A_1079 : memref<1x128x64xf32, #tpu.memory_space<vmem>> -> memref<128x64xf32, #tpu.memory_space<vmem>>
    %dma_start3A_1081 = arith.constant 0 : i32
    %dma_start3A_1082 = tpu.memref_slice %arg6[%dma_start3A_1073, %dma_start3A_1074, %dma_start3A_1081] : memref<4x8x128xi32, #tpu.memory_space<vmem>> -> memref<1x1x128xi32, #tpu.memory_space<vmem>>
    %dma_start3A_1083 = tpu.memref_squeeze %dma_start3A_1082 : memref<1x1x128xi32, #tpu.memory_space<vmem>> -> memref<128xi32, #tpu.memory_space<vmem>>
    %dma_start3A_1084 = arith.constant 0 : i32
    %dma_start3A_1085 = arith.constant 0 : i32
    %dma_start3A_1086 = tpu.memref_slice %arg4[%dma_start3A_1084, %dma_start3A_1085] : memref<4000x64xf32, #tpu.memory_space<hbm>> -> memref<4000x64xf32, #tpu.memory_space<hbm>>
    %dma_start3A_1087 = tpu.memref_slice %arg8[%dma_start3A_1076] : memref<4x!tpu.dma_semaphore, #tpu.memory_space<semaphore_mem>> -> memref<1x!tpu.dma_semaphore, #tpu.memory_space<semaphore_mem>>
    %dma_start3A_1088 = tpu.memref_squeeze %dma_start3A_1087 : memref<1x!tpu.dma_semaphore, #tpu.memory_space<semaphore_mem>> -> memref<!tpu.dma_semaphore, #tpu.memory_space<semaphore_mem>>
    tpu.enqueue_indirect_dma source(%dma_start3A_1086 : memref<4000x64xf32, #tpu.memory_space<hbm>>) target(%dma_start3A_1080 : memref<128x64xf32, #tpu.memory_space<vmem>>) offsets(%dma_start3A_1083 : memref<128xi32, #tpu.memory_space<vmem>>) semaphore(%dma_start3A_1088 : memref<!tpu.dma_semaphore, #tpu.memory_space<semaphore_mem>>)
    %dma_wait3A_1089 = arith.constant 0 : i32
    %dma_wait3A_1090 = arith.constant 4 : i32
    %dma_wait3A_1091 = arith.constant 0 : i32
    %dma_wait3A_1092 = arith.constant 0 : i32
    %dma_wait3A_1093 = arith.constant 0 : i32
    %dma_wait3A_1094 = arith.constant 0 : i32
    %dma_wait3A_1095 = tpu.memref_slice %arg7[%dma_wait3A_1091, %dma_wait3A_1093, %dma_wait3A_1094] : memref<4x128x64xf32, #tpu.memory_space<vmem>> -> memref<1x128x64xf32, #tpu.memory_space<vmem>>
    %dma_wait3A_1096 = tpu.memref_squeeze %dma_wait3A_1095 : memref<1x128x64xf32, #tpu.memory_space<vmem>> -> memref<128x64xf32, #tpu.memory_space<vmem>>
    %dma_wait3A_1097 = arith.constant 0 : i32
    %dma_wait3A_1098 = tpu.memref_slice %arg6[%dma_wait3A_1089, %dma_wait3A_1090, %dma_wait3A_1097] : memref<4x8x128xi32, #tpu.memory_space<vmem>> -> memref<1x1x128xi32, #tpu.memory_space<vmem>>
    %dma_wait3A_1099 = tpu.memref_squeeze %dma_wait3A_1098 : memref<1x1x128xi32, #tpu.memory_space<vmem>> -> memref<128xi32, #tpu.memory_space<vmem>>
    %dma_wait3A_1100 = arith.constant 0 : i32
    %dma_wait3A_1101 = arith.constant 0 : i32
    %dma_wait3A_1102 = tpu.memref_slice %arg4[%dma_wait3A_1100, %dma_wait3A_1101] : memref<4000x64xf32, #tpu.memory_space<hbm>> -> memref<4000x64xf32, #tpu.memory_space<hbm>>
    %dma_wait3A_1103 = tpu.memref_slice %arg8[%dma_wait3A_1092] : memref<4x!tpu.dma_semaphore, #tpu.memory_space<semaphore_mem>> -> memref<1x!tpu.dma_semaphore, #tpu.memory_space<semaphore_mem>>
    %dma_wait3A_1104 = tpu.memref_squeeze %dma_wait3A_1103 : memref<1x!tpu.dma_semaphore, #tpu.memory_space<semaphore_mem>> -> memref<!tpu.dma_semaphore, #tpu.memory_space<semaphore_mem>>
    tpu.wait_indirect_dma semaphore(%dma_wait3A_1104 : memref<!tpu.dma_semaphore, #tpu.memory_space<semaphore_mem>>) src(%dma_wait3A_1102 : memref<4000x64xf32, #tpu.memory_space<hbm>>) dst(%dma_wait3A_1096 : memref<128x64xf32, #tpu.memory_space<vmem>>)
    %add3A_1105 = arith.constant 0 : i32
    %add3A_1106 = arith.addi %mul3A_2, %add3A_1105 : i32
    %dma_start3A_1107 = arith.constant 0 : i32
    %dma_start3A_1108 = arith.constant 0 : i32
    %dma_start3A_1109 = arith.constant 0 : i32
    %dma_start3A_1110 = arith.constant 0 : i32
    %dma_start3A_1111 = tpu.memref_slice %arg7[%dma_start3A_1107, %dma_start3A_1109, %dma_start3A_1110] : memref<4x128x64xf32, #tpu.memory_space<vmem>> -> memref<1x128x64xf32, #tpu.memory_space<vmem>>
    %dma_start3A_1112 = tpu.memref_squeeze %dma_start3A_1111 : memref<1x128x64xf32, #tpu.memory_space<vmem>> -> memref<128x64xf32, #tpu.memory_space<vmem>>
    %dma_start3A_1113 = arith.constant 256 : i32
    %dma_start3A_1114 = tpu.memref_slice %arg5[%add3A_1106, %dma_start3A_1113] : memref<16384x512xf32, #tpu.memory_space<hbm>> -> memref<128x64xf32, #tpu.memory_space<hbm>>
    %dma_start3A_1115 = tpu.memref_slice %arg9[%dma_start3A_1108] : memref<4x!tpu.dma_semaphore, #tpu.memory_space<semaphore_mem>> -> memref<1x!tpu.dma_semaphore, #tpu.memory_space<semaphore_mem>>
    %dma_start3A_1116 = tpu.memref_squeeze %dma_start3A_1115 : memref<1x!tpu.dma_semaphore, #tpu.memory_space<semaphore_mem>> -> memref<!tpu.dma_semaphore, #tpu.memory_space<semaphore_mem>>
    %dma_start3A_1117 = arith.constant 256 : i32
    %dma_start3A_1118 = tpu.memref_slice %arg5[%add3A_1106, %dma_start3A_1117] : memref<16384x512xf32, #tpu.memory_space<hbm>> -> memref<128x64xf32, #tpu.memory_space<hbm>>
    %dma_start3A_1119 = arith.constant 0 : i32
    %dma_start3A_1120 = arith.constant 0 : i32
    %dma_start3A_1121 = tpu.memref_slice %arg7[%dma_start3A_1107, %dma_start3A_1119, %dma_start3A_1120] : memref<4x128x64xf32, #tpu.memory_space<vmem>> -> memref<1x128x64xf32, #tpu.memory_space<vmem>>
    %dma_start3A_1122 = tpu.memref_squeeze %dma_start3A_1121 : memref<1x128x64xf32, #tpu.memory_space<vmem>> -> memref<128x64xf32, #tpu.memory_space<vmem>>
    tpu.enqueue_dma source(%dma_start3A_1122 : memref<128x64xf32, #tpu.memory_space<vmem>>) target(%dma_start3A_1118 : memref<128x64xf32, #tpu.memory_space<hbm>>) target_semaphore(%dma_start3A_1116 : memref<!tpu.dma_semaphore, #tpu.memory_space<semaphore_mem>>)
    %dma_wait3A_1123 = arith.constant 3 : i32
    %dma_wait3A_1124 = arith.constant 3 : i32
    %dma_wait3A_1125 = arith.constant 0 : i32
    %dma_wait3A_1126 = arith.constant 0 : i32
    %dma_wait3A_1127 = tpu.memref_slice %arg7[%dma_wait3A_1123, %dma_wait3A_1125, %dma_wait3A_1126] : memref<4x128x64xf32, #tpu.memory_space<vmem>> -> memref<1x128x64xf32, #tpu.memory_space<vmem>>
    %dma_wait3A_1128 = tpu.memref_squeeze %dma_wait3A_1127 : memref<1x128x64xf32, #tpu.memory_space<vmem>> -> memref<128x64xf32, #tpu.memory_space<vmem>>
    %dma_wait3A_1129 = arith.constant 192 : i32
    %dma_wait3A_1130 = tpu.memref_slice %arg5[%add3A_1040, %dma_wait3A_1129] : memref<16384x512xf32, #tpu.memory_space<hbm>> -> memref<128x64xf32, #tpu.memory_space<hbm>>
    %dma_wait3A_1131 = tpu.memref_slice %arg9[%dma_wait3A_1124] : memref<4x!tpu.dma_semaphore, #tpu.memory_space<semaphore_mem>> -> memref<1x!tpu.dma_semaphore, #tpu.memory_space<semaphore_mem>>
    %dma_wait3A_1132 = tpu.memref_squeeze %dma_wait3A_1131 : memref<1x!tpu.dma_semaphore, #tpu.memory_space<semaphore_mem>> -> memref<!tpu.dma_semaphore, #tpu.memory_space<semaphore_mem>>
    %dma_wait3A_1133 = arith.constant 192 : i32
    %dma_wait3A_1134 = tpu.memref_slice %arg5[%add3A_1040, %dma_wait3A_1133] : memref<16384x512xf32, #tpu.memory_space<hbm>> -> memref<128x64xf32, #tpu.memory_space<hbm>>
    %dma_wait3A_1135 = arith.constant 0 : i32
    %dma_wait3A_1136 = arith.constant 0 : i32
    %dma_wait3A_1137 = tpu.memref_slice %arg7[%dma_wait3A_1123, %dma_wait3A_1135, %dma_wait3A_1136] : memref<4x128x64xf32, #tpu.memory_space<vmem>> -> memref<1x128x64xf32, #tpu.memory_space<vmem>>
    %dma_wait3A_1138 = tpu.memref_squeeze %dma_wait3A_1137 : memref<1x128x64xf32, #tpu.memory_space<vmem>> -> memref<128x64xf32, #tpu.memory_space<vmem>>
    tpu.wait_dma2 semaphore(%dma_wait3A_1132 : memref<!tpu.dma_semaphore, #tpu.memory_space<semaphore_mem>>) src(%dma_wait3A_1138 : memref<128x64xf32, #tpu.memory_space<vmem>>) dst(%dma_wait3A_1134 : memref<128x64xf32, #tpu.memory_space<hbm>>)
    %dma_start3A_1139 = arith.constant 3 : i32
    %dma_start3A_1140 = arith.constant 4 : i32
    %dma_start3A_1141 = arith.constant 3 : i32
    %dma_start3A_1142 = arith.constant 3 : i32
    %dma_start3A_1143 = arith.constant 0 : i32
    %dma_start3A_1144 = arith.constant 0 : i32
    %dma_start3A_1145 = tpu.memref_slice %arg7[%dma_start3A_1141, %dma_start3A_1143, %dma_start3A_1144] : memref<4x128x64xf32, #tpu.memory_space<vmem>> -> memref<1x128x64xf32, #tpu.memory_space<vmem>>
    %dma_start3A_1146 = tpu.memref_squeeze %dma_start3A_1145 : memref<1x128x64xf32, #tpu.memory_space<vmem>> -> memref<128x64xf32, #tpu.memory_space<vmem>>
    %dma_start3A_1147 = arith.constant 0 : i32
    %dma_start3A_1148 = tpu.memref_slice %arg6[%dma_start3A_1139, %dma_start3A_1140, %dma_start3A_1147] : memref<4x8x128xi32, #tpu.memory_space<vmem>> -> memref<1x1x128xi32, #tpu.memory_space<vmem>>
    %dma_start3A_1149 = tpu.memref_squeeze %dma_start3A_1148 : memref<1x1x128xi32, #tpu.memory_space<vmem>> -> memref<128xi32, #tpu.memory_space<vmem>>
    %dma_start3A_1150 = arith.constant 0 : i32
    %dma_start3A_1151 = arith.constant 0 : i32
    %dma_start3A_1152 = tpu.memref_slice %arg4[%dma_start3A_1150, %dma_start3A_1151] : memref<4000x64xf32, #tpu.memory_space<hbm>> -> memref<4000x64xf32, #tpu.memory_space<hbm>>
    %dma_start3A_1153 = tpu.memref_slice %arg8[%dma_start3A_1142] : memref<4x!tpu.dma_semaphore, #tpu.memory_space<semaphore_mem>> -> memref<1x!tpu.dma_semaphore, #tpu.memory_space<semaphore_mem>>
    %dma_start3A_1154 = tpu.memref_squeeze %dma_start3A_1153 : memref<1x!tpu.dma_semaphore, #tpu.memory_space<semaphore_mem>> -> memref<!tpu.dma_semaphore, #tpu.memory_space<semaphore_mem>>
    tpu.enqueue_indirect_dma source(%dma_start3A_1152 : memref<4000x64xf32, #tpu.memory_space<hbm>>) target(%dma_start3A_1146 : memref<128x64xf32, #tpu.memory_space<vmem>>) offsets(%dma_start3A_1149 : memref<128xi32, #tpu.memory_space<vmem>>) semaphore(%dma_start3A_1154 : memref<!tpu.dma_semaphore, #tpu.memory_space<semaphore_mem>>)
    %dma_wait3A_1155 = arith.constant 1 : i32
    %dma_wait3A_1156 = arith.constant 4 : i32
    %dma_wait3A_1157 = arith.constant 1 : i32
    %dma_wait3A_1158 = arith.constant 1 : i32
    %dma_wait3A_1159 = arith.constant 0 : i32
    %dma_wait3A_1160 = arith.constant 0 : i32
    %dma_wait3A_1161 = tpu.memref_slice %arg7[%dma_wait3A_1157, %dma_wait3A_1159, %dma_wait3A_1160] : memref<4x128x64xf32, #tpu.memory_space<vmem>> -> memref<1x128x64xf32, #tpu.memory_space<vmem>>
    %dma_wait3A_1162 = tpu.memref_squeeze %dma_wait3A_1161 : memref<1x128x64xf32, #tpu.memory_space<vmem>> -> memref<128x64xf32, #tpu.memory_space<vmem>>
    %dma_wait3A_1163 = arith.constant 0 : i32
    %dma_wait3A_1164 = tpu.memref_slice %arg6[%dma_wait3A_1155, %dma_wait3A_1156, %dma_wait3A_1163] : memref<4x8x128xi32, #tpu.memory_space<vmem>> -> memref<1x1x128xi32, #tpu.memory_space<vmem>>
    %dma_wait3A_1165 = tpu.memref_squeeze %dma_wait3A_1164 : memref<1x1x128xi32, #tpu.memory_space<vmem>> -> memref<128xi32, #tpu.memory_space<vmem>>
    %dma_wait3A_1166 = arith.constant 0 : i32
    %dma_wait3A_1167 = arith.constant 0 : i32
    %dma_wait3A_1168 = tpu.memref_slice %arg4[%dma_wait3A_1166, %dma_wait3A_1167] : memref<4000x64xf32, #tpu.memory_space<hbm>> -> memref<4000x64xf32, #tpu.memory_space<hbm>>
    %dma_wait3A_1169 = tpu.memref_slice %arg8[%dma_wait3A_1158] : memref<4x!tpu.dma_semaphore, #tpu.memory_space<semaphore_mem>> -> memref<1x!tpu.dma_semaphore, #tpu.memory_space<semaphore_mem>>
    %dma_wait3A_1170 = tpu.memref_squeeze %dma_wait3A_1169 : memref<1x!tpu.dma_semaphore, #tpu.memory_space<semaphore_mem>> -> memref<!tpu.dma_semaphore, #tpu.memory_space<semaphore_mem>>
    tpu.wait_indirect_dma semaphore(%dma_wait3A_1170 : memref<!tpu.dma_semaphore, #tpu.memory_space<semaphore_mem>>) src(%dma_wait3A_1168 : memref<4000x64xf32, #tpu.memory_space<hbm>>) dst(%dma_wait3A_1162 : memref<128x64xf32, #tpu.memory_space<vmem>>)
    %add3A_1171 = arith.constant 128 : i32
    %add3A_1172 = arith.addi %mul3A_2, %add3A_1171 : i32
    %dma_start3A_1173 = arith.constant 1 : i32
    %dma_start3A_1174 = arith.constant 1 : i32
    %dma_start3A_1175 = arith.constant 0 : i32
    %dma_start3A_1176 = arith.constant 0 : i32
    %dma_start3A_1177 = tpu.memref_slice %arg7[%dma_start3A_1173, %dma_start3A_1175, %dma_start3A_1176] : memref<4x128x64xf32, #tpu.memory_space<vmem>> -> memref<1x128x64xf32, #tpu.memory_space<vmem>>
    %dma_start3A_1178 = tpu.memref_squeeze %dma_start3A_1177 : memref<1x128x64xf32, #tpu.memory_space<vmem>> -> memref<128x64xf32, #tpu.memory_space<vmem>>
    %dma_start3A_1179 = arith.constant 256 : i32
    %dma_start3A_1180 = tpu.memref_slice %arg5[%add3A_1172, %dma_start3A_1179] : memref<16384x512xf32, #tpu.memory_space<hbm>> -> memref<128x64xf32, #tpu.memory_space<hbm>>
    %dma_start3A_1181 = tpu.memref_slice %arg9[%dma_start3A_1174] : memref<4x!tpu.dma_semaphore, #tpu.memory_space<semaphore_mem>> -> memref<1x!tpu.dma_semaphore, #tpu.memory_space<semaphore_mem>>
    %dma_start3A_1182 = tpu.memref_squeeze %dma_start3A_1181 : memref<1x!tpu.dma_semaphore, #tpu.memory_space<semaphore_mem>> -> memref<!tpu.dma_semaphore, #tpu.memory_space<semaphore_mem>>
    %dma_start3A_1183 = arith.constant 256 : i32
    %dma_start3A_1184 = tpu.memref_slice %arg5[%add3A_1172, %dma_start3A_1183] : memref<16384x512xf32, #tpu.memory_space<hbm>> -> memref<128x64xf32, #tpu.memory_space<hbm>>
    %dma_start3A_1185 = arith.constant 0 : i32
    %dma_start3A_1186 = arith.constant 0 : i32
    %dma_start3A_1187 = tpu.memref_slice %arg7[%dma_start3A_1173, %dma_start3A_1185, %dma_start3A_1186] : memref<4x128x64xf32, #tpu.memory_space<vmem>> -> memref<1x128x64xf32, #tpu.memory_space<vmem>>
    %dma_start3A_1188 = tpu.memref_squeeze %dma_start3A_1187 : memref<1x128x64xf32, #tpu.memory_space<vmem>> -> memref<128x64xf32, #tpu.memory_space<vmem>>
    tpu.enqueue_dma source(%dma_start3A_1188 : memref<128x64xf32, #tpu.memory_space<vmem>>) target(%dma_start3A_1184 : memref<128x64xf32, #tpu.memory_space<hbm>>) target_semaphore(%dma_start3A_1182 : memref<!tpu.dma_semaphore, #tpu.memory_space<semaphore_mem>>)
    %dma_wait3A_1189 = arith.constant 0 : i32
    %dma_wait3A_1190 = arith.constant 0 : i32
    %dma_wait3A_1191 = arith.constant 0 : i32
    %dma_wait3A_1192 = arith.constant 0 : i32
    %dma_wait3A_1193 = tpu.memref_slice %arg7[%dma_wait3A_1189, %dma_wait3A_1191, %dma_wait3A_1192] : memref<4x128x64xf32, #tpu.memory_space<vmem>> -> memref<1x128x64xf32, #tpu.memory_space<vmem>>
    %dma_wait3A_1194 = tpu.memref_squeeze %dma_wait3A_1193 : memref<1x128x64xf32, #tpu.memory_space<vmem>> -> memref<128x64xf32, #tpu.memory_space<vmem>>
    %dma_wait3A_1195 = arith.constant 256 : i32
    %dma_wait3A_1196 = tpu.memref_slice %arg5[%add3A_1106, %dma_wait3A_1195] : memref<16384x512xf32, #tpu.memory_space<hbm>> -> memref<128x64xf32, #tpu.memory_space<hbm>>
    %dma_wait3A_1197 = tpu.memref_slice %arg9[%dma_wait3A_1190] : memref<4x!tpu.dma_semaphore, #tpu.memory_space<semaphore_mem>> -> memref<1x!tpu.dma_semaphore, #tpu.memory_space<semaphore_mem>>
    %dma_wait3A_1198 = tpu.memref_squeeze %dma_wait3A_1197 : memref<1x!tpu.dma_semaphore, #tpu.memory_space<semaphore_mem>> -> memref<!tpu.dma_semaphore, #tpu.memory_space<semaphore_mem>>
    %dma_wait3A_1199 = arith.constant 256 : i32
    %dma_wait3A_1200 = tpu.memref_slice %arg5[%add3A_1106, %dma_wait3A_1199] : memref<16384x512xf32, #tpu.memory_space<hbm>> -> memref<128x64xf32, #tpu.memory_space<hbm>>
    %dma_wait3A_1201 = arith.constant 0 : i32
    %dma_wait3A_1202 = arith.constant 0 : i32
    %dma_wait3A_1203 = tpu.memref_slice %arg7[%dma_wait3A_1189, %dma_wait3A_1201, %dma_wait3A_1202] : memref<4x128x64xf32, #tpu.memory_space<vmem>> -> memref<1x128x64xf32, #tpu.memory_space<vmem>>
    %dma_wait3A_1204 = tpu.memref_squeeze %dma_wait3A_1203 : memref<1x128x64xf32, #tpu.memory_space<vmem>> -> memref<128x64xf32, #tpu.memory_space<vmem>>
    tpu.wait_dma2 semaphore(%dma_wait3A_1198 : memref<!tpu.dma_semaphore, #tpu.memory_space<semaphore_mem>>) src(%dma_wait3A_1204 : memref<128x64xf32, #tpu.memory_space<vmem>>) dst(%dma_wait3A_1200 : memref<128x64xf32, #tpu.memory_space<hbm>>)
    %dma_start3A_1205 = arith.constant 0 : i32
    %dma_start3A_1206 = arith.constant 5 : i32
    %dma_start3A_1207 = arith.constant 0 : i32
    %dma_start3A_1208 = arith.constant 0 : i32
    %dma_start3A_1209 = arith.constant 0 : i32
    %dma_start3A_1210 = arith.constant 0 : i32
    %dma_start3A_1211 = tpu.memref_slice %arg7[%dma_start3A_1207, %dma_start3A_1209, %dma_start3A_1210] : memref<4x128x64xf32, #tpu.memory_space<vmem>> -> memref<1x128x64xf32, #tpu.memory_space<vmem>>
    %dma_start3A_1212 = tpu.memref_squeeze %dma_start3A_1211 : memref<1x128x64xf32, #tpu.memory_space<vmem>> -> memref<128x64xf32, #tpu.memory_space<vmem>>
    %dma_start3A_1213 = arith.constant 0 : i32
    %dma_start3A_1214 = tpu.memref_slice %arg6[%dma_start3A_1205, %dma_start3A_1206, %dma_start3A_1213] : memref<4x8x128xi32, #tpu.memory_space<vmem>> -> memref<1x1x128xi32, #tpu.memory_space<vmem>>
    %dma_start3A_1215 = tpu.memref_squeeze %dma_start3A_1214 : memref<1x1x128xi32, #tpu.memory_space<vmem>> -> memref<128xi32, #tpu.memory_space<vmem>>
    %dma_start3A_1216 = arith.constant 0 : i32
    %dma_start3A_1217 = arith.constant 0 : i32
    %dma_start3A_1218 = tpu.memref_slice %arg4[%dma_start3A_1216, %dma_start3A_1217] : memref<4000x64xf32, #tpu.memory_space<hbm>> -> memref<4000x64xf32, #tpu.memory_space<hbm>>
    %dma_start3A_1219 = tpu.memref_slice %arg8[%dma_start3A_1208] : memref<4x!tpu.dma_semaphore, #tpu.memory_space<semaphore_mem>> -> memref<1x!tpu.dma_semaphore, #tpu.memory_space<semaphore_mem>>
    %dma_start3A_1220 = tpu.memref_squeeze %dma_start3A_1219 : memref<1x!tpu.dma_semaphore, #tpu.memory_space<semaphore_mem>> -> memref<!tpu.dma_semaphore, #tpu.memory_space<semaphore_mem>>
    tpu.enqueue_indirect_dma source(%dma_start3A_1218 : memref<4000x64xf32, #tpu.memory_space<hbm>>) target(%dma_start3A_1212 : memref<128x64xf32, #tpu.memory_space<vmem>>) offsets(%dma_start3A_1215 : memref<128xi32, #tpu.memory_space<vmem>>) semaphore(%dma_start3A_1220 : memref<!tpu.dma_semaphore, #tpu.memory_space<semaphore_mem>>)
    %dma_wait3A_1221 = arith.constant 2 : i32
    %dma_wait3A_1222 = arith.constant 4 : i32
    %dma_wait3A_1223 = arith.constant 2 : i32
    %dma_wait3A_1224 = arith.constant 2 : i32
    %dma_wait3A_1225 = arith.constant 0 : i32
    %dma_wait3A_1226 = arith.constant 0 : i32
    %dma_wait3A_1227 = tpu.memref_slice %arg7[%dma_wait3A_1223, %dma_wait3A_1225, %dma_wait3A_1226] : memref<4x128x64xf32, #tpu.memory_space<vmem>> -> memref<1x128x64xf32, #tpu.memory_space<vmem>>
    %dma_wait3A_1228 = tpu.memref_squeeze %dma_wait3A_1227 : memref<1x128x64xf32, #tpu.memory_space<vmem>> -> memref<128x64xf32, #tpu.memory_space<vmem>>
    %dma_wait3A_1229 = arith.constant 0 : i32
    %dma_wait3A_1230 = tpu.memref_slice %arg6[%dma_wait3A_1221, %dma_wait3A_1222, %dma_wait3A_1229] : memref<4x8x128xi32, #tpu.memory_space<vmem>> -> memref<1x1x128xi32, #tpu.memory_space<vmem>>
    %dma_wait3A_1231 = tpu.memref_squeeze %dma_wait3A_1230 : memref<1x1x128xi32, #tpu.memory_space<vmem>> -> memref<128xi32, #tpu.memory_space<vmem>>
    %dma_wait3A_1232 = arith.constant 0 : i32
    %dma_wait3A_1233 = arith.constant 0 : i32
    %dma_wait3A_1234 = tpu.memref_slice %arg4[%dma_wait3A_1232, %dma_wait3A_1233] : memref<4000x64xf32, #tpu.memory_space<hbm>> -> memref<4000x64xf32, #tpu.memory_space<hbm>>
    %dma_wait3A_1235 = tpu.memref_slice %arg8[%dma_wait3A_1224] : memref<4x!tpu.dma_semaphore, #tpu.memory_space<semaphore_mem>> -> memref<1x!tpu.dma_semaphore, #tpu.memory_space<semaphore_mem>>
    %dma_wait3A_1236 = tpu.memref_squeeze %dma_wait3A_1235 : memref<1x!tpu.dma_semaphore, #tpu.memory_space<semaphore_mem>> -> memref<!tpu.dma_semaphore, #tpu.memory_space<semaphore_mem>>
    tpu.wait_indirect_dma semaphore(%dma_wait3A_1236 : memref<!tpu.dma_semaphore, #tpu.memory_space<semaphore_mem>>) src(%dma_wait3A_1234 : memref<4000x64xf32, #tpu.memory_space<hbm>>) dst(%dma_wait3A_1228 : memref<128x64xf32, #tpu.memory_space<vmem>>)
    %add3A_1237 = arith.constant 256 : i32
    %add3A_1238 = arith.addi %mul3A_2, %add3A_1237 : i32
    %dma_start3A_1239 = arith.constant 2 : i32
    %dma_start3A_1240 = arith.constant 2 : i32
    %dma_start3A_1241 = arith.constant 0 : i32
    %dma_start3A_1242 = arith.constant 0 : i32
    %dma_start3A_1243 = tpu.memref_slice %arg7[%dma_start3A_1239, %dma_start3A_1241, %dma_start3A_1242] : memref<4x128x64xf32, #tpu.memory_space<vmem>> -> memref<1x128x64xf32, #tpu.memory_space<vmem>>
    %dma_start3A_1244 = tpu.memref_squeeze %dma_start3A_1243 : memref<1x128x64xf32, #tpu.memory_space<vmem>> -> memref<128x64xf32, #tpu.memory_space<vmem>>
    %dma_start3A_1245 = arith.constant 256 : i32
    %dma_start3A_1246 = tpu.memref_slice %arg5[%add3A_1238, %dma_start3A_1245] : memref<16384x512xf32, #tpu.memory_space<hbm>> -> memref<128x64xf32, #tpu.memory_space<hbm>>
    %dma_start3A_1247 = tpu.memref_slice %arg9[%dma_start3A_1240] : memref<4x!tpu.dma_semaphore, #tpu.memory_space<semaphore_mem>> -> memref<1x!tpu.dma_semaphore, #tpu.memory_space<semaphore_mem>>
    %dma_start3A_1248 = tpu.memref_squeeze %dma_start3A_1247 : memref<1x!tpu.dma_semaphore, #tpu.memory_space<semaphore_mem>> -> memref<!tpu.dma_semaphore, #tpu.memory_space<semaphore_mem>>
    %dma_start3A_1249 = arith.constant 256 : i32
    %dma_start3A_1250 = tpu.memref_slice %arg5[%add3A_1238, %dma_start3A_1249] : memref<16384x512xf32, #tpu.memory_space<hbm>> -> memref<128x64xf32, #tpu.memory_space<hbm>>
    %dma_start3A_1251 = arith.constant 0 : i32
    %dma_start3A_1252 = arith.constant 0 : i32
    %dma_start3A_1253 = tpu.memref_slice %arg7[%dma_start3A_1239, %dma_start3A_1251, %dma_start3A_1252] : memref<4x128x64xf32, #tpu.memory_space<vmem>> -> memref<1x128x64xf32, #tpu.memory_space<vmem>>
    %dma_start3A_1254 = tpu.memref_squeeze %dma_start3A_1253 : memref<1x128x64xf32, #tpu.memory_space<vmem>> -> memref<128x64xf32, #tpu.memory_space<vmem>>
    tpu.enqueue_dma source(%dma_start3A_1254 : memref<128x64xf32, #tpu.memory_space<vmem>>) target(%dma_start3A_1250 : memref<128x64xf32, #tpu.memory_space<hbm>>) target_semaphore(%dma_start3A_1248 : memref<!tpu.dma_semaphore, #tpu.memory_space<semaphore_mem>>)
    %dma_wait3A_1255 = arith.constant 1 : i32
    %dma_wait3A_1256 = arith.constant 1 : i32
    %dma_wait3A_1257 = arith.constant 0 : i32
    %dma_wait3A_1258 = arith.constant 0 : i32
    %dma_wait3A_1259 = tpu.memref_slice %arg7[%dma_wait3A_1255, %dma_wait3A_1257, %dma_wait3A_1258] : memref<4x128x64xf32, #tpu.memory_space<vmem>> -> memref<1x128x64xf32, #tpu.memory_space<vmem>>
    %dma_wait3A_1260 = tpu.memref_squeeze %dma_wait3A_1259 : memref<1x128x64xf32, #tpu.memory_space<vmem>> -> memref<128x64xf32, #tpu.memory_space<vmem>>
    %dma_wait3A_1261 = arith.constant 256 : i32
    %dma_wait3A_1262 = tpu.memref_slice %arg5[%add3A_1172, %dma_wait3A_1261] : memref<16384x512xf32, #tpu.memory_space<hbm>> -> memref<128x64xf32, #tpu.memory_space<hbm>>
    %dma_wait3A_1263 = tpu.memref_slice %arg9[%dma_wait3A_1256] : memref<4x!tpu.dma_semaphore, #tpu.memory_space<semaphore_mem>> -> memref<1x!tpu.dma_semaphore, #tpu.memory_space<semaphore_mem>>
    %dma_wait3A_1264 = tpu.memref_squeeze %dma_wait3A_1263 : memref<1x!tpu.dma_semaphore, #tpu.memory_space<semaphore_mem>> -> memref<!tpu.dma_semaphore, #tpu.memory_space<semaphore_mem>>
    %dma_wait3A_1265 = arith.constant 256 : i32
    %dma_wait3A_1266 = tpu.memref_slice %arg5[%add3A_1172, %dma_wait3A_1265] : memref<16384x512xf32, #tpu.memory_space<hbm>> -> memref<128x64xf32, #tpu.memory_space<hbm>>
    %dma_wait3A_1267 = arith.constant 0 : i32
    %dma_wait3A_1268 = arith.constant 0 : i32
    %dma_wait3A_1269 = tpu.memref_slice %arg7[%dma_wait3A_1255, %dma_wait3A_1267, %dma_wait3A_1268] : memref<4x128x64xf32, #tpu.memory_space<vmem>> -> memref<1x128x64xf32, #tpu.memory_space<vmem>>
    %dma_wait3A_1270 = tpu.memref_squeeze %dma_wait3A_1269 : memref<1x128x64xf32, #tpu.memory_space<vmem>> -> memref<128x64xf32, #tpu.memory_space<vmem>>
    tpu.wait_dma2 semaphore(%dma_wait3A_1264 : memref<!tpu.dma_semaphore, #tpu.memory_space<semaphore_mem>>) src(%dma_wait3A_1270 : memref<128x64xf32, #tpu.memory_space<vmem>>) dst(%dma_wait3A_1266 : memref<128x64xf32, #tpu.memory_space<hbm>>)
    %dma_start3A_1271 = arith.constant 1 : i32
    %dma_start3A_1272 = arith.constant 5 : i32
    %dma_start3A_1273 = arith.constant 1 : i32
    %dma_start3A_1274 = arith.constant 1 : i32
    %dma_start3A_1275 = arith.constant 0 : i32
    %dma_start3A_1276 = arith.constant 0 : i32
    %dma_start3A_1277 = tpu.memref_slice %arg7[%dma_start3A_1273, %dma_start3A_1275, %dma_start3A_1276] : memref<4x128x64xf32, #tpu.memory_space<vmem>> -> memref<1x128x64xf32, #tpu.memory_space<vmem>>
    %dma_start3A_1278 = tpu.memref_squeeze %dma_start3A_1277 : memref<1x128x64xf32, #tpu.memory_space<vmem>> -> memref<128x64xf32, #tpu.memory_space<vmem>>
    %dma_start3A_1279 = arith.constant 0 : i32
    %dma_start3A_1280 = tpu.memref_slice %arg6[%dma_start3A_1271, %dma_start3A_1272, %dma_start3A_1279] : memref<4x8x128xi32, #tpu.memory_space<vmem>> -> memref<1x1x128xi32, #tpu.memory_space<vmem>>
    %dma_start3A_1281 = tpu.memref_squeeze %dma_start3A_1280 : memref<1x1x128xi32, #tpu.memory_space<vmem>> -> memref<128xi32, #tpu.memory_space<vmem>>
    %dma_start3A_1282 = arith.constant 0 : i32
    %dma_start3A_1283 = arith.constant 0 : i32
    %dma_start3A_1284 = tpu.memref_slice %arg4[%dma_start3A_1282, %dma_start3A_1283] : memref<4000x64xf32, #tpu.memory_space<hbm>> -> memref<4000x64xf32, #tpu.memory_space<hbm>>
    %dma_start3A_1285 = tpu.memref_slice %arg8[%dma_start3A_1274] : memref<4x!tpu.dma_semaphore, #tpu.memory_space<semaphore_mem>> -> memref<1x!tpu.dma_semaphore, #tpu.memory_space<semaphore_mem>>
    %dma_start3A_1286 = tpu.memref_squeeze %dma_start3A_1285 : memref<1x!tpu.dma_semaphore, #tpu.memory_space<semaphore_mem>> -> memref<!tpu.dma_semaphore, #tpu.memory_space<semaphore_mem>>
    tpu.enqueue_indirect_dma source(%dma_start3A_1284 : memref<4000x64xf32, #tpu.memory_space<hbm>>) target(%dma_start3A_1278 : memref<128x64xf32, #tpu.memory_space<vmem>>) offsets(%dma_start3A_1281 : memref<128xi32, #tpu.memory_space<vmem>>) semaphore(%dma_start3A_1286 : memref<!tpu.dma_semaphore, #tpu.memory_space<semaphore_mem>>)
    %dma_wait3A_1287 = arith.constant 3 : i32
    %dma_wait3A_1288 = arith.constant 4 : i32
    %dma_wait3A_1289 = arith.constant 3 : i32
    %dma_wait3A_1290 = arith.constant 3 : i32
    %dma_wait3A_1291 = arith.constant 0 : i32
    %dma_wait3A_1292 = arith.constant 0 : i32
    %dma_wait3A_1293 = tpu.memref_slice %arg7[%dma_wait3A_1289, %dma_wait3A_1291, %dma_wait3A_1292] : memref<4x128x64xf32, #tpu.memory_space<vmem>> -> memref<1x128x64xf32, #tpu.memory_space<vmem>>
    %dma_wait3A_1294 = tpu.memref_squeeze %dma_wait3A_1293 : memref<1x128x64xf32, #tpu.memory_space<vmem>> -> memref<128x64xf32, #tpu.memory_space<vmem>>
    %dma_wait3A_1295 = arith.constant 0 : i32
    %dma_wait3A_1296 = tpu.memref_slice %arg6[%dma_wait3A_1287, %dma_wait3A_1288, %dma_wait3A_1295] : memref<4x8x128xi32, #tpu.memory_space<vmem>> -> memref<1x1x128xi32, #tpu.memory_space<vmem>>
    %dma_wait3A_1297 = tpu.memref_squeeze %dma_wait3A_1296 : memref<1x1x128xi32, #tpu.memory_space<vmem>> -> memref<128xi32, #tpu.memory_space<vmem>>
    %dma_wait3A_1298 = arith.constant 0 : i32
    %dma_wait3A_1299 = arith.constant 0 : i32
    %dma_wait3A_1300 = tpu.memref_slice %arg4[%dma_wait3A_1298, %dma_wait3A_1299] : memref<4000x64xf32, #tpu.memory_space<hbm>> -> memref<4000x64xf32, #tpu.memory_space<hbm>>
    %dma_wait3A_1301 = tpu.memref_slice %arg8[%dma_wait3A_1290] : memref<4x!tpu.dma_semaphore, #tpu.memory_space<semaphore_mem>> -> memref<1x!tpu.dma_semaphore, #tpu.memory_space<semaphore_mem>>
    %dma_wait3A_1302 = tpu.memref_squeeze %dma_wait3A_1301 : memref<1x!tpu.dma_semaphore, #tpu.memory_space<semaphore_mem>> -> memref<!tpu.dma_semaphore, #tpu.memory_space<semaphore_mem>>
    tpu.wait_indirect_dma semaphore(%dma_wait3A_1302 : memref<!tpu.dma_semaphore, #tpu.memory_space<semaphore_mem>>) src(%dma_wait3A_1300 : memref<4000x64xf32, #tpu.memory_space<hbm>>) dst(%dma_wait3A_1294 : memref<128x64xf32, #tpu.memory_space<vmem>>)
    %add3A_1303 = arith.constant 384 : i32
    %add3A_1304 = arith.addi %mul3A_2, %add3A_1303 : i32
    %dma_start3A_1305 = arith.constant 3 : i32
    %dma_start3A_1306 = arith.constant 3 : i32
    %dma_start3A_1307 = arith.constant 0 : i32
    %dma_start3A_1308 = arith.constant 0 : i32
    %dma_start3A_1309 = tpu.memref_slice %arg7[%dma_start3A_1305, %dma_start3A_1307, %dma_start3A_1308] : memref<4x128x64xf32, #tpu.memory_space<vmem>> -> memref<1x128x64xf32, #tpu.memory_space<vmem>>
    %dma_start3A_1310 = tpu.memref_squeeze %dma_start3A_1309 : memref<1x128x64xf32, #tpu.memory_space<vmem>> -> memref<128x64xf32, #tpu.memory_space<vmem>>
    %dma_start3A_1311 = arith.constant 256 : i32
    %dma_start3A_1312 = tpu.memref_slice %arg5[%add3A_1304, %dma_start3A_1311] : memref<16384x512xf32, #tpu.memory_space<hbm>> -> memref<128x64xf32, #tpu.memory_space<hbm>>
    %dma_start3A_1313 = tpu.memref_slice %arg9[%dma_start3A_1306] : memref<4x!tpu.dma_semaphore, #tpu.memory_space<semaphore_mem>> -> memref<1x!tpu.dma_semaphore, #tpu.memory_space<semaphore_mem>>
    %dma_start3A_1314 = tpu.memref_squeeze %dma_start3A_1313 : memref<1x!tpu.dma_semaphore, #tpu.memory_space<semaphore_mem>> -> memref<!tpu.dma_semaphore, #tpu.memory_space<semaphore_mem>>
    %dma_start3A_1315 = arith.constant 256 : i32
    %dma_start3A_1316 = tpu.memref_slice %arg5[%add3A_1304, %dma_start3A_1315] : memref<16384x512xf32, #tpu.memory_space<hbm>> -> memref<128x64xf32, #tpu.memory_space<hbm>>
    %dma_start3A_1317 = arith.constant 0 : i32
    %dma_start3A_1318 = arith.constant 0 : i32
    %dma_start3A_1319 = tpu.memref_slice %arg7[%dma_start3A_1305, %dma_start3A_1317, %dma_start3A_1318] : memref<4x128x64xf32, #tpu.memory_space<vmem>> -> memref<1x128x64xf32, #tpu.memory_space<vmem>>
    %dma_start3A_1320 = tpu.memref_squeeze %dma_start3A_1319 : memref<1x128x64xf32, #tpu.memory_space<vmem>> -> memref<128x64xf32, #tpu.memory_space<vmem>>
    tpu.enqueue_dma source(%dma_start3A_1320 : memref<128x64xf32, #tpu.memory_space<vmem>>) target(%dma_start3A_1316 : memref<128x64xf32, #tpu.memory_space<hbm>>) target_semaphore(%dma_start3A_1314 : memref<!tpu.dma_semaphore, #tpu.memory_space<semaphore_mem>>)
    %dma_wait3A_1321 = arith.constant 2 : i32
    %dma_wait3A_1322 = arith.constant 2 : i32
    %dma_wait3A_1323 = arith.constant 0 : i32
    %dma_wait3A_1324 = arith.constant 0 : i32
    %dma_wait3A_1325 = tpu.memref_slice %arg7[%dma_wait3A_1321, %dma_wait3A_1323, %dma_wait3A_1324] : memref<4x128x64xf32, #tpu.memory_space<vmem>> -> memref<1x128x64xf32, #tpu.memory_space<vmem>>
    %dma_wait3A_1326 = tpu.memref_squeeze %dma_wait3A_1325 : memref<1x128x64xf32, #tpu.memory_space<vmem>> -> memref<128x64xf32, #tpu.memory_space<vmem>>
    %dma_wait3A_1327 = arith.constant 256 : i32
    %dma_wait3A_1328 = tpu.memref_slice %arg5[%add3A_1238, %dma_wait3A_1327] : memref<16384x512xf32, #tpu.memory_space<hbm>> -> memref<128x64xf32, #tpu.memory_space<hbm>>
    %dma_wait3A_1329 = tpu.memref_slice %arg9[%dma_wait3A_1322] : memref<4x!tpu.dma_semaphore, #tpu.memory_space<semaphore_mem>> -> memref<1x!tpu.dma_semaphore, #tpu.memory_space<semaphore_mem>>
    %dma_wait3A_1330 = tpu.memref_squeeze %dma_wait3A_1329 : memref<1x!tpu.dma_semaphore, #tpu.memory_space<semaphore_mem>> -> memref<!tpu.dma_semaphore, #tpu.memory_space<semaphore_mem>>
    %dma_wait3A_1331 = arith.constant 256 : i32
    %dma_wait3A_1332 = tpu.memref_slice %arg5[%add3A_1238, %dma_wait3A_1331] : memref<16384x512xf32, #tpu.memory_space<hbm>> -> memref<128x64xf32, #tpu.memory_space<hbm>>
    %dma_wait3A_1333 = arith.constant 0 : i32
    %dma_wait3A_1334 = arith.constant 0 : i32
    %dma_wait3A_1335 = tpu.memref_slice %arg7[%dma_wait3A_1321, %dma_wait3A_1333, %dma_wait3A_1334] : memref<4x128x64xf32, #tpu.memory_space<vmem>> -> memref<1x128x64xf32, #tpu.memory_space<vmem>>
    %dma_wait3A_1336 = tpu.memref_squeeze %dma_wait3A_1335 : memref<1x128x64xf32, #tpu.memory_space<vmem>> -> memref<128x64xf32, #tpu.memory_space<vmem>>
    tpu.wait_dma2 semaphore(%dma_wait3A_1330 : memref<!tpu.dma_semaphore, #tpu.memory_space<semaphore_mem>>) src(%dma_wait3A_1336 : memref<128x64xf32, #tpu.memory_space<vmem>>) dst(%dma_wait3A_1332 : memref<128x64xf32, #tpu.memory_space<hbm>>)
    %dma_start3A_1337 = arith.constant 2 : i32
    %dma_start3A_1338 = arith.constant 5 : i32
    %dma_start3A_1339 = arith.constant 2 : i32
    %dma_start3A_1340 = arith.constant 2 : i32
    %dma_start3A_1341 = arith.constant 0 : i32
    %dma_start3A_1342 = arith.constant 0 : i32
    %dma_start3A_1343 = tpu.memref_slice %arg7[%dma_start3A_1339, %dma_start3A_1341, %dma_start3A_1342] : memref<4x128x64xf32, #tpu.memory_space<vmem>> -> memref<1x128x64xf32, #tpu.memory_space<vmem>>
    %dma_start3A_1344 = tpu.memref_squeeze %dma_start3A_1343 : memref<1x128x64xf32, #tpu.memory_space<vmem>> -> memref<128x64xf32, #tpu.memory_space<vmem>>
    %dma_start3A_1345 = arith.constant 0 : i32
    %dma_start3A_1346 = tpu.memref_slice %arg6[%dma_start3A_1337, %dma_start3A_1338, %dma_start3A_1345] : memref<4x8x128xi32, #tpu.memory_space<vmem>> -> memref<1x1x128xi32, #tpu.memory_space<vmem>>
    %dma_start3A_1347 = tpu.memref_squeeze %dma_start3A_1346 : memref<1x1x128xi32, #tpu.memory_space<vmem>> -> memref<128xi32, #tpu.memory_space<vmem>>
    %dma_start3A_1348 = arith.constant 0 : i32
    %dma_start3A_1349 = arith.constant 0 : i32
    %dma_start3A_1350 = tpu.memref_slice %arg4[%dma_start3A_1348, %dma_start3A_1349] : memref<4000x64xf32, #tpu.memory_space<hbm>> -> memref<4000x64xf32, #tpu.memory_space<hbm>>
    %dma_start3A_1351 = tpu.memref_slice %arg8[%dma_start3A_1340] : memref<4x!tpu.dma_semaphore, #tpu.memory_space<semaphore_mem>> -> memref<1x!tpu.dma_semaphore, #tpu.memory_space<semaphore_mem>>
    %dma_start3A_1352 = tpu.memref_squeeze %dma_start3A_1351 : memref<1x!tpu.dma_semaphore, #tpu.memory_space<semaphore_mem>> -> memref<!tpu.dma_semaphore, #tpu.memory_space<semaphore_mem>>
    tpu.enqueue_indirect_dma source(%dma_start3A_1350 : memref<4000x64xf32, #tpu.memory_space<hbm>>) target(%dma_start3A_1344 : memref<128x64xf32, #tpu.memory_space<vmem>>) offsets(%dma_start3A_1347 : memref<128xi32, #tpu.memory_space<vmem>>) semaphore(%dma_start3A_1352 : memref<!tpu.dma_semaphore, #tpu.memory_space<semaphore_mem>>)
    %dma_wait3A_1353 = arith.constant 0 : i32
    %dma_wait3A_1354 = arith.constant 5 : i32
    %dma_wait3A_1355 = arith.constant 0 : i32
    %dma_wait3A_1356 = arith.constant 0 : i32
    %dma_wait3A_1357 = arith.constant 0 : i32
    %dma_wait3A_1358 = arith.constant 0 : i32
    %dma_wait3A_1359 = tpu.memref_slice %arg7[%dma_wait3A_1355, %dma_wait3A_1357, %dma_wait3A_1358] : memref<4x128x64xf32, #tpu.memory_space<vmem>> -> memref<1x128x64xf32, #tpu.memory_space<vmem>>
    %dma_wait3A_1360 = tpu.memref_squeeze %dma_wait3A_1359 : memref<1x128x64xf32, #tpu.memory_space<vmem>> -> memref<128x64xf32, #tpu.memory_space<vmem>>
    %dma_wait3A_1361 = arith.constant 0 : i32
    %dma_wait3A_1362 = tpu.memref_slice %arg6[%dma_wait3A_1353, %dma_wait3A_1354, %dma_wait3A_1361] : memref<4x8x128xi32, #tpu.memory_space<vmem>> -> memref<1x1x128xi32, #tpu.memory_space<vmem>>
    %dma_wait3A_1363 = tpu.memref_squeeze %dma_wait3A_1362 : memref<1x1x128xi32, #tpu.memory_space<vmem>> -> memref<128xi32, #tpu.memory_space<vmem>>
    %dma_wait3A_1364 = arith.constant 0 : i32
    %dma_wait3A_1365 = arith.constant 0 : i32
    %dma_wait3A_1366 = tpu.memref_slice %arg4[%dma_wait3A_1364, %dma_wait3A_1365] : memref<4000x64xf32, #tpu.memory_space<hbm>> -> memref<4000x64xf32, #tpu.memory_space<hbm>>
    %dma_wait3A_1367 = tpu.memref_slice %arg8[%dma_wait3A_1356] : memref<4x!tpu.dma_semaphore, #tpu.memory_space<semaphore_mem>> -> memref<1x!tpu.dma_semaphore, #tpu.memory_space<semaphore_mem>>
    %dma_wait3A_1368 = tpu.memref_squeeze %dma_wait3A_1367 : memref<1x!tpu.dma_semaphore, #tpu.memory_space<semaphore_mem>> -> memref<!tpu.dma_semaphore, #tpu.memory_space<semaphore_mem>>
    tpu.wait_indirect_dma semaphore(%dma_wait3A_1368 : memref<!tpu.dma_semaphore, #tpu.memory_space<semaphore_mem>>) src(%dma_wait3A_1366 : memref<4000x64xf32, #tpu.memory_space<hbm>>) dst(%dma_wait3A_1360 : memref<128x64xf32, #tpu.memory_space<vmem>>)
    %add3A_1369 = arith.constant 0 : i32
    %add3A_1370 = arith.addi %mul3A_2, %add3A_1369 : i32
    %dma_start3A_1371 = arith.constant 0 : i32
    %dma_start3A_1372 = arith.constant 0 : i32
    %dma_start3A_1373 = arith.constant 0 : i32
    %dma_start3A_1374 = arith.constant 0 : i32
    %dma_start3A_1375 = tpu.memref_slice %arg7[%dma_start3A_1371, %dma_start3A_1373, %dma_start3A_1374] : memref<4x128x64xf32, #tpu.memory_space<vmem>> -> memref<1x128x64xf32, #tpu.memory_space<vmem>>
    %dma_start3A_1376 = tpu.memref_squeeze %dma_start3A_1375 : memref<1x128x64xf32, #tpu.memory_space<vmem>> -> memref<128x64xf32, #tpu.memory_space<vmem>>
    %dma_start3A_1377 = arith.constant 320 : i32
    %dma_start3A_1378 = tpu.memref_slice %arg5[%add3A_1370, %dma_start3A_1377] : memref<16384x512xf32, #tpu.memory_space<hbm>> -> memref<128x64xf32, #tpu.memory_space<hbm>>
    %dma_start3A_1379 = tpu.memref_slice %arg9[%dma_start3A_1372] : memref<4x!tpu.dma_semaphore, #tpu.memory_space<semaphore_mem>> -> memref<1x!tpu.dma_semaphore, #tpu.memory_space<semaphore_mem>>
    %dma_start3A_1380 = tpu.memref_squeeze %dma_start3A_1379 : memref<1x!tpu.dma_semaphore, #tpu.memory_space<semaphore_mem>> -> memref<!tpu.dma_semaphore, #tpu.memory_space<semaphore_mem>>
    %dma_start3A_1381 = arith.constant 320 : i32
    %dma_start3A_1382 = tpu.memref_slice %arg5[%add3A_1370, %dma_start3A_1381] : memref<16384x512xf32, #tpu.memory_space<hbm>> -> memref<128x64xf32, #tpu.memory_space<hbm>>
    %dma_start3A_1383 = arith.constant 0 : i32
    %dma_start3A_1384 = arith.constant 0 : i32
    %dma_start3A_1385 = tpu.memref_slice %arg7[%dma_start3A_1371, %dma_start3A_1383, %dma_start3A_1384] : memref<4x128x64xf32, #tpu.memory_space<vmem>> -> memref<1x128x64xf32, #tpu.memory_space<vmem>>
    %dma_start3A_1386 = tpu.memref_squeeze %dma_start3A_1385 : memref<1x128x64xf32, #tpu.memory_space<vmem>> -> memref<128x64xf32, #tpu.memory_space<vmem>>
    tpu.enqueue_dma source(%dma_start3A_1386 : memref<128x64xf32, #tpu.memory_space<vmem>>) target(%dma_start3A_1382 : memref<128x64xf32, #tpu.memory_space<hbm>>) target_semaphore(%dma_start3A_1380 : memref<!tpu.dma_semaphore, #tpu.memory_space<semaphore_mem>>)
    %dma_wait3A_1387 = arith.constant 3 : i32
    %dma_wait3A_1388 = arith.constant 3 : i32
    %dma_wait3A_1389 = arith.constant 0 : i32
    %dma_wait3A_1390 = arith.constant 0 : i32
    %dma_wait3A_1391 = tpu.memref_slice %arg7[%dma_wait3A_1387, %dma_wait3A_1389, %dma_wait3A_1390] : memref<4x128x64xf32, #tpu.memory_space<vmem>> -> memref<1x128x64xf32, #tpu.memory_space<vmem>>
    %dma_wait3A_1392 = tpu.memref_squeeze %dma_wait3A_1391 : memref<1x128x64xf32, #tpu.memory_space<vmem>> -> memref<128x64xf32, #tpu.memory_space<vmem>>
    %dma_wait3A_1393 = arith.constant 256 : i32
    %dma_wait3A_1394 = tpu.memref_slice %arg5[%add3A_1304, %dma_wait3A_1393] : memref<16384x512xf32, #tpu.memory_space<hbm>> -> memref<128x64xf32, #tpu.memory_space<hbm>>
    %dma_wait3A_1395 = tpu.memref_slice %arg9[%dma_wait3A_1388] : memref<4x!tpu.dma_semaphore, #tpu.memory_space<semaphore_mem>> -> memref<1x!tpu.dma_semaphore, #tpu.memory_space<semaphore_mem>>
    %dma_wait3A_1396 = tpu.memref_squeeze %dma_wait3A_1395 : memref<1x!tpu.dma_semaphore, #tpu.memory_space<semaphore_mem>> -> memref<!tpu.dma_semaphore, #tpu.memory_space<semaphore_mem>>
    %dma_wait3A_1397 = arith.constant 256 : i32
    %dma_wait3A_1398 = tpu.memref_slice %arg5[%add3A_1304, %dma_wait3A_1397] : memref<16384x512xf32, #tpu.memory_space<hbm>> -> memref<128x64xf32, #tpu.memory_space<hbm>>
    %dma_wait3A_1399 = arith.constant 0 : i32
    %dma_wait3A_1400 = arith.constant 0 : i32
    %dma_wait3A_1401 = tpu.memref_slice %arg7[%dma_wait3A_1387, %dma_wait3A_1399, %dma_wait3A_1400] : memref<4x128x64xf32, #tpu.memory_space<vmem>> -> memref<1x128x64xf32, #tpu.memory_space<vmem>>
    %dma_wait3A_1402 = tpu.memref_squeeze %dma_wait3A_1401 : memref<1x128x64xf32, #tpu.memory_space<vmem>> -> memref<128x64xf32, #tpu.memory_space<vmem>>
    tpu.wait_dma2 semaphore(%dma_wait3A_1396 : memref<!tpu.dma_semaphore, #tpu.memory_space<semaphore_mem>>) src(%dma_wait3A_1402 : memref<128x64xf32, #tpu.memory_space<vmem>>) dst(%dma_wait3A_1398 : memref<128x64xf32, #tpu.memory_space<hbm>>)
    %dma_start3A_1403 = arith.constant 3 : i32
    %dma_start3A_1404 = arith.constant 5 : i32
    %dma_start3A_1405 = arith.constant 3 : i32
    %dma_start3A_1406 = arith.constant 3 : i32
    %dma_start3A_1407 = arith.constant 0 : i32
    %dma_start3A_1408 = arith.constant 0 : i32
    %dma_start3A_1409 = tpu.memref_slice %arg7[%dma_start3A_1405, %dma_start3A_1407, %dma_start3A_1408] : memref<4x128x64xf32, #tpu.memory_space<vmem>> -> memref<1x128x64xf32, #tpu.memory_space<vmem>>
    %dma_start3A_1410 = tpu.memref_squeeze %dma_start3A_1409 : memref<1x128x64xf32, #tpu.memory_space<vmem>> -> memref<128x64xf32, #tpu.memory_space<vmem>>
    %dma_start3A_1411 = arith.constant 0 : i32
    %dma_start3A_1412 = tpu.memref_slice %arg6[%dma_start3A_1403, %dma_start3A_1404, %dma_start3A_1411] : memref<4x8x128xi32, #tpu.memory_space<vmem>> -> memref<1x1x128xi32, #tpu.memory_space<vmem>>
    %dma_start3A_1413 = tpu.memref_squeeze %dma_start3A_1412 : memref<1x1x128xi32, #tpu.memory_space<vmem>> -> memref<128xi32, #tpu.memory_space<vmem>>
    %dma_start3A_1414 = arith.constant 0 : i32
    %dma_start3A_1415 = arith.constant 0 : i32
    %dma_start3A_1416 = tpu.memref_slice %arg4[%dma_start3A_1414, %dma_start3A_1415] : memref<4000x64xf32, #tpu.memory_space<hbm>> -> memref<4000x64xf32, #tpu.memory_space<hbm>>
    %dma_start3A_1417 = tpu.memref_slice %arg8[%dma_start3A_1406] : memref<4x!tpu.dma_semaphore, #tpu.memory_space<semaphore_mem>> -> memref<1x!tpu.dma_semaphore, #tpu.memory_space<semaphore_mem>>
    %dma_start3A_1418 = tpu.memref_squeeze %dma_start3A_1417 : memref<1x!tpu.dma_semaphore, #tpu.memory_space<semaphore_mem>> -> memref<!tpu.dma_semaphore, #tpu.memory_space<semaphore_mem>>
    tpu.enqueue_indirect_dma source(%dma_start3A_1416 : memref<4000x64xf32, #tpu.memory_space<hbm>>) target(%dma_start3A_1410 : memref<128x64xf32, #tpu.memory_space<vmem>>) offsets(%dma_start3A_1413 : memref<128xi32, #tpu.memory_space<vmem>>) semaphore(%dma_start3A_1418 : memref<!tpu.dma_semaphore, #tpu.memory_space<semaphore_mem>>)
    %dma_wait3A_1419 = arith.constant 1 : i32
    %dma_wait3A_1420 = arith.constant 5 : i32
    %dma_wait3A_1421 = arith.constant 1 : i32
    %dma_wait3A_1422 = arith.constant 1 : i32
    %dma_wait3A_1423 = arith.constant 0 : i32
    %dma_wait3A_1424 = arith.constant 0 : i32
    %dma_wait3A_1425 = tpu.memref_slice %arg7[%dma_wait3A_1421, %dma_wait3A_1423, %dma_wait3A_1424] : memref<4x128x64xf32, #tpu.memory_space<vmem>> -> memref<1x128x64xf32, #tpu.memory_space<vmem>>
    %dma_wait3A_1426 = tpu.memref_squeeze %dma_wait3A_1425 : memref<1x128x64xf32, #tpu.memory_space<vmem>> -> memref<128x64xf32, #tpu.memory_space<vmem>>
    %dma_wait3A_1427 = arith.constant 0 : i32
    %dma_wait3A_1428 = tpu.memref_slice %arg6[%dma_wait3A_1419, %dma_wait3A_1420, %dma_wait3A_1427] : memref<4x8x128xi32, #tpu.memory_space<vmem>> -> memref<1x1x128xi32, #tpu.memory_space<vmem>>
    %dma_wait3A_1429 = tpu.memref_squeeze %dma_wait3A_1428 : memref<1x1x128xi32, #tpu.memory_space<vmem>> -> memref<128xi32, #tpu.memory_space<vmem>>
    %dma_wait3A_1430 = arith.constant 0 : i32
    %dma_wait3A_1431 = arith.constant 0 : i32
    %dma_wait3A_1432 = tpu.memref_slice %arg4[%dma_wait3A_1430, %dma_wait3A_1431] : memref<4000x64xf32, #tpu.memory_space<hbm>> -> memref<4000x64xf32, #tpu.memory_space<hbm>>
    %dma_wait3A_1433 = tpu.memref_slice %arg8[%dma_wait3A_1422] : memref<4x!tpu.dma_semaphore, #tpu.memory_space<semaphore_mem>> -> memref<1x!tpu.dma_semaphore, #tpu.memory_space<semaphore_mem>>
    %dma_wait3A_1434 = tpu.memref_squeeze %dma_wait3A_1433 : memref<1x!tpu.dma_semaphore, #tpu.memory_space<semaphore_mem>> -> memref<!tpu.dma_semaphore, #tpu.memory_space<semaphore_mem>>
    tpu.wait_indirect_dma semaphore(%dma_wait3A_1434 : memref<!tpu.dma_semaphore, #tpu.memory_space<semaphore_mem>>) src(%dma_wait3A_1432 : memref<4000x64xf32, #tpu.memory_space<hbm>>) dst(%dma_wait3A_1426 : memref<128x64xf32, #tpu.memory_space<vmem>>)
    %add3A_1435 = arith.constant 128 : i32
    %add3A_1436 = arith.addi %mul3A_2, %add3A_1435 : i32
    %dma_start3A_1437 = arith.constant 1 : i32
    %dma_start3A_1438 = arith.constant 1 : i32
    %dma_start3A_1439 = arith.constant 0 : i32
    %dma_start3A_1440 = arith.constant 0 : i32
    %dma_start3A_1441 = tpu.memref_slice %arg7[%dma_start3A_1437, %dma_start3A_1439, %dma_start3A_1440] : memref<4x128x64xf32, #tpu.memory_space<vmem>> -> memref<1x128x64xf32, #tpu.memory_space<vmem>>
    %dma_start3A_1442 = tpu.memref_squeeze %dma_start3A_1441 : memref<1x128x64xf32, #tpu.memory_space<vmem>> -> memref<128x64xf32, #tpu.memory_space<vmem>>
    %dma_start3A_1443 = arith.constant 320 : i32
    %dma_start3A_1444 = tpu.memref_slice %arg5[%add3A_1436, %dma_start3A_1443] : memref<16384x512xf32, #tpu.memory_space<hbm>> -> memref<128x64xf32, #tpu.memory_space<hbm>>
    %dma_start3A_1445 = tpu.memref_slice %arg9[%dma_start3A_1438] : memref<4x!tpu.dma_semaphore, #tpu.memory_space<semaphore_mem>> -> memref<1x!tpu.dma_semaphore, #tpu.memory_space<semaphore_mem>>
    %dma_start3A_1446 = tpu.memref_squeeze %dma_start3A_1445 : memref<1x!tpu.dma_semaphore, #tpu.memory_space<semaphore_mem>> -> memref<!tpu.dma_semaphore, #tpu.memory_space<semaphore_mem>>
    %dma_start3A_1447 = arith.constant 320 : i32
    %dma_start3A_1448 = tpu.memref_slice %arg5[%add3A_1436, %dma_start3A_1447] : memref<16384x512xf32, #tpu.memory_space<hbm>> -> memref<128x64xf32, #tpu.memory_space<hbm>>
    %dma_start3A_1449 = arith.constant 0 : i32
    %dma_start3A_1450 = arith.constant 0 : i32
    %dma_start3A_1451 = tpu.memref_slice %arg7[%dma_start3A_1437, %dma_start3A_1449, %dma_start3A_1450] : memref<4x128x64xf32, #tpu.memory_space<vmem>> -> memref<1x128x64xf32, #tpu.memory_space<vmem>>
    %dma_start3A_1452 = tpu.memref_squeeze %dma_start3A_1451 : memref<1x128x64xf32, #tpu.memory_space<vmem>> -> memref<128x64xf32, #tpu.memory_space<vmem>>
    tpu.enqueue_dma source(%dma_start3A_1452 : memref<128x64xf32, #tpu.memory_space<vmem>>) target(%dma_start3A_1448 : memref<128x64xf32, #tpu.memory_space<hbm>>) target_semaphore(%dma_start3A_1446 : memref<!tpu.dma_semaphore, #tpu.memory_space<semaphore_mem>>)
    %dma_wait3A_1453 = arith.constant 0 : i32
    %dma_wait3A_1454 = arith.constant 0 : i32
    %dma_wait3A_1455 = arith.constant 0 : i32
    %dma_wait3A_1456 = arith.constant 0 : i32
    %dma_wait3A_1457 = tpu.memref_slice %arg7[%dma_wait3A_1453, %dma_wait3A_1455, %dma_wait3A_1456] : memref<4x128x64xf32, #tpu.memory_space<vmem>> -> memref<1x128x64xf32, #tpu.memory_space<vmem>>
    %dma_wait3A_1458 = tpu.memref_squeeze %dma_wait3A_1457 : memref<1x128x64xf32, #tpu.memory_space<vmem>> -> memref<128x64xf32, #tpu.memory_space<vmem>>
    %dma_wait3A_1459 = arith.constant 320 : i32
    %dma_wait3A_1460 = tpu.memref_slice %arg5[%add3A_1370, %dma_wait3A_1459] : memref<16384x512xf32, #tpu.memory_space<hbm>> -> memref<128x64xf32, #tpu.memory_space<hbm>>
    %dma_wait3A_1461 = tpu.memref_slice %arg9[%dma_wait3A_1454] : memref<4x!tpu.dma_semaphore, #tpu.memory_space<semaphore_mem>> -> memref<1x!tpu.dma_semaphore, #tpu.memory_space<semaphore_mem>>
    %dma_wait3A_1462 = tpu.memref_squeeze %dma_wait3A_1461 : memref<1x!tpu.dma_semaphore, #tpu.memory_space<semaphore_mem>> -> memref<!tpu.dma_semaphore, #tpu.memory_space<semaphore_mem>>
    %dma_wait3A_1463 = arith.constant 320 : i32
    %dma_wait3A_1464 = tpu.memref_slice %arg5[%add3A_1370, %dma_wait3A_1463] : memref<16384x512xf32, #tpu.memory_space<hbm>> -> memref<128x64xf32, #tpu.memory_space<hbm>>
    %dma_wait3A_1465 = arith.constant 0 : i32
    %dma_wait3A_1466 = arith.constant 0 : i32
    %dma_wait3A_1467 = tpu.memref_slice %arg7[%dma_wait3A_1453, %dma_wait3A_1465, %dma_wait3A_1466] : memref<4x128x64xf32, #tpu.memory_space<vmem>> -> memref<1x128x64xf32, #tpu.memory_space<vmem>>
    %dma_wait3A_1468 = tpu.memref_squeeze %dma_wait3A_1467 : memref<1x128x64xf32, #tpu.memory_space<vmem>> -> memref<128x64xf32, #tpu.memory_space<vmem>>
    tpu.wait_dma2 semaphore(%dma_wait3A_1462 : memref<!tpu.dma_semaphore, #tpu.memory_space<semaphore_mem>>) src(%dma_wait3A_1468 : memref<128x64xf32, #tpu.memory_space<vmem>>) dst(%dma_wait3A_1464 : memref<128x64xf32, #tpu.memory_space<hbm>>)
    %dma_start3A_1469 = arith.constant 0 : i32
    %dma_start3A_1470 = arith.constant 6 : i32
    %dma_start3A_1471 = arith.constant 0 : i32
    %dma_start3A_1472 = arith.constant 0 : i32
    %dma_start3A_1473 = arith.constant 0 : i32
    %dma_start3A_1474 = arith.constant 0 : i32
    %dma_start3A_1475 = tpu.memref_slice %arg7[%dma_start3A_1471, %dma_start3A_1473, %dma_start3A_1474] : memref<4x128x64xf32, #tpu.memory_space<vmem>> -> memref<1x128x64xf32, #tpu.memory_space<vmem>>
    %dma_start3A_1476 = tpu.memref_squeeze %dma_start3A_1475 : memref<1x128x64xf32, #tpu.memory_space<vmem>> -> memref<128x64xf32, #tpu.memory_space<vmem>>
    %dma_start3A_1477 = arith.constant 0 : i32
    %dma_start3A_1478 = tpu.memref_slice %arg6[%dma_start3A_1469, %dma_start3A_1470, %dma_start3A_1477] : memref<4x8x128xi32, #tpu.memory_space<vmem>> -> memref<1x1x128xi32, #tpu.memory_space<vmem>>
    %dma_start3A_1479 = tpu.memref_squeeze %dma_start3A_1478 : memref<1x1x128xi32, #tpu.memory_space<vmem>> -> memref<128xi32, #tpu.memory_space<vmem>>
    %dma_start3A_1480 = arith.constant 0 : i32
    %dma_start3A_1481 = arith.constant 0 : i32
    %dma_start3A_1482 = tpu.memref_slice %arg4[%dma_start3A_1480, %dma_start3A_1481] : memref<4000x64xf32, #tpu.memory_space<hbm>> -> memref<4000x64xf32, #tpu.memory_space<hbm>>
    %dma_start3A_1483 = tpu.memref_slice %arg8[%dma_start3A_1472] : memref<4x!tpu.dma_semaphore, #tpu.memory_space<semaphore_mem>> -> memref<1x!tpu.dma_semaphore, #tpu.memory_space<semaphore_mem>>
    %dma_start3A_1484 = tpu.memref_squeeze %dma_start3A_1483 : memref<1x!tpu.dma_semaphore, #tpu.memory_space<semaphore_mem>> -> memref<!tpu.dma_semaphore, #tpu.memory_space<semaphore_mem>>
    tpu.enqueue_indirect_dma source(%dma_start3A_1482 : memref<4000x64xf32, #tpu.memory_space<hbm>>) target(%dma_start3A_1476 : memref<128x64xf32, #tpu.memory_space<vmem>>) offsets(%dma_start3A_1479 : memref<128xi32, #tpu.memory_space<vmem>>) semaphore(%dma_start3A_1484 : memref<!tpu.dma_semaphore, #tpu.memory_space<semaphore_mem>>)
    %dma_wait3A_1485 = arith.constant 2 : i32
    %dma_wait3A_1486 = arith.constant 5 : i32
    %dma_wait3A_1487 = arith.constant 2 : i32
    %dma_wait3A_1488 = arith.constant 2 : i32
    %dma_wait3A_1489 = arith.constant 0 : i32
    %dma_wait3A_1490 = arith.constant 0 : i32
    %dma_wait3A_1491 = tpu.memref_slice %arg7[%dma_wait3A_1487, %dma_wait3A_1489, %dma_wait3A_1490] : memref<4x128x64xf32, #tpu.memory_space<vmem>> -> memref<1x128x64xf32, #tpu.memory_space<vmem>>
    %dma_wait3A_1492 = tpu.memref_squeeze %dma_wait3A_1491 : memref<1x128x64xf32, #tpu.memory_space<vmem>> -> memref<128x64xf32, #tpu.memory_space<vmem>>
    %dma_wait3A_1493 = arith.constant 0 : i32
    %dma_wait3A_1494 = tpu.memref_slice %arg6[%dma_wait3A_1485, %dma_wait3A_1486, %dma_wait3A_1493] : memref<4x8x128xi32, #tpu.memory_space<vmem>> -> memref<1x1x128xi32, #tpu.memory_space<vmem>>
    %dma_wait3A_1495 = tpu.memref_squeeze %dma_wait3A_1494 : memref<1x1x128xi32, #tpu.memory_space<vmem>> -> memref<128xi32, #tpu.memory_space<vmem>>
    %dma_wait3A_1496 = arith.constant 0 : i32
    %dma_wait3A_1497 = arith.constant 0 : i32
    %dma_wait3A_1498 = tpu.memref_slice %arg4[%dma_wait3A_1496, %dma_wait3A_1497] : memref<4000x64xf32, #tpu.memory_space<hbm>> -> memref<4000x64xf32, #tpu.memory_space<hbm>>
    %dma_wait3A_1499 = tpu.memref_slice %arg8[%dma_wait3A_1488] : memref<4x!tpu.dma_semaphore, #tpu.memory_space<semaphore_mem>> -> memref<1x!tpu.dma_semaphore, #tpu.memory_space<semaphore_mem>>
    %dma_wait3A_1500 = tpu.memref_squeeze %dma_wait3A_1499 : memref<1x!tpu.dma_semaphore, #tpu.memory_space<semaphore_mem>> -> memref<!tpu.dma_semaphore, #tpu.memory_space<semaphore_mem>>
    tpu.wait_indirect_dma semaphore(%dma_wait3A_1500 : memref<!tpu.dma_semaphore, #tpu.memory_space<semaphore_mem>>) src(%dma_wait3A_1498 : memref<4000x64xf32, #tpu.memory_space<hbm>>) dst(%dma_wait3A_1492 : memref<128x64xf32, #tpu.memory_space<vmem>>)
    %add3A_1501 = arith.constant 256 : i32
    %add3A_1502 = arith.addi %mul3A_2, %add3A_1501 : i32
    %dma_start3A_1503 = arith.constant 2 : i32
    %dma_start3A_1504 = arith.constant 2 : i32
    %dma_start3A_1505 = arith.constant 0 : i32
    %dma_start3A_1506 = arith.constant 0 : i32
    %dma_start3A_1507 = tpu.memref_slice %arg7[%dma_start3A_1503, %dma_start3A_1505, %dma_start3A_1506] : memref<4x128x64xf32, #tpu.memory_space<vmem>> -> memref<1x128x64xf32, #tpu.memory_space<vmem>>
    %dma_start3A_1508 = tpu.memref_squeeze %dma_start3A_1507 : memref<1x128x64xf32, #tpu.memory_space<vmem>> -> memref<128x64xf32, #tpu.memory_space<vmem>>
    %dma_start3A_1509 = arith.constant 320 : i32
    %dma_start3A_1510 = tpu.memref_slice %arg5[%add3A_1502, %dma_start3A_1509] : memref<16384x512xf32, #tpu.memory_space<hbm>> -> memref<128x64xf32, #tpu.memory_space<hbm>>
    %dma_start3A_1511 = tpu.memref_slice %arg9[%dma_start3A_1504] : memref<4x!tpu.dma_semaphore, #tpu.memory_space<semaphore_mem>> -> memref<1x!tpu.dma_semaphore, #tpu.memory_space<semaphore_mem>>
    %dma_start3A_1512 = tpu.memref_squeeze %dma_start3A_1511 : memref<1x!tpu.dma_semaphore, #tpu.memory_space<semaphore_mem>> -> memref<!tpu.dma_semaphore, #tpu.memory_space<semaphore_mem>>
    %dma_start3A_1513 = arith.constant 320 : i32
    %dma_start3A_1514 = tpu.memref_slice %arg5[%add3A_1502, %dma_start3A_1513] : memref<16384x512xf32, #tpu.memory_space<hbm>> -> memref<128x64xf32, #tpu.memory_space<hbm>>
    %dma_start3A_1515 = arith.constant 0 : i32
    %dma_start3A_1516 = arith.constant 0 : i32
    %dma_start3A_1517 = tpu.memref_slice %arg7[%dma_start3A_1503, %dma_start3A_1515, %dma_start3A_1516] : memref<4x128x64xf32, #tpu.memory_space<vmem>> -> memref<1x128x64xf32, #tpu.memory_space<vmem>>
    %dma_start3A_1518 = tpu.memref_squeeze %dma_start3A_1517 : memref<1x128x64xf32, #tpu.memory_space<vmem>> -> memref<128x64xf32, #tpu.memory_space<vmem>>
    tpu.enqueue_dma source(%dma_start3A_1518 : memref<128x64xf32, #tpu.memory_space<vmem>>) target(%dma_start3A_1514 : memref<128x64xf32, #tpu.memory_space<hbm>>) target_semaphore(%dma_start3A_1512 : memref<!tpu.dma_semaphore, #tpu.memory_space<semaphore_mem>>)
    %dma_wait3A_1519 = arith.constant 1 : i32
    %dma_wait3A_1520 = arith.constant 1 : i32
    %dma_wait3A_1521 = arith.constant 0 : i32
    %dma_wait3A_1522 = arith.constant 0 : i32
    %dma_wait3A_1523 = tpu.memref_slice %arg7[%dma_wait3A_1519, %dma_wait3A_1521, %dma_wait3A_1522] : memref<4x128x64xf32, #tpu.memory_space<vmem>> -> memref<1x128x64xf32, #tpu.memory_space<vmem>>
    %dma_wait3A_1524 = tpu.memref_squeeze %dma_wait3A_1523 : memref<1x128x64xf32, #tpu.memory_space<vmem>> -> memref<128x64xf32, #tpu.memory_space<vmem>>
    %dma_wait3A_1525 = arith.constant 320 : i32
    %dma_wait3A_1526 = tpu.memref_slice %arg5[%add3A_1436, %dma_wait3A_1525] : memref<16384x512xf32, #tpu.memory_space<hbm>> -> memref<128x64xf32, #tpu.memory_space<hbm>>
    %dma_wait3A_1527 = tpu.memref_slice %arg9[%dma_wait3A_1520] : memref<4x!tpu.dma_semaphore, #tpu.memory_space<semaphore_mem>> -> memref<1x!tpu.dma_semaphore, #tpu.memory_space<semaphore_mem>>
    %dma_wait3A_1528 = tpu.memref_squeeze %dma_wait3A_1527 : memref<1x!tpu.dma_semaphore, #tpu.memory_space<semaphore_mem>> -> memref<!tpu.dma_semaphore, #tpu.memory_space<semaphore_mem>>
    %dma_wait3A_1529 = arith.constant 320 : i32
    %dma_wait3A_1530 = tpu.memref_slice %arg5[%add3A_1436, %dma_wait3A_1529] : memref<16384x512xf32, #tpu.memory_space<hbm>> -> memref<128x64xf32, #tpu.memory_space<hbm>>
    %dma_wait3A_1531 = arith.constant 0 : i32
    %dma_wait3A_1532 = arith.constant 0 : i32
    %dma_wait3A_1533 = tpu.memref_slice %arg7[%dma_wait3A_1519, %dma_wait3A_1531, %dma_wait3A_1532] : memref<4x128x64xf32, #tpu.memory_space<vmem>> -> memref<1x128x64xf32, #tpu.memory_space<vmem>>
    %dma_wait3A_1534 = tpu.memref_squeeze %dma_wait3A_1533 : memref<1x128x64xf32, #tpu.memory_space<vmem>> -> memref<128x64xf32, #tpu.memory_space<vmem>>
    tpu.wait_dma2 semaphore(%dma_wait3A_1528 : memref<!tpu.dma_semaphore, #tpu.memory_space<semaphore_mem>>) src(%dma_wait3A_1534 : memref<128x64xf32, #tpu.memory_space<vmem>>) dst(%dma_wait3A_1530 : memref<128x64xf32, #tpu.memory_space<hbm>>)
    %dma_start3A_1535 = arith.constant 1 : i32
    %dma_start3A_1536 = arith.constant 6 : i32
    %dma_start3A_1537 = arith.constant 1 : i32
    %dma_start3A_1538 = arith.constant 1 : i32
    %dma_start3A_1539 = arith.constant 0 : i32
    %dma_start3A_1540 = arith.constant 0 : i32
    %dma_start3A_1541 = tpu.memref_slice %arg7[%dma_start3A_1537, %dma_start3A_1539, %dma_start3A_1540] : memref<4x128x64xf32, #tpu.memory_space<vmem>> -> memref<1x128x64xf32, #tpu.memory_space<vmem>>
    %dma_start3A_1542 = tpu.memref_squeeze %dma_start3A_1541 : memref<1x128x64xf32, #tpu.memory_space<vmem>> -> memref<128x64xf32, #tpu.memory_space<vmem>>
    %dma_start3A_1543 = arith.constant 0 : i32
    %dma_start3A_1544 = tpu.memref_slice %arg6[%dma_start3A_1535, %dma_start3A_1536, %dma_start3A_1543] : memref<4x8x128xi32, #tpu.memory_space<vmem>> -> memref<1x1x128xi32, #tpu.memory_space<vmem>>
    %dma_start3A_1545 = tpu.memref_squeeze %dma_start3A_1544 : memref<1x1x128xi32, #tpu.memory_space<vmem>> -> memref<128xi32, #tpu.memory_space<vmem>>
    %dma_start3A_1546 = arith.constant 0 : i32
    %dma_start3A_1547 = arith.constant 0 : i32
    %dma_start3A_1548 = tpu.memref_slice %arg4[%dma_start3A_1546, %dma_start3A_1547] : memref<4000x64xf32, #tpu.memory_space<hbm>> -> memref<4000x64xf32, #tpu.memory_space<hbm>>
    %dma_start3A_1549 = tpu.memref_slice %arg8[%dma_start3A_1538] : memref<4x!tpu.dma_semaphore, #tpu.memory_space<semaphore_mem>> -> memref<1x!tpu.dma_semaphore, #tpu.memory_space<semaphore_mem>>
    %dma_start3A_1550 = tpu.memref_squeeze %dma_start3A_1549 : memref<1x!tpu.dma_semaphore, #tpu.memory_space<semaphore_mem>> -> memref<!tpu.dma_semaphore, #tpu.memory_space<semaphore_mem>>
    tpu.enqueue_indirect_dma source(%dma_start3A_1548 : memref<4000x64xf32, #tpu.memory_space<hbm>>) target(%dma_start3A_1542 : memref<128x64xf32, #tpu.memory_space<vmem>>) offsets(%dma_start3A_1545 : memref<128xi32, #tpu.memory_space<vmem>>) semaphore(%dma_start3A_1550 : memref<!tpu.dma_semaphore, #tpu.memory_space<semaphore_mem>>)
    %dma_wait3A_1551 = arith.constant 3 : i32
    %dma_wait3A_1552 = arith.constant 5 : i32
    %dma_wait3A_1553 = arith.constant 3 : i32
    %dma_wait3A_1554 = arith.constant 3 : i32
    %dma_wait3A_1555 = arith.constant 0 : i32
    %dma_wait3A_1556 = arith.constant 0 : i32
    %dma_wait3A_1557 = tpu.memref_slice %arg7[%dma_wait3A_1553, %dma_wait3A_1555, %dma_wait3A_1556] : memref<4x128x64xf32, #tpu.memory_space<vmem>> -> memref<1x128x64xf32, #tpu.memory_space<vmem>>
    %dma_wait3A_1558 = tpu.memref_squeeze %dma_wait3A_1557 : memref<1x128x64xf32, #tpu.memory_space<vmem>> -> memref<128x64xf32, #tpu.memory_space<vmem>>
    %dma_wait3A_1559 = arith.constant 0 : i32
    %dma_wait3A_1560 = tpu.memref_slice %arg6[%dma_wait3A_1551, %dma_wait3A_1552, %dma_wait3A_1559] : memref<4x8x128xi32, #tpu.memory_space<vmem>> -> memref<1x1x128xi32, #tpu.memory_space<vmem>>
    %dma_wait3A_1561 = tpu.memref_squeeze %dma_wait3A_1560 : memref<1x1x128xi32, #tpu.memory_space<vmem>> -> memref<128xi32, #tpu.memory_space<vmem>>
    %dma_wait3A_1562 = arith.constant 0 : i32
    %dma_wait3A_1563 = arith.constant 0 : i32
    %dma_wait3A_1564 = tpu.memref_slice %arg4[%dma_wait3A_1562, %dma_wait3A_1563] : memref<4000x64xf32, #tpu.memory_space<hbm>> -> memref<4000x64xf32, #tpu.memory_space<hbm>>
    %dma_wait3A_1565 = tpu.memref_slice %arg8[%dma_wait3A_1554] : memref<4x!tpu.dma_semaphore, #tpu.memory_space<semaphore_mem>> -> memref<1x!tpu.dma_semaphore, #tpu.memory_space<semaphore_mem>>
    %dma_wait3A_1566 = tpu.memref_squeeze %dma_wait3A_1565 : memref<1x!tpu.dma_semaphore, #tpu.memory_space<semaphore_mem>> -> memref<!tpu.dma_semaphore, #tpu.memory_space<semaphore_mem>>
    tpu.wait_indirect_dma semaphore(%dma_wait3A_1566 : memref<!tpu.dma_semaphore, #tpu.memory_space<semaphore_mem>>) src(%dma_wait3A_1564 : memref<4000x64xf32, #tpu.memory_space<hbm>>) dst(%dma_wait3A_1558 : memref<128x64xf32, #tpu.memory_space<vmem>>)
    %add3A_1567 = arith.constant 384 : i32
    %add3A_1568 = arith.addi %mul3A_2, %add3A_1567 : i32
    %dma_start3A_1569 = arith.constant 3 : i32
    %dma_start3A_1570 = arith.constant 3 : i32
    %dma_start3A_1571 = arith.constant 0 : i32
    %dma_start3A_1572 = arith.constant 0 : i32
    %dma_start3A_1573 = tpu.memref_slice %arg7[%dma_start3A_1569, %dma_start3A_1571, %dma_start3A_1572] : memref<4x128x64xf32, #tpu.memory_space<vmem>> -> memref<1x128x64xf32, #tpu.memory_space<vmem>>
    %dma_start3A_1574 = tpu.memref_squeeze %dma_start3A_1573 : memref<1x128x64xf32, #tpu.memory_space<vmem>> -> memref<128x64xf32, #tpu.memory_space<vmem>>
    %dma_start3A_1575 = arith.constant 320 : i32
    %dma_start3A_1576 = tpu.memref_slice %arg5[%add3A_1568, %dma_start3A_1575] : memref<16384x512xf32, #tpu.memory_space<hbm>> -> memref<128x64xf32, #tpu.memory_space<hbm>>
    %dma_start3A_1577 = tpu.memref_slice %arg9[%dma_start3A_1570] : memref<4x!tpu.dma_semaphore, #tpu.memory_space<semaphore_mem>> -> memref<1x!tpu.dma_semaphore, #tpu.memory_space<semaphore_mem>>
    %dma_start3A_1578 = tpu.memref_squeeze %dma_start3A_1577 : memref<1x!tpu.dma_semaphore, #tpu.memory_space<semaphore_mem>> -> memref<!tpu.dma_semaphore, #tpu.memory_space<semaphore_mem>>
    %dma_start3A_1579 = arith.constant 320 : i32
    %dma_start3A_1580 = tpu.memref_slice %arg5[%add3A_1568, %dma_start3A_1579] : memref<16384x512xf32, #tpu.memory_space<hbm>> -> memref<128x64xf32, #tpu.memory_space<hbm>>
    %dma_start3A_1581 = arith.constant 0 : i32
    %dma_start3A_1582 = arith.constant 0 : i32
    %dma_start3A_1583 = tpu.memref_slice %arg7[%dma_start3A_1569, %dma_start3A_1581, %dma_start3A_1582] : memref<4x128x64xf32, #tpu.memory_space<vmem>> -> memref<1x128x64xf32, #tpu.memory_space<vmem>>
    %dma_start3A_1584 = tpu.memref_squeeze %dma_start3A_1583 : memref<1x128x64xf32, #tpu.memory_space<vmem>> -> memref<128x64xf32, #tpu.memory_space<vmem>>
    tpu.enqueue_dma source(%dma_start3A_1584 : memref<128x64xf32, #tpu.memory_space<vmem>>) target(%dma_start3A_1580 : memref<128x64xf32, #tpu.memory_space<hbm>>) target_semaphore(%dma_start3A_1578 : memref<!tpu.dma_semaphore, #tpu.memory_space<semaphore_mem>>)
    %dma_wait3A_1585 = arith.constant 2 : i32
    %dma_wait3A_1586 = arith.constant 2 : i32
    %dma_wait3A_1587 = arith.constant 0 : i32
    %dma_wait3A_1588 = arith.constant 0 : i32
    %dma_wait3A_1589 = tpu.memref_slice %arg7[%dma_wait3A_1585, %dma_wait3A_1587, %dma_wait3A_1588] : memref<4x128x64xf32, #tpu.memory_space<vmem>> -> memref<1x128x64xf32, #tpu.memory_space<vmem>>
    %dma_wait3A_1590 = tpu.memref_squeeze %dma_wait3A_1589 : memref<1x128x64xf32, #tpu.memory_space<vmem>> -> memref<128x64xf32, #tpu.memory_space<vmem>>
    %dma_wait3A_1591 = arith.constant 320 : i32
    %dma_wait3A_1592 = tpu.memref_slice %arg5[%add3A_1502, %dma_wait3A_1591] : memref<16384x512xf32, #tpu.memory_space<hbm>> -> memref<128x64xf32, #tpu.memory_space<hbm>>
    %dma_wait3A_1593 = tpu.memref_slice %arg9[%dma_wait3A_1586] : memref<4x!tpu.dma_semaphore, #tpu.memory_space<semaphore_mem>> -> memref<1x!tpu.dma_semaphore, #tpu.memory_space<semaphore_mem>>
    %dma_wait3A_1594 = tpu.memref_squeeze %dma_wait3A_1593 : memref<1x!tpu.dma_semaphore, #tpu.memory_space<semaphore_mem>> -> memref<!tpu.dma_semaphore, #tpu.memory_space<semaphore_mem>>
    %dma_wait3A_1595 = arith.constant 320 : i32
    %dma_wait3A_1596 = tpu.memref_slice %arg5[%add3A_1502, %dma_wait3A_1595] : memref<16384x512xf32, #tpu.memory_space<hbm>> -> memref<128x64xf32, #tpu.memory_space<hbm>>
    %dma_wait3A_1597 = arith.constant 0 : i32
    %dma_wait3A_1598 = arith.constant 0 : i32
    %dma_wait3A_1599 = tpu.memref_slice %arg7[%dma_wait3A_1585, %dma_wait3A_1597, %dma_wait3A_1598] : memref<4x128x64xf32, #tpu.memory_space<vmem>> -> memref<1x128x64xf32, #tpu.memory_space<vmem>>
    %dma_wait3A_1600 = tpu.memref_squeeze %dma_wait3A_1599 : memref<1x128x64xf32, #tpu.memory_space<vmem>> -> memref<128x64xf32, #tpu.memory_space<vmem>>
    tpu.wait_dma2 semaphore(%dma_wait3A_1594 : memref<!tpu.dma_semaphore, #tpu.memory_space<semaphore_mem>>) src(%dma_wait3A_1600 : memref<128x64xf32, #tpu.memory_space<vmem>>) dst(%dma_wait3A_1596 : memref<128x64xf32, #tpu.memory_space<hbm>>)
    %dma_start3A_1601 = arith.constant 2 : i32
    %dma_start3A_1602 = arith.constant 6 : i32
    %dma_start3A_1603 = arith.constant 2 : i32
    %dma_start3A_1604 = arith.constant 2 : i32
    %dma_start3A_1605 = arith.constant 0 : i32
    %dma_start3A_1606 = arith.constant 0 : i32
    %dma_start3A_1607 = tpu.memref_slice %arg7[%dma_start3A_1603, %dma_start3A_1605, %dma_start3A_1606] : memref<4x128x64xf32, #tpu.memory_space<vmem>> -> memref<1x128x64xf32, #tpu.memory_space<vmem>>
    %dma_start3A_1608 = tpu.memref_squeeze %dma_start3A_1607 : memref<1x128x64xf32, #tpu.memory_space<vmem>> -> memref<128x64xf32, #tpu.memory_space<vmem>>
    %dma_start3A_1609 = arith.constant 0 : i32
    %dma_start3A_1610 = tpu.memref_slice %arg6[%dma_start3A_1601, %dma_start3A_1602, %dma_start3A_1609] : memref<4x8x128xi32, #tpu.memory_space<vmem>> -> memref<1x1x128xi32, #tpu.memory_space<vmem>>
    %dma_start3A_1611 = tpu.memref_squeeze %dma_start3A_1610 : memref<1x1x128xi32, #tpu.memory_space<vmem>> -> memref<128xi32, #tpu.memory_space<vmem>>
    %dma_start3A_1612 = arith.constant 0 : i32
    %dma_start3A_1613 = arith.constant 0 : i32
    %dma_start3A_1614 = tpu.memref_slice %arg4[%dma_start3A_1612, %dma_start3A_1613] : memref<4000x64xf32, #tpu.memory_space<hbm>> -> memref<4000x64xf32, #tpu.memory_space<hbm>>
    %dma_start3A_1615 = tpu.memref_slice %arg8[%dma_start3A_1604] : memref<4x!tpu.dma_semaphore, #tpu.memory_space<semaphore_mem>> -> memref<1x!tpu.dma_semaphore, #tpu.memory_space<semaphore_mem>>
    %dma_start3A_1616 = tpu.memref_squeeze %dma_start3A_1615 : memref<1x!tpu.dma_semaphore, #tpu.memory_space<semaphore_mem>> -> memref<!tpu.dma_semaphore, #tpu.memory_space<semaphore_mem>>
    tpu.enqueue_indirect_dma source(%dma_start3A_1614 : memref<4000x64xf32, #tpu.memory_space<hbm>>) target(%dma_start3A_1608 : memref<128x64xf32, #tpu.memory_space<vmem>>) offsets(%dma_start3A_1611 : memref<128xi32, #tpu.memory_space<vmem>>) semaphore(%dma_start3A_1616 : memref<!tpu.dma_semaphore, #tpu.memory_space<semaphore_mem>>)
    %dma_wait3A_1617 = arith.constant 0 : i32
    %dma_wait3A_1618 = arith.constant 6 : i32
    %dma_wait3A_1619 = arith.constant 0 : i32
    %dma_wait3A_1620 = arith.constant 0 : i32
    %dma_wait3A_1621 = arith.constant 0 : i32
    %dma_wait3A_1622 = arith.constant 0 : i32
    %dma_wait3A_1623 = tpu.memref_slice %arg7[%dma_wait3A_1619, %dma_wait3A_1621, %dma_wait3A_1622] : memref<4x128x64xf32, #tpu.memory_space<vmem>> -> memref<1x128x64xf32, #tpu.memory_space<vmem>>
    %dma_wait3A_1624 = tpu.memref_squeeze %dma_wait3A_1623 : memref<1x128x64xf32, #tpu.memory_space<vmem>> -> memref<128x64xf32, #tpu.memory_space<vmem>>
    %dma_wait3A_1625 = arith.constant 0 : i32
    %dma_wait3A_1626 = tpu.memref_slice %arg6[%dma_wait3A_1617, %dma_wait3A_1618, %dma_wait3A_1625] : memref<4x8x128xi32, #tpu.memory_space<vmem>> -> memref<1x1x128xi32, #tpu.memory_space<vmem>>
    %dma_wait3A_1627 = tpu.memref_squeeze %dma_wait3A_1626 : memref<1x1x128xi32, #tpu.memory_space<vmem>> -> memref<128xi32, #tpu.memory_space<vmem>>
    %dma_wait3A_1628 = arith.constant 0 : i32
    %dma_wait3A_1629 = arith.constant 0 : i32
    %dma_wait3A_1630 = tpu.memref_slice %arg4[%dma_wait3A_1628, %dma_wait3A_1629] : memref<4000x64xf32, #tpu.memory_space<hbm>> -> memref<4000x64xf32, #tpu.memory_space<hbm>>
    %dma_wait3A_1631 = tpu.memref_slice %arg8[%dma_wait3A_1620] : memref<4x!tpu.dma_semaphore, #tpu.memory_space<semaphore_mem>> -> memref<1x!tpu.dma_semaphore, #tpu.memory_space<semaphore_mem>>
    %dma_wait3A_1632 = tpu.memref_squeeze %dma_wait3A_1631 : memref<1x!tpu.dma_semaphore, #tpu.memory_space<semaphore_mem>> -> memref<!tpu.dma_semaphore, #tpu.memory_space<semaphore_mem>>
    tpu.wait_indirect_dma semaphore(%dma_wait3A_1632 : memref<!tpu.dma_semaphore, #tpu.memory_space<semaphore_mem>>) src(%dma_wait3A_1630 : memref<4000x64xf32, #tpu.memory_space<hbm>>) dst(%dma_wait3A_1624 : memref<128x64xf32, #tpu.memory_space<vmem>>)
    %add3A_1633 = arith.constant 0 : i32
    %add3A_1634 = arith.addi %mul3A_2, %add3A_1633 : i32
    %dma_start3A_1635 = arith.constant 0 : i32
    %dma_start3A_1636 = arith.constant 0 : i32
    %dma_start3A_1637 = arith.constant 0 : i32
    %dma_start3A_1638 = arith.constant 0 : i32
    %dma_start3A_1639 = tpu.memref_slice %arg7[%dma_start3A_1635, %dma_start3A_1637, %dma_start3A_1638] : memref<4x128x64xf32, #tpu.memory_space<vmem>> -> memref<1x128x64xf32, #tpu.memory_space<vmem>>
    %dma_start3A_1640 = tpu.memref_squeeze %dma_start3A_1639 : memref<1x128x64xf32, #tpu.memory_space<vmem>> -> memref<128x64xf32, #tpu.memory_space<vmem>>
    %dma_start3A_1641 = arith.constant 384 : i32
    %dma_start3A_1642 = tpu.memref_slice %arg5[%add3A_1634, %dma_start3A_1641] : memref<16384x512xf32, #tpu.memory_space<hbm>> -> memref<128x64xf32, #tpu.memory_space<hbm>>
    %dma_start3A_1643 = tpu.memref_slice %arg9[%dma_start3A_1636] : memref<4x!tpu.dma_semaphore, #tpu.memory_space<semaphore_mem>> -> memref<1x!tpu.dma_semaphore, #tpu.memory_space<semaphore_mem>>
    %dma_start3A_1644 = tpu.memref_squeeze %dma_start3A_1643 : memref<1x!tpu.dma_semaphore, #tpu.memory_space<semaphore_mem>> -> memref<!tpu.dma_semaphore, #tpu.memory_space<semaphore_mem>>
    %dma_start3A_1645 = arith.constant 384 : i32
    %dma_start3A_1646 = tpu.memref_slice %arg5[%add3A_1634, %dma_start3A_1645] : memref<16384x512xf32, #tpu.memory_space<hbm>> -> memref<128x64xf32, #tpu.memory_space<hbm>>
    %dma_start3A_1647 = arith.constant 0 : i32
    %dma_start3A_1648 = arith.constant 0 : i32
    %dma_start3A_1649 = tpu.memref_slice %arg7[%dma_start3A_1635, %dma_start3A_1647, %dma_start3A_1648] : memref<4x128x64xf32, #tpu.memory_space<vmem>> -> memref<1x128x64xf32, #tpu.memory_space<vmem>>
    %dma_start3A_1650 = tpu.memref_squeeze %dma_start3A_1649 : memref<1x128x64xf32, #tpu.memory_space<vmem>> -> memref<128x64xf32, #tpu.memory_space<vmem>>
    tpu.enqueue_dma source(%dma_start3A_1650 : memref<128x64xf32, #tpu.memory_space<vmem>>) target(%dma_start3A_1646 : memref<128x64xf32, #tpu.memory_space<hbm>>) target_semaphore(%dma_start3A_1644 : memref<!tpu.dma_semaphore, #tpu.memory_space<semaphore_mem>>)
    %dma_wait3A_1651 = arith.constant 3 : i32
    %dma_wait3A_1652 = arith.constant 3 : i32
    %dma_wait3A_1653 = arith.constant 0 : i32
    %dma_wait3A_1654 = arith.constant 0 : i32
    %dma_wait3A_1655 = tpu.memref_slice %arg7[%dma_wait3A_1651, %dma_wait3A_1653, %dma_wait3A_1654] : memref<4x128x64xf32, #tpu.memory_space<vmem>> -> memref<1x128x64xf32, #tpu.memory_space<vmem>>
    %dma_wait3A_1656 = tpu.memref_squeeze %dma_wait3A_1655 : memref<1x128x64xf32, #tpu.memory_space<vmem>> -> memref<128x64xf32, #tpu.memory_space<vmem>>
    %dma_wait3A_1657 = arith.constant 320 : i32
    %dma_wait3A_1658 = tpu.memref_slice %arg5[%add3A_1568, %dma_wait3A_1657] : memref<16384x512xf32, #tpu.memory_space<hbm>> -> memref<128x64xf32, #tpu.memory_space<hbm>>
    %dma_wait3A_1659 = tpu.memref_slice %arg9[%dma_wait3A_1652] : memref<4x!tpu.dma_semaphore, #tpu.memory_space<semaphore_mem>> -> memref<1x!tpu.dma_semaphore, #tpu.memory_space<semaphore_mem>>
    %dma_wait3A_1660 = tpu.memref_squeeze %dma_wait3A_1659 : memref<1x!tpu.dma_semaphore, #tpu.memory_space<semaphore_mem>> -> memref<!tpu.dma_semaphore, #tpu.memory_space<semaphore_mem>>
    %dma_wait3A_1661 = arith.constant 320 : i32
    %dma_wait3A_1662 = tpu.memref_slice %arg5[%add3A_1568, %dma_wait3A_1661] : memref<16384x512xf32, #tpu.memory_space<hbm>> -> memref<128x64xf32, #tpu.memory_space<hbm>>
    %dma_wait3A_1663 = arith.constant 0 : i32
    %dma_wait3A_1664 = arith.constant 0 : i32
    %dma_wait3A_1665 = tpu.memref_slice %arg7[%dma_wait3A_1651, %dma_wait3A_1663, %dma_wait3A_1664] : memref<4x128x64xf32, #tpu.memory_space<vmem>> -> memref<1x128x64xf32, #tpu.memory_space<vmem>>
    %dma_wait3A_1666 = tpu.memref_squeeze %dma_wait3A_1665 : memref<1x128x64xf32, #tpu.memory_space<vmem>> -> memref<128x64xf32, #tpu.memory_space<vmem>>
    tpu.wait_dma2 semaphore(%dma_wait3A_1660 : memref<!tpu.dma_semaphore, #tpu.memory_space<semaphore_mem>>) src(%dma_wait3A_1666 : memref<128x64xf32, #tpu.memory_space<vmem>>) dst(%dma_wait3A_1662 : memref<128x64xf32, #tpu.memory_space<hbm>>)
    %dma_start3A_1667 = arith.constant 3 : i32
    %dma_start3A_1668 = arith.constant 6 : i32
    %dma_start3A_1669 = arith.constant 3 : i32
    %dma_start3A_1670 = arith.constant 3 : i32
    %dma_start3A_1671 = arith.constant 0 : i32
    %dma_start3A_1672 = arith.constant 0 : i32
    %dma_start3A_1673 = tpu.memref_slice %arg7[%dma_start3A_1669, %dma_start3A_1671, %dma_start3A_1672] : memref<4x128x64xf32, #tpu.memory_space<vmem>> -> memref<1x128x64xf32, #tpu.memory_space<vmem>>
    %dma_start3A_1674 = tpu.memref_squeeze %dma_start3A_1673 : memref<1x128x64xf32, #tpu.memory_space<vmem>> -> memref<128x64xf32, #tpu.memory_space<vmem>>
    %dma_start3A_1675 = arith.constant 0 : i32
    %dma_start3A_1676 = tpu.memref_slice %arg6[%dma_start3A_1667, %dma_start3A_1668, %dma_start3A_1675] : memref<4x8x128xi32, #tpu.memory_space<vmem>> -> memref<1x1x128xi32, #tpu.memory_space<vmem>>
    %dma_start3A_1677 = tpu.memref_squeeze %dma_start3A_1676 : memref<1x1x128xi32, #tpu.memory_space<vmem>> -> memref<128xi32, #tpu.memory_space<vmem>>
    %dma_start3A_1678 = arith.constant 0 : i32
    %dma_start3A_1679 = arith.constant 0 : i32
    %dma_start3A_1680 = tpu.memref_slice %arg4[%dma_start3A_1678, %dma_start3A_1679] : memref<4000x64xf32, #tpu.memory_space<hbm>> -> memref<4000x64xf32, #tpu.memory_space<hbm>>
    %dma_start3A_1681 = tpu.memref_slice %arg8[%dma_start3A_1670] : memref<4x!tpu.dma_semaphore, #tpu.memory_space<semaphore_mem>> -> memref<1x!tpu.dma_semaphore, #tpu.memory_space<semaphore_mem>>
    %dma_start3A_1682 = tpu.memref_squeeze %dma_start3A_1681 : memref<1x!tpu.dma_semaphore, #tpu.memory_space<semaphore_mem>> -> memref<!tpu.dma_semaphore, #tpu.memory_space<semaphore_mem>>
    tpu.enqueue_indirect_dma source(%dma_start3A_1680 : memref<4000x64xf32, #tpu.memory_space<hbm>>) target(%dma_start3A_1674 : memref<128x64xf32, #tpu.memory_space<vmem>>) offsets(%dma_start3A_1677 : memref<128xi32, #tpu.memory_space<vmem>>) semaphore(%dma_start3A_1682 : memref<!tpu.dma_semaphore, #tpu.memory_space<semaphore_mem>>)
    %dma_wait3A_1683 = arith.constant 1 : i32
    %dma_wait3A_1684 = arith.constant 6 : i32
    %dma_wait3A_1685 = arith.constant 1 : i32
    %dma_wait3A_1686 = arith.constant 1 : i32
    %dma_wait3A_1687 = arith.constant 0 : i32
    %dma_wait3A_1688 = arith.constant 0 : i32
    %dma_wait3A_1689 = tpu.memref_slice %arg7[%dma_wait3A_1685, %dma_wait3A_1687, %dma_wait3A_1688] : memref<4x128x64xf32, #tpu.memory_space<vmem>> -> memref<1x128x64xf32, #tpu.memory_space<vmem>>
    %dma_wait3A_1690 = tpu.memref_squeeze %dma_wait3A_1689 : memref<1x128x64xf32, #tpu.memory_space<vmem>> -> memref<128x64xf32, #tpu.memory_space<vmem>>
    %dma_wait3A_1691 = arith.constant 0 : i32
    %dma_wait3A_1692 = tpu.memref_slice %arg6[%dma_wait3A_1683, %dma_wait3A_1684, %dma_wait3A_1691] : memref<4x8x128xi32, #tpu.memory_space<vmem>> -> memref<1x1x128xi32, #tpu.memory_space<vmem>>
    %dma_wait3A_1693 = tpu.memref_squeeze %dma_wait3A_1692 : memref<1x1x128xi32, #tpu.memory_space<vmem>> -> memref<128xi32, #tpu.memory_space<vmem>>
    %dma_wait3A_1694 = arith.constant 0 : i32
    %dma_wait3A_1695 = arith.constant 0 : i32
    %dma_wait3A_1696 = tpu.memref_slice %arg4[%dma_wait3A_1694, %dma_wait3A_1695] : memref<4000x64xf32, #tpu.memory_space<hbm>> -> memref<4000x64xf32, #tpu.memory_space<hbm>>
    %dma_wait3A_1697 = tpu.memref_slice %arg8[%dma_wait3A_1686] : memref<4x!tpu.dma_semaphore, #tpu.memory_space<semaphore_mem>> -> memref<1x!tpu.dma_semaphore, #tpu.memory_space<semaphore_mem>>
    %dma_wait3A_1698 = tpu.memref_squeeze %dma_wait3A_1697 : memref<1x!tpu.dma_semaphore, #tpu.memory_space<semaphore_mem>> -> memref<!tpu.dma_semaphore, #tpu.memory_space<semaphore_mem>>
    tpu.wait_indirect_dma semaphore(%dma_wait3A_1698 : memref<!tpu.dma_semaphore, #tpu.memory_space<semaphore_mem>>) src(%dma_wait3A_1696 : memref<4000x64xf32, #tpu.memory_space<hbm>>) dst(%dma_wait3A_1690 : memref<128x64xf32, #tpu.memory_space<vmem>>)
    %add3A_1699 = arith.constant 128 : i32
    %add3A_1700 = arith.addi %mul3A_2, %add3A_1699 : i32
    %dma_start3A_1701 = arith.constant 1 : i32
    %dma_start3A_1702 = arith.constant 1 : i32
    %dma_start3A_1703 = arith.constant 0 : i32
    %dma_start3A_1704 = arith.constant 0 : i32
    %dma_start3A_1705 = tpu.memref_slice %arg7[%dma_start3A_1701, %dma_start3A_1703, %dma_start3A_1704] : memref<4x128x64xf32, #tpu.memory_space<vmem>> -> memref<1x128x64xf32, #tpu.memory_space<vmem>>
    %dma_start3A_1706 = tpu.memref_squeeze %dma_start3A_1705 : memref<1x128x64xf32, #tpu.memory_space<vmem>> -> memref<128x64xf32, #tpu.memory_space<vmem>>
    %dma_start3A_1707 = arith.constant 384 : i32
    %dma_start3A_1708 = tpu.memref_slice %arg5[%add3A_1700, %dma_start3A_1707] : memref<16384x512xf32, #tpu.memory_space<hbm>> -> memref<128x64xf32, #tpu.memory_space<hbm>>
    %dma_start3A_1709 = tpu.memref_slice %arg9[%dma_start3A_1702] : memref<4x!tpu.dma_semaphore, #tpu.memory_space<semaphore_mem>> -> memref<1x!tpu.dma_semaphore, #tpu.memory_space<semaphore_mem>>
    %dma_start3A_1710 = tpu.memref_squeeze %dma_start3A_1709 : memref<1x!tpu.dma_semaphore, #tpu.memory_space<semaphore_mem>> -> memref<!tpu.dma_semaphore, #tpu.memory_space<semaphore_mem>>
    %dma_start3A_1711 = arith.constant 384 : i32
    %dma_start3A_1712 = tpu.memref_slice %arg5[%add3A_1700, %dma_start3A_1711] : memref<16384x512xf32, #tpu.memory_space<hbm>> -> memref<128x64xf32, #tpu.memory_space<hbm>>
    %dma_start3A_1713 = arith.constant 0 : i32
    %dma_start3A_1714 = arith.constant 0 : i32
    %dma_start3A_1715 = tpu.memref_slice %arg7[%dma_start3A_1701, %dma_start3A_1713, %dma_start3A_1714] : memref<4x128x64xf32, #tpu.memory_space<vmem>> -> memref<1x128x64xf32, #tpu.memory_space<vmem>>
    %dma_start3A_1716 = tpu.memref_squeeze %dma_start3A_1715 : memref<1x128x64xf32, #tpu.memory_space<vmem>> -> memref<128x64xf32, #tpu.memory_space<vmem>>
    tpu.enqueue_dma source(%dma_start3A_1716 : memref<128x64xf32, #tpu.memory_space<vmem>>) target(%dma_start3A_1712 : memref<128x64xf32, #tpu.memory_space<hbm>>) target_semaphore(%dma_start3A_1710 : memref<!tpu.dma_semaphore, #tpu.memory_space<semaphore_mem>>)
    %dma_wait3A_1717 = arith.constant 0 : i32
    %dma_wait3A_1718 = arith.constant 0 : i32
    %dma_wait3A_1719 = arith.constant 0 : i32
    %dma_wait3A_1720 = arith.constant 0 : i32
    %dma_wait3A_1721 = tpu.memref_slice %arg7[%dma_wait3A_1717, %dma_wait3A_1719, %dma_wait3A_1720] : memref<4x128x64xf32, #tpu.memory_space<vmem>> -> memref<1x128x64xf32, #tpu.memory_space<vmem>>
    %dma_wait3A_1722 = tpu.memref_squeeze %dma_wait3A_1721 : memref<1x128x64xf32, #tpu.memory_space<vmem>> -> memref<128x64xf32, #tpu.memory_space<vmem>>
    %dma_wait3A_1723 = arith.constant 384 : i32
    %dma_wait3A_1724 = tpu.memref_slice %arg5[%add3A_1634, %dma_wait3A_1723] : memref<16384x512xf32, #tpu.memory_space<hbm>> -> memref<128x64xf32, #tpu.memory_space<hbm>>
    %dma_wait3A_1725 = tpu.memref_slice %arg9[%dma_wait3A_1718] : memref<4x!tpu.dma_semaphore, #tpu.memory_space<semaphore_mem>> -> memref<1x!tpu.dma_semaphore, #tpu.memory_space<semaphore_mem>>
    %dma_wait3A_1726 = tpu.memref_squeeze %dma_wait3A_1725 : memref<1x!tpu.dma_semaphore, #tpu.memory_space<semaphore_mem>> -> memref<!tpu.dma_semaphore, #tpu.memory_space<semaphore_mem>>
    %dma_wait3A_1727 = arith.constant 384 : i32
    %dma_wait3A_1728 = tpu.memref_slice %arg5[%add3A_1634, %dma_wait3A_1727] : memref<16384x512xf32, #tpu.memory_space<hbm>> -> memref<128x64xf32, #tpu.memory_space<hbm>>
    %dma_wait3A_1729 = arith.constant 0 : i32
    %dma_wait3A_1730 = arith.constant 0 : i32
    %dma_wait3A_1731 = tpu.memref_slice %arg7[%dma_wait3A_1717, %dma_wait3A_1729, %dma_wait3A_1730] : memref<4x128x64xf32, #tpu.memory_space<vmem>> -> memref<1x128x64xf32, #tpu.memory_space<vmem>>
    %dma_wait3A_1732 = tpu.memref_squeeze %dma_wait3A_1731 : memref<1x128x64xf32, #tpu.memory_space<vmem>> -> memref<128x64xf32, #tpu.memory_space<vmem>>
    tpu.wait_dma2 semaphore(%dma_wait3A_1726 : memref<!tpu.dma_semaphore, #tpu.memory_space<semaphore_mem>>) src(%dma_wait3A_1732 : memref<128x64xf32, #tpu.memory_space<vmem>>) dst(%dma_wait3A_1728 : memref<128x64xf32, #tpu.memory_space<hbm>>)
    %dma_start3A_1733 = arith.constant 0 : i32
    %dma_start3A_1734 = arith.constant 7 : i32
    %dma_start3A_1735 = arith.constant 0 : i32
    %dma_start3A_1736 = arith.constant 0 : i32
    %dma_start3A_1737 = arith.constant 0 : i32
    %dma_start3A_1738 = arith.constant 0 : i32
    %dma_start3A_1739 = tpu.memref_slice %arg7[%dma_start3A_1735, %dma_start3A_1737, %dma_start3A_1738] : memref<4x128x64xf32, #tpu.memory_space<vmem>> -> memref<1x128x64xf32, #tpu.memory_space<vmem>>
    %dma_start3A_1740 = tpu.memref_squeeze %dma_start3A_1739 : memref<1x128x64xf32, #tpu.memory_space<vmem>> -> memref<128x64xf32, #tpu.memory_space<vmem>>
    %dma_start3A_1741 = arith.constant 0 : i32
    %dma_start3A_1742 = tpu.memref_slice %arg6[%dma_start3A_1733, %dma_start3A_1734, %dma_start3A_1741] : memref<4x8x128xi32, #tpu.memory_space<vmem>> -> memref<1x1x128xi32, #tpu.memory_space<vmem>>
    %dma_start3A_1743 = tpu.memref_squeeze %dma_start3A_1742 : memref<1x1x128xi32, #tpu.memory_space<vmem>> -> memref<128xi32, #tpu.memory_space<vmem>>
    %dma_start3A_1744 = arith.constant 0 : i32
    %dma_start3A_1745 = arith.constant 0 : i32
    %dma_start3A_1746 = tpu.memref_slice %arg4[%dma_start3A_1744, %dma_start3A_1745] : memref<4000x64xf32, #tpu.memory_space<hbm>> -> memref<4000x64xf32, #tpu.memory_space<hbm>>
    %dma_start3A_1747 = tpu.memref_slice %arg8[%dma_start3A_1736] : memref<4x!tpu.dma_semaphore, #tpu.memory_space<semaphore_mem>> -> memref<1x!tpu.dma_semaphore, #tpu.memory_space<semaphore_mem>>
    %dma_start3A_1748 = tpu.memref_squeeze %dma_start3A_1747 : memref<1x!tpu.dma_semaphore, #tpu.memory_space<semaphore_mem>> -> memref<!tpu.dma_semaphore, #tpu.memory_space<semaphore_mem>>
    tpu.enqueue_indirect_dma source(%dma_start3A_1746 : memref<4000x64xf32, #tpu.memory_space<hbm>>) target(%dma_start3A_1740 : memref<128x64xf32, #tpu.memory_space<vmem>>) offsets(%dma_start3A_1743 : memref<128xi32, #tpu.memory_space<vmem>>) semaphore(%dma_start3A_1748 : memref<!tpu.dma_semaphore, #tpu.memory_space<semaphore_mem>>)
    %dma_wait3A_1749 = arith.constant 2 : i32
    %dma_wait3A_1750 = arith.constant 6 : i32
    %dma_wait3A_1751 = arith.constant 2 : i32
    %dma_wait3A_1752 = arith.constant 2 : i32
    %dma_wait3A_1753 = arith.constant 0 : i32
    %dma_wait3A_1754 = arith.constant 0 : i32
    %dma_wait3A_1755 = tpu.memref_slice %arg7[%dma_wait3A_1751, %dma_wait3A_1753, %dma_wait3A_1754] : memref<4x128x64xf32, #tpu.memory_space<vmem>> -> memref<1x128x64xf32, #tpu.memory_space<vmem>>
    %dma_wait3A_1756 = tpu.memref_squeeze %dma_wait3A_1755 : memref<1x128x64xf32, #tpu.memory_space<vmem>> -> memref<128x64xf32, #tpu.memory_space<vmem>>
    %dma_wait3A_1757 = arith.constant 0 : i32
    %dma_wait3A_1758 = tpu.memref_slice %arg6[%dma_wait3A_1749, %dma_wait3A_1750, %dma_wait3A_1757] : memref<4x8x128xi32, #tpu.memory_space<vmem>> -> memref<1x1x128xi32, #tpu.memory_space<vmem>>
    %dma_wait3A_1759 = tpu.memref_squeeze %dma_wait3A_1758 : memref<1x1x128xi32, #tpu.memory_space<vmem>> -> memref<128xi32, #tpu.memory_space<vmem>>
    %dma_wait3A_1760 = arith.constant 0 : i32
    %dma_wait3A_1761 = arith.constant 0 : i32
    %dma_wait3A_1762 = tpu.memref_slice %arg4[%dma_wait3A_1760, %dma_wait3A_1761] : memref<4000x64xf32, #tpu.memory_space<hbm>> -> memref<4000x64xf32, #tpu.memory_space<hbm>>
    %dma_wait3A_1763 = tpu.memref_slice %arg8[%dma_wait3A_1752] : memref<4x!tpu.dma_semaphore, #tpu.memory_space<semaphore_mem>> -> memref<1x!tpu.dma_semaphore, #tpu.memory_space<semaphore_mem>>
    %dma_wait3A_1764 = tpu.memref_squeeze %dma_wait3A_1763 : memref<1x!tpu.dma_semaphore, #tpu.memory_space<semaphore_mem>> -> memref<!tpu.dma_semaphore, #tpu.memory_space<semaphore_mem>>
    tpu.wait_indirect_dma semaphore(%dma_wait3A_1764 : memref<!tpu.dma_semaphore, #tpu.memory_space<semaphore_mem>>) src(%dma_wait3A_1762 : memref<4000x64xf32, #tpu.memory_space<hbm>>) dst(%dma_wait3A_1756 : memref<128x64xf32, #tpu.memory_space<vmem>>)
    %add3A_1765 = arith.constant 256 : i32
    %add3A_1766 = arith.addi %mul3A_2, %add3A_1765 : i32
    %dma_start3A_1767 = arith.constant 2 : i32
    %dma_start3A_1768 = arith.constant 2 : i32
    %dma_start3A_1769 = arith.constant 0 : i32
    %dma_start3A_1770 = arith.constant 0 : i32
    %dma_start3A_1771 = tpu.memref_slice %arg7[%dma_start3A_1767, %dma_start3A_1769, %dma_start3A_1770] : memref<4x128x64xf32, #tpu.memory_space<vmem>> -> memref<1x128x64xf32, #tpu.memory_space<vmem>>
    %dma_start3A_1772 = tpu.memref_squeeze %dma_start3A_1771 : memref<1x128x64xf32, #tpu.memory_space<vmem>> -> memref<128x64xf32, #tpu.memory_space<vmem>>
    %dma_start3A_1773 = arith.constant 384 : i32
    %dma_start3A_1774 = tpu.memref_slice %arg5[%add3A_1766, %dma_start3A_1773] : memref<16384x512xf32, #tpu.memory_space<hbm>> -> memref<128x64xf32, #tpu.memory_space<hbm>>
    %dma_start3A_1775 = tpu.memref_slice %arg9[%dma_start3A_1768] : memref<4x!tpu.dma_semaphore, #tpu.memory_space<semaphore_mem>> -> memref<1x!tpu.dma_semaphore, #tpu.memory_space<semaphore_mem>>
    %dma_start3A_1776 = tpu.memref_squeeze %dma_start3A_1775 : memref<1x!tpu.dma_semaphore, #tpu.memory_space<semaphore_mem>> -> memref<!tpu.dma_semaphore, #tpu.memory_space<semaphore_mem>>
    %dma_start3A_1777 = arith.constant 384 : i32
    %dma_start3A_1778 = tpu.memref_slice %arg5[%add3A_1766, %dma_start3A_1777] : memref<16384x512xf32, #tpu.memory_space<hbm>> -> memref<128x64xf32, #tpu.memory_space<hbm>>
    %dma_start3A_1779 = arith.constant 0 : i32
    %dma_start3A_1780 = arith.constant 0 : i32
    %dma_start3A_1781 = tpu.memref_slice %arg7[%dma_start3A_1767, %dma_start3A_1779, %dma_start3A_1780] : memref<4x128x64xf32, #tpu.memory_space<vmem>> -> memref<1x128x64xf32, #tpu.memory_space<vmem>>
    %dma_start3A_1782 = tpu.memref_squeeze %dma_start3A_1781 : memref<1x128x64xf32, #tpu.memory_space<vmem>> -> memref<128x64xf32, #tpu.memory_space<vmem>>
    tpu.enqueue_dma source(%dma_start3A_1782 : memref<128x64xf32, #tpu.memory_space<vmem>>) target(%dma_start3A_1778 : memref<128x64xf32, #tpu.memory_space<hbm>>) target_semaphore(%dma_start3A_1776 : memref<!tpu.dma_semaphore, #tpu.memory_space<semaphore_mem>>)
    %dma_wait3A_1783 = arith.constant 1 : i32
    %dma_wait3A_1784 = arith.constant 1 : i32
    %dma_wait3A_1785 = arith.constant 0 : i32
    %dma_wait3A_1786 = arith.constant 0 : i32
    %dma_wait3A_1787 = tpu.memref_slice %arg7[%dma_wait3A_1783, %dma_wait3A_1785, %dma_wait3A_1786] : memref<4x128x64xf32, #tpu.memory_space<vmem>> -> memref<1x128x64xf32, #tpu.memory_space<vmem>>
    %dma_wait3A_1788 = tpu.memref_squeeze %dma_wait3A_1787 : memref<1x128x64xf32, #tpu.memory_space<vmem>> -> memref<128x64xf32, #tpu.memory_space<vmem>>
    %dma_wait3A_1789 = arith.constant 384 : i32
    %dma_wait3A_1790 = tpu.memref_slice %arg5[%add3A_1700, %dma_wait3A_1789] : memref<16384x512xf32, #tpu.memory_space<hbm>> -> memref<128x64xf32, #tpu.memory_space<hbm>>
    %dma_wait3A_1791 = tpu.memref_slice %arg9[%dma_wait3A_1784] : memref<4x!tpu.dma_semaphore, #tpu.memory_space<semaphore_mem>> -> memref<1x!tpu.dma_semaphore, #tpu.memory_space<semaphore_mem>>
    %dma_wait3A_1792 = tpu.memref_squeeze %dma_wait3A_1791 : memref<1x!tpu.dma_semaphore, #tpu.memory_space<semaphore_mem>> -> memref<!tpu.dma_semaphore, #tpu.memory_space<semaphore_mem>>
    %dma_wait3A_1793 = arith.constant 384 : i32
    %dma_wait3A_1794 = tpu.memref_slice %arg5[%add3A_1700, %dma_wait3A_1793] : memref<16384x512xf32, #tpu.memory_space<hbm>> -> memref<128x64xf32, #tpu.memory_space<hbm>>
    %dma_wait3A_1795 = arith.constant 0 : i32
    %dma_wait3A_1796 = arith.constant 0 : i32
    %dma_wait3A_1797 = tpu.memref_slice %arg7[%dma_wait3A_1783, %dma_wait3A_1795, %dma_wait3A_1796] : memref<4x128x64xf32, #tpu.memory_space<vmem>> -> memref<1x128x64xf32, #tpu.memory_space<vmem>>
    %dma_wait3A_1798 = tpu.memref_squeeze %dma_wait3A_1797 : memref<1x128x64xf32, #tpu.memory_space<vmem>> -> memref<128x64xf32, #tpu.memory_space<vmem>>
    tpu.wait_dma2 semaphore(%dma_wait3A_1792 : memref<!tpu.dma_semaphore, #tpu.memory_space<semaphore_mem>>) src(%dma_wait3A_1798 : memref<128x64xf32, #tpu.memory_space<vmem>>) dst(%dma_wait3A_1794 : memref<128x64xf32, #tpu.memory_space<hbm>>)
    %dma_start3A_1799 = arith.constant 1 : i32
    %dma_start3A_1800 = arith.constant 7 : i32
    %dma_start3A_1801 = arith.constant 1 : i32
    %dma_start3A_1802 = arith.constant 1 : i32
    %dma_start3A_1803 = arith.constant 0 : i32
    %dma_start3A_1804 = arith.constant 0 : i32
    %dma_start3A_1805 = tpu.memref_slice %arg7[%dma_start3A_1801, %dma_start3A_1803, %dma_start3A_1804] : memref<4x128x64xf32, #tpu.memory_space<vmem>> -> memref<1x128x64xf32, #tpu.memory_space<vmem>>
    %dma_start3A_1806 = tpu.memref_squeeze %dma_start3A_1805 : memref<1x128x64xf32, #tpu.memory_space<vmem>> -> memref<128x64xf32, #tpu.memory_space<vmem>>
    %dma_start3A_1807 = arith.constant 0 : i32
    %dma_start3A_1808 = tpu.memref_slice %arg6[%dma_start3A_1799, %dma_start3A_1800, %dma_start3A_1807] : memref<4x8x128xi32, #tpu.memory_space<vmem>> -> memref<1x1x128xi32, #tpu.memory_space<vmem>>
    %dma_start3A_1809 = tpu.memref_squeeze %dma_start3A_1808 : memref<1x1x128xi32, #tpu.memory_space<vmem>> -> memref<128xi32, #tpu.memory_space<vmem>>
    %dma_start3A_1810 = arith.constant 0 : i32
    %dma_start3A_1811 = arith.constant 0 : i32
    %dma_start3A_1812 = tpu.memref_slice %arg4[%dma_start3A_1810, %dma_start3A_1811] : memref<4000x64xf32, #tpu.memory_space<hbm>> -> memref<4000x64xf32, #tpu.memory_space<hbm>>
    %dma_start3A_1813 = tpu.memref_slice %arg8[%dma_start3A_1802] : memref<4x!tpu.dma_semaphore, #tpu.memory_space<semaphore_mem>> -> memref<1x!tpu.dma_semaphore, #tpu.memory_space<semaphore_mem>>
    %dma_start3A_1814 = tpu.memref_squeeze %dma_start3A_1813 : memref<1x!tpu.dma_semaphore, #tpu.memory_space<semaphore_mem>> -> memref<!tpu.dma_semaphore, #tpu.memory_space<semaphore_mem>>
    tpu.enqueue_indirect_dma source(%dma_start3A_1812 : memref<4000x64xf32, #tpu.memory_space<hbm>>) target(%dma_start3A_1806 : memref<128x64xf32, #tpu.memory_space<vmem>>) offsets(%dma_start3A_1809 : memref<128xi32, #tpu.memory_space<vmem>>) semaphore(%dma_start3A_1814 : memref<!tpu.dma_semaphore, #tpu.memory_space<semaphore_mem>>)
    %dma_wait3A_1815 = arith.constant 3 : i32
    %dma_wait3A_1816 = arith.constant 6 : i32
    %dma_wait3A_1817 = arith.constant 3 : i32
    %dma_wait3A_1818 = arith.constant 3 : i32
    %dma_wait3A_1819 = arith.constant 0 : i32
    %dma_wait3A_1820 = arith.constant 0 : i32
    %dma_wait3A_1821 = tpu.memref_slice %arg7[%dma_wait3A_1817, %dma_wait3A_1819, %dma_wait3A_1820] : memref<4x128x64xf32, #tpu.memory_space<vmem>> -> memref<1x128x64xf32, #tpu.memory_space<vmem>>
    %dma_wait3A_1822 = tpu.memref_squeeze %dma_wait3A_1821 : memref<1x128x64xf32, #tpu.memory_space<vmem>> -> memref<128x64xf32, #tpu.memory_space<vmem>>
    %dma_wait3A_1823 = arith.constant 0 : i32
    %dma_wait3A_1824 = tpu.memref_slice %arg6[%dma_wait3A_1815, %dma_wait3A_1816, %dma_wait3A_1823] : memref<4x8x128xi32, #tpu.memory_space<vmem>> -> memref<1x1x128xi32, #tpu.memory_space<vmem>>
    %dma_wait3A_1825 = tpu.memref_squeeze %dma_wait3A_1824 : memref<1x1x128xi32, #tpu.memory_space<vmem>> -> memref<128xi32, #tpu.memory_space<vmem>>
    %dma_wait3A_1826 = arith.constant 0 : i32
    %dma_wait3A_1827 = arith.constant 0 : i32
    %dma_wait3A_1828 = tpu.memref_slice %arg4[%dma_wait3A_1826, %dma_wait3A_1827] : memref<4000x64xf32, #tpu.memory_space<hbm>> -> memref<4000x64xf32, #tpu.memory_space<hbm>>
    %dma_wait3A_1829 = tpu.memref_slice %arg8[%dma_wait3A_1818] : memref<4x!tpu.dma_semaphore, #tpu.memory_space<semaphore_mem>> -> memref<1x!tpu.dma_semaphore, #tpu.memory_space<semaphore_mem>>
    %dma_wait3A_1830 = tpu.memref_squeeze %dma_wait3A_1829 : memref<1x!tpu.dma_semaphore, #tpu.memory_space<semaphore_mem>> -> memref<!tpu.dma_semaphore, #tpu.memory_space<semaphore_mem>>
    tpu.wait_indirect_dma semaphore(%dma_wait3A_1830 : memref<!tpu.dma_semaphore, #tpu.memory_space<semaphore_mem>>) src(%dma_wait3A_1828 : memref<4000x64xf32, #tpu.memory_space<hbm>>) dst(%dma_wait3A_1822 : memref<128x64xf32, #tpu.memory_space<vmem>>)
    %add3A_1831 = arith.constant 384 : i32
    %add3A_1832 = arith.addi %mul3A_2, %add3A_1831 : i32
    %dma_start3A_1833 = arith.constant 3 : i32
    %dma_start3A_1834 = arith.constant 3 : i32
    %dma_start3A_1835 = arith.constant 0 : i32
    %dma_start3A_1836 = arith.constant 0 : i32
    %dma_start3A_1837 = tpu.memref_slice %arg7[%dma_start3A_1833, %dma_start3A_1835, %dma_start3A_1836] : memref<4x128x64xf32, #tpu.memory_space<vmem>> -> memref<1x128x64xf32, #tpu.memory_space<vmem>>
    %dma_start3A_1838 = tpu.memref_squeeze %dma_start3A_1837 : memref<1x128x64xf32, #tpu.memory_space<vmem>> -> memref<128x64xf32, #tpu.memory_space<vmem>>
    %dma_start3A_1839 = arith.constant 384 : i32
    %dma_start3A_1840 = tpu.memref_slice %arg5[%add3A_1832, %dma_start3A_1839] : memref<16384x512xf32, #tpu.memory_space<hbm>> -> memref<128x64xf32, #tpu.memory_space<hbm>>
    %dma_start3A_1841 = tpu.memref_slice %arg9[%dma_start3A_1834] : memref<4x!tpu.dma_semaphore, #tpu.memory_space<semaphore_mem>> -> memref<1x!tpu.dma_semaphore, #tpu.memory_space<semaphore_mem>>
    %dma_start3A_1842 = tpu.memref_squeeze %dma_start3A_1841 : memref<1x!tpu.dma_semaphore, #tpu.memory_space<semaphore_mem>> -> memref<!tpu.dma_semaphore, #tpu.memory_space<semaphore_mem>>
    %dma_start3A_1843 = arith.constant 384 : i32
    %dma_start3A_1844 = tpu.memref_slice %arg5[%add3A_1832, %dma_start3A_1843] : memref<16384x512xf32, #tpu.memory_space<hbm>> -> memref<128x64xf32, #tpu.memory_space<hbm>>
    %dma_start3A_1845 = arith.constant 0 : i32
    %dma_start3A_1846 = arith.constant 0 : i32
    %dma_start3A_1847 = tpu.memref_slice %arg7[%dma_start3A_1833, %dma_start3A_1845, %dma_start3A_1846] : memref<4x128x64xf32, #tpu.memory_space<vmem>> -> memref<1x128x64xf32, #tpu.memory_space<vmem>>
    %dma_start3A_1848 = tpu.memref_squeeze %dma_start3A_1847 : memref<1x128x64xf32, #tpu.memory_space<vmem>> -> memref<128x64xf32, #tpu.memory_space<vmem>>
    tpu.enqueue_dma source(%dma_start3A_1848 : memref<128x64xf32, #tpu.memory_space<vmem>>) target(%dma_start3A_1844 : memref<128x64xf32, #tpu.memory_space<hbm>>) target_semaphore(%dma_start3A_1842 : memref<!tpu.dma_semaphore, #tpu.memory_space<semaphore_mem>>)
    %dma_wait3A_1849 = arith.constant 2 : i32
    %dma_wait3A_1850 = arith.constant 2 : i32
    %dma_wait3A_1851 = arith.constant 0 : i32
    %dma_wait3A_1852 = arith.constant 0 : i32
    %dma_wait3A_1853 = tpu.memref_slice %arg7[%dma_wait3A_1849, %dma_wait3A_1851, %dma_wait3A_1852] : memref<4x128x64xf32, #tpu.memory_space<vmem>> -> memref<1x128x64xf32, #tpu.memory_space<vmem>>
    %dma_wait3A_1854 = tpu.memref_squeeze %dma_wait3A_1853 : memref<1x128x64xf32, #tpu.memory_space<vmem>> -> memref<128x64xf32, #tpu.memory_space<vmem>>
    %dma_wait3A_1855 = arith.constant 384 : i32
    %dma_wait3A_1856 = tpu.memref_slice %arg5[%add3A_1766, %dma_wait3A_1855] : memref<16384x512xf32, #tpu.memory_space<hbm>> -> memref<128x64xf32, #tpu.memory_space<hbm>>
    %dma_wait3A_1857 = tpu.memref_slice %arg9[%dma_wait3A_1850] : memref<4x!tpu.dma_semaphore, #tpu.memory_space<semaphore_mem>> -> memref<1x!tpu.dma_semaphore, #tpu.memory_space<semaphore_mem>>
    %dma_wait3A_1858 = tpu.memref_squeeze %dma_wait3A_1857 : memref<1x!tpu.dma_semaphore, #tpu.memory_space<semaphore_mem>> -> memref<!tpu.dma_semaphore, #tpu.memory_space<semaphore_mem>>
    %dma_wait3A_1859 = arith.constant 384 : i32
    %dma_wait3A_1860 = tpu.memref_slice %arg5[%add3A_1766, %dma_wait3A_1859] : memref<16384x512xf32, #tpu.memory_space<hbm>> -> memref<128x64xf32, #tpu.memory_space<hbm>>
    %dma_wait3A_1861 = arith.constant 0 : i32
    %dma_wait3A_1862 = arith.constant 0 : i32
    %dma_wait3A_1863 = tpu.memref_slice %arg7[%dma_wait3A_1849, %dma_wait3A_1861, %dma_wait3A_1862] : memref<4x128x64xf32, #tpu.memory_space<vmem>> -> memref<1x128x64xf32, #tpu.memory_space<vmem>>
    %dma_wait3A_1864 = tpu.memref_squeeze %dma_wait3A_1863 : memref<1x128x64xf32, #tpu.memory_space<vmem>> -> memref<128x64xf32, #tpu.memory_space<vmem>>
    tpu.wait_dma2 semaphore(%dma_wait3A_1858 : memref<!tpu.dma_semaphore, #tpu.memory_space<semaphore_mem>>) src(%dma_wait3A_1864 : memref<128x64xf32, #tpu.memory_space<vmem>>) dst(%dma_wait3A_1860 : memref<128x64xf32, #tpu.memory_space<hbm>>)
    %dma_start3A_1865 = arith.constant 2 : i32
    %dma_start3A_1866 = arith.constant 7 : i32
    %dma_start3A_1867 = arith.constant 2 : i32
    %dma_start3A_1868 = arith.constant 2 : i32
    %dma_start3A_1869 = arith.constant 0 : i32
    %dma_start3A_1870 = arith.constant 0 : i32
    %dma_start3A_1871 = tpu.memref_slice %arg7[%dma_start3A_1867, %dma_start3A_1869, %dma_start3A_1870] : memref<4x128x64xf32, #tpu.memory_space<vmem>> -> memref<1x128x64xf32, #tpu.memory_space<vmem>>
    %dma_start3A_1872 = tpu.memref_squeeze %dma_start3A_1871 : memref<1x128x64xf32, #tpu.memory_space<vmem>> -> memref<128x64xf32, #tpu.memory_space<vmem>>
    %dma_start3A_1873 = arith.constant 0 : i32
    %dma_start3A_1874 = tpu.memref_slice %arg6[%dma_start3A_1865, %dma_start3A_1866, %dma_start3A_1873] : memref<4x8x128xi32, #tpu.memory_space<vmem>> -> memref<1x1x128xi32, #tpu.memory_space<vmem>>
    %dma_start3A_1875 = tpu.memref_squeeze %dma_start3A_1874 : memref<1x1x128xi32, #tpu.memory_space<vmem>> -> memref<128xi32, #tpu.memory_space<vmem>>
    %dma_start3A_1876 = arith.constant 0 : i32
    %dma_start3A_1877 = arith.constant 0 : i32
    %dma_start3A_1878 = tpu.memref_slice %arg4[%dma_start3A_1876, %dma_start3A_1877] : memref<4000x64xf32, #tpu.memory_space<hbm>> -> memref<4000x64xf32, #tpu.memory_space<hbm>>
    %dma_start3A_1879 = tpu.memref_slice %arg8[%dma_start3A_1868] : memref<4x!tpu.dma_semaphore, #tpu.memory_space<semaphore_mem>> -> memref<1x!tpu.dma_semaphore, #tpu.memory_space<semaphore_mem>>
    %dma_start3A_1880 = tpu.memref_squeeze %dma_start3A_1879 : memref<1x!tpu.dma_semaphore, #tpu.memory_space<semaphore_mem>> -> memref<!tpu.dma_semaphore, #tpu.memory_space<semaphore_mem>>
    tpu.enqueue_indirect_dma source(%dma_start3A_1878 : memref<4000x64xf32, #tpu.memory_space<hbm>>) target(%dma_start3A_1872 : memref<128x64xf32, #tpu.memory_space<vmem>>) offsets(%dma_start3A_1875 : memref<128xi32, #tpu.memory_space<vmem>>) semaphore(%dma_start3A_1880 : memref<!tpu.dma_semaphore, #tpu.memory_space<semaphore_mem>>)
    %dma_wait3A_1881 = arith.constant 0 : i32
    %dma_wait3A_1882 = arith.constant 7 : i32
    %dma_wait3A_1883 = arith.constant 0 : i32
    %dma_wait3A_1884 = arith.constant 0 : i32
    %dma_wait3A_1885 = arith.constant 0 : i32
    %dma_wait3A_1886 = arith.constant 0 : i32
    %dma_wait3A_1887 = tpu.memref_slice %arg7[%dma_wait3A_1883, %dma_wait3A_1885, %dma_wait3A_1886] : memref<4x128x64xf32, #tpu.memory_space<vmem>> -> memref<1x128x64xf32, #tpu.memory_space<vmem>>
    %dma_wait3A_1888 = tpu.memref_squeeze %dma_wait3A_1887 : memref<1x128x64xf32, #tpu.memory_space<vmem>> -> memref<128x64xf32, #tpu.memory_space<vmem>>
    %dma_wait3A_1889 = arith.constant 0 : i32
    %dma_wait3A_1890 = tpu.memref_slice %arg6[%dma_wait3A_1881, %dma_wait3A_1882, %dma_wait3A_1889] : memref<4x8x128xi32, #tpu.memory_space<vmem>> -> memref<1x1x128xi32, #tpu.memory_space<vmem>>
    %dma_wait3A_1891 = tpu.memref_squeeze %dma_wait3A_1890 : memref<1x1x128xi32, #tpu.memory_space<vmem>> -> memref<128xi32, #tpu.memory_space<vmem>>
    %dma_wait3A_1892 = arith.constant 0 : i32
    %dma_wait3A_1893 = arith.constant 0 : i32
    %dma_wait3A_1894 = tpu.memref_slice %arg4[%dma_wait3A_1892, %dma_wait3A_1893] : memref<4000x64xf32, #tpu.memory_space<hbm>> -> memref<4000x64xf32, #tpu.memory_space<hbm>>
    %dma_wait3A_1895 = tpu.memref_slice %arg8[%dma_wait3A_1884] : memref<4x!tpu.dma_semaphore, #tpu.memory_space<semaphore_mem>> -> memref<1x!tpu.dma_semaphore, #tpu.memory_space<semaphore_mem>>
    %dma_wait3A_1896 = tpu.memref_squeeze %dma_wait3A_1895 : memref<1x!tpu.dma_semaphore, #tpu.memory_space<semaphore_mem>> -> memref<!tpu.dma_semaphore, #tpu.memory_space<semaphore_mem>>
    tpu.wait_indirect_dma semaphore(%dma_wait3A_1896 : memref<!tpu.dma_semaphore, #tpu.memory_space<semaphore_mem>>) src(%dma_wait3A_1894 : memref<4000x64xf32, #tpu.memory_space<hbm>>) dst(%dma_wait3A_1888 : memref<128x64xf32, #tpu.memory_space<vmem>>)
    %add3A_1897 = arith.constant 0 : i32
    %add3A_1898 = arith.addi %mul3A_2, %add3A_1897 : i32
    %dma_start3A_1899 = arith.constant 0 : i32
    %dma_start3A_1900 = arith.constant 0 : i32
    %dma_start3A_1901 = arith.constant 0 : i32
    %dma_start3A_1902 = arith.constant 0 : i32
    %dma_start3A_1903 = tpu.memref_slice %arg7[%dma_start3A_1899, %dma_start3A_1901, %dma_start3A_1902] : memref<4x128x64xf32, #tpu.memory_space<vmem>> -> memref<1x128x64xf32, #tpu.memory_space<vmem>>
    %dma_start3A_1904 = tpu.memref_squeeze %dma_start3A_1903 : memref<1x128x64xf32, #tpu.memory_space<vmem>> -> memref<128x64xf32, #tpu.memory_space<vmem>>
    %dma_start3A_1905 = arith.constant 448 : i32
    %dma_start3A_1906 = tpu.memref_slice %arg5[%add3A_1898, %dma_start3A_1905] : memref<16384x512xf32, #tpu.memory_space<hbm>> -> memref<128x64xf32, #tpu.memory_space<hbm>>
    %dma_start3A_1907 = tpu.memref_slice %arg9[%dma_start3A_1900] : memref<4x!tpu.dma_semaphore, #tpu.memory_space<semaphore_mem>> -> memref<1x!tpu.dma_semaphore, #tpu.memory_space<semaphore_mem>>
    %dma_start3A_1908 = tpu.memref_squeeze %dma_start3A_1907 : memref<1x!tpu.dma_semaphore, #tpu.memory_space<semaphore_mem>> -> memref<!tpu.dma_semaphore, #tpu.memory_space<semaphore_mem>>
    %dma_start3A_1909 = arith.constant 448 : i32
    %dma_start3A_1910 = tpu.memref_slice %arg5[%add3A_1898, %dma_start3A_1909] : memref<16384x512xf32, #tpu.memory_space<hbm>> -> memref<128x64xf32, #tpu.memory_space<hbm>>
    %dma_start3A_1911 = arith.constant 0 : i32
    %dma_start3A_1912 = arith.constant 0 : i32
    %dma_start3A_1913 = tpu.memref_slice %arg7[%dma_start3A_1899, %dma_start3A_1911, %dma_start3A_1912] : memref<4x128x64xf32, #tpu.memory_space<vmem>> -> memref<1x128x64xf32, #tpu.memory_space<vmem>>
    %dma_start3A_1914 = tpu.memref_squeeze %dma_start3A_1913 : memref<1x128x64xf32, #tpu.memory_space<vmem>> -> memref<128x64xf32, #tpu.memory_space<vmem>>
    tpu.enqueue_dma source(%dma_start3A_1914 : memref<128x64xf32, #tpu.memory_space<vmem>>) target(%dma_start3A_1910 : memref<128x64xf32, #tpu.memory_space<hbm>>) target_semaphore(%dma_start3A_1908 : memref<!tpu.dma_semaphore, #tpu.memory_space<semaphore_mem>>)
    %dma_wait3A_1915 = arith.constant 3 : i32
    %dma_wait3A_1916 = arith.constant 3 : i32
    %dma_wait3A_1917 = arith.constant 0 : i32
    %dma_wait3A_1918 = arith.constant 0 : i32
    %dma_wait3A_1919 = tpu.memref_slice %arg7[%dma_wait3A_1915, %dma_wait3A_1917, %dma_wait3A_1918] : memref<4x128x64xf32, #tpu.memory_space<vmem>> -> memref<1x128x64xf32, #tpu.memory_space<vmem>>
    %dma_wait3A_1920 = tpu.memref_squeeze %dma_wait3A_1919 : memref<1x128x64xf32, #tpu.memory_space<vmem>> -> memref<128x64xf32, #tpu.memory_space<vmem>>
    %dma_wait3A_1921 = arith.constant 384 : i32
    %dma_wait3A_1922 = tpu.memref_slice %arg5[%add3A_1832, %dma_wait3A_1921] : memref<16384x512xf32, #tpu.memory_space<hbm>> -> memref<128x64xf32, #tpu.memory_space<hbm>>
    %dma_wait3A_1923 = tpu.memref_slice %arg9[%dma_wait3A_1916] : memref<4x!tpu.dma_semaphore, #tpu.memory_space<semaphore_mem>> -> memref<1x!tpu.dma_semaphore, #tpu.memory_space<semaphore_mem>>
    %dma_wait3A_1924 = tpu.memref_squeeze %dma_wait3A_1923 : memref<1x!tpu.dma_semaphore, #tpu.memory_space<semaphore_mem>> -> memref<!tpu.dma_semaphore, #tpu.memory_space<semaphore_mem>>
    %dma_wait3A_1925 = arith.constant 384 : i32
    %dma_wait3A_1926 = tpu.memref_slice %arg5[%add3A_1832, %dma_wait3A_1925] : memref<16384x512xf32, #tpu.memory_space<hbm>> -> memref<128x64xf32, #tpu.memory_space<hbm>>
    %dma_wait3A_1927 = arith.constant 0 : i32
    %dma_wait3A_1928 = arith.constant 0 : i32
    %dma_wait3A_1929 = tpu.memref_slice %arg7[%dma_wait3A_1915, %dma_wait3A_1927, %dma_wait3A_1928] : memref<4x128x64xf32, #tpu.memory_space<vmem>> -> memref<1x128x64xf32, #tpu.memory_space<vmem>>
    %dma_wait3A_1930 = tpu.memref_squeeze %dma_wait3A_1929 : memref<1x128x64xf32, #tpu.memory_space<vmem>> -> memref<128x64xf32, #tpu.memory_space<vmem>>
    tpu.wait_dma2 semaphore(%dma_wait3A_1924 : memref<!tpu.dma_semaphore, #tpu.memory_space<semaphore_mem>>) src(%dma_wait3A_1930 : memref<128x64xf32, #tpu.memory_space<vmem>>) dst(%dma_wait3A_1926 : memref<128x64xf32, #tpu.memory_space<hbm>>)
    %dma_start3A_1931 = arith.constant 3 : i32
    %dma_start3A_1932 = arith.constant 7 : i32
    %dma_start3A_1933 = arith.constant 3 : i32
    %dma_start3A_1934 = arith.constant 3 : i32
    %dma_start3A_1935 = arith.constant 0 : i32
    %dma_start3A_1936 = arith.constant 0 : i32
    %dma_start3A_1937 = tpu.memref_slice %arg7[%dma_start3A_1933, %dma_start3A_1935, %dma_start3A_1936] : memref<4x128x64xf32, #tpu.memory_space<vmem>> -> memref<1x128x64xf32, #tpu.memory_space<vmem>>
    %dma_start3A_1938 = tpu.memref_squeeze %dma_start3A_1937 : memref<1x128x64xf32, #tpu.memory_space<vmem>> -> memref<128x64xf32, #tpu.memory_space<vmem>>
    %dma_start3A_1939 = arith.constant 0 : i32
    %dma_start3A_1940 = tpu.memref_slice %arg6[%dma_start3A_1931, %dma_start3A_1932, %dma_start3A_1939] : memref<4x8x128xi32, #tpu.memory_space<vmem>> -> memref<1x1x128xi32, #tpu.memory_space<vmem>>
    %dma_start3A_1941 = tpu.memref_squeeze %dma_start3A_1940 : memref<1x1x128xi32, #tpu.memory_space<vmem>> -> memref<128xi32, #tpu.memory_space<vmem>>
    %dma_start3A_1942 = arith.constant 0 : i32
    %dma_start3A_1943 = arith.constant 0 : i32
    %dma_start3A_1944 = tpu.memref_slice %arg4[%dma_start3A_1942, %dma_start3A_1943] : memref<4000x64xf32, #tpu.memory_space<hbm>> -> memref<4000x64xf32, #tpu.memory_space<hbm>>
    %dma_start3A_1945 = tpu.memref_slice %arg8[%dma_start3A_1934] : memref<4x!tpu.dma_semaphore, #tpu.memory_space<semaphore_mem>> -> memref<1x!tpu.dma_semaphore, #tpu.memory_space<semaphore_mem>>
    %dma_start3A_1946 = tpu.memref_squeeze %dma_start3A_1945 : memref<1x!tpu.dma_semaphore, #tpu.memory_space<semaphore_mem>> -> memref<!tpu.dma_semaphore, #tpu.memory_space<semaphore_mem>>
    tpu.enqueue_indirect_dma source(%dma_start3A_1944 : memref<4000x64xf32, #tpu.memory_space<hbm>>) target(%dma_start3A_1938 : memref<128x64xf32, #tpu.memory_space<vmem>>) offsets(%dma_start3A_1941 : memref<128xi32, #tpu.memory_space<vmem>>) semaphore(%dma_start3A_1946 : memref<!tpu.dma_semaphore, #tpu.memory_space<semaphore_mem>>)
    %dma_wait3A_1947 = arith.constant 1 : i32
    %dma_wait3A_1948 = arith.constant 7 : i32
    %dma_wait3A_1949 = arith.constant 1 : i32
    %dma_wait3A_1950 = arith.constant 1 : i32
    %dma_wait3A_1951 = arith.constant 0 : i32
    %dma_wait3A_1952 = arith.constant 0 : i32
    %dma_wait3A_1953 = tpu.memref_slice %arg7[%dma_wait3A_1949, %dma_wait3A_1951, %dma_wait3A_1952] : memref<4x128x64xf32, #tpu.memory_space<vmem>> -> memref<1x128x64xf32, #tpu.memory_space<vmem>>
    %dma_wait3A_1954 = tpu.memref_squeeze %dma_wait3A_1953 : memref<1x128x64xf32, #tpu.memory_space<vmem>> -> memref<128x64xf32, #tpu.memory_space<vmem>>
    %dma_wait3A_1955 = arith.constant 0 : i32
    %dma_wait3A_1956 = tpu.memref_slice %arg6[%dma_wait3A_1947, %dma_wait3A_1948, %dma_wait3A_1955] : memref<4x8x128xi32, #tpu.memory_space<vmem>> -> memref<1x1x128xi32, #tpu.memory_space<vmem>>
    %dma_wait3A_1957 = tpu.memref_squeeze %dma_wait3A_1956 : memref<1x1x128xi32, #tpu.memory_space<vmem>> -> memref<128xi32, #tpu.memory_space<vmem>>
    %dma_wait3A_1958 = arith.constant 0 : i32
    %dma_wait3A_1959 = arith.constant 0 : i32
    %dma_wait3A_1960 = tpu.memref_slice %arg4[%dma_wait3A_1958, %dma_wait3A_1959] : memref<4000x64xf32, #tpu.memory_space<hbm>> -> memref<4000x64xf32, #tpu.memory_space<hbm>>
    %dma_wait3A_1961 = tpu.memref_slice %arg8[%dma_wait3A_1950] : memref<4x!tpu.dma_semaphore, #tpu.memory_space<semaphore_mem>> -> memref<1x!tpu.dma_semaphore, #tpu.memory_space<semaphore_mem>>
    %dma_wait3A_1962 = tpu.memref_squeeze %dma_wait3A_1961 : memref<1x!tpu.dma_semaphore, #tpu.memory_space<semaphore_mem>> -> memref<!tpu.dma_semaphore, #tpu.memory_space<semaphore_mem>>
    tpu.wait_indirect_dma semaphore(%dma_wait3A_1962 : memref<!tpu.dma_semaphore, #tpu.memory_space<semaphore_mem>>) src(%dma_wait3A_1960 : memref<4000x64xf32, #tpu.memory_space<hbm>>) dst(%dma_wait3A_1954 : memref<128x64xf32, #tpu.memory_space<vmem>>)
    %add3A_1963 = arith.constant 128 : i32
    %add3A_1964 = arith.addi %mul3A_2, %add3A_1963 : i32
    %dma_start3A_1965 = arith.constant 1 : i32
    %dma_start3A_1966 = arith.constant 1 : i32
    %dma_start3A_1967 = arith.constant 0 : i32
    %dma_start3A_1968 = arith.constant 0 : i32
    %dma_start3A_1969 = tpu.memref_slice %arg7[%dma_start3A_1965, %dma_start3A_1967, %dma_start3A_1968] : memref<4x128x64xf32, #tpu.memory_space<vmem>> -> memref<1x128x64xf32, #tpu.memory_space<vmem>>
    %dma_start3A_1970 = tpu.memref_squeeze %dma_start3A_1969 : memref<1x128x64xf32, #tpu.memory_space<vmem>> -> memref<128x64xf32, #tpu.memory_space<vmem>>
    %dma_start3A_1971 = arith.constant 448 : i32
    %dma_start3A_1972 = tpu.memref_slice %arg5[%add3A_1964, %dma_start3A_1971] : memref<16384x512xf32, #tpu.memory_space<hbm>> -> memref<128x64xf32, #tpu.memory_space<hbm>>
    %dma_start3A_1973 = tpu.memref_slice %arg9[%dma_start3A_1966] : memref<4x!tpu.dma_semaphore, #tpu.memory_space<semaphore_mem>> -> memref<1x!tpu.dma_semaphore, #tpu.memory_space<semaphore_mem>>
    %dma_start3A_1974 = tpu.memref_squeeze %dma_start3A_1973 : memref<1x!tpu.dma_semaphore, #tpu.memory_space<semaphore_mem>> -> memref<!tpu.dma_semaphore, #tpu.memory_space<semaphore_mem>>
    %dma_start3A_1975 = arith.constant 448 : i32
    %dma_start3A_1976 = tpu.memref_slice %arg5[%add3A_1964, %dma_start3A_1975] : memref<16384x512xf32, #tpu.memory_space<hbm>> -> memref<128x64xf32, #tpu.memory_space<hbm>>
    %dma_start3A_1977 = arith.constant 0 : i32
    %dma_start3A_1978 = arith.constant 0 : i32
    %dma_start3A_1979 = tpu.memref_slice %arg7[%dma_start3A_1965, %dma_start3A_1977, %dma_start3A_1978] : memref<4x128x64xf32, #tpu.memory_space<vmem>> -> memref<1x128x64xf32, #tpu.memory_space<vmem>>
    %dma_start3A_1980 = tpu.memref_squeeze %dma_start3A_1979 : memref<1x128x64xf32, #tpu.memory_space<vmem>> -> memref<128x64xf32, #tpu.memory_space<vmem>>
    tpu.enqueue_dma source(%dma_start3A_1980 : memref<128x64xf32, #tpu.memory_space<vmem>>) target(%dma_start3A_1976 : memref<128x64xf32, #tpu.memory_space<hbm>>) target_semaphore(%dma_start3A_1974 : memref<!tpu.dma_semaphore, #tpu.memory_space<semaphore_mem>>)
    %dma_wait3A_1981 = arith.constant 2 : i32
    %dma_wait3A_1982 = arith.constant 7 : i32
    %dma_wait3A_1983 = arith.constant 2 : i32
    %dma_wait3A_1984 = arith.constant 2 : i32
    %dma_wait3A_1985 = arith.constant 0 : i32
    %dma_wait3A_1986 = arith.constant 0 : i32
    %dma_wait3A_1987 = tpu.memref_slice %arg7[%dma_wait3A_1983, %dma_wait3A_1985, %dma_wait3A_1986] : memref<4x128x64xf32, #tpu.memory_space<vmem>> -> memref<1x128x64xf32, #tpu.memory_space<vmem>>
    %dma_wait3A_1988 = tpu.memref_squeeze %dma_wait3A_1987 : memref<1x128x64xf32, #tpu.memory_space<vmem>> -> memref<128x64xf32, #tpu.memory_space<vmem>>
    %dma_wait3A_1989 = arith.constant 0 : i32
    %dma_wait3A_1990 = tpu.memref_slice %arg6[%dma_wait3A_1981, %dma_wait3A_1982, %dma_wait3A_1989] : memref<4x8x128xi32, #tpu.memory_space<vmem>> -> memref<1x1x128xi32, #tpu.memory_space<vmem>>
    %dma_wait3A_1991 = tpu.memref_squeeze %dma_wait3A_1990 : memref<1x1x128xi32, #tpu.memory_space<vmem>> -> memref<128xi32, #tpu.memory_space<vmem>>
    %dma_wait3A_1992 = arith.constant 0 : i32
    %dma_wait3A_1993 = arith.constant 0 : i32
    %dma_wait3A_1994 = tpu.memref_slice %arg4[%dma_wait3A_1992, %dma_wait3A_1993] : memref<4000x64xf32, #tpu.memory_space<hbm>> -> memref<4000x64xf32, #tpu.memory_space<hbm>>
    %dma_wait3A_1995 = tpu.memref_slice %arg8[%dma_wait3A_1984] : memref<4x!tpu.dma_semaphore, #tpu.memory_space<semaphore_mem>> -> memref<1x!tpu.dma_semaphore, #tpu.memory_space<semaphore_mem>>
    %dma_wait3A_1996 = tpu.memref_squeeze %dma_wait3A_1995 : memref<1x!tpu.dma_semaphore, #tpu.memory_space<semaphore_mem>> -> memref<!tpu.dma_semaphore, #tpu.memory_space<semaphore_mem>>
    tpu.wait_indirect_dma semaphore(%dma_wait3A_1996 : memref<!tpu.dma_semaphore, #tpu.memory_space<semaphore_mem>>) src(%dma_wait3A_1994 : memref<4000x64xf32, #tpu.memory_space<hbm>>) dst(%dma_wait3A_1988 : memref<128x64xf32, #tpu.memory_space<vmem>>)
    %add3A_1997 = arith.constant 256 : i32
    %add3A_1998 = arith.addi %mul3A_2, %add3A_1997 : i32
    %dma_start3A_1999 = arith.constant 2 : i32
    %dma_start3A_2000 = arith.constant 2 : i32
    %dma_start3A_2001 = arith.constant 0 : i32
    %dma_start3A_2002 = arith.constant 0 : i32
    %dma_start3A_2003 = tpu.memref_slice %arg7[%dma_start3A_1999, %dma_start3A_2001, %dma_start3A_2002] : memref<4x128x64xf32, #tpu.memory_space<vmem>> -> memref<1x128x64xf32, #tpu.memory_space<vmem>>
    %dma_start3A_2004 = tpu.memref_squeeze %dma_start3A_2003 : memref<1x128x64xf32, #tpu.memory_space<vmem>> -> memref<128x64xf32, #tpu.memory_space<vmem>>
    %dma_start3A_2005 = arith.constant 448 : i32
    %dma_start3A_2006 = tpu.memref_slice %arg5[%add3A_1998, %dma_start3A_2005] : memref<16384x512xf32, #tpu.memory_space<hbm>> -> memref<128x64xf32, #tpu.memory_space<hbm>>
    %dma_start3A_2007 = tpu.memref_slice %arg9[%dma_start3A_2000] : memref<4x!tpu.dma_semaphore, #tpu.memory_space<semaphore_mem>> -> memref<1x!tpu.dma_semaphore, #tpu.memory_space<semaphore_mem>>
    %dma_start3A_2008 = tpu.memref_squeeze %dma_start3A_2007 : memref<1x!tpu.dma_semaphore, #tpu.memory_space<semaphore_mem>> -> memref<!tpu.dma_semaphore, #tpu.memory_space<semaphore_mem>>
    %dma_start3A_2009 = arith.constant 448 : i32
    %dma_start3A_2010 = tpu.memref_slice %arg5[%add3A_1998, %dma_start3A_2009] : memref<16384x512xf32, #tpu.memory_space<hbm>> -> memref<128x64xf32, #tpu.memory_space<hbm>>
    %dma_start3A_2011 = arith.constant 0 : i32
    %dma_start3A_2012 = arith.constant 0 : i32
    %dma_start3A_2013 = tpu.memref_slice %arg7[%dma_start3A_1999, %dma_start3A_2011, %dma_start3A_2012] : memref<4x128x64xf32, #tpu.memory_space<vmem>> -> memref<1x128x64xf32, #tpu.memory_space<vmem>>
    %dma_start3A_2014 = tpu.memref_squeeze %dma_start3A_2013 : memref<1x128x64xf32, #tpu.memory_space<vmem>> -> memref<128x64xf32, #tpu.memory_space<vmem>>
    tpu.enqueue_dma source(%dma_start3A_2014 : memref<128x64xf32, #tpu.memory_space<vmem>>) target(%dma_start3A_2010 : memref<128x64xf32, #tpu.memory_space<hbm>>) target_semaphore(%dma_start3A_2008 : memref<!tpu.dma_semaphore, #tpu.memory_space<semaphore_mem>>)
    %dma_wait3A_2015 = arith.constant 3 : i32
    %dma_wait3A_2016 = arith.constant 7 : i32
    %dma_wait3A_2017 = arith.constant 3 : i32
    %dma_wait3A_2018 = arith.constant 3 : i32
    %dma_wait3A_2019 = arith.constant 0 : i32
    %dma_wait3A_2020 = arith.constant 0 : i32
    %dma_wait3A_2021 = tpu.memref_slice %arg7[%dma_wait3A_2017, %dma_wait3A_2019, %dma_wait3A_2020] : memref<4x128x64xf32, #tpu.memory_space<vmem>> -> memref<1x128x64xf32, #tpu.memory_space<vmem>>
    %dma_wait3A_2022 = tpu.memref_squeeze %dma_wait3A_2021 : memref<1x128x64xf32, #tpu.memory_space<vmem>> -> memref<128x64xf32, #tpu.memory_space<vmem>>
    %dma_wait3A_2023 = arith.constant 0 : i32
    %dma_wait3A_2024 = tpu.memref_slice %arg6[%dma_wait3A_2015, %dma_wait3A_2016, %dma_wait3A_2023] : memref<4x8x128xi32, #tpu.memory_space<vmem>> -> memref<1x1x128xi32, #tpu.memory_space<vmem>>
    %dma_wait3A_2025 = tpu.memref_squeeze %dma_wait3A_2024 : memref<1x1x128xi32, #tpu.memory_space<vmem>> -> memref<128xi32, #tpu.memory_space<vmem>>
    %dma_wait3A_2026 = arith.constant 0 : i32
    %dma_wait3A_2027 = arith.constant 0 : i32
    %dma_wait3A_2028 = tpu.memref_slice %arg4[%dma_wait3A_2026, %dma_wait3A_2027] : memref<4000x64xf32, #tpu.memory_space<hbm>> -> memref<4000x64xf32, #tpu.memory_space<hbm>>
    %dma_wait3A_2029 = tpu.memref_slice %arg8[%dma_wait3A_2018] : memref<4x!tpu.dma_semaphore, #tpu.memory_space<semaphore_mem>> -> memref<1x!tpu.dma_semaphore, #tpu.memory_space<semaphore_mem>>
    %dma_wait3A_2030 = tpu.memref_squeeze %dma_wait3A_2029 : memref<1x!tpu.dma_semaphore, #tpu.memory_space<semaphore_mem>> -> memref<!tpu.dma_semaphore, #tpu.memory_space<semaphore_mem>>
    tpu.wait_indirect_dma semaphore(%dma_wait3A_2030 : memref<!tpu.dma_semaphore, #tpu.memory_space<semaphore_mem>>) src(%dma_wait3A_2028 : memref<4000x64xf32, #tpu.memory_space<hbm>>) dst(%dma_wait3A_2022 : memref<128x64xf32, #tpu.memory_space<vmem>>)
    %add3A_2031 = arith.constant 384 : i32
    %add3A_2032 = arith.addi %mul3A_2, %add3A_2031 : i32
    %dma_start3A_2033 = arith.constant 3 : i32
    %dma_start3A_2034 = arith.constant 3 : i32
    %dma_start3A_2035 = arith.constant 0 : i32
    %dma_start3A_2036 = arith.constant 0 : i32
    %dma_start3A_2037 = tpu.memref_slice %arg7[%dma_start3A_2033, %dma_start3A_2035, %dma_start3A_2036] : memref<4x128x64xf32, #tpu.memory_space<vmem>> -> memref<1x128x64xf32, #tpu.memory_space<vmem>>
    %dma_start3A_2038 = tpu.memref_squeeze %dma_start3A_2037 : memref<1x128x64xf32, #tpu.memory_space<vmem>> -> memref<128x64xf32, #tpu.memory_space<vmem>>
    %dma_start3A_2039 = arith.constant 448 : i32
    %dma_start3A_2040 = tpu.memref_slice %arg5[%add3A_2032, %dma_start3A_2039] : memref<16384x512xf32, #tpu.memory_space<hbm>> -> memref<128x64xf32, #tpu.memory_space<hbm>>
    %dma_start3A_2041 = tpu.memref_slice %arg9[%dma_start3A_2034] : memref<4x!tpu.dma_semaphore, #tpu.memory_space<semaphore_mem>> -> memref<1x!tpu.dma_semaphore, #tpu.memory_space<semaphore_mem>>
    %dma_start3A_2042 = tpu.memref_squeeze %dma_start3A_2041 : memref<1x!tpu.dma_semaphore, #tpu.memory_space<semaphore_mem>> -> memref<!tpu.dma_semaphore, #tpu.memory_space<semaphore_mem>>
    %dma_start3A_2043 = arith.constant 448 : i32
    %dma_start3A_2044 = tpu.memref_slice %arg5[%add3A_2032, %dma_start3A_2043] : memref<16384x512xf32, #tpu.memory_space<hbm>> -> memref<128x64xf32, #tpu.memory_space<hbm>>
    %dma_start3A_2045 = arith.constant 0 : i32
    %dma_start3A_2046 = arith.constant 0 : i32
    %dma_start3A_2047 = tpu.memref_slice %arg7[%dma_start3A_2033, %dma_start3A_2045, %dma_start3A_2046] : memref<4x128x64xf32, #tpu.memory_space<vmem>> -> memref<1x128x64xf32, #tpu.memory_space<vmem>>
    %dma_start3A_2048 = tpu.memref_squeeze %dma_start3A_2047 : memref<1x128x64xf32, #tpu.memory_space<vmem>> -> memref<128x64xf32, #tpu.memory_space<vmem>>
    tpu.enqueue_dma source(%dma_start3A_2048 : memref<128x64xf32, #tpu.memory_space<vmem>>) target(%dma_start3A_2044 : memref<128x64xf32, #tpu.memory_space<hbm>>) target_semaphore(%dma_start3A_2042 : memref<!tpu.dma_semaphore, #tpu.memory_space<semaphore_mem>>)
    %dma_wait3A_2049 = arith.constant 0 : i32
    %dma_wait3A_2050 = arith.constant 0 : i32
    %dma_wait3A_2051 = arith.constant 0 : i32
    %dma_wait3A_2052 = arith.constant 0 : i32
    %dma_wait3A_2053 = tpu.memref_slice %arg7[%dma_wait3A_2049, %dma_wait3A_2051, %dma_wait3A_2052] : memref<4x128x64xf32, #tpu.memory_space<vmem>> -> memref<1x128x64xf32, #tpu.memory_space<vmem>>
    %dma_wait3A_2054 = tpu.memref_squeeze %dma_wait3A_2053 : memref<1x128x64xf32, #tpu.memory_space<vmem>> -> memref<128x64xf32, #tpu.memory_space<vmem>>
    %dma_wait3A_2055 = arith.constant 448 : i32
    %dma_wait3A_2056 = tpu.memref_slice %arg5[%add3A_1898, %dma_wait3A_2055] : memref<16384x512xf32, #tpu.memory_space<hbm>> -> memref<128x64xf32, #tpu.memory_space<hbm>>
    %dma_wait3A_2057 = tpu.memref_slice %arg9[%dma_wait3A_2050] : memref<4x!tpu.dma_semaphore, #tpu.memory_space<semaphore_mem>> -> memref<1x!tpu.dma_semaphore, #tpu.memory_space<semaphore_mem>>
    %dma_wait3A_2058 = tpu.memref_squeeze %dma_wait3A_2057 : memref<1x!tpu.dma_semaphore, #tpu.memory_space<semaphore_mem>> -> memref<!tpu.dma_semaphore, #tpu.memory_space<semaphore_mem>>
    %dma_wait3A_2059 = arith.constant 448 : i32
    %dma_wait3A_2060 = tpu.memref_slice %arg5[%add3A_1898, %dma_wait3A_2059] : memref<16384x512xf32, #tpu.memory_space<hbm>> -> memref<128x64xf32, #tpu.memory_space<hbm>>
    %dma_wait3A_2061 = arith.constant 0 : i32
    %dma_wait3A_2062 = arith.constant 0 : i32
    %dma_wait3A_2063 = tpu.memref_slice %arg7[%dma_wait3A_2049, %dma_wait3A_2061, %dma_wait3A_2062] : memref<4x128x64xf32, #tpu.memory_space<vmem>> -> memref<1x128x64xf32, #tpu.memory_space<vmem>>
    %dma_wait3A_2064 = tpu.memref_squeeze %dma_wait3A_2063 : memref<1x128x64xf32, #tpu.memory_space<vmem>> -> memref<128x64xf32, #tpu.memory_space<vmem>>
    tpu.wait_dma2 semaphore(%dma_wait3A_2058 : memref<!tpu.dma_semaphore, #tpu.memory_space<semaphore_mem>>) src(%dma_wait3A_2064 : memref<128x64xf32, #tpu.memory_space<vmem>>) dst(%dma_wait3A_2060 : memref<128x64xf32, #tpu.memory_space<hbm>>)
    %dma_wait3A_2065 = arith.constant 1 : i32
    %dma_wait3A_2066 = arith.constant 1 : i32
    %dma_wait3A_2067 = arith.constant 0 : i32
    %dma_wait3A_2068 = arith.constant 0 : i32
    %dma_wait3A_2069 = tpu.memref_slice %arg7[%dma_wait3A_2065, %dma_wait3A_2067, %dma_wait3A_2068] : memref<4x128x64xf32, #tpu.memory_space<vmem>> -> memref<1x128x64xf32, #tpu.memory_space<vmem>>
    %dma_wait3A_2070 = tpu.memref_squeeze %dma_wait3A_2069 : memref<1x128x64xf32, #tpu.memory_space<vmem>> -> memref<128x64xf32, #tpu.memory_space<vmem>>
    %dma_wait3A_2071 = arith.constant 448 : i32
    %dma_wait3A_2072 = tpu.memref_slice %arg5[%add3A_1964, %dma_wait3A_2071] : memref<16384x512xf32, #tpu.memory_space<hbm>> -> memref<128x64xf32, #tpu.memory_space<hbm>>
    %dma_wait3A_2073 = tpu.memref_slice %arg9[%dma_wait3A_2066] : memref<4x!tpu.dma_semaphore, #tpu.memory_space<semaphore_mem>> -> memref<1x!tpu.dma_semaphore, #tpu.memory_space<semaphore_mem>>
    %dma_wait3A_2074 = tpu.memref_squeeze %dma_wait3A_2073 : memref<1x!tpu.dma_semaphore, #tpu.memory_space<semaphore_mem>> -> memref<!tpu.dma_semaphore, #tpu.memory_space<semaphore_mem>>
    %dma_wait3A_2075 = arith.constant 448 : i32
    %dma_wait3A_2076 = tpu.memref_slice %arg5[%add3A_1964, %dma_wait3A_2075] : memref<16384x512xf32, #tpu.memory_space<hbm>> -> memref<128x64xf32, #tpu.memory_space<hbm>>
    %dma_wait3A_2077 = arith.constant 0 : i32
    %dma_wait3A_2078 = arith.constant 0 : i32
    %dma_wait3A_2079 = tpu.memref_slice %arg7[%dma_wait3A_2065, %dma_wait3A_2077, %dma_wait3A_2078] : memref<4x128x64xf32, #tpu.memory_space<vmem>> -> memref<1x128x64xf32, #tpu.memory_space<vmem>>
    %dma_wait3A_2080 = tpu.memref_squeeze %dma_wait3A_2079 : memref<1x128x64xf32, #tpu.memory_space<vmem>> -> memref<128x64xf32, #tpu.memory_space<vmem>>
    tpu.wait_dma2 semaphore(%dma_wait3A_2074 : memref<!tpu.dma_semaphore, #tpu.memory_space<semaphore_mem>>) src(%dma_wait3A_2080 : memref<128x64xf32, #tpu.memory_space<vmem>>) dst(%dma_wait3A_2076 : memref<128x64xf32, #tpu.memory_space<hbm>>)
    %dma_wait3A_2081 = arith.constant 2 : i32
    %dma_wait3A_2082 = arith.constant 2 : i32
    %dma_wait3A_2083 = arith.constant 0 : i32
    %dma_wait3A_2084 = arith.constant 0 : i32
    %dma_wait3A_2085 = tpu.memref_slice %arg7[%dma_wait3A_2081, %dma_wait3A_2083, %dma_wait3A_2084] : memref<4x128x64xf32, #tpu.memory_space<vmem>> -> memref<1x128x64xf32, #tpu.memory_space<vmem>>
    %dma_wait3A_2086 = tpu.memref_squeeze %dma_wait3A_2085 : memref<1x128x64xf32, #tpu.memory_space<vmem>> -> memref<128x64xf32, #tpu.memory_space<vmem>>
    %dma_wait3A_2087 = arith.constant 448 : i32
    %dma_wait3A_2088 = tpu.memref_slice %arg5[%add3A_1998, %dma_wait3A_2087] : memref<16384x512xf32, #tpu.memory_space<hbm>> -> memref<128x64xf32, #tpu.memory_space<hbm>>
    %dma_wait3A_2089 = tpu.memref_slice %arg9[%dma_wait3A_2082] : memref<4x!tpu.dma_semaphore, #tpu.memory_space<semaphore_mem>> -> memref<1x!tpu.dma_semaphore, #tpu.memory_space<semaphore_mem>>
    %dma_wait3A_2090 = tpu.memref_squeeze %dma_wait3A_2089 : memref<1x!tpu.dma_semaphore, #tpu.memory_space<semaphore_mem>> -> memref<!tpu.dma_semaphore, #tpu.memory_space<semaphore_mem>>
    %dma_wait3A_2091 = arith.constant 448 : i32
    %dma_wait3A_2092 = tpu.memref_slice %arg5[%add3A_1998, %dma_wait3A_2091] : memref<16384x512xf32, #tpu.memory_space<hbm>> -> memref<128x64xf32, #tpu.memory_space<hbm>>
    %dma_wait3A_2093 = arith.constant 0 : i32
    %dma_wait3A_2094 = arith.constant 0 : i32
    %dma_wait3A_2095 = tpu.memref_slice %arg7[%dma_wait3A_2081, %dma_wait3A_2093, %dma_wait3A_2094] : memref<4x128x64xf32, #tpu.memory_space<vmem>> -> memref<1x128x64xf32, #tpu.memory_space<vmem>>
    %dma_wait3A_2096 = tpu.memref_squeeze %dma_wait3A_2095 : memref<1x128x64xf32, #tpu.memory_space<vmem>> -> memref<128x64xf32, #tpu.memory_space<vmem>>
    tpu.wait_dma2 semaphore(%dma_wait3A_2090 : memref<!tpu.dma_semaphore, #tpu.memory_space<semaphore_mem>>) src(%dma_wait3A_2096 : memref<128x64xf32, #tpu.memory_space<vmem>>) dst(%dma_wait3A_2092 : memref<128x64xf32, #tpu.memory_space<hbm>>)
    %dma_wait3A_2097 = arith.constant 3 : i32
    %dma_wait3A_2098 = arith.constant 3 : i32
    %dma_wait3A_2099 = arith.constant 0 : i32
    %dma_wait3A_2100 = arith.constant 0 : i32
    %dma_wait3A_2101 = tpu.memref_slice %arg7[%dma_wait3A_2097, %dma_wait3A_2099, %dma_wait3A_2100] : memref<4x128x64xf32, #tpu.memory_space<vmem>> -> memref<1x128x64xf32, #tpu.memory_space<vmem>>
    %dma_wait3A_2102 = tpu.memref_squeeze %dma_wait3A_2101 : memref<1x128x64xf32, #tpu.memory_space<vmem>> -> memref<128x64xf32, #tpu.memory_space<vmem>>
    %dma_wait3A_2103 = arith.constant 448 : i32
    %dma_wait3A_2104 = tpu.memref_slice %arg5[%add3A_2032, %dma_wait3A_2103] : memref<16384x512xf32, #tpu.memory_space<hbm>> -> memref<128x64xf32, #tpu.memory_space<hbm>>
    %dma_wait3A_2105 = tpu.memref_slice %arg9[%dma_wait3A_2098] : memref<4x!tpu.dma_semaphore, #tpu.memory_space<semaphore_mem>> -> memref<1x!tpu.dma_semaphore, #tpu.memory_space<semaphore_mem>>
    %dma_wait3A_2106 = tpu.memref_squeeze %dma_wait3A_2105 : memref<1x!tpu.dma_semaphore, #tpu.memory_space<semaphore_mem>> -> memref<!tpu.dma_semaphore, #tpu.memory_space<semaphore_mem>>
    %dma_wait3A_2107 = arith.constant 448 : i32
    %dma_wait3A_2108 = tpu.memref_slice %arg5[%add3A_2032, %dma_wait3A_2107] : memref<16384x512xf32, #tpu.memory_space<hbm>> -> memref<128x64xf32, #tpu.memory_space<hbm>>
    %dma_wait3A_2109 = arith.constant 0 : i32
    %dma_wait3A_2110 = arith.constant 0 : i32
    %dma_wait3A_2111 = tpu.memref_slice %arg7[%dma_wait3A_2097, %dma_wait3A_2109, %dma_wait3A_2110] : memref<4x128x64xf32, #tpu.memory_space<vmem>> -> memref<1x128x64xf32, #tpu.memory_space<vmem>>
    %dma_wait3A_2112 = tpu.memref_squeeze %dma_wait3A_2111 : memref<1x128x64xf32, #tpu.memory_space<vmem>> -> memref<128x64xf32, #tpu.memory_space<vmem>>
    tpu.wait_dma2 semaphore(%dma_wait3A_2106 : memref<!tpu.dma_semaphore, #tpu.memory_space<semaphore_mem>>) src(%dma_wait3A_2112 : memref<128x64xf32, #tpu.memory_space<vmem>>) dst(%dma_wait3A_2108 : memref<128x64xf32, #tpu.memory_space<hbm>>)
    return
  }
}

</mosaic_0001>

<sc_bundles>
// kernel: _run.3.cloned.1.call-start
scs
__scs_entry_jumppad:
0x0: {  	(pc) =	sbr.rel $0x88, $3  }
0x1: {  	(tag) =	ssettag $0x0;
	lr =	simm.s32 $0x1  }
0x2: {  	[smem:$0x3F9E] =	sst lr;
	_ =	strace $0xD0000000  }
0x3: {  	_ = 	snop  }
0x4: {  	_ = 	snop  }
0x5: {  	_ = 	snop  }
0x6: {  	_ = 	snop  }
0x7: {  	_ = 	snop  }
__scs_overlays_trampoline_lowered:
0x8: {  	[smem:$0x3FAD] =	sst s0  }
0x9: {  	[smem:$0x3FAE] =	sst s1  }
0xa: {  	[smem:$0x3FAF] =	sst s2  }
0xb: {  	[smem:$0x3FB0] =	sst s3  }
0xc: {  	[smem:$0x3FB1] =	sst s4  }
0xd: {  	[smem:$0x3FB2] =	sst s5  }
0xe: {  	[smem:$0x3FB3] =	sst s6  }
0xf: {  	[smem:$0x3FB4] =	sst s7  }
0x10: {  	[smem:$0x3FB5] =	sst s8  }
0x11: {  	[smem:$0x3FB6] =	sst s9;
	s0 =	simm.s32 @!p0 $0x0  }
0x12: {  	s1 =	sld [smem:$0x3F9C];
	s0 =	simm.s32 @p0 $0x1  }
0x13: {  	[smem:$0x3FB7] =	sst s0;
	s0 =	simm.s32 @!p1 $0x0  }
0x14: {  	s2 =	sld [smem:$0x3F9B];
	s0 =	simm.s32 @p1 $0x1  }
0x15: {  	[smem:$0x3FB8] =	sst s0;
	s0 =	simm.s32 @!p2 $0x0  }
0x16: {  	s3 =	sld [smem:$0x3FDB];
	s0 =	simm.s32 @p2 $0x1  }
0x17: {  	s4 =	simm.s32 $0x1BF5;
	[smem:$0x3FBA] =	sst s0  }
0x18: {  	s0 =	sld [smem:$0x3F9D];
	_ =	swait.ge [sflag:s4], $0x0  }
0x19: {  	s7 =	sld [smem:$0x3F9E]  }
0x1a: {  	s8 =	sadd.s32 $0xFFFFE003, lr  }
0x1b: {  	s9 =	sadd.s32 $0xFFFFFEF7, lr;
	s5 =	simm.s32 $0xFFFFFFFF;
	p2 =	slt.u32 s8, $0xFFFFF086  }
0x1c: {  	p1 =	slt.u32 s9, $0xF7A;
	s5 =	simm.s32 @!p2 $0x0  }
0x1d: {  	s5 =	simm.s32 @p1 $0x1;
	p0 =	seq.s32 s7, s2  }
0x1e: {  	s7 =	smul.u32 @!p0 $0xF7A, s2;
	p2 =	seq.s32 @!p0 s5, $0x0  }
0x1f: {  	s9 =	smul.u32 $0xF7A, s1;
	s8 =	simm.s32 @!p0 $0x1BF5;
	p2 =	por !p2, p0  }
0x20: {  	[sflag:s8] =	ssyncset.s32 @!p0 $0xFFFFF086;
	s6 =	sadd.s32 @!p0 s3, s7;
	s7 =	simm.s32 @!p0 $0x108  }
0x21: {  	s3 =	sadd.s32 s3, s9;
	s6 =	sadd.s32 @!p0 $0x88, s6;
	s7 =	simm.s32 @p2 $0x1082  }
0x22: {  	[simem:s7], [sflag:s8] =	dma.local @!p0 [hbm:s6], $0xF7A  }
0x23: {  	s9 =	sor.u32 $0xD0000000, s2;
	s6 =	simm.s32 $0x108;
	_ =	swait.ge @!p0 [sflag:s8], $0x0  }
0x24: {  	s3 =	sadd.s32 $0x88, s3;
	s6 =	simm.s32 @!p1 $0x1082;
	[sflag:s4] =	ssyncset.s32 $0xFFFFF086  }
0x25: {  	[simem:s6], [sflag:s4] =	dma.local [hbm:s3], $0xF7A  }
0x26: {  	[smem:$0x3F9E] =	sst s1;
	(tag) =	ssettag s2;
	_ =	strace s9  }
0x27: {  	s1 =	sld [smem:$0x3FAE]  }
0x28: {  	s2 =	sld [smem:$0x3FAF]  }
0x29: {  	s4 =	sld [smem:$0x3FB1]  }
0x2a: {  	p0 =	seq.s32 s5, $0x0;
	s5 =	sld [smem:$0x3FB2]  }
0x2b: {  	s6 =	sld [smem:$0x3FB3]  }
0x2c: {  	s7 =	sld [smem:$0x3FB4]  }
0x2d: {  	s3 =	simm.s32 $0x108;
	s8 =	sld [smem:$0x3FB5]  }
0x2e: {  	s3 =	simm.s32 @!p0 $0x1082;
	s9 =	sld [smem:$0x3FB6]  }
0x2f: {  	lr =	sadd.s32 s0, s3;
	s0 =	sld [smem:$0x3FAD]  }
0x30: {  	s3 =	sld [smem:$0x3FB0]  }
0x31: {  	[smem:$0x3FB9] =	sst s10  }
0x32: {  	s10 =	sld [smem:$0x3FB7];
	_ =	sdelay $0x3  }
0x33: {  	p0 =	seq.s32 s10, $0x1;
	s10 =	sld [smem:$0x3FB9];
	_ =	sdelay $0x3  }
0x34: {  	[smem:$0x3FB9] =	sst s10  }
0x35: {  	s10 =	sld [smem:$0x3FB8];
	_ =	sdelay $0x3  }
0x36: {  	p1 =	seq.s32 s10, $0x1;
	s10 =	sld [smem:$0x3FB9];
	_ =	sdelay $0x3  }
0x37: {  	[smem:$0x3FB9] =	sst s10  }
0x38: {  	s10 =	sld [smem:$0x3FBA]  }
0x39: {  	_ = 	snop;
	(pc) =	sbr.ind lr, $3  }
0x3a: {  	_ = 	snop  }
0x3b: {  	_ = 	snop  }
0x3c: {  	p2 =	seq.s32 s10, $0x1;
	s10 =	sld [smem:$0x3FB9]  }
0x3d: {  	_ =	shalt  }
0x3e: {  	_ =	shalt  }
0x3f: {  	_ =	shalt  }
0x40: {  	_ =	shalt  }
0x41: {  	_ =	shalt  }
0x42: {  	_ =	shalt  }
0x43: {  	_ =	shalt  }
0x44: {  	_ =	shalt  }
0x45: {  	_ =	shalt  }
0x46: {  	_ =	shalt  }
0x47: {  	_ =	shalt  }
0x48: {  	_ =	shalt  }
0x49: {  	_ =	shalt  }
0x4a: {  	_ =	shalt  }
0x4b: {  	_ =	shalt  }
0x4c: {  	_ =	shalt  }
0x4d: {  	_ =	shalt  }
0x4e: {  	_ =	shalt  }
0x4f: {  	_ =	shalt  }
0x50: {  	_ =	shalt  }
0x51: {  	_ =	shalt  }
0x52: {  	_ =	shalt  }
0x53: {  	_ =	shalt  }
0x54: {  	_ =	shalt  }
0x55: {  	_ =	shalt  }
0x56: {  	_ =	shalt  }
0x57: {  	_ =	shalt  }
0x58: {  	_ =	shalt  }
0x59: {  	_ =	shalt  }
0x5a: {  	_ =	shalt  }
0x5b: {  	_ =	shalt  }
0x5c: {  	_ =	shalt  }
0x5d: {  	_ =	shalt  }
0x5e: {  	_ =	shalt  }
0x5f: {  	_ =	shalt  }
0x60: {  	_ =	shalt  }
0x61: {  	_ =	shalt  }
0x62: {  	_ =	shalt  }
0x63: {  	_ =	shalt  }
0x64: {  	_ =	shalt  }
0x65: {  	_ =	shalt  }
0x66: {  	_ =	shalt  }
0x67: {  	_ =	shalt  }
0x68: {  	_ =	shalt  }
0x69: {  	_ =	shalt  }
0x6a: {  	_ =	shalt  }
0x6b: {  	_ =	shalt  }
0x6c: {  	_ =	shalt  }
0x6d: {  	_ =	shalt  }
0x6e: {  	_ =	shalt  }
0x6f: {  	_ =	shalt  }
0x70: {  	_ =	shalt  }
0x71: {  	_ =	shalt  }
0x72: {  	_ =	shalt  }
0x73: {  	_ =	shalt  }
0x74: {  	_ =	shalt  }
0x75: {  	_ =	shalt  }
0x76: {  	_ =	shalt  }
0x77: {  	_ =	shalt  }
0x78: {  	_ =	shalt  }
0x79: {  	_ =	shalt  }
0x7a: {  	_ =	shalt  }
0x7b: {  	_ =	shalt  }
0x7c: {  	_ =	shalt  }
0x7d: {  	_ =	shalt  }
0x7e: {  	_ =	shalt  }
0x7f: {  	_ =	shalt  }
0x80: {  	_ =	shalt  }
0x81: {  	_ =	shalt  }
0x82: {  	_ =	shalt  }
0x83: {  	_ =	shalt  }
0x84: {  	_ =	shalt  }
0x85: {  	_ =	shalt  }
0x86: {  	_ =	shalt  }
0x87: {  	_ =	shalt  }
.Lfunc_end0:
.L_simem_size_0:
called_computation_lowered:
.L_overlay_start_0:
0x88: {  	s2 =	sld [smem:$0x3FD9]  }
0x89: {  	s3 =	sld [smem:$0x3FFE];
	_ =	sdelay $0x1  }
0x8a: {  	s1 =	srdreg.scid  }
0x8b: {  	s0 =	sand.u32 $0x1, s1  }
0x8c: {  	s17 =	sshll.u32 s0, $0xA;
	s2 =	sadd.s32 s3, s2  }
0x8d: {  	s2 =	sadd.s32 s2, s17  }
0x8e: {  	[smem:$0x3FC5] =	sst s2  }
0x8f: {  	_ = 	snop  }
0x90: {  	s2 =	sld [smem:$0x3FC9]  }
0x91: {  	s18 =	sld [smem:$0x3FD0];
	(tm) =	ssettm $0x1  }
0x92: {  	s4 =	sld [smem:$0x3FFB];
	_ =	sdelay $0x3  }
0x93: {  	_ =	strace s4  }
0x94: {  	s4 =	sld [smem:$0x3FFC];
	_ =	sdelay $0x3  }
0x95: {  	_ =	strace s4  }
0x96: {  	s4 =	sld [smem:$0x3FFD];
	_ =	sdelay $0x3  }
0x97: {  	_ =	strace s4  }
0x98: {  	_ =	strace $0x8FFFFFFF  }
0x99: {  	s19 =	sld [smem:$0x3FDB];
	_ =	sdelay $0x1  }
0x9a: {  	s5 =	simm.s32 $_scs_section_size  }
0x9b: {  	s6 =	simm.s32 $_size__tile_overlayer_lowered;
	s7 =	simm.s32 $_tile_overlayer_lowered  }
0x9c: {  	s22 =	simm.s32 $0x1BFF;
	s21 =	sshll.u32 s7, $0x1;
	s4 =	sadd.s32 s5, s19  }
0x9d: {  	s8 =	simm.s32 $0x0;
	s20 =	sshll.u32 s6, $0x1;
	s6 =	sadd.s32 s21, s4  }
0x9e: {  	[timem:s8], [sflag:s22] =	dma.local [hbm:s6], s20  }
0x9f: {  	_ =	swait.ge [sflag:s22], s20  }
0xa0: {  	s5 =	ssub.s32 $0x0, s20;
	[sflag:s22] =	ssyncset.done $0x0  }
0xa1: {  	[sflag:s22] =	ssyncadd.s32 s5;
	_ =	sdelay $0x1  }
0xa2: {  	s23 =	simm.s32 $0x1B8B  }
0xa3: {  	_ =	swait.ge [sflag:s23], $0x1  }
0xa4: {  	[sflag:s23] =	ssyncset.done $0x0  }
0xa5: {  	s25 =	simm.s32 $0x1B8E;
	s24 =	sld [smem:$0x3FFE];
	[sflag:s23] =	ssyncadd.s32 $0xFFFFFFFF  }
0xa6: {  	s26 =	simm.s32 $execute0_lowered;
	[smem:$0x3FD2] =	sst s25  }
0xa7: {  	s6 =	sshll.u32 s26, $0x1;
	_ =	strace $0x80000046;
	[dreg:$0x1] =	wrdreg $0xFFFFFFFF  }
0xa8: {  	s28 =	simm.s32 $_size_execute0_lowered;
	s4 =	sadd.s32 s4, s6;
	[dreg:$0x0] =	wrdreg $0x0  }
0xa9: {  	s6 =	sshll.u32 s28, $0x1;
	[dreg:$0x2] =	wrdreg s4  }
0xaa: {  	[dreg:$0x3] =	wrdreg s6  }
0xab: {  	[dreg:$0x4] =	wrdreg $0xC0  }
0xac: {  	_ =	task [dreg:s8], $0x5FFFF  }
0xad: {  	[dreg:$0x1] =	wrdreg $0xFFFFFFFF  }
0xae: {  	[dreg:$0x0] =	wrdreg $0x60  }
0xaf: {  	[dreg:$0x2] =	wrdreg s2  }
0xb0: {  	[dreg:$0x3] =	wrdreg s24  }
0xb1: {  	[dreg:$0x4] =	wrdreg s18  }
0xb2: {  	[dreg:$0x5] =	wrdreg $0x9  }
0xb3: {  	_ =	task.clear_ibuf [dreg:s8], $0x6FFFF;
	_ =	strace $0x90000046  }
0xb4: {  	s29 =	simm.s32 $0x9;
	_ =	strace $0x80000048  }
0xb5: {  	_ =	swait.ge [sflag:s29], $0x1  }
0xb6: {  	[sflag:s29] =	ssyncadd.s32 $0xFFFFFFFF  }
0xb7: {  	_ =	strace $0x90000048  }
0xb8: {  	_ =	sfence  }
0xb9: {  	s30 =	sld [smem:$0x0];
	_ =	sdelay $0x2  }
0xba: {  	s31 =	sshll.u32 s1, $0xD;
	s1 =	sshrl.u32 s1, $0x2  }
0xbb: {  	s3 =	sand.u32 $0x4000, s31;
	s1 =	sadd.s32 s1, s30  }
0xbc: {  	s0 =	sor.u32 s3, s0;
	s1 =	sshll.u32 s1, $0x11  }
0xbd: {  	s0 =	sor.u32 s1, s0  }
0xbe: {  	s0 =	sadd.s32 $0x8F2B, s0  }
0xbf: {  	[sflag:s0] =	ssyncadd.remote.s32 $0x1  }
0xc0: {  	_ =	sfence.sel $0xFFFF  }
0xc1: {  	[dreg:$0x0] =	wrdreg $0xFFFFFFFF;
	(pc) =	sbr.abs _section_cstart, $3  }
0xc2: {  	[dreg:$0x1] =	wrdreg $0xFFFFFFFF  }
0xc3: {  	_ =	task.clear_ibuf [dreg:s8], $0x2FFFF;
	_ =	strace $0x9FFFFFFF  }
0xc4: {  	(tm) =	ssettm $0x7FFFFFFF  }
0xc5: {  	_ =	shalt  }
tec
execute0_lowered:
.L_overlay_start_1:
0x0: {  	(tag) =	ssettag $0x1  }
0x1: {  	s0 =	rddreg [dreg:$0x0]  }
0x2: {  	s3 =	srdreg.scid;
	s18 =	stileid.u32  }
0x3: {  	s1 =	rddreg [dreg:$0x1];
	s3 =	sand.u32 $0x1, s3;
	s4 =	sshll.u32 s18, $0x1  }
0x4: {  	s2 =	rddreg [dreg:$0x2];
	s4 =	sor.u32 s3, s4  }
0x5: {  	s30 =	simm.s32 $0x0;
	s5 =	sshll.u32 s4, $0xF;
	s6 =	sshll.u32 s4, $0x9  }
0x6: {  	[smem:$0x7FF] =	sst s30;
	s4 =	sadd.s32 s5, s1;
	s0 =	sadd.s32 s0, s6  }
0x7: {  	_ =	strace $0x80000047;
	[dreg:$0x4] =	wrdreg s0;
	s15 =	sadd.s32 $0x600, s4  }
0x8: {  	s16 =	sadd.s32 $0x2600, s4;
	[dreg:$0x5] =	wrdreg s15  }
0x9: {  	s17 =	sadd.s32 $0x4600, s4;
	[dreg:$0x6] =	wrdreg s16  }
0xa: {  	s19 =	sadd.s32 $0x6600, s4;
	[dreg:$0x7] =	wrdreg s17  }
0xb: {  	s20 =	sadd.s32 $0x608, s4;
	[dreg:$0x8] =	wrdreg s19  }
0xc: {  	s21 =	sadd.s32 $0x2608, s4;
	[dreg:$0x9] =	wrdreg s20  }
0xd: {  	s22 =	sadd.s32 $0x4608, s4;
	[dreg:$0xa] =	wrdreg s21  }
0xe: {  	s23 =	sadd.s32 $0x6608, s4;
	[dreg:$0xb] =	wrdreg s22  }
0xf: {  	s24 =	sadd.s32 $0x610, s4;
	[dreg:$0xc] =	wrdreg s23  }
0x10: {  	s25 =	sadd.s32 $0x2610, s4;
	[dreg:$0xd] =	wrdreg s24  }
0x11: {  	s26 =	sadd.s32 $0x4610, s4;
	[dreg:$0xe] =	wrdreg s25  }
0x12: {  	s5 =	sadd.s32 $0x6610, s4;
	[dreg:$0xf] =	wrdreg s26  }
0x13: {  	s6 =	sadd.s32 $0x618, s4;
	[dreg:$0x10] =	wrdreg s5  }
0x14: {  	s7 =	sadd.s32 $0x2618, s4;
	[dreg:$0x11] =	wrdreg s6  }
0x15: {  	s8 =	sadd.s32 $0x4618, s4;
	[dreg:$0x12] =	wrdreg s7  }
0x16: {  	s9 =	sadd.s32 $0x6618, s4;
	[dreg:$0x13] =	wrdreg s8  }
0x17: {  	s10 =	sadd.s32 $0x620, s4;
	[dreg:$0x14] =	wrdreg s9  }
0x18: {  	s11 =	sadd.s32 $0x2620, s4;
	[dreg:$0x15] =	wrdreg s10  }
0x19: {  	s12 =	sadd.s32 $0x4620, s4;
	[dreg:$0x16] =	wrdreg s11  }
0x1a: {  	s13 =	sadd.s32 $0x6620, s4;
	[dreg:$0x17] =	wrdreg s12  }
0x1b: {  	s14 =	sadd.s32 $0x628, s4;
	[dreg:$0x18] =	wrdreg s13  }
0x1c: {  	[dreg:$0x19] =	wrdreg s14  }
0x1d: {  	s15 =	sadd.s32 $0x2628, s4;
	s0 =	rddreg [dreg:$0x4]  }
0x1e: {  	s16 =	sadd.s32 $0x4628, s4;
	[dreg:$0x1a] =	wrdreg s15  }
0x1f: {  	s17 =	sadd.s32 $0x6628, s4;
	[dreg:$0x1b] =	wrdreg s16  }
0x20: {  	s19 =	sadd.s32 $0x630, s4;
	[dreg:$0x1c] =	wrdreg s17  }
0x21: {  	s20 =	sadd.s32 $0x2630, s4;
	[dreg:$0x1d] =	wrdreg s19  }
0x22: {  	s21 =	sadd.s32 $0x4630, s4;
	[dreg:$0x1e] =	wrdreg s20  }
0x23: {  	s22 =	sadd.s32 $0x6630, s4;
	[dreg:$0x1f] =	wrdreg s21  }
0x24: {  	s23 =	sadd.s32 $0x638, s4;
	[smem:$0x7E6] =	sst s22  }
0x25: {  	s24 =	sadd.s32 $0x2638, s4;
	[smem:$0x7E7] =	sst s23  }
0x26: {  	s25 =	sadd.s32 $0x4638, s4;
	[smem:$0x7E8] =	sst s24  }
0x27: {  	s31 =	simm.s32 $0x9;
	s5 =	sadd.s32 $0x6638, s4;
	[smem:$0x7E9] =	sst s25  }
0x28: {  	s28 =	simm.s32 $0xE80;
	s6 =	simm.s32 $0x400;
	[smem:$0x7EA] =	sst s5  }
0x29: {  	p0 =	por $0x0, $0x0;
	s7 =	simm.s32 $0x800;
	[smem:$0x7EB] =	sst s6  }
0x2a: {  	s29 =	sadd.s32 $0x61AE00, s1;
	s8 =	simm.s32 $0xC00;
	[smem:$0x7EC] =	sst s7  }
0x2b: {  	s26 =	ssub.s32 $0x2, s3;
	s9 =	simm.s32 $0x480;
	[smem:$0x7ED] =	sst s8  }
0x2c: {  	s4 =	simm.s32 $0x80;
	s10 =	simm.s32 $0x880;
	[smem:$0x7EE] =	sst s9  }
0x2d: {  	s11 =	simm.s32 $0xC80;
	s12 =	simm.s32 $0x100;
	[smem:$0x7EF] =	sst s10  }
0x2e: {  	s13 =	simm.s32 $0x500;
	s14 =	simm.s32 $0x1;
	[smem:$0x7F0] =	sst s11  }
0x2f: {  	s3 =	sshrl.u32 s26, $0x1;
	s9 =	simm.s32 $0x1000;
	[smem:$0x7F1] =	sst s12  }
0x30: {  	s6 =	simm.s32 $0x3000;
	[smem:$0x7F2] =	sst s13;
	s15 =	simm.s32 $0x900  }
0x31: {  	s5 =	simm.s32 $0x40;
	s16 =	simm.s32 $0xD00;
	s7 =	simm.s32 $0x200  }
0x32: {  	s17 =	simm.s32 $0x180;
	s8 =	simm.s32 $0x7000;
	s19 =	simm.s32 $0x580  }
0x33: {  	s20 =	simm.s32 $0x980;
	s10 =	simm.s32 $0x5;
	[smem:$0x7F3] =	sst s15  }
0x34: {  	s21 =	simm.s32 $0xD80;
	s22 =	simm.s32 $0x600;
	[smem:$0x7F4] =	sst s16  }
0x35: {  	s11 =	simm.s32 $0x6;
	s23 =	simm.s32 $0xA00;
	[smem:$0x7F5] =	sst s17  }
0x36: {  	s24 =	simm.s32 $0xE00;
	s12 =	simm.s32 $0x7;
	[smem:$0x7F6] =	sst s19  }
0x37: {  	s25 =	simm.s32 $0x280;
	s13 =	simm.s32 $0x8;
	[smem:$0x7F7] =	sst s20  }
0x38: {  	s1 =	ssub.s32 s26, s3;
	s3 =	simm.s32 $0x5000;
	[smem:$0x7F8] =	sst s21  }
0x39: {  	s15 =	simm.s32 $0x2;
	[smem:$0x7F9] =	sst s22;
	s1 =	smax.u32 s1, $0x1  }
0x3a: {  	s16 =	simm.s32 $0x3;
	[smem:$0x7FA] =	sst s23;
	p1 =	sne.s32 s1, $0x1  }
.Ltmp0:
0x3b: {  	s17 =	simm.s32 $0x4;
	[smem:$0x7FB] =	sst s24;
	(pc) =	sbr.rel @!p1 .LBB2_1-.Ltmp0, $4  }
0x3c: {  	[smem:$0x7FC] =	sst s25;
	s26 =	simm.s32 $0x680;
	s25 =	simm.s32 $0x700  }
0x3d: {  	s24 =	simm.s32 $0xB00;
	s23 =	simm.s32 $0xF00;
	s22 =	simm.s32 $0x380  }
0x3e: {  	s21 =	simm.s32 $0x780;
	s20 =	simm.s32 $0xB80;
	s19 =	simm.s32 $0xF80  }
0x3f: {  	[smem:$0x7FD] =	sst s26;
	s26 =	simm.s32 $0x300;
	s1 =	sadd.s32 $0xFFFFFFFF, s1  }
0x40: {  	[tilespmem:s30], [sflag:$0x9] =	stream.linear.gather [hbm4b:s0+s30], $0x1000, $0x38;
	[tilespmem:$0x9000] =	vst v63  }
0x41: {  	_ =	swait.ge [sflag:s31], $0x1000  }
0x42: {  	[sflag:s31] =	ssyncset.done $0x0  }
0x43: {  	s0 =	sld [smem:$0x7EB];
	[sflag:s31] =	ssyncadd.s32 $0xFFFFF000  }
0x44: {  	[tilespmem:s9], [sflag:$0x1] =	stream.indirect.gather [hbm4b:s29+s4], $0x40, s30, s4, $0xb8;
	[tilespmem:$0x9000] =	vst v63  }
0x45: {  	s18 =	smov.u32 s1;
	s1 =	sld [smem:$0x7EC]  }
0x46: {  	[tilespmem:s6], [sflag:$0x2] =	stream.indirect.gather [hbm4b:s29+s4], $0x40, s0, s4, $0xb8;
	[tilespmem:$0x9000] =	vst v63  }
0x47: {  	_ = 	snop  }
0x48: {  	[tilespmem:s3], [sflag:$0x3] =	stream.indirect.gather [hbm4b:s29+s4], $0x40, s1, s4, $0xb8;
	[tilespmem:$0x9000] =	vst v63  }
0x49: {  	_ =	swait.ge [sflag:s14], $0x2000  }
0x4a: {  	s0 =	rddreg [dreg:$0x5];
	[sflag:s14] =	ssyncset.done $0x0  }
0x4b: {  	s1 =	sld [smem:$0x7ED];
	[sflag:s14] =	ssyncadd.s32 $0xFFFFE000  }
0x4c: {  	[hbm4b:s0+s5] =	stream.strided.scatter [tilespmem:s9], [sflag:$0x5], $0x2000, s7, s5, $0x38;
	[tilespmem:$0x9000] =	vst v63  }
0x4d: {  	_ = 	snop  }
0x4e: {  	[tilespmem:s8], [sflag:$0x4] =	stream.indirect.gather [hbm4b:s29+s4], $0x40, s1, s4, $0xb8;
	[tilespmem:$0x9000] =	vst v63  }
0x4f: {  	_ =	swait.ge [sflag:s15], $0x2000  }
0x50: {  	[sflag:s15] =	ssyncset.done $0x0  }
0x51: {  	s1 =	rddreg [dreg:$0x6];
	[sflag:s15] =	ssyncadd.s32 $0xFFFFE000  }
0x52: {  	[hbm4b:s1+s5] =	stream.strided.scatter [tilespmem:s6], [sflag:$0x6], $0x2000, s7, s5, $0x38;
	[tilespmem:$0x9000] =	vst v63  }
0x53: {  	_ =	swait.ge [sflag:s10], $0x2000  }
0x54: {  	[sflag:s10] =	ssyncset.done $0x0  }
0x55: {  	[sflag:s10] =	ssyncadd.s32 $0xFFFFE000  }
0x56: {  	[tilespmem:s9], [sflag:$0x1] =	stream.indirect.gather [hbm4b:s29+s4], $0x40, s4, s4, $0xb8;
	[tilespmem:$0x9000] =	vst v63  }
0x57: {  	_ =	swait.ge [sflag:s16], $0x2000  }
0x58: {  	[sflag:s16] =	ssyncset.done $0x0  }
0x59: {  	s1 =	rddreg [dreg:$0x7];
	[sflag:s16] =	ssyncadd.s32 $0xFFFFE000  }
0x5a: {  	[hbm4b:s1+s5] =	stream.strided.scatter [tilespmem:s3], [sflag:$0x7], $0x2000, s7, s5, $0x38;
	[tilespmem:$0x9000] =	vst v63  }
0x5b: {  	_ =	swait.ge [sflag:s11], $0x2000  }
0x5c: {  	s1 =	sld [smem:$0x7EE]  }
0x5d: {  	[sflag:s11] =	ssyncset.done $0x0  }
0x5e: {  	[sflag:s11] =	ssyncadd.s32 $0xFFFFE000  }
0x5f: {  	[tilespmem:s6], [sflag:$0x2] =	stream.indirect.gather [hbm4b:s29+s4], $0x40, s1, s4, $0xb8;
	[tilespmem:$0x9000] =	vst v63  }
0x60: {  	_ =	swait.ge [sflag:s17], $0x2000  }
0x61: {  	[sflag:s17] =	ssyncset.done $0x0  }
0x62: {  	s1 =	rddreg [dreg:$0x8];
	[sflag:s17] =	ssyncadd.s32 $0xFFFFE000  }
0x63: {  	[hbm4b:s1+s5] =	stream.strided.scatter [tilespmem:s8], [sflag:$0x8], $0x2000, s7, s5, $0x38;
	[tilespmem:$0x9000] =	vst v63  }
0x64: {  	_ =	swait.ge [sflag:s12], $0x2000  }
0x65: {  	s1 =	sld [smem:$0x7EF]  }
0x66: {  	[sflag:s12] =	ssyncset.done $0x0  }
0x67: {  	[sflag:s12] =	ssyncadd.s32 $0xFFFFE000  }
0x68: {  	[tilespmem:s3], [sflag:$0x3] =	stream.indirect.gather [hbm4b:s29+s4], $0x40, s1, s4, $0xb8;
	[tilespmem:$0x9000] =	vst v63  }
0x69: {  	_ =	swait.ge [sflag:s14], $0x2000  }
0x6a: {  	[sflag:s14] =	ssyncset.done $0x0  }
0x6b: {  	s1 =	rddreg [dreg:$0x9];
	[sflag:s14] =	ssyncadd.s32 $0xFFFFE000  }
0x6c: {  	[hbm4b:s1+s5] =	stream.strided.scatter [tilespmem:s9], [sflag:$0x5], $0x2000, s7, s5, $0x38;
	[tilespmem:$0x9000] =	vst v63  }
0x6d: {  	_ =	swait.ge [sflag:s13], $0x2000  }
0x6e: {  	s1 =	sld [smem:$0x7F0]  }
0x6f: {  	[sflag:s13] =	ssyncset.done $0x0  }
0x70: {  	[sflag:s13] =	ssyncadd.s32 $0xFFFFE000  }
0x71: {  	[tilespmem:s8], [sflag:$0x4] =	stream.indirect.gather [hbm4b:s29+s4], $0x40, s1, s4, $0xb8;
	[tilespmem:$0x9000] =	vst v63  }
0x72: {  	_ =	swait.ge [sflag:s15], $0x2000  }
0x73: {  	[sflag:s15] =	ssyncset.done $0x0  }
0x74: {  	s1 =	rddreg [dreg:$0xa];
	[sflag:s15] =	ssyncadd.s32 $0xFFFFE000  }
0x75: {  	[hbm4b:s1+s5] =	stream.strided.scatter [tilespmem:s6], [sflag:$0x6], $0x2000, s7, s5, $0x38;
	[tilespmem:$0x9000] =	vst v63  }
0x76: {  	_ =	swait.ge [sflag:s10], $0x2000  }
0x77: {  	s1 =	sld [smem:$0x7F1]  }
0x78: {  	[sflag:s10] =	ssyncset.done $0x0  }
0x79: {  	[sflag:s10] =	ssyncadd.s32 $0xFFFFE000  }
0x7a: {  	[tilespmem:s9], [sflag:$0x1] =	stream.indirect.gather [hbm4b:s29+s4], $0x40, s1, s4, $0xb8;
	[tilespmem:$0x9000] =	vst v63  }
0x7b: {  	_ =	swait.ge [sflag:s16], $0x2000  }
0x7c: {  	[sflag:s16] =	ssyncset.done $0x0  }
0x7d: {  	s1 =	rddreg [dreg:$0xb];
	[sflag:s16] =	ssyncadd.s32 $0xFFFFE000  }
0x7e: {  	[hbm4b:s1+s5] =	stream.strided.scatter [tilespmem:s3], [sflag:$0x7], $0x2000, s7, s5, $0x38;
	[tilespmem:$0x9000] =	vst v63  }
0x7f: {  	_ =	swait.ge [sflag:s11], $0x2000  }
0x80: {  	s1 =	sld [smem:$0x7F2]  }
0x81: {  	[sflag:s11] =	ssyncset.done $0x0  }
0x82: {  	[sflag:s11] =	ssyncadd.s32 $0xFFFFE000  }
0x83: {  	[tilespmem:s6], [sflag:$0x2] =	stream.indirect.gather [hbm4b:s29+s4], $0x40, s1, s4, $0xb8;
	[tilespmem:$0x9000] =	vst v63  }
0x84: {  	_ =	swait.ge [sflag:s17], $0x2000  }
0x85: {  	[sflag:s17] =	ssyncset.done $0x0  }
0x86: {  	s1 =	rddreg [dreg:$0xc];
	[sflag:s17] =	ssyncadd.s32 $0xFFFFE000  }
0x87: {  	[hbm4b:s1+s5] =	stream.strided.scatter [tilespmem:s8], [sflag:$0x8], $0x2000, s7, s5, $0x38;
	[tilespmem:$0x9000] =	vst v63  }
0x88: {  	_ =	swait.ge [sflag:s12], $0x2000  }
0x89: {  	s1 =	sld [smem:$0x7F3]  }
0x8a: {  	[sflag:s12] =	ssyncset.done $0x0  }
0x8b: {  	[sflag:s12] =	ssyncadd.s32 $0xFFFFE000  }
0x8c: {  	[tilespmem:s3], [sflag:$0x3] =	stream.indirect.gather [hbm4b:s29+s4], $0x40, s1, s4, $0xb8;
	[tilespmem:$0x9000] =	vst v63  }
0x8d: {  	_ =	swait.ge [sflag:s14], $0x2000  }
0x8e: {  	[sflag:s14] =	ssyncset.done $0x0  }
0x8f: {  	s1 =	rddreg [dreg:$0xd];
	[sflag:s14] =	ssyncadd.s32 $0xFFFFE000  }
0x90: {  	[hbm4b:s1+s5] =	stream.strided.scatter [tilespmem:s9], [sflag:$0x5], $0x2000, s7, s5, $0x38;
	[tilespmem:$0x9000] =	vst v63  }
0x91: {  	_ =	swait.ge [sflag:s13], $0x2000  }
0x92: {  	s1 =	sld [smem:$0x7F4]  }
0x93: {  	[sflag:s13] =	ssyncset.done $0x0  }
0x94: {  	[sflag:s13] =	ssyncadd.s32 $0xFFFFE000  }
0x95: {  	[tilespmem:s8], [sflag:$0x4] =	stream.indirect.gather [hbm4b:s29+s4], $0x40, s1, s4, $0xb8;
	[tilespmem:$0x9000] =	vst v63  }
0x96: {  	_ =	swait.ge [sflag:s15], $0x2000  }
0x97: {  	[sflag:s15] =	ssyncset.done $0x0  }
0x98: {  	s1 =	rddreg [dreg:$0xe];
	[sflag:s15] =	ssyncadd.s32 $0xFFFFE000  }
0x99: {  	[hbm4b:s1+s5] =	stream.strided.scatter [tilespmem:s6], [sflag:$0x6], $0x2000, s7, s5, $0x38;
	[tilespmem:$0x9000] =	vst v63  }
0x9a: {  	_ =	swait.ge [sflag:s10], $0x2000  }
0x9b: {  	s1 =	sld [smem:$0x7F5]  }
0x9c: {  	[sflag:s10] =	ssyncset.done $0x0  }
0x9d: {  	[sflag:s10] =	ssyncadd.s32 $0xFFFFE000  }
0x9e: {  	[tilespmem:s9], [sflag:$0x1] =	stream.indirect.gather [hbm4b:s29+s4], $0x40, s1, s4, $0xb8;
	[tilespmem:$0x9000] =	vst v63  }
0x9f: {  	_ =	swait.ge [sflag:s16], $0x2000  }
0xa0: {  	[sflag:s16] =	ssyncset.done $0x0  }
0xa1: {  	s1 =	rddreg [dreg:$0xf];
	[sflag:s16] =	ssyncadd.s32 $0xFFFFE000  }
0xa2: {  	[hbm4b:s1+s5] =	stream.strided.scatter [tilespmem:s3], [sflag:$0x7], $0x2000, s7, s5, $0x38;
	[tilespmem:$0x9000] =	vst v63  }
0xa3: {  	_ =	swait.ge [sflag:s11], $0x2000  }
0xa4: {  	s1 =	sld [smem:$0x7F6]  }
0xa5: {  	[sflag:s11] =	ssyncset.done $0x0  }
0xa6: {  	[sflag:s11] =	ssyncadd.s32 $0xFFFFE000  }
0xa7: {  	[tilespmem:s6], [sflag:$0x2] =	stream.indirect.gather [hbm4b:s29+s4], $0x40, s1, s4, $0xb8;
	[tilespmem:$0x9000] =	vst v63  }
0xa8: {  	_ =	swait.ge [sflag:s17], $0x2000  }
0xa9: {  	[sflag:s17] =	ssyncset.done $0x0  }
0xaa: {  	s1 =	rddreg [dreg:$0x10];
	[sflag:s17] =	ssyncadd.s32 $0xFFFFE000  }
0xab: {  	[hbm4b:s1+s5] =	stream.strided.scatter [tilespmem:s8], [sflag:$0x8], $0x2000, s7, s5, $0x38;
	[tilespmem:$0x9000] =	vst v63  }
0xac: {  	_ =	swait.ge [sflag:s12], $0x2000  }
0xad: {  	s1 =	sld [smem:$0x7F7]  }
0xae: {  	[sflag:s12] =	ssyncset.done $0x0  }
0xaf: {  	[sflag:s12] =	ssyncadd.s32 $0xFFFFE000  }
0xb0: {  	[tilespmem:s3], [sflag:$0x3] =	stream.indirect.gather [hbm4b:s29+s4], $0x40, s1, s4, $0xb8;
	[tilespmem:$0x9000] =	vst v63  }
0xb1: {  	_ =	swait.ge [sflag:s14], $0x2000  }
0xb2: {  	[sflag:s14] =	ssyncset.done $0x0  }
0xb3: {  	s1 =	rddreg [dreg:$0x11];
	[sflag:s14] =	ssyncadd.s32 $0xFFFFE000  }
0xb4: {  	[hbm4b:s1+s5] =	stream.strided.scatter [tilespmem:s9], [sflag:$0x5], $0x2000, s7, s5, $0x38;
	[tilespmem:$0x9000] =	vst v63  }
0xb5: {  	_ =	swait.ge [sflag:s13], $0x2000  }
0xb6: {  	s1 =	sld [smem:$0x7F8]  }
0xb7: {  	[sflag:s13] =	ssyncset.done $0x0  }
0xb8: {  	[sflag:s13] =	ssyncadd.s32 $0xFFFFE000  }
0xb9: {  	[tilespmem:s8], [sflag:$0x4] =	stream.indirect.gather [hbm4b:s29+s4], $0x40, s1, s4, $0xb8;
	[tilespmem:$0x9000] =	vst v63  }
0xba: {  	_ =	swait.ge [sflag:s15], $0x2000  }
0xbb: {  	[sflag:s15] =	ssyncset.done $0x0  }
0xbc: {  	s1 =	rddreg [dreg:$0x12];
	[sflag:s15] =	ssyncadd.s32 $0xFFFFE000  }
0xbd: {  	[hbm4b:s1+s5] =	stream.strided.scatter [tilespmem:s6], [sflag:$0x6], $0x2000, s7, s5, $0x38;
	[tilespmem:$0x9000] =	vst v63  }
0xbe: {  	_ =	swait.ge [sflag:s10], $0x2000  }
0xbf: {  	[sflag:s10] =	ssyncset.done $0x0  }
0xc0: {  	[sflag:s10] =	ssyncadd.s32 $0xFFFFE000  }
0xc1: {  	[tilespmem:s9], [sflag:$0x1] =	stream.indirect.gather [hbm4b:s2+s4], $0x40, s7, s4, $0xb8;
	[tilespmem:$0x9000] =	vst v63  }
0xc2: {  	_ =	swait.ge [sflag:s16], $0x2000  }
0xc3: {  	[sflag:s16] =	ssyncset.done $0x0  }
0xc4: {  	s1 =	rddreg [dreg:$0x13];
	[sflag:s16] =	ssyncadd.s32 $0xFFFFE000  }
0xc5: {  	[hbm4b:s1+s5] =	stream.strided.scatter [tilespmem:s3], [sflag:$0x7], $0x2000, s7, s5, $0x38;
	[tilespmem:$0x9000] =	vst v63  }
0xc6: {  	_ =	swait.ge [sflag:s11], $0x2000  }
0xc7: {  	s1 =	sld [smem:$0x7F9]  }
0xc8: {  	[sflag:s11] =	ssyncset.done $0x0  }
0xc9: {  	[sflag:s11] =	ssyncadd.s32 $0xFFFFE000  }
0xca: {  	[tilespmem:s6], [sflag:$0x2] =	stream.indirect.gather [hbm4b:s2+s4], $0x40, s1, s4, $0xb8;
	[tilespmem:$0x9000] =	vst v63  }
0xcb: {  	_ =	swait.ge [sflag:s17], $0x2000  }
0xcc: {  	[sflag:s17] =	ssyncset.done $0x0  }
0xcd: {  	s1 =	rddreg [dreg:$0x14];
	[sflag:s17] =	ssyncadd.s32 $0xFFFFE000  }
0xce: {  	[hbm4b:s1+s5] =	stream.strided.scatter [tilespmem:s8], [sflag:$0x8], $0x2000, s7, s5, $0x38;
	[tilespmem:$0x9000] =	vst v63  }
0xcf: {  	_ =	swait.ge [sflag:s12], $0x2000  }
0xd0: {  	s1 =	sld [smem:$0x7FA]  }
0xd1: {  	[sflag:s12] =	ssyncset.done $0x0  }
0xd2: {  	[sflag:s12] =	ssyncadd.s32 $0xFFFFE000  }
0xd3: {  	[tilespmem:s3], [sflag:$0x3] =	stream.indirect.gather [hbm4b:s2+s4], $0x40, s1, s4, $0xb8;
	[tilespmem:$0x9000] =	vst v63  }
0xd4: {  	_ =	swait.ge [sflag:s14], $0x2000  }
0xd5: {  	[sflag:s14] =	ssyncset.done $0x0  }
0xd6: {  	s1 =	rddreg [dreg:$0x15];
	[sflag:s14] =	ssyncadd.s32 $0xFFFFE000  }
0xd7: {  	[hbm4b:s1+s5] =	stream.strided.scatter [tilespmem:s9], [sflag:$0x5], $0x2000, s7, s5, $0x38;
	[tilespmem:$0x9000] =	vst v63  }
0xd8: {  	_ =	swait.ge [sflag:s13], $0x2000  }
0xd9: {  	s1 =	sld [smem:$0x7FB]  }
0xda: {  	[sflag:s13] =	ssyncset.done $0x0  }
0xdb: {  	[sflag:s13] =	ssyncadd.s32 $0xFFFFE000  }
0xdc: {  	[tilespmem:s8], [sflag:$0x4] =	stream.indirect.gather [hbm4b:s2+s4], $0x40, s1, s4, $0xb8;
	[tilespmem:$0x9000] =	vst v63  }
0xdd: {  	_ =	swait.ge [sflag:s15], $0x2000  }
0xde: {  	[sflag:s15] =	ssyncset.done $0x0  }
0xdf: {  	s1 =	rddreg [dreg:$0x16];
	[sflag:s15] =	ssyncadd.s32 $0xFFFFE000  }
0xe0: {  	[hbm4b:s1+s5] =	stream.strided.scatter [tilespmem:s6], [sflag:$0x6], $0x2000, s7, s5, $0x38;
	[tilespmem:$0x9000] =	vst v63  }
0xe1: {  	_ =	swait.ge [sflag:s10], $0x2000  }
0xe2: {  	s1 =	sld [smem:$0x7FC]  }
0xe3: {  	[sflag:s10] =	ssyncset.done $0x0  }
0xe4: {  	[sflag:s10] =	ssyncadd.s32 $0xFFFFE000  }
0xe5: {  	[tilespmem:s9], [sflag:$0x1] =	stream.indirect.gather [hbm4b:s2+s4], $0x40, s1, s4, $0xb8;
	[tilespmem:$0x9000] =	vst v63  }
0xe6: {  	_ =	swait.ge [sflag:s16], $0x2000  }
0xe7: {  	[sflag:s16] =	ssyncset.done $0x0  }
0xe8: {  	s1 =	rddreg [dreg:$0x17];
	[sflag:s16] =	ssyncadd.s32 $0xFFFFE000  }
0xe9: {  	[hbm4b:s1+s5] =	stream.strided.scatter [tilespmem:s3], [sflag:$0x7], $0x2000, s7, s5, $0x38;
	[tilespmem:$0x9000] =	vst v63  }
0xea: {  	_ =	swait.ge [sflag:s11], $0x2000  }
0xeb: {  	s1 =	sld [smem:$0x7FD]  }
0xec: {  	[sflag:s11] =	ssyncset.done $0x0  }
0xed: {  	[sflag:s11] =	ssyncadd.s32 $0xFFFFE000  }
0xee: {  	[tilespmem:s6], [sflag:$0x2] =	stream.indirect.gather [hbm4b:s2+s4], $0x40, s1, s4, $0xb8;
	[tilespmem:$0x9000] =	vst v63  }
0xef: {  	_ =	swait.ge [sflag:s17], $0x2000  }
0xf0: {  	[sflag:s17] =	ssyncset.done $0x0  }
0xf1: {  	s1 =	rddreg [dreg:$0x18];
	[sflag:s17] =	ssyncadd.s32 $0xFFFFE000  }
0xf2: {  	[hbm4b:s1+s5] =	stream.strided.scatter [tilespmem:s8], [sflag:$0x8], $0x2000, s7, s5, $0x38;
	[tilespmem:$0x9000] =	vst v63  }
0xf3: {  	_ =	swait.ge [sflag:s12], $0x2000  }
0xf4: {  	[sflag:s12] =	ssyncset.done $0x0  }
0xf5: {  	s1 =	simm.s32 $0xA80;
	[sflag:s12] =	ssyncadd.s32 $0xFFFFE000  }
0xf6: {  	[tilespmem:s3], [sflag:$0x3] =	stream.indirect.gather [hbm4b:s2+s4], $0x40, s1, s4, $0xb8;
	[tilespmem:$0x9000] =	vst v63  }
0xf7: {  	_ =	swait.ge [sflag:s14], $0x2000  }
0xf8: {  	[sflag:s14] =	ssyncset.done $0x0  }
0xf9: {  	s1 =	rddreg [dreg:$0x19];
	[sflag:s14] =	ssyncadd.s32 $0xFFFFE000  }
0xfa: {  	[hbm4b:s1+s5] =	stream.strided.scatter [tilespmem:s9], [sflag:$0x5], $0x2000, s7, s5, $0x38;
	[tilespmem:$0x9000] =	vst v63  }
0xfb: {  	_ =	swait.ge [sflag:s13], $0x2000  }
0xfc: {  	[sflag:s13] =	ssyncset.done $0x0  }
0xfd: {  	[sflag:s13] =	ssyncadd.s32 $0xFFFFE000  }
0xfe: {  	[tilespmem:s8], [sflag:$0x4] =	stream.indirect.gather [hbm4b:s2+s4], $0x40, s28, s4, $0xb8;
	[tilespmem:$0x9000] =	vst v63  }
0xff: {  	_ =	swait.ge [sflag:s15], $0x2000  }
0x100: {  	[sflag:s15] =	ssyncset.done $0x0  }
0x101: {  	s1 =	rddreg [dreg:$0x1a];
	[sflag:s15] =	ssyncadd.s32 $0xFFFFE000  }
0x102: {  	[hbm4b:s1+s5] =	stream.strided.scatter [tilespmem:s6], [sflag:$0x6], $0x2000, s7, s5, $0x38;
	[tilespmem:$0x9000] =	vst v63  }
0x103: {  	_ =	swait.ge [sflag:s10], $0x2000  }
0x104: {  	[sflag:s10] =	ssyncset.done $0x0  }
0x105: {  	[sflag:s10] =	ssyncadd.s32 $0xFFFFE000  }
0x106: {  	[tilespmem:s9], [sflag:$0x1] =	stream.indirect.gather [hbm4b:s2+s4], $0x40, s26, s4, $0xb8;
	[tilespmem:$0x9000] =	vst v63  }
0x107: {  	_ =	swait.ge [sflag:s16], $0x2000  }
0x108: {  	[sflag:s16] =	ssyncset.done $0x0  }
0x109: {  	s1 =	rddreg [dreg:$0x1b];
	[sflag:s16] =	ssyncadd.s32 $0xFFFFE000  }
0x10a: {  	[hbm4b:s1+s5] =	stream.strided.scatter [tilespmem:s3], [sflag:$0x7], $0x2000, s7, s5, $0x38;
	[tilespmem:$0x9000] =	vst v63  }
0x10b: {  	_ =	swait.ge [sflag:s11], $0x2000  }
0x10c: {  	[sflag:s11] =	ssyncset.done $0x0  }
0x10d: {  	[sflag:s11] =	ssyncadd.s32 $0xFFFFE000  }
0x10e: {  	[tilespmem:s6], [sflag:$0x2] =	stream.indirect.gather [hbm4b:s2+s4], $0x40, s25, s4, $0xb8;
	[tilespmem:$0x9000] =	vst v63  }
0x10f: {  	_ =	swait.ge [sflag:s17], $0x2000  }
0x110: {  	[sflag:s17] =	ssyncset.done $0x0  }
0x111: {  	s1 =	rddreg [dreg:$0x1c];
	[sflag:s17] =	ssyncadd.s32 $0xFFFFE000  }
0x112: {  	[hbm4b:s1+s5] =	stream.strided.scatter [tilespmem:s8], [sflag:$0x8], $0x2000, s7, s5, $0x38;
	[tilespmem:$0x9000] =	vst v63  }
0x113: {  	_ =	swait.ge [sflag:s12], $0x2000  }
0x114: {  	[sflag:s12] =	ssyncset.done $0x0  }
0x115: {  	[sflag:s12] =	ssyncadd.s32 $0xFFFFE000  }
0x116: {  	[tilespmem:s3], [sflag:$0x3] =	stream.indirect.gather [hbm4b:s2+s4], $0x40, s24, s4, $0xb8;
	[tilespmem:$0x9000] =	vst v63  }
0x117: {  	_ =	swait.ge [sflag:s14], $0x2000  }
0x118: {  	[sflag:s14] =	ssyncset.done $0x0  }
0x119: {  	s1 =	rddreg [dreg:$0x1d];
	[sflag:s14] =	ssyncadd.s32 $0xFFFFE000  }
0x11a: {  	[hbm4b:s1+s5] =	stream.strided.scatter [tilespmem:s9], [sflag:$0x5], $0x2000, s7, s5, $0x38;
	[tilespmem:$0x9000] =	vst v63  }
0x11b: {  	_ =	swait.ge [sflag:s13], $0x2000  }
0x11c: {  	[sflag:s13] =	ssyncset.done $0x0  }
0x11d: {  	[sflag:s13] =	ssyncadd.s32 $0xFFFFE000  }
0x11e: {  	[tilespmem:s8], [sflag:$0x4] =	stream.indirect.gather [hbm4b:s2+s4], $0x40, s23, s4, $0xb8;
	[tilespmem:$0x9000] =	vst v63  }
0x11f: {  	_ =	swait.ge [sflag:s15], $0x2000  }
0x120: {  	[sflag:s15] =	ssyncset.done $0x0  }
0x121: {  	s1 =	rddreg [dreg:$0x1e];
	[sflag:s15] =	ssyncadd.s32 $0xFFFFE000  }
0x122: {  	[hbm4b:s1+s5] =	stream.strided.scatter [tilespmem:s6], [sflag:$0x6], $0x2000, s7, s5, $0x38;
	[tilespmem:$0x9000] =	vst v63  }
0x123: {  	_ =	swait.ge [sflag:s10], $0x2000  }
0x124: {  	[sflag:s10] =	ssyncset.done $0x0  }
0x125: {  	[sflag:s10] =	ssyncadd.s32 $0xFFFFE000  }
0x126: {  	[tilespmem:s9], [sflag:$0x1] =	stream.indirect.gather [hbm4b:s2+s4], $0x40, s22, s4, $0xb8;
	[tilespmem:$0x9000] =	vst v63  }
0x127: {  	_ =	swait.ge [sflag:s16], $0x2000  }
0x128: {  	[sflag:s16] =	ssyncset.done $0x0  }
0x129: {  	s1 =	rddreg [dreg:$0x1f];
	[sflag:s16] =	ssyncadd.s32 $0xFFFFE000  }
0x12a: {  	[hbm4b:s1+s5] =	stream.strided.scatter [tilespmem:s3], [sflag:$0x7], $0x2000, s7, s5, $0x38;
	[tilespmem:$0x9000] =	vst v63  }
0x12b: {  	_ =	swait.ge [sflag:s11], $0x2000  }
0x12c: {  	[sflag:s11] =	ssyncset.done $0x0  }
0x12d: {  	[sflag:s11] =	ssyncadd.s32 $0xFFFFE000  }
0x12e: {  	[tilespmem:s6], [sflag:$0x2] =	stream.indirect.gather [hbm4b:s2+s4], $0x40, s21, s4, $0xb8;
	[tilespmem:$0x9000] =	vst v63  }
0x12f: {  	_ =	swait.ge [sflag:s17], $0x2000  }
0x130: {  	s1 =	sld [smem:$0x7E6]  }
0x131: {  	[sflag:s17] =	ssyncset.done $0x0  }
0x132: {  	[sflag:s17] =	ssyncadd.s32 $0xFFFFE000  }
0x133: {  	[hbm4b:s1+s5] =	stream.strided.scatter [tilespmem:s8], [sflag:$0x8], $0x2000, s7, s5, $0x38;
	[tilespmem:$0x9000] =	vst v63  }
0x134: {  	_ =	swait.ge [sflag:s12], $0x2000  }
0x135: {  	[sflag:s12] =	ssyncset.done $0x0  }
0x136: {  	[sflag:s12] =	ssyncadd.s32 $0xFFFFE000  }
0x137: {  	[tilespmem:s3], [sflag:$0x3] =	stream.indirect.gather [hbm4b:s2+s4], $0x40, s20, s4, $0xb8;
	[tilespmem:$0x9000] =	vst v63  }
0x138: {  	_ =	swait.ge [sflag:s14], $0x2000  }
0x139: {  	s1 =	sld [smem:$0x7E7]  }
0x13a: {  	[sflag:s14] =	ssyncset.done $0x0  }
0x13b: {  	[sflag:s14] =	ssyncadd.s32 $0xFFFFE000  }
0x13c: {  	[hbm4b:s1+s5] =	stream.strided.scatter [tilespmem:s9], [sflag:$0x5], $0x2000, s7, s5, $0x38;
	[tilespmem:$0x9000] =	vst v63  }
0x13d: {  	_ =	swait.ge [sflag:s13], $0x2000  }
0x13e: {  	[sflag:s13] =	ssyncset.done $0x0  }
0x13f: {  	[sflag:s13] =	ssyncadd.s32 $0xFFFFE000  }
0x140: {  	[tilespmem:s8], [sflag:$0x4] =	stream.indirect.gather [hbm4b:s2+s4], $0x40, s19, s4, $0xb8;
	[tilespmem:$0x9000] =	vst v63  }
0x141: {  	_ =	swait.ge [sflag:s15], $0x2000  }
0x142: {  	s1 =	sld [smem:$0x7E8]  }
0x143: {  	[sflag:s15] =	ssyncset.done $0x0  }
0x144: {  	[sflag:s15] =	ssyncadd.s32 $0xFFFFE000  }
0x145: {  	[hbm4b:s1+s5] =	stream.strided.scatter [tilespmem:s6], [sflag:$0x6], $0x2000, s7, s5, $0x38;
	[tilespmem:$0x9000] =	vst v63  }
0x146: {  	_ =	swait.ge [sflag:s16], $0x2000  }
0x147: {  	s1 =	sld [smem:$0x7E9]  }
0x148: {  	[sflag:s16] =	ssyncset.done $0x0  }
0x149: {  	[sflag:s16] =	ssyncadd.s32 $0xFFFFE000  }
0x14a: {  	[hbm4b:s1+s5] =	stream.strided.scatter [tilespmem:s3], [sflag:$0x7], $0x2000, s7, s5, $0x38;
	[tilespmem:$0x9000] =	vst v63  }
0x14b: {  	_ =	swait.ge [sflag:s17], $0x2000  }
0x14c: {  	s1 =	sld [smem:$0x7EA]  }
0x14d: {  	[sflag:s17] =	ssyncset.done $0x0  }
0x14e: {  	[sflag:s17] =	ssyncadd.s32 $0xFFFFE000  }
0x14f: {  	[hbm4b:s1+s5] =	stream.strided.scatter [tilespmem:s8], [sflag:$0x8], $0x2000, s7, s5, $0x38;
	[tilespmem:$0x9000] =	vst v63  }
0x150: {  	_ =	swait.ge [sflag:s10], $0x2000  }
0x151: {  	[sflag:s10] =	ssyncset.done $0x0  }
0x152: {  	[sflag:s10] =	ssyncadd.s32 $0xFFFFE000  }
0x153: {  	_ =	swait.ge [sflag:s11], $0x2000  }
0x154: {  	[sflag:s11] =	ssyncset.done $0x0  }
0x155: {  	p1 =	sne.s32 s18, $0x1;
	[sflag:s11] =	ssyncadd.s32 $0xFFFFE000  }
.Ltmp1:
0x156: {  	_ =	swait.ge [sflag:s12], $0x2000;
	(pc) =	sbr.rel @!p1 .LBB2_3-.Ltmp1, $4  }
0x157: {  	[sflag:s12] =	ssyncset.done $0x0  }
0x158: {  	[sflag:s12] =	ssyncadd.s32 $0xFFFFE000  }
0x159: {  	p0 =	por $0x1, $0x1;
	_ =	swait.ge [sflag:s13], $0x2000  }
0x15a: {  	s1 =	sadd.s32 $0xFFFFFFFF, s18;
	s0 =	rddreg [dreg:$0x4];
	[sflag:s13] =	ssyncset.done $0x0  }
.LBB2_4:
0x15b: {  	[sflag:s13] =	ssyncadd.s32 $0xFFFFE000  }
0x15c: {  	[tilespmem:s30], [sflag:$0x9] =	stream.linear.gather [hbm4b:s0+s30], $0x1000, $0x38;
	[tilespmem:$0x9000] =	vst v63  }
0x15d: {  	_ =	swait.ge [sflag:s31], $0x1000  }
0x15e: {  	[sflag:s31] =	ssyncset.done $0x0  }
0x15f: {  	s0 =	sld [smem:$0x7EB];
	[sflag:s31] =	ssyncadd.s32 $0xFFFFF000  }
0x160: {  	[tilespmem:s9], [sflag:$0x1] =	stream.indirect.gather [hbm4b:s29+s4], $0x40, s30, s4, $0xb8;
	[tilespmem:$0x9000] =	vst v63  }
0x161: {  	s18 =	sld [smem:$0x7EC]  }
0x162: {  	[tilespmem:s6], [sflag:$0x2] =	stream.indirect.gather [hbm4b:s29+s4], $0x40, s0, s4, $0xb8;
	[tilespmem:$0x9000] =	vst v63  }
0x163: {  	_ = 	snop  }
0x164: {  	[tilespmem:s3], [sflag:$0x3] =	stream.indirect.gather [hbm4b:s29+s4], $0x40, s18, s4, $0xb8;
	[tilespmem:$0x9000] =	vst v63  }
0x165: {  	_ =	swait.ge [sflag:s14], $0x2000  }
0x166: {  	s0 =	rddreg [dreg:$0x5];
	[sflag:s14] =	ssyncset.done $0x0  }
0x167: {  	s18 =	sld [smem:$0x7ED];
	[sflag:s14] =	ssyncadd.s32 $0xFFFFE000  }
0x168: {  	[hbm4b:s0+s5] =	stream.strided.scatter [tilespmem:s9], [sflag:$0x5], $0x2000, s7, s5, $0x38;
	[tilespmem:$0x9000] =	vst v63  }
0x169: {  	_ = 	snop  }
0x16a: {  	[tilespmem:s8], [sflag:$0x4] =	stream.indirect.gather [hbm4b:s29+s4], $0x40, s18, s4, $0xb8;
	[tilespmem:$0x9000] =	vst v63  }
0x16b: {  	_ =	swait.ge [sflag:s15], $0x2000  }
0x16c: {  	[sflag:s15] =	ssyncset.done $0x0  }
0x16d: {  	s18 =	rddreg [dreg:$0x6];
	[sflag:s15] =	ssyncadd.s32 $0xFFFFE000  }
0x16e: {  	[hbm4b:s18+s5] =	stream.strided.scatter [tilespmem:s6], [sflag:$0x6], $0x2000, s7, s5, $0x38;
	[tilespmem:$0x9000] =	vst v63  }
0x16f: {  	_ =	swait.ge [sflag:s10], $0x2000  }
0x170: {  	[sflag:s10] =	ssyncset.done $0x0  }
0x171: {  	[sflag:s10] =	ssyncadd.s32 $0xFFFFE000  }
0x172: {  	[tilespmem:s9], [sflag:$0x1] =	stream.indirect.gather [hbm4b:s29+s4], $0x40, s4, s4, $0xb8;
	[tilespmem:$0x9000] =	vst v63  }
0x173: {  	_ =	swait.ge [sflag:s16], $0x2000  }
0x174: {  	[sflag:s16] =	ssyncset.done $0x0  }
0x175: {  	s18 =	rddreg [dreg:$0x7];
	[sflag:s16] =	ssyncadd.s32 $0xFFFFE000  }
0x176: {  	[hbm4b:s18+s5] =	stream.strided.scatter [tilespmem:s3], [sflag:$0x7], $0x2000, s7, s5, $0x38;
	[tilespmem:$0x9000] =	vst v63  }
0x177: {  	_ =	swait.ge [sflag:s11], $0x2000  }
0x178: {  	s18 =	sld [smem:$0x7EE]  }
0x179: {  	[sflag:s11] =	ssyncset.done $0x0  }
0x17a: {  	[sflag:s11] =	ssyncadd.s32 $0xFFFFE000  }
0x17b: {  	[tilespmem:s6], [sflag:$0x2] =	stream.indirect.gather [hbm4b:s29+s4], $0x40, s18, s4, $0xb8;
	[tilespmem:$0x9000] =	vst v63  }
0x17c: {  	_ =	swait.ge [sflag:s17], $0x2000  }
0x17d: {  	[sflag:s17] =	ssyncset.done $0x0  }
0x17e: {  	s18 =	rddreg [dreg:$0x8];
	[sflag:s17] =	ssyncadd.s32 $0xFFFFE000  }
0x17f: {  	[hbm4b:s18+s5] =	stream.strided.scatter [tilespmem:s8], [sflag:$0x8], $0x2000, s7, s5, $0x38;
	[tilespmem:$0x9000] =	vst v63  }
0x180: {  	_ =	swait.ge [sflag:s12], $0x2000  }
0x181: {  	s18 =	sld [smem:$0x7EF]  }
0x182: {  	[sflag:s12] =	ssyncset.done $0x0  }
0x183: {  	[sflag:s12] =	ssyncadd.s32 $0xFFFFE000  }
0x184: {  	[tilespmem:s3], [sflag:$0x3] =	stream.indirect.gather [hbm4b:s29+s4], $0x40, s18, s4, $0xb8;
	[tilespmem:$0x9000] =	vst v63  }
0x185: {  	_ =	swait.ge [sflag:s14], $0x2000  }
0x186: {  	[sflag:s14] =	ssyncset.done $0x0  }
0x187: {  	s18 =	rddreg [dreg:$0x9];
	[sflag:s14] =	ssyncadd.s32 $0xFFFFE000  }
0x188: {  	[hbm4b:s18+s5] =	stream.strided.scatter [tilespmem:s9], [sflag:$0x5], $0x2000, s7, s5, $0x38;
	[tilespmem:$0x9000] =	vst v63  }
0x189: {  	_ =	swait.ge [sflag:s13], $0x2000  }
0x18a: {  	s18 =	sld [smem:$0x7F0]  }
0x18b: {  	[sflag:s13] =	ssyncset.done $0x0  }
0x18c: {  	[sflag:s13] =	ssyncadd.s32 $0xFFFFE000  }
0x18d: {  	[tilespmem:s8], [sflag:$0x4] =	stream.indirect.gather [hbm4b:s29+s4], $0x40, s18, s4, $0xb8;
	[tilespmem:$0x9000] =	vst v63  }
0x18e: {  	_ =	swait.ge [sflag:s15], $0x2000  }
0x18f: {  	[sflag:s15] =	ssyncset.done $0x0  }
0x190: {  	s18 =	rddreg [dreg:$0xa];
	[sflag:s15] =	ssyncadd.s32 $0xFFFFE000  }
0x191: {  	[hbm4b:s18+s5] =	stream.strided.scatter [tilespmem:s6], [sflag:$0x6], $0x2000, s7, s5, $0x38;
	[tilespmem:$0x9000] =	vst v63  }
0x192: {  	_ =	swait.ge [sflag:s10], $0x2000  }
0x193: {  	s18 =	sld [smem:$0x7F1]  }
0x194: {  	[sflag:s10] =	ssyncset.done $0x0  }
0x195: {  	[sflag:s10] =	ssyncadd.s32 $0xFFFFE000  }
0x196: {  	[tilespmem:s9], [sflag:$0x1] =	stream.indirect.gather [hbm4b:s29+s4], $0x40, s18, s4, $0xb8;
	[tilespmem:$0x9000] =	vst v63  }
0x197: {  	_ =	swait.ge [sflag:s16], $0x2000  }
0x198: {  	[sflag:s16] =	ssyncset.done $0x0  }
0x199: {  	s18 =	rddreg [dreg:$0xb];
	[sflag:s16] =	ssyncadd.s32 $0xFFFFE000  }
0x19a: {  	[hbm4b:s18+s5] =	stream.strided.scatter [tilespmem:s3], [sflag:$0x7], $0x2000, s7, s5, $0x38;
	[tilespmem:$0x9000] =	vst v63  }
0x19b: {  	_ =	swait.ge [sflag:s11], $0x2000  }
0x19c: {  	s18 =	sld [smem:$0x7F2]  }
0x19d: {  	[sflag:s11] =	ssyncset.done $0x0  }
0x19e: {  	[sflag:s11] =	ssyncadd.s32 $0xFFFFE000  }
0x19f: {  	[tilespmem:s6], [sflag:$0x2] =	stream.indirect.gather [hbm4b:s29+s4], $0x40, s18, s4, $0xb8;
	[tilespmem:$0x9000] =	vst v63  }
0x1a0: {  	_ =	swait.ge [sflag:s17], $0x2000  }
0x1a1: {  	[sflag:s17] =	ssyncset.done $0x0  }
0x1a2: {  	s18 =	rddreg [dreg:$0xc];
	[sflag:s17] =	ssyncadd.s32 $0xFFFFE000  }
0x1a3: {  	[hbm4b:s18+s5] =	stream.strided.scatter [tilespmem:s8], [sflag:$0x8], $0x2000, s7, s5, $0x38;
	[tilespmem:$0x9000] =	vst v63  }
0x1a4: {  	_ =	swait.ge [sflag:s12], $0x2000  }
0x1a5: {  	s18 =	sld [smem:$0x7F3]  }
0x1a6: {  	[sflag:s12] =	ssyncset.done $0x0  }
0x1a7: {  	[sflag:s12] =	ssyncadd.s32 $0xFFFFE000  }
0x1a8: {  	[tilespmem:s3], [sflag:$0x3] =	stream.indirect.gather [hbm4b:s29+s4], $0x40, s18, s4, $0xb8;
	[tilespmem:$0x9000] =	vst v63  }
0x1a9: {  	_ =	swait.ge [sflag:s14], $0x2000  }
0x1aa: {  	[sflag:s14] =	ssyncset.done $0x0  }
0x1ab: {  	s18 =	rddreg [dreg:$0xd];
	[sflag:s14] =	ssyncadd.s32 $0xFFFFE000  }
0x1ac: {  	[hbm4b:s18+s5] =	stream.strided.scatter [tilespmem:s9], [sflag:$0x5], $0x2000, s7, s5, $0x38;
	[tilespmem:$0x9000] =	vst v63  }
0x1ad: {  	_ =	swait.ge [sflag:s13], $0x2000  }
0x1ae: {  	s18 =	sld [smem:$0x7F4]  }
0x1af: {  	[sflag:s13] =	ssyncset.done $0x0  }
0x1b0: {  	[sflag:s13] =	ssyncadd.s32 $0xFFFFE000  }
0x1b1: {  	[tilespmem:s8], [sflag:$0x4] =	stream.indirect.gather [hbm4b:s29+s4], $0x40, s18, s4, $0xb8;
	[tilespmem:$0x9000] =	vst v63  }
0x1b2: {  	_ =	swait.ge [sflag:s15], $0x2000  }
0x1b3: {  	[sflag:s15] =	ssyncset.done $0x0  }
0x1b4: {  	s18 =	rddreg [dreg:$0xe];
	[sflag:s15] =	ssyncadd.s32 $0xFFFFE000  }
0x1b5: {  	[hbm4b:s18+s5] =	stream.strided.scatter [tilespmem:s6], [sflag:$0x6], $0x2000, s7, s5, $0x38;
	[tilespmem:$0x9000] =	vst v63  }
0x1b6: {  	_ =	swait.ge [sflag:s10], $0x2000  }
0x1b7: {  	s18 =	sld [smem:$0x7F5]  }
0x1b8: {  	[sflag:s10] =	ssyncset.done $0x0  }
0x1b9: {  	[sflag:s10] =	ssyncadd.s32 $0xFFFFE000  }
0x1ba: {  	[tilespmem:s9], [sflag:$0x1] =	stream.indirect.gather [hbm4b:s29+s4], $0x40, s18, s4, $0xb8;
	[tilespmem:$0x9000] =	vst v63  }
0x1bb: {  	_ =	swait.ge [sflag:s16], $0x2000  }
0x1bc: {  	[sflag:s16] =	ssyncset.done $0x0  }
0x1bd: {  	s18 =	rddreg [dreg:$0xf];
	[sflag:s16] =	ssyncadd.s32 $0xFFFFE000  }
0x1be: {  	[hbm4b:s18+s5] =	stream.strided.scatter [tilespmem:s3], [sflag:$0x7], $0x2000, s7, s5, $0x38;
	[tilespmem:$0x9000] =	vst v63  }
0x1bf: {  	_ =	swait.ge [sflag:s11], $0x2000  }
0x1c0: {  	s18 =	sld [smem:$0x7F6]  }
0x1c1: {  	[sflag:s11] =	ssyncset.done $0x0  }
0x1c2: {  	[sflag:s11] =	ssyncadd.s32 $0xFFFFE000  }
0x1c3: {  	[tilespmem:s6], [sflag:$0x2] =	stream.indirect.gather [hbm4b:s29+s4], $0x40, s18, s4, $0xb8;
	[tilespmem:$0x9000] =	vst v63  }
0x1c4: {  	_ =	swait.ge [sflag:s17], $0x2000  }
0x1c5: {  	[sflag:s17] =	ssyncset.done $0x0  }
0x1c6: {  	s18 =	rddreg [dreg:$0x10];
	[sflag:s17] =	ssyncadd.s32 $0xFFFFE000  }
0x1c7: {  	[hbm4b:s18+s5] =	stream.strided.scatter [tilespmem:s8], [sflag:$0x8], $0x2000, s7, s5, $0x38;
	[tilespmem:$0x9000] =	vst v63  }
0x1c8: {  	_ =	swait.ge [sflag:s12], $0x2000  }
0x1c9: {  	s18 =	sld [smem:$0x7F7]  }
0x1ca: {  	[sflag:s12] =	ssyncset.done $0x0  }
0x1cb: {  	[sflag:s12] =	ssyncadd.s32 $0xFFFFE000  }
0x1cc: {  	[tilespmem:s3], [sflag:$0x3] =	stream.indirect.gather [hbm4b:s29+s4], $0x40, s18, s4, $0xb8;
	[tilespmem:$0x9000] =	vst v63  }
0x1cd: {  	_ =	swait.ge [sflag:s14], $0x2000  }
0x1ce: {  	[sflag:s14] =	ssyncset.done $0x0  }
0x1cf: {  	s18 =	rddreg [dreg:$0x11];
	[sflag:s14] =	ssyncadd.s32 $0xFFFFE000  }
0x1d0: {  	[hbm4b:s18+s5] =	stream.strided.scatter [tilespmem:s9], [sflag:$0x5], $0x2000, s7, s5, $0x38;
	[tilespmem:$0x9000] =	vst v63  }
0x1d1: {  	_ =	swait.ge [sflag:s13], $0x2000  }
0x1d2: {  	s18 =	sld [smem:$0x7F8]  }
0x1d3: {  	[sflag:s13] =	ssyncset.done $0x0  }
0x1d4: {  	[sflag:s13] =	ssyncadd.s32 $0xFFFFE000  }
0x1d5: {  	[tilespmem:s8], [sflag:$0x4] =	stream.indirect.gather [hbm4b:s29+s4], $0x40, s18, s4, $0xb8;
	[tilespmem:$0x9000] =	vst v63  }
0x1d6: {  	_ =	swait.ge [sflag:s15], $0x2000  }
0x1d7: {  	[sflag:s15] =	ssyncset.done $0x0  }
0x1d8: {  	s18 =	rddreg [dreg:$0x12];
	[sflag:s15] =	ssyncadd.s32 $0xFFFFE000  }
0x1d9: {  	[hbm4b:s18+s5] =	stream.strided.scatter [tilespmem:s6], [sflag:$0x6], $0x2000, s7, s5, $0x38;
	[tilespmem:$0x9000] =	vst v63  }
0x1da: {  	_ =	swait.ge [sflag:s10], $0x2000  }
0x1db: {  	[sflag:s10] =	ssyncset.done $0x0  }
0x1dc: {  	[sflag:s10] =	ssyncadd.s32 $0xFFFFE000  }
0x1dd: {  	[tilespmem:s9], [sflag:$0x1] =	stream.indirect.gather [hbm4b:s2+s4], $0x40, s7, s4, $0xb8;
	[tilespmem:$0x9000] =	vst v63  }
0x1de: {  	_ =	swait.ge [sflag:s16], $0x2000  }
0x1df: {  	[sflag:s16] =	ssyncset.done $0x0  }
0x1e0: {  	s18 =	rddreg [dreg:$0x13];
	[sflag:s16] =	ssyncadd.s32 $0xFFFFE000  }
0x1e1: {  	[hbm4b:s18+s5] =	stream.strided.scatter [tilespmem:s3], [sflag:$0x7], $0x2000, s7, s5, $0x38;
	[tilespmem:$0x9000] =	vst v63  }
0x1e2: {  	_ =	swait.ge [sflag:s11], $0x2000  }
0x1e3: {  	s18 =	sld [smem:$0x7F9]  }
0x1e4: {  	[sflag:s11] =	ssyncset.done $0x0  }
0x1e5: {  	[sflag:s11] =	ssyncadd.s32 $0xFFFFE000  }
0x1e6: {  	[tilespmem:s6], [sflag:$0x2] =	stream.indirect.gather [hbm4b:s2+s4], $0x40, s18, s4, $0xb8;
	[tilespmem:$0x9000] =	vst v63  }
0x1e7: {  	_ =	swait.ge [sflag:s17], $0x2000  }
0x1e8: {  	[sflag:s17] =	ssyncset.done $0x0  }
0x1e9: {  	s18 =	rddreg [dreg:$0x14];
	[sflag:s17] =	ssyncadd.s32 $0xFFFFE000  }
0x1ea: {  	[hbm4b:s18+s5] =	stream.strided.scatter [tilespmem:s8], [sflag:$0x8], $0x2000, s7, s5, $0x38;
	[tilespmem:$0x9000] =	vst v63  }
0x1eb: {  	_ =	swait.ge [sflag:s12], $0x2000  }
0x1ec: {  	s18 =	sld [smem:$0x7FA]  }
0x1ed: {  	[sflag:s12] =	ssyncset.done $0x0  }
0x1ee: {  	[sflag:s12] =	ssyncadd.s32 $0xFFFFE000  }
0x1ef: {  	[tilespmem:s3], [sflag:$0x3] =	stream.indirect.gather [hbm4b:s2+s4], $0x40, s18, s4, $0xb8;
	[tilespmem:$0x9000] =	vst v63  }
0x1f0: {  	_ =	swait.ge [sflag:s14], $0x2000  }
0x1f1: {  	[sflag:s14] =	ssyncset.done $0x0  }
0x1f2: {  	s18 =	rddreg [dreg:$0x15];
	[sflag:s14] =	ssyncadd.s32 $0xFFFFE000  }
0x1f3: {  	[hbm4b:s18+s5] =	stream.strided.scatter [tilespmem:s9], [sflag:$0x5], $0x2000, s7, s5, $0x38;
	[tilespmem:$0x9000] =	vst v63  }
0x1f4: {  	_ =	swait.ge [sflag:s13], $0x2000  }
0x1f5: {  	s18 =	sld [smem:$0x7FB]  }
0x1f6: {  	[sflag:s13] =	ssyncset.done $0x0  }
0x1f7: {  	[sflag:s13] =	ssyncadd.s32 $0xFFFFE000  }
0x1f8: {  	[tilespmem:s8], [sflag:$0x4] =	stream.indirect.gather [hbm4b:s2+s4], $0x40, s18, s4, $0xb8;
	[tilespmem:$0x9000] =	vst v63  }
0x1f9: {  	_ =	swait.ge [sflag:s15], $0x2000  }
0x1fa: {  	[sflag:s15] =	ssyncset.done $0x0  }
0x1fb: {  	s18 =	rddreg [dreg:$0x16];
	[sflag:s15] =	ssyncadd.s32 $0xFFFFE000  }
0x1fc: {  	[hbm4b:s18+s5] =	stream.strided.scatter [tilespmem:s6], [sflag:$0x6], $0x2000, s7, s5, $0x38;
	[tilespmem:$0x9000] =	vst v63  }
0x1fd: {  	_ =	swait.ge [sflag:s10], $0x2000  }
0x1fe: {  	s18 =	sld [smem:$0x7FC]  }
0x1ff: {  	[sflag:s10] =	ssyncset.done $0x0  }
0x200: {  	[sflag:s10] =	ssyncadd.s32 $0xFFFFE000  }
0x201: {  	[tilespmem:s9], [sflag:$0x1] =	stream.indirect.gather [hbm4b:s2+s4], $0x40, s18, s4, $0xb8;
	[tilespmem:$0x9000] =	vst v63  }
0x202: {  	_ =	swait.ge [sflag:s16], $0x2000  }
0x203: {  	[sflag:s16] =	ssyncset.done $0x0  }
0x204: {  	s18 =	rddreg [dreg:$0x17];
	[sflag:s16] =	ssyncadd.s32 $0xFFFFE000  }
0x205: {  	[hbm4b:s18+s5] =	stream.strided.scatter [tilespmem:s3], [sflag:$0x7], $0x2000, s7, s5, $0x38;
	[tilespmem:$0x9000] =	vst v63  }
0x206: {  	_ =	swait.ge [sflag:s11], $0x2000  }
0x207: {  	s18 =	sld [smem:$0x7FD]  }
0x208: {  	[sflag:s11] =	ssyncset.done $0x0  }
0x209: {  	[sflag:s11] =	ssyncadd.s32 $0xFFFFE000  }
0x20a: {  	[tilespmem:s6], [sflag:$0x2] =	stream.indirect.gather [hbm4b:s2+s4], $0x40, s18, s4, $0xb8;
	[tilespmem:$0x9000] =	vst v63  }
0x20b: {  	_ =	swait.ge [sflag:s17], $0x2000  }
0x20c: {  	[sflag:s17] =	ssyncset.done $0x0  }
0x20d: {  	s18 =	rddreg [dreg:$0x18];
	[sflag:s17] =	ssyncadd.s32 $0xFFFFE000  }
0x20e: {  	[hbm4b:s18+s5] =	stream.strided.scatter [tilespmem:s8], [sflag:$0x8], $0x2000, s7, s5, $0x38;
	[tilespmem:$0x9000] =	vst v63  }
0x20f: {  	_ =	swait.ge [sflag:s12], $0x2000  }
0x210: {  	[sflag:s12] =	ssyncset.done $0x0  }
0x211: {  	s18 =	simm.s32 $0xA80;
	[sflag:s12] =	ssyncadd.s32 $0xFFFFE000  }
0x212: {  	[tilespmem:s3], [sflag:$0x3] =	stream.indirect.gather [hbm4b:s2+s4], $0x40, s18, s4, $0xb8;
	[tilespmem:$0x9000] =	vst v63  }
0x213: {  	_ =	swait.ge [sflag:s14], $0x2000  }
0x214: {  	[sflag:s14] =	ssyncset.done $0x0  }
0x215: {  	s18 =	rddreg [dreg:$0x19];
	[sflag:s14] =	ssyncadd.s32 $0xFFFFE000  }
0x216: {  	[hbm4b:s18+s5] =	stream.strided.scatter [tilespmem:s9], [sflag:$0x5], $0x2000, s7, s5, $0x38;
	[tilespmem:$0x9000] =	vst v63  }
0x217: {  	_ =	swait.ge [sflag:s13], $0x2000  }
0x218: {  	[sflag:s13] =	ssyncset.done $0x0  }
0x219: {  	[sflag:s13] =	ssyncadd.s32 $0xFFFFE000  }
0x21a: {  	[tilespmem:s8], [sflag:$0x4] =	stream.indirect.gather [hbm4b:s2+s4], $0x40, s28, s4, $0xb8;
	[tilespmem:$0x9000] =	vst v63  }
0x21b: {  	_ =	swait.ge [sflag:s15], $0x2000  }
0x21c: {  	[sflag:s15] =	ssyncset.done $0x0  }
0x21d: {  	s18 =	rddreg [dreg:$0x1a];
	[sflag:s15] =	ssyncadd.s32 $0xFFFFE000  }
0x21e: {  	[hbm4b:s18+s5] =	stream.strided.scatter [tilespmem:s6], [sflag:$0x6], $0x2000, s7, s5, $0x38;
	[tilespmem:$0x9000] =	vst v63  }
0x21f: {  	_ =	swait.ge [sflag:s10], $0x2000  }
0x220: {  	[sflag:s10] =	ssyncset.done $0x0  }
0x221: {  	[sflag:s10] =	ssyncadd.s32 $0xFFFFE000  }
0x222: {  	[tilespmem:s9], [sflag:$0x1] =	stream.indirect.gather [hbm4b:s2+s4], $0x40, s26, s4, $0xb8;
	[tilespmem:$0x9000] =	vst v63  }
0x223: {  	_ =	swait.ge [sflag:s16], $0x2000  }
0x224: {  	[sflag:s16] =	ssyncset.done $0x0  }
0x225: {  	s18 =	rddreg [dreg:$0x1b];
	[sflag:s16] =	ssyncadd.s32 $0xFFFFE000  }
0x226: {  	[hbm4b:s18+s5] =	stream.strided.scatter [tilespmem:s3], [sflag:$0x7], $0x2000, s7, s5, $0x38;
	[tilespmem:$0x9000] =	vst v63  }
0x227: {  	_ =	swait.ge [sflag:s11], $0x2000  }
0x228: {  	[sflag:s11] =	ssyncset.done $0x0  }
0x229: {  	[sflag:s11] =	ssyncadd.s32 $0xFFFFE000  }
0x22a: {  	[tilespmem:s6], [sflag:$0x2] =	stream.indirect.gather [hbm4b:s2+s4], $0x40, s25, s4, $0xb8;
	[tilespmem:$0x9000] =	vst v63  }
0x22b: {  	_ =	swait.ge [sflag:s17], $0x2000  }
0x22c: {  	[sflag:s17] =	ssyncset.done $0x0  }
0x22d: {  	s18 =	rddreg [dreg:$0x1c];
	[sflag:s17] =	ssyncadd.s32 $0xFFFFE000  }
0x22e: {  	[hbm4b:s18+s5] =	stream.strided.scatter [tilespmem:s8], [sflag:$0x8], $0x2000, s7, s5, $0x38;
	[tilespmem:$0x9000] =	vst v63  }
0x22f: {  	_ =	swait.ge [sflag:s12], $0x2000  }
0x230: {  	[sflag:s12] =	ssyncset.done $0x0  }
0x231: {  	[sflag:s12] =	ssyncadd.s32 $0xFFFFE000  }
0x232: {  	[tilespmem:s3], [sflag:$0x3] =	stream.indirect.gather [hbm4b:s2+s4], $0x40, s24, s4, $0xb8;
	[tilespmem:$0x9000] =	vst v63  }
0x233: {  	_ =	swait.ge [sflag:s14], $0x2000  }
0x234: {  	[sflag:s14] =	ssyncset.done $0x0  }
0x235: {  	s18 =	rddreg [dreg:$0x1d];
	[sflag:s14] =	ssyncadd.s32 $0xFFFFE000  }
0x236: {  	[hbm4b:s18+s5] =	stream.strided.scatter [tilespmem:s9], [sflag:$0x5], $0x2000, s7, s5, $0x38;
	[tilespmem:$0x9000] =	vst v63  }
0x237: {  	_ =	swait.ge [sflag:s13], $0x2000  }
0x238: {  	[sflag:s13] =	ssyncset.done $0x0  }
0x239: {  	[sflag:s13] =	ssyncadd.s32 $0xFFFFE000  }
0x23a: {  	[tilespmem:s8], [sflag:$0x4] =	stream.indirect.gather [hbm4b:s2+s4], $0x40, s23, s4, $0xb8;
	[tilespmem:$0x9000] =	vst v63  }
0x23b: {  	_ =	swait.ge [sflag:s15], $0x2000  }
0x23c: {  	[sflag:s15] =	ssyncset.done $0x0  }
0x23d: {  	s18 =	rddreg [dreg:$0x1e];
	[sflag:s15] =	ssyncadd.s32 $0xFFFFE000  }
0x23e: {  	[hbm4b:s18+s5] =	stream.strided.scatter [tilespmem:s6], [sflag:$0x6], $0x2000, s7, s5, $0x38;
	[tilespmem:$0x9000] =	vst v63  }
0x23f: {  	_ =	swait.ge [sflag:s10], $0x2000  }
0x240: {  	[sflag:s10] =	ssyncset.done $0x0  }
0x241: {  	[sflag:s10] =	ssyncadd.s32 $0xFFFFE000  }
0x242: {  	[tilespmem:s9], [sflag:$0x1] =	stream.indirect.gather [hbm4b:s2+s4], $0x40, s22, s4, $0xb8;
	[tilespmem:$0x9000] =	vst v63  }
0x243: {  	_ =	swait.ge [sflag:s16], $0x2000  }
0x244: {  	[sflag:s16] =	ssyncset.done $0x0  }
0x245: {  	s18 =	rddreg [dreg:$0x1f];
	[sflag:s16] =	ssyncadd.s32 $0xFFFFE000  }
0x246: {  	[hbm4b:s18+s5] =	stream.strided.scatter [tilespmem:s3], [sflag:$0x7], $0x2000, s7, s5, $0x38;
	[tilespmem:$0x9000] =	vst v63  }
0x247: {  	_ =	swait.ge [sflag:s11], $0x2000  }
0x248: {  	[sflag:s11] =	ssyncset.done $0x0  }
0x249: {  	[sflag:s11] =	ssyncadd.s32 $0xFFFFE000  }
0x24a: {  	[tilespmem:s6], [sflag:$0x2] =	stream.indirect.gather [hbm4b:s2+s4], $0x40, s21, s4, $0xb8;
	[tilespmem:$0x9000] =	vst v63  }
0x24b: {  	_ =	swait.ge [sflag:s17], $0x2000  }
0x24c: {  	s18 =	sld [smem:$0x7E6]  }
0x24d: {  	[sflag:s17] =	ssyncset.done $0x0  }
0x24e: {  	[sflag:s17] =	ssyncadd.s32 $0xFFFFE000  }
0x24f: {  	[hbm4b:s18+s5] =	stream.strided.scatter [tilespmem:s8], [sflag:$0x8], $0x2000, s7, s5, $0x38;
	[tilespmem:$0x9000] =	vst v63  }
0x250: {  	_ =	swait.ge [sflag:s12], $0x2000  }
0x251: {  	[sflag:s12] =	ssyncset.done $0x0  }
0x252: {  	[sflag:s12] =	ssyncadd.s32 $0xFFFFE000  }
0x253: {  	[tilespmem:s3], [sflag:$0x3] =	stream.indirect.gather [hbm4b:s2+s4], $0x40, s20, s4, $0xb8;
	[tilespmem:$0x9000] =	vst v63  }
0x254: {  	_ =	swait.ge [sflag:s14], $0x2000  }
0x255: {  	s18 =	sld [smem:$0x7E7]  }
0x256: {  	[sflag:s14] =	ssyncset.done $0x0  }
0x257: {  	[sflag:s14] =	ssyncadd.s32 $0xFFFFE000  }
0x258: {  	[hbm4b:s18+s5] =	stream.strided.scatter [tilespmem:s9], [sflag:$0x5], $0x2000, s7, s5, $0x38;
	[tilespmem:$0x9000] =	vst v63  }
0x259: {  	_ =	swait.ge [sflag:s13], $0x2000  }
0x25a: {  	[sflag:s13] =	ssyncset.done $0x0  }
0x25b: {  	[sflag:s13] =	ssyncadd.s32 $0xFFFFE000  }
0x25c: {  	[tilespmem:s8], [sflag:$0x4] =	stream.indirect.gather [hbm4b:s2+s4], $0x40, s19, s4, $0xb8;
	[tilespmem:$0x9000] =	vst v63  }
0x25d: {  	_ =	swait.ge [sflag:s15], $0x2000  }
0x25e: {  	s18 =	sld [smem:$0x7E8]  }
0x25f: {  	[sflag:s15] =	ssyncset.done $0x0  }
0x260: {  	[sflag:s15] =	ssyncadd.s32 $0xFFFFE000  }
0x261: {  	[hbm4b:s18+s5] =	stream.strided.scatter [tilespmem:s6], [sflag:$0x6], $0x2000, s7, s5, $0x38;
	[tilespmem:$0x9000] =	vst v63  }
0x262: {  	_ =	swait.ge [sflag:s16], $0x2000  }
0x263: {  	s18 =	sld [smem:$0x7E9]  }
0x264: {  	[sflag:s16] =	ssyncset.done $0x0  }
0x265: {  	[sflag:s16] =	ssyncadd.s32 $0xFFFFE000  }
0x266: {  	[hbm4b:s18+s5] =	stream.strided.scatter [tilespmem:s3], [sflag:$0x7], $0x2000, s7, s5, $0x38;
	[tilespmem:$0x9000] =	vst v63  }
0x267: {  	_ =	swait.ge [sflag:s17], $0x2000  }
0x268: {  	s18 =	sld [smem:$0x7EA]  }
0x269: {  	[sflag:s17] =	ssyncset.done $0x0  }
0x26a: {  	[sflag:s17] =	ssyncadd.s32 $0xFFFFE000  }
0x26b: {  	[hbm4b:s18+s5] =	stream.strided.scatter [tilespmem:s8], [sflag:$0x8], $0x2000, s7, s5, $0x38;
	[tilespmem:$0x9000] =	vst v63  }
0x26c: {  	_ =	swait.ge [sflag:s10], $0x2000  }
0x26d: {  	[sflag:s10] =	ssyncset.done $0x0  }
0x26e: {  	[sflag:s10] =	ssyncadd.s32 $0xFFFFE000  }
0x26f: {  	_ =	swait.ge [sflag:s11], $0x2000  }
0x270: {  	[sflag:s11] =	ssyncset.done $0x0  }
0x271: {  	p1 =	sne.s32 s1, $0x1;
	[sflag:s11] =	ssyncadd.s32 $0xFFFFE000  }
.Ltmp2:
0x272: {  	_ =	swait.ge [sflag:s12], $0x2000;
	(pc) =	sbr.rel @p1 .LBB2_4-.Ltmp2, $4  }
0x273: {  	[sflag:s12] =	ssyncset.done $0x0  }
0x274: {  	[sflag:s12] =	ssyncadd.s32 $0xFFFFE000  }
0x275: {  	_ =	swait.ge [sflag:s13], $0x2000  }
0x276: {  	s1 =	sadd.s32 $0xFFFFFFFF, s1;
	s0 =	rddreg [dreg:$0x4];
	[sflag:s13] =	ssyncset.done $0x0  }
0x277: {  	s19 =	simm.s32 $0xA80  }
0x278: {  	s28 =	simm.s32 $0xE80;
	s26 =	simm.s32 $0x300;
	s25 =	simm.s32 $0x700  }
0x279: {  	s24 =	simm.s32 $0xB00;
	s23 =	simm.s32 $0xF00;
	s22 =	simm.s32 $0x380  }
0x27a: {  	s21 =	simm.s32 $0x780;
	s20 =	simm.s32 $0xB80;
	s18 =	stileid.u32  }
.LBB2_6:
0x27b: {  	[sflag:s13] =	ssyncadd.s32 @p0 $0xFFFFE000  }
0x27c: {  	[tilespmem:s30], [sflag:$0x9] =	stream.linear.gather [hbm4b:s0+s30], $0x1000, $0x38;
	[tilespmem:$0x9000] =	vst v63  }
0x27d: {  	_ =	swait.ge [sflag:s31], $0x1000  }
0x27e: {  	[sflag:s31] =	ssyncset.done $0x0  }
0x27f: {  	[sflag:s31] =	ssyncadd.s32 $0xFFFFF000;
	s31 =	sld [smem:$0x7EB]  }
0x280: {  	[tilespmem:s9], [sflag:$0x1] =	stream.indirect.gather [hbm4b:s29+s4], $0x40, s30, s4, $0xb8;
	[tilespmem:$0x9000] =	vst v63  }
0x281: {  	s1 =	sld [smem:$0x7EC]  }
0x282: {  	[tilespmem:s6], [sflag:$0x2] =	stream.indirect.gather [hbm4b:s29+s4], $0x40, s31, s4, $0xb8;
	[tilespmem:$0x9000] =	vst v63  }
0x283: {  	_ = 	snop  }
0x284: {  	[tilespmem:s3], [sflag:$0x3] =	stream.indirect.gather [hbm4b:s29+s4], $0x40, s1, s4, $0xb8;
	[tilespmem:$0x9000] =	vst v63  }
0x285: {  	_ =	swait.ge [sflag:s14], $0x2000  }
0x286: {  	s1 =	rddreg [dreg:$0x5];
	[sflag:s14] =	ssyncset.done $0x0  }
0x287: {  	s30 =	sld [smem:$0x7ED];
	[sflag:s14] =	ssyncadd.s32 $0xFFFFE000  }
0x288: {  	[hbm4b:s1+s5] =	stream.strided.scatter [tilespmem:s9], [sflag:$0x5], $0x2000, s7, s5, $0x38;
	[tilespmem:$0x9000] =	vst v63  }
0x289: {  	_ = 	snop  }
0x28a: {  	[tilespmem:s8], [sflag:$0x4] =	stream.indirect.gather [hbm4b:s29+s4], $0x40, s30, s4, $0xb8;
	[tilespmem:$0x9000] =	vst v63  }
0x28b: {  	_ =	swait.ge [sflag:s15], $0x2000  }
0x28c: {  	[sflag:s15] =	ssyncset.done $0x0  }
0x28d: {  	s31 =	rddreg [dreg:$0x6];
	[sflag:s15] =	ssyncadd.s32 $0xFFFFE000  }
0x28e: {  	[hbm4b:s31+s5] =	stream.strided.scatter [tilespmem:s6], [sflag:$0x6], $0x2000, s7, s5, $0x38;
	[tilespmem:$0x9000] =	vst v63  }
0x28f: {  	_ =	swait.ge [sflag:s10], $0x2000  }
0x290: {  	[sflag:s10] =	ssyncset.done $0x0  }
0x291: {  	[sflag:s10] =	ssyncadd.s32 $0xFFFFE000  }
0x292: {  	[tilespmem:s9], [sflag:$0x1] =	stream.indirect.gather [hbm4b:s29+s4], $0x40, s4, s4, $0xb8;
	[tilespmem:$0x9000] =	vst v63  }
0x293: {  	_ =	swait.ge [sflag:s16], $0x2000  }
0x294: {  	[sflag:s16] =	ssyncset.done $0x0  }
0x295: {  	s1 =	rddreg [dreg:$0x7];
	[sflag:s16] =	ssyncadd.s32 $0xFFFFE000  }
0x296: {  	[hbm4b:s1+s5] =	stream.strided.scatter [tilespmem:s3], [sflag:$0x7], $0x2000, s7, s5, $0x38;
	[tilespmem:$0x9000] =	vst v63  }
0x297: {  	_ =	swait.ge [sflag:s11], $0x2000  }
0x298: {  	s30 =	sld [smem:$0x7EE]  }
0x299: {  	[sflag:s11] =	ssyncset.done $0x0  }
0x29a: {  	[sflag:s11] =	ssyncadd.s32 $0xFFFFE000  }
0x29b: {  	[tilespmem:s6], [sflag:$0x2] =	stream.indirect.gather [hbm4b:s29+s4], $0x40, s30, s4, $0xb8;
	[tilespmem:$0x9000] =	vst v63  }
0x29c: {  	_ =	swait.ge [sflag:s17], $0x2000  }
0x29d: {  	[sflag:s17] =	ssyncset.done $0x0  }
0x29e: {  	s31 =	rddreg [dreg:$0x8];
	[sflag:s17] =	ssyncadd.s32 $0xFFFFE000  }
0x29f: {  	[hbm4b:s31+s5] =	stream.strided.scatter [tilespmem:s8], [sflag:$0x8], $0x2000, s7, s5, $0x38;
	[tilespmem:$0x9000] =	vst v63  }
0x2a0: {  	_ =	swait.ge [sflag:s12], $0x2000  }
0x2a1: {  	s1 =	sld [smem:$0x7EF]  }
0x2a2: {  	[sflag:s12] =	ssyncset.done $0x0  }
0x2a3: {  	[sflag:s12] =	ssyncadd.s32 $0xFFFFE000  }
0x2a4: {  	[tilespmem:s3], [sflag:$0x3] =	stream.indirect.gather [hbm4b:s29+s4], $0x40, s1, s4, $0xb8;
	[tilespmem:$0x9000] =	vst v63  }
0x2a5: {  	_ =	swait.ge [sflag:s14], $0x2000  }
0x2a6: {  	[sflag:s14] =	ssyncset.done $0x0  }
0x2a7: {  	s30 =	rddreg [dreg:$0x9];
	[sflag:s14] =	ssyncadd.s32 $0xFFFFE000  }
0x2a8: {  	[hbm4b:s30+s5] =	stream.strided.scatter [tilespmem:s9], [sflag:$0x5], $0x2000, s7, s5, $0x38;
	[tilespmem:$0x9000] =	vst v63  }
0x2a9: {  	_ =	swait.ge [sflag:s13], $0x2000  }
0x2aa: {  	s31 =	sld [smem:$0x7F0]  }
0x2ab: {  	[sflag:s13] =	ssyncset.done $0x0  }
0x2ac: {  	[sflag:s13] =	ssyncadd.s32 $0xFFFFE000  }
0x2ad: {  	[tilespmem:s8], [sflag:$0x4] =	stream.indirect.gather [hbm4b:s29+s4], $0x40, s31, s4, $0xb8;
	[tilespmem:$0x9000] =	vst v63  }
0x2ae: {  	_ =	swait.ge [sflag:s15], $0x2000  }
0x2af: {  	[sflag:s15] =	ssyncset.done $0x0  }
0x2b0: {  	s1 =	rddreg [dreg:$0xa];
	[sflag:s15] =	ssyncadd.s32 $0xFFFFE000  }
0x2b1: {  	[hbm4b:s1+s5] =	stream.strided.scatter [tilespmem:s6], [sflag:$0x6], $0x2000, s7, s5, $0x38;
	[tilespmem:$0x9000] =	vst v63  }
0x2b2: {  	_ =	swait.ge [sflag:s10], $0x2000  }
0x2b3: {  	s30 =	sld [smem:$0x7F1]  }
0x2b4: {  	[sflag:s10] =	ssyncset.done $0x0  }
0x2b5: {  	[sflag:s10] =	ssyncadd.s32 $0xFFFFE000  }
0x2b6: {  	[tilespmem:s9], [sflag:$0x1] =	stream.indirect.gather [hbm4b:s29+s4], $0x40, s30, s4, $0xb8;
	[tilespmem:$0x9000] =	vst v63  }
0x2b7: {  	_ =	swait.ge [sflag:s16], $0x2000  }
0x2b8: {  	[sflag:s16] =	ssyncset.done $0x0  }
0x2b9: {  	s31 =	rddreg [dreg:$0xb];
	[sflag:s16] =	ssyncadd.s32 $0xFFFFE000  }
0x2ba: {  	[hbm4b:s31+s5] =	stream.strided.scatter [tilespmem:s3], [sflag:$0x7], $0x2000, s7, s5, $0x38;
	[tilespmem:$0x9000] =	vst v63  }
0x2bb: {  	_ =	swait.ge [sflag:s11], $0x2000  }
0x2bc: {  	s1 =	sld [smem:$0x7F2]  }
0x2bd: {  	[sflag:s11] =	ssyncset.done $0x0  }
0x2be: {  	[sflag:s11] =	ssyncadd.s32 $0xFFFFE000  }
0x2bf: {  	[tilespmem:s6], [sflag:$0x2] =	stream.indirect.gather [hbm4b:s29+s4], $0x40, s1, s4, $0xb8;
	[tilespmem:$0x9000] =	vst v63  }
0x2c0: {  	_ =	swait.ge [sflag:s17], $0x2000  }
0x2c1: {  	[sflag:s17] =	ssyncset.done $0x0  }
0x2c2: {  	s30 =	rddreg [dreg:$0xc];
	[sflag:s17] =	ssyncadd.s32 $0xFFFFE000  }
0x2c3: {  	[hbm4b:s30+s5] =	stream.strided.scatter [tilespmem:s8], [sflag:$0x8], $0x2000, s7, s5, $0x38;
	[tilespmem:$0x9000] =	vst v63  }
0x2c4: {  	_ =	swait.ge [sflag:s12], $0x2000  }
0x2c5: {  	s31 =	sld [smem:$0x7F3]  }
0x2c6: {  	[sflag:s12] =	ssyncset.done $0x0  }
0x2c7: {  	[sflag:s12] =	ssyncadd.s32 $0xFFFFE000  }
0x2c8: {  	[tilespmem:s3], [sflag:$0x3] =	stream.indirect.gather [hbm4b:s29+s4], $0x40, s31, s4, $0xb8;
	[tilespmem:$0x9000] =	vst v63  }
0x2c9: {  	_ =	swait.ge [sflag:s14], $0x2000  }
0x2ca: {  	[sflag:s14] =	ssyncset.done $0x0  }
0x2cb: {  	s1 =	rddreg [dreg:$0xd];
	[sflag:s14] =	ssyncadd.s32 $0xFFFFE000  }
0x2cc: {  	[hbm4b:s1+s5] =	stream.strided.scatter [tilespmem:s9], [sflag:$0x5], $0x2000, s7, s5, $0x38;
	[tilespmem:$0x9000] =	vst v63  }
0x2cd: {  	_ =	swait.ge [sflag:s13], $0x2000  }
0x2ce: {  	s30 =	sld [smem:$0x7F4]  }
0x2cf: {  	[sflag:s13] =	ssyncset.done $0x0  }
0x2d0: {  	[sflag:s13] =	ssyncadd.s32 $0xFFFFE000  }
0x2d1: {  	[tilespmem:s8], [sflag:$0x4] =	stream.indirect.gather [hbm4b:s29+s4], $0x40, s30, s4, $0xb8;
	[tilespmem:$0x9000] =	vst v63  }
0x2d2: {  	_ =	swait.ge [sflag:s15], $0x2000  }
0x2d3: {  	[sflag:s15] =	ssyncset.done $0x0  }
0x2d4: {  	s31 =	rddreg [dreg:$0xe];
	[sflag:s15] =	ssyncadd.s32 $0xFFFFE000  }
0x2d5: {  	[hbm4b:s31+s5] =	stream.strided.scatter [tilespmem:s6], [sflag:$0x6], $0x2000, s7, s5, $0x38;
	[tilespmem:$0x9000] =	vst v63  }
0x2d6: {  	_ =	swait.ge [sflag:s10], $0x2000  }
0x2d7: {  	s1 =	sld [smem:$0x7F5]  }
0x2d8: {  	[sflag:s10] =	ssyncset.done $0x0  }
0x2d9: {  	[sflag:s10] =	ssyncadd.s32 $0xFFFFE000  }
0x2da: {  	[tilespmem:s9], [sflag:$0x1] =	stream.indirect.gather [hbm4b:s29+s4], $0x40, s1, s4, $0xb8;
	[tilespmem:$0x9000] =	vst v63  }
0x2db: {  	_ =	swait.ge [sflag:s16], $0x2000  }
0x2dc: {  	[sflag:s16] =	ssyncset.done $0x0  }
0x2dd: {  	s30 =	rddreg [dreg:$0xf];
	[sflag:s16] =	ssyncadd.s32 $0xFFFFE000  }
0x2de: {  	[hbm4b:s30+s5] =	stream.strided.scatter [tilespmem:s3], [sflag:$0x7], $0x2000, s7, s5, $0x38;
	[tilespmem:$0x9000] =	vst v63  }
0x2df: {  	_ =	swait.ge [sflag:s11], $0x2000  }
0x2e0: {  	s31 =	sld [smem:$0x7F6]  }
0x2e1: {  	[sflag:s11] =	ssyncset.done $0x0  }
0x2e2: {  	[sflag:s11] =	ssyncadd.s32 $0xFFFFE000  }
0x2e3: {  	[tilespmem:s6], [sflag:$0x2] =	stream.indirect.gather [hbm4b:s29+s4], $0x40, s31, s4, $0xb8;
	[tilespmem:$0x9000] =	vst v63  }
0x2e4: {  	_ =	swait.ge [sflag:s17], $0x2000  }
0x2e5: {  	[sflag:s17] =	ssyncset.done $0x0  }
0x2e6: {  	s1 =	rddreg [dreg:$0x10];
	[sflag:s17] =	ssyncadd.s32 $0xFFFFE000  }
0x2e7: {  	[hbm4b:s1+s5] =	stream.strided.scatter [tilespmem:s8], [sflag:$0x8], $0x2000, s7, s5, $0x38;
	[tilespmem:$0x9000] =	vst v63  }
0x2e8: {  	_ =	swait.ge [sflag:s12], $0x2000  }
0x2e9: {  	s30 =	sld [smem:$0x7F7]  }
0x2ea: {  	[sflag:s12] =	ssyncset.done $0x0  }
0x2eb: {  	[sflag:s12] =	ssyncadd.s32 $0xFFFFE000  }
0x2ec: {  	[tilespmem:s3], [sflag:$0x3] =	stream.indirect.gather [hbm4b:s29+s4], $0x40, s30, s4, $0xb8;
	[tilespmem:$0x9000] =	vst v63  }
0x2ed: {  	_ =	swait.ge [sflag:s14], $0x2000  }
0x2ee: {  	[sflag:s14] =	ssyncset.done $0x0  }
0x2ef: {  	s31 =	rddreg [dreg:$0x11];
	[sflag:s14] =	ssyncadd.s32 $0xFFFFE000  }
0x2f0: {  	[hbm4b:s31+s5] =	stream.strided.scatter [tilespmem:s9], [sflag:$0x5], $0x2000, s7, s5, $0x38;
	[tilespmem:$0x9000] =	vst v63  }
0x2f1: {  	_ =	swait.ge [sflag:s13], $0x2000  }
0x2f2: {  	s1 =	sld [smem:$0x7F8]  }
0x2f3: {  	[sflag:s13] =	ssyncset.done $0x0  }
0x2f4: {  	[sflag:s13] =	ssyncadd.s32 $0xFFFFE000  }
0x2f5: {  	[tilespmem:s8], [sflag:$0x4] =	stream.indirect.gather [hbm4b:s29+s4], $0x40, s1, s4, $0xb8;
	[tilespmem:$0x9000] =	vst v63  }
0x2f6: {  	_ =	swait.ge [sflag:s15], $0x2000  }
0x2f7: {  	[sflag:s15] =	ssyncset.done $0x0  }
0x2f8: {  	s29 =	rddreg [dreg:$0x12];
	[sflag:s15] =	ssyncadd.s32 $0xFFFFE000  }
0x2f9: {  	[hbm4b:s29+s5] =	stream.strided.scatter [tilespmem:s6], [sflag:$0x6], $0x2000, s7, s5, $0x38;
	[tilespmem:$0x9000] =	vst v63  }
0x2fa: {  	_ =	swait.ge [sflag:s10], $0x2000  }
0x2fb: {  	[sflag:s10] =	ssyncset.done $0x0  }
0x2fc: {  	[sflag:s10] =	ssyncadd.s32 $0xFFFFE000  }
0x2fd: {  	[tilespmem:s9], [sflag:$0x1] =	stream.indirect.gather [hbm4b:s2+s4], $0x40, s7, s4, $0xb8;
	[tilespmem:$0x9000] =	vst v63  }
0x2fe: {  	_ =	swait.ge [sflag:s16], $0x2000  }
0x2ff: {  	[sflag:s16] =	ssyncset.done $0x0  }
0x300: {  	s30 =	rddreg [dreg:$0x13];
	[sflag:s16] =	ssyncadd.s32 $0xFFFFE000  }
0x301: {  	[hbm4b:s30+s5] =	stream.strided.scatter [tilespmem:s3], [sflag:$0x7], $0x2000, s7, s5, $0x38;
	[tilespmem:$0x9000] =	vst v63  }
0x302: {  	_ =	swait.ge [sflag:s11], $0x2000  }
0x303: {  	s31 =	sld [smem:$0x7F9]  }
0x304: {  	[sflag:s11] =	ssyncset.done $0x0  }
0x305: {  	[sflag:s11] =	ssyncadd.s32 $0xFFFFE000  }
0x306: {  	[tilespmem:s6], [sflag:$0x2] =	stream.indirect.gather [hbm4b:s2+s4], $0x40, s31, s4, $0xb8;
	[tilespmem:$0x9000] =	vst v63  }
0x307: {  	_ =	swait.ge [sflag:s17], $0x2000  }
0x308: {  	[sflag:s17] =	ssyncset.done $0x0  }
0x309: {  	s1 =	rddreg [dreg:$0x14];
	[sflag:s17] =	ssyncadd.s32 $0xFFFFE000  }
0x30a: {  	[hbm4b:s1+s5] =	stream.strided.scatter [tilespmem:s8], [sflag:$0x8], $0x2000, s7, s5, $0x38;
	[tilespmem:$0x9000] =	vst v63  }
0x30b: {  	_ =	swait.ge [sflag:s12], $0x2000  }
0x30c: {  	s29 =	sld [smem:$0x7FA]  }
0x30d: {  	[sflag:s12] =	ssyncset.done $0x0  }
0x30e: {  	[sflag:s12] =	ssyncadd.s32 $0xFFFFE000  }
0x30f: {  	[tilespmem:s3], [sflag:$0x3] =	stream.indirect.gather [hbm4b:s2+s4], $0x40, s29, s4, $0xb8;
	[tilespmem:$0x9000] =	vst v63  }
0x310: {  	_ =	swait.ge [sflag:s14], $0x2000  }
0x311: {  	[sflag:s14] =	ssyncset.done $0x0  }
0x312: {  	s30 =	rddreg [dreg:$0x15];
	[sflag:s14] =	ssyncadd.s32 $0xFFFFE000  }
0x313: {  	[hbm4b:s30+s5] =	stream.strided.scatter [tilespmem:s9], [sflag:$0x5], $0x2000, s7, s5, $0x38;
	[tilespmem:$0x9000] =	vst v63  }
0x314: {  	_ =	swait.ge [sflag:s13], $0x2000  }
0x315: {  	s31 =	sld [smem:$0x7FB]  }
0x316: {  	[sflag:s13] =	ssyncset.done $0x0  }
0x317: {  	[sflag:s13] =	ssyncadd.s32 $0xFFFFE000  }
0x318: {  	[tilespmem:s8], [sflag:$0x4] =	stream.indirect.gather [hbm4b:s2+s4], $0x40, s31, s4, $0xb8;
	[tilespmem:$0x9000] =	vst v63  }
0x319: {  	_ =	swait.ge [sflag:s15], $0x2000  }
0x31a: {  	[sflag:s15] =	ssyncset.done $0x0  }
0x31b: {  	s1 =	rddreg [dreg:$0x16];
	[sflag:s15] =	ssyncadd.s32 $0xFFFFE000  }
0x31c: {  	[hbm4b:s1+s5] =	stream.strided.scatter [tilespmem:s6], [sflag:$0x6], $0x2000, s7, s5, $0x38;
	[tilespmem:$0x9000] =	vst v63  }
0x31d: {  	_ =	swait.ge [sflag:s10], $0x2000  }
0x31e: {  	s29 =	sld [smem:$0x7FC]  }
0x31f: {  	[sflag:s10] =	ssyncset.done $0x0  }
0x320: {  	[sflag:s10] =	ssyncadd.s32 $0xFFFFE000  }
0x321: {  	[tilespmem:s9], [sflag:$0x1] =	stream.indirect.gather [hbm4b:s2+s4], $0x40, s29, s4, $0xb8;
	[tilespmem:$0x9000] =	vst v63  }
0x322: {  	_ =	swait.ge [sflag:s16], $0x2000  }
0x323: {  	[sflag:s16] =	ssyncset.done $0x0  }
0x324: {  	s30 =	rddreg [dreg:$0x17];
	[sflag:s16] =	ssyncadd.s32 $0xFFFFE000  }
0x325: {  	[hbm4b:s30+s5] =	stream.strided.scatter [tilespmem:s3], [sflag:$0x7], $0x2000, s7, s5, $0x38;
	[tilespmem:$0x9000] =	vst v63  }
0x326: {  	_ =	swait.ge [sflag:s11], $0x2000  }
0x327: {  	s31 =	sld [smem:$0x7FD]  }
0x328: {  	[sflag:s11] =	ssyncset.done $0x0  }
0x329: {  	[sflag:s11] =	ssyncadd.s32 $0xFFFFE000  }
0x32a: {  	[tilespmem:s6], [sflag:$0x2] =	stream.indirect.gather [hbm4b:s2+s4], $0x40, s31, s4, $0xb8;
	[tilespmem:$0x9000] =	vst v63  }
0x32b: {  	_ =	swait.ge [sflag:s17], $0x2000  }
0x32c: {  	[sflag:s17] =	ssyncset.done $0x0  }
0x32d: {  	s1 =	rddreg [dreg:$0x18];
	[sflag:s17] =	ssyncadd.s32 $0xFFFFE000  }
0x32e: {  	[hbm4b:s1+s5] =	stream.strided.scatter [tilespmem:s8], [sflag:$0x8], $0x2000, s7, s5, $0x38;
	[tilespmem:$0x9000] =	vst v63  }
0x32f: {  	_ =	swait.ge [sflag:s12], $0x2000  }
0x330: {  	[sflag:s12] =	ssyncset.done $0x0  }
0x331: {  	[sflag:s12] =	ssyncadd.s32 $0xFFFFE000  }
0x332: {  	[tilespmem:s3], [sflag:$0x3] =	stream.indirect.gather [hbm4b:s2+s4], $0x40, s19, s4, $0xb8;
	[tilespmem:$0x9000] =	vst v63  }
0x333: {  	_ =	swait.ge [sflag:s14], $0x2000  }
0x334: {  	[sflag:s14] =	ssyncset.done $0x0  }
0x335: {  	s29 =	rddreg [dreg:$0x19];
	[sflag:s14] =	ssyncadd.s32 $0xFFFFE000  }
0x336: {  	[hbm4b:s29+s5] =	stream.strided.scatter [tilespmem:s9], [sflag:$0x5], $0x2000, s7, s5, $0x38;
	[tilespmem:$0x9000] =	vst v63  }
0x337: {  	_ =	swait.ge [sflag:s13], $0x2000  }
0x338: {  	[sflag:s13] =	ssyncset.done $0x0  }
0x339: {  	[sflag:s13] =	ssyncadd.s32 $0xFFFFE000  }
0x33a: {  	[tilespmem:s8], [sflag:$0x4] =	stream.indirect.gather [hbm4b:s2+s4], $0x40, s28, s4, $0xb8;
	[tilespmem:$0x9000] =	vst v63  }
0x33b: {  	_ =	swait.ge [sflag:s15], $0x2000  }
0x33c: {  	[sflag:s15] =	ssyncset.done $0x0  }
0x33d: {  	s30 =	rddreg [dreg:$0x1a];
	[sflag:s15] =	ssyncadd.s32 $0xFFFFE000  }
0x33e: {  	[hbm4b:s30+s5] =	stream.strided.scatter [tilespmem:s6], [sflag:$0x6], $0x2000, s7, s5, $0x38;
	[tilespmem:$0x9000] =	vst v63  }
0x33f: {  	_ =	swait.ge [sflag:s10], $0x2000  }
0x340: {  	[sflag:s10] =	ssyncset.done $0x0  }
0x341: {  	[sflag:s10] =	ssyncadd.s32 $0xFFFFE000  }
0x342: {  	[tilespmem:s9], [sflag:$0x1] =	stream.indirect.gather [hbm4b:s2+s4], $0x40, s26, s4, $0xb8;
	[tilespmem:$0x9000] =	vst v63  }
0x343: {  	_ =	swait.ge [sflag:s16], $0x2000  }
0x344: {  	[sflag:s16] =	ssyncset.done $0x0  }
0x345: {  	s31 =	rddreg [dreg:$0x1b];
	[sflag:s16] =	ssyncadd.s32 $0xFFFFE000  }
0x346: {  	[hbm4b:s31+s5] =	stream.strided.scatter [tilespmem:s3], [sflag:$0x7], $0x2000, s7, s5, $0x38;
	[tilespmem:$0x9000] =	vst v63  }
0x347: {  	_ =	swait.ge [sflag:s11], $0x2000  }
0x348: {  	[sflag:s11] =	ssyncset.done $0x0  }
0x349: {  	[sflag:s11] =	ssyncadd.s32 $0xFFFFE000  }
0x34a: {  	[tilespmem:s6], [sflag:$0x2] =	stream.indirect.gather [hbm4b:s2+s4], $0x40, s25, s4, $0xb8;
	[tilespmem:$0x9000] =	vst v63  }
0x34b: {  	_ =	swait.ge [sflag:s17], $0x2000  }
0x34c: {  	[sflag:s17] =	ssyncset.done $0x0  }
0x34d: {  	s1 =	rddreg [dreg:$0x1c];
	[sflag:s17] =	ssyncadd.s32 $0xFFFFE000  }
0x34e: {  	[hbm4b:s1+s5] =	stream.strided.scatter [tilespmem:s8], [sflag:$0x8], $0x2000, s7, s5, $0x38;
	[tilespmem:$0x9000] =	vst v63  }
0x34f: {  	_ =	swait.ge [sflag:s12], $0x2000  }
0x350: {  	[sflag:s12] =	ssyncset.done $0x0  }
0x351: {  	[sflag:s12] =	ssyncadd.s32 $0xFFFFE000  }
0x352: {  	[tilespmem:s3], [sflag:$0x3] =	stream.indirect.gather [hbm4b:s2+s4], $0x40, s24, s4, $0xb8;
	[tilespmem:$0x9000] =	vst v63  }
0x353: {  	_ =	swait.ge [sflag:s14], $0x2000  }
0x354: {  	[sflag:s14] =	ssyncset.done $0x0  }
0x355: {  	s19 =	rddreg [dreg:$0x1d];
	[sflag:s14] =	ssyncadd.s32 $0xFFFFE000  }
0x356: {  	[hbm4b:s19+s5] =	stream.strided.scatter [tilespmem:s9], [sflag:$0x5], $0x2000, s7, s5, $0x38;
	[tilespmem:$0x9000] =	vst v63  }
0x357: {  	_ =	swait.ge [sflag:s13], $0x2000  }
0x358: {  	[sflag:s13] =	ssyncset.done $0x0  }
0x359: {  	[sflag:s13] =	ssyncadd.s32 $0xFFFFE000  }
0x35a: {  	[tilespmem:s8], [sflag:$0x4] =	stream.indirect.gather [hbm4b:s2+s4], $0x40, s23, s4, $0xb8;
	[tilespmem:$0x9000] =	vst v63  }
0x35b: {  	_ =	swait.ge [sflag:s15], $0x2000  }
0x35c: {  	[sflag:s15] =	ssyncset.done $0x0  }
0x35d: {  	s23 =	rddreg [dreg:$0x1e];
	[sflag:s15] =	ssyncadd.s32 $0xFFFFE000  }
0x35e: {  	[hbm4b:s23+s5] =	stream.strided.scatter [tilespmem:s6], [sflag:$0x6], $0x2000, s7, s5, $0x38;
	[tilespmem:$0x9000] =	vst v63  }
0x35f: {  	_ =	swait.ge [sflag:s10], $0x2000  }
0x360: {  	[sflag:s10] =	ssyncset.done $0x0  }
0x361: {  	[sflag:s10] =	ssyncadd.s32 $0xFFFFE000  }
0x362: {  	[tilespmem:s9], [sflag:$0x1] =	stream.indirect.gather [hbm4b:s2+s4], $0x40, s22, s4, $0xb8;
	[tilespmem:$0x9000] =	vst v63  }
0x363: {  	_ =	swait.ge [sflag:s16], $0x2000  }
0x364: {  	[sflag:s16] =	ssyncset.done $0x0  }
0x365: {  	s24 =	rddreg [dreg:$0x1f];
	[sflag:s16] =	ssyncadd.s32 $0xFFFFE000  }
0x366: {  	[hbm4b:s24+s5] =	stream.strided.scatter [tilespmem:s3], [sflag:$0x7], $0x2000, s7, s5, $0x38;
	[tilespmem:$0x9000] =	vst v63  }
0x367: {  	_ =	swait.ge [sflag:s11], $0x2000  }
0x368: {  	[sflag:s11] =	ssyncset.done $0x0  }
0x369: {  	[sflag:s11] =	ssyncadd.s32 $0xFFFFE000  }
0x36a: {  	[tilespmem:s6], [sflag:$0x2] =	stream.indirect.gather [hbm4b:s2+s4], $0x40, s21, s4, $0xb8;
	[tilespmem:$0x9000] =	vst v63  }
0x36b: {  	_ =	swait.ge [sflag:s17], $0x2000  }
0x36c: {  	s25 =	sld [smem:$0x7E6]  }
0x36d: {  	[sflag:s17] =	ssyncset.done $0x0  }
0x36e: {  	[sflag:s17] =	ssyncadd.s32 $0xFFFFE000  }
0x36f: {  	[hbm4b:s25+s5] =	stream.strided.scatter [tilespmem:s8], [sflag:$0x8], $0x2000, s7, s5, $0x38;
	[tilespmem:$0x9000] =	vst v63  }
0x370: {  	_ =	swait.ge [sflag:s12], $0x2000  }
0x371: {  	[sflag:s12] =	ssyncset.done $0x0  }
0x372: {  	[sflag:s12] =	ssyncadd.s32 $0xFFFFE000  }
0x373: {  	[tilespmem:s3], [sflag:$0x3] =	stream.indirect.gather [hbm4b:s2+s4], $0x40, s20, s4, $0xb8;
	[tilespmem:$0x9000] =	vst v63  }
0x374: {  	_ =	swait.ge [sflag:s14], $0x2000  }
0x375: {  	s26 =	sld [smem:$0x7E7]  }
0x376: {  	[sflag:s14] =	ssyncset.done $0x0  }
0x377: {  	[sflag:s14] =	ssyncadd.s32 $0xFFFFE000  }
0x378: {  	[hbm4b:s26+s5] =	stream.strided.scatter [tilespmem:s9], [sflag:$0x5], $0x2000, s7, s5, $0x38;
	[tilespmem:$0x9000] =	vst v63  }
0x379: {  	_ =	swait.ge [sflag:s13], $0x2000  }
0x37a: {  	[sflag:s13] =	ssyncset.done $0x0  }
0x37b: {  	s28 =	simm.s32 $0xF80;
	[sflag:s13] =	ssyncadd.s32 $0xFFFFE000  }
0x37c: {  	[tilespmem:s8], [sflag:$0x4] =	stream.indirect.gather [hbm4b:s2+s4], $0x40, s28, s4, $0xb8;
	[tilespmem:$0x9000] =	vst v63  }
0x37d: {  	_ =	swait.ge [sflag:s15], $0x2000  }
0x37e: {  	s29 =	sld [smem:$0x7E8]  }
0x37f: {  	[sflag:s15] =	ssyncset.done $0x0  }
0x380: {  	[sflag:s15] =	ssyncadd.s32 $0xFFFFE000  }
0x381: {  	[hbm4b:s29+s5] =	stream.strided.scatter [tilespmem:s6], [sflag:$0x6], $0x2000, s7, s5, $0x38;
	[tilespmem:$0x9000] =	vst v63  }
0x382: {  	_ =	swait.ge [sflag:s16], $0x2000  }
0x383: {  	s30 =	sld [smem:$0x7E9]  }
0x384: {  	[sflag:s16] =	ssyncset.done $0x0  }
0x385: {  	[sflag:s16] =	ssyncadd.s32 $0xFFFFE000  }
0x386: {  	[hbm4b:s30+s5] =	stream.strided.scatter [tilespmem:s3], [sflag:$0x7], $0x2000, s7, s5, $0x38;
	[tilespmem:$0x9000] =	vst v63  }
0x387: {  	_ =	swait.ge [sflag:s17], $0x2000  }
0x388: {  	s31 =	sld [smem:$0x7EA]  }
0x389: {  	[sflag:s17] =	ssyncset.done $0x0  }
0x38a: {  	[sflag:s17] =	ssyncadd.s32 $0xFFFFE000  }
0x38b: {  	[hbm4b:s31+s5] =	stream.strided.scatter [tilespmem:s8], [sflag:$0x8], $0x2000, s7, s5, $0x38;
	[tilespmem:$0x9000] =	vst v63  }
0x38c: {  	_ =	swait.ge [sflag:s10], $0x2000  }
0x38d: {  	[sflag:s10] =	ssyncset.done $0x0  }
0x38e: {  	[sflag:s10] =	ssyncadd.s32 $0xFFFFE000  }
0x38f: {  	_ =	swait.ge [sflag:s11], $0x2000  }
0x390: {  	[sflag:s11] =	ssyncset.done $0x0  }
0x391: {  	[sflag:s11] =	ssyncadd.s32 $0xFFFFE000  }
0x392: {  	_ =	swait.ge [sflag:s12], $0x2000  }
0x393: {  	[sflag:s12] =	ssyncset.done $0x0  }
0x394: {  	[sflag:s12] =	ssyncadd.s32 $0xFFFFE000  }
0x395: {  	_ =	swait.ge [sflag:s13], $0x2000  }
0x396: {  	[sflag:s13] =	ssyncset.done $0x0  }
0x397: {  	[sflag:s13] =	ssyncadd.s32 $0xFFFFE000  }
0x398: {  	_ =	sfence.sel $0x180000  }
0x399: {  	[bflag:$0x0] =	sbarrier.arrive $0xFFFF  }
0x39a: {  	_ =	strace $0x90000047  }
0x39b: {  	[bflag:$0x2] =	sbarrier.arrive $0xFFFF  }
0x39c: {  	p0 =	sne.s32 s18, $0x0;
	s0 =	rddreg [dreg:$0x3]  }
0x39d: {  	s0 =	sadd.s32 @!p0 $0x100000, s0  }
0x39e: {  	[sflag:s0] =	ssyncadd.tile.s32 @!p0 $0x1;
	_ =	shalt  }
.LBB2_1:
.Ltmp3:
0x39f: {  	(pc) =	sbr.rel .LBB2_6-.Ltmp3, $4  }
0x3a0: {  	_ = 	snop  }
0x3a1: {  	s19 =	simm.s32 $0xA80;
	s28 =	simm.s32 $0xE80;
	s26 =	simm.s32 $0x300  }
0x3a2: {  	s25 =	simm.s32 $0x700;
	s24 =	simm.s32 $0xB00;
	s23 =	simm.s32 $0xF00  }
0x3a3: {  	s22 =	simm.s32 $0x380;
	s21 =	simm.s32 $0x780;
	s20 =	simm.s32 $0xB80  }
.LBB2_3:
.Ltmp4:
0x3a4: {  	(pc) =	sbr.rel .LBB2_6-.Ltmp4, $4  }
0x3a5: {  	s19 =	simm.s32 $0xA80  }
0x3a6: {  	s28 =	simm.s32 $0xE80;
	s26 =	simm.s32 $0x300;
	s25 =	simm.s32 $0x700  }
0x3a7: {  	s24 =	simm.s32 $0xB00;
	s23 =	simm.s32 $0xF00;
	s22 =	simm.s32 $0x380  }
0x3a8: {  	s21 =	simm.s32 $0x780;
	s20 =	simm.s32 $0xB80;
	s18 =	stileid.u32  }
.Lfunc_end2:
_tile_overlayer_lowered:
.L_overlay_start_2:
0x3a9: {  	(tag) =	ssettag $0x2  }
0x3aa: {  	s0 =	rddreg [dreg:$0x0];
	s2 =	stileid.u32  }
0x3ab: {  	s1 =	rddreg [dreg:$0x1];
	p0 =	sne.s32 s2, $0x0  }
0x3ac: {  	s3 =	rddreg [dreg:$0x2];
	[bflag:$0x3] =	sbarrier.arrive $0xFFFF;
	s2 =	simm.s32 @!p0 $0x1C09  }
0x3ad: {  	[timem:s3], [sflag:s2] =	dma.local @!p0 [hbm:s0], s1  }
0x3ae: {  	s0 =	simm.s32 @!p0 $0x9  }
0x3af: {  	_ =	swait.ge @!p0 [sflag:s0], s1  }
0x3b0: {  	s1 =	ssub.s32 @!p0 $0x0, s1;
	[sflag:s0] =	ssyncset.done @!p0 $0x0  }
0x3b1: {  	[sflag:s0] =	ssyncadd.s32 @!p0 s1  }
0x3b2: {  	[bflag:$0x3] =	sbarrier.arrive $0xFFFF  }
0x3b3: {  	_ =	shalt  }

</sc_bundles>
